<compile_context>
chip_gen: v7x
topology: tpu7x:2x2x1
jax: 0.10.2.dev20260603
libtpu: 0.0.44.dev20260713+nightly
codegen_flags: <defaults>
</compile_context>

<pallas_src>
import functools

import jax
import jax.numpy as jnp
import ml_dtypes
import numpy as np
from jax import lax
from jax.experimental import pallas as pl
from jax.experimental.pallas import tpu as pltpu
from jax.experimental.pallas import tpu_sc as plsc

_B = 2
_N = 128
_M = 128
_IMG = 512
_PLANE = _IMG * _IMG
_OUT = _B * _PLANE

_XK = np.arange(-3, 4, dtype=np.float32)
_K1 = np.exp(-(_XK * _XK) / np.float32(18.0)).astype(np.float32)
_K1 = (_K1 / _K1.sum(dtype=np.float32)).astype(np.float32)
_K2 = np.outer(_K1, _K1).astype(np.float32)
_K2B = _K2.astype(ml_dtypes.bfloat16).astype(np.float32)
_OFFS = [(dx, dy) for dx in range(-3, 4) for dy in range(-3, 4)]
_NTAP = len(_OFFS)
_VIS_EPS = 1e-12

_NC = 2
_NS = 16
_NW = _NC * _NS
_SLICE = _OUT // _NW
_LANES = 16

_HI = lax.Precision.HIGHEST


def _plateu(v):
    return 1.0 / ((jnp.exp(100.0 * v - 50.0) + 1.0) * (jnp.exp(-100.0 * v - 50.0) + 1.0))


def _tc_star_body(qs, ras, decs, mag, pix_out, val_out, cnt_out):
    lane = lax.broadcasted_iota(jnp.int32, (1, _M), 1)
    i0 = lax.broadcasted_iota(jnp.int32, (_M, _M), 0)
    i1 = lax.broadcasted_iota(jnp.int32, (_M, _M), 1)
    eye_b = i0 == i1

    def transpose_row(row):
        return jnp.sum(jnp.where(eye_b, row, 0.0), axis=1, keepdims=True)

    def transpose_col(col):
        return jnp.sum(jnp.where(eye_b, col, 0.0), axis=0, keepdims=True)

    low = lane < (_M // _B)

    def qsel(j):
        return jnp.where(low,
                         jnp.broadcast_to(qs[0:1, j:j + 1], (1, _M)),
                         jnp.broadcast_to(qs[1:2, j:j + 1], (1, _M)))

    a, b, c, d = qsel(0), qsel(1), qsel(2), qsel(3)
    ras_v = transpose_col(ras[...])
    alt = transpose_col(decs[...])
    modd = 2 * i1 + 1 - _N * (i1 >= (_M // _B)).astype(jnp.int32)
    psel = i0 == modd
    magr = jnp.sum(jnp.where(psel, transpose_row(mag[...]), 0.0),
                   axis=0, keepdims=True)
    magnitude = (8.0 - magr) / 10.0

    az = -ras_v * 15.0 / 180.0 * np.pi
    ux = -(jnp.cos(alt) * jnp.sin(2.0 * np.pi - az))
    uy = -(jnp.cos(alt) * jnp.cos(2.0 * np.pi - az))
    uz = jnp.sin(alt)

    r00 = a * a + b * b - c * c - d * d
    r01 = 2.0 * (b * c - a * d)
    r02 = 2.0 * (b * d + a * c)
    r10 = 2.0 * (b * c + a * d)
    r11 = a * a + c * c - b * b - d * d
    r12 = 2.0 * (c * d - a * b)
    r20 = 2.0 * (b * d - a * c)
    r21 = 2.0 * (c * d + a * b)
    r22 = a * a + d * d - b * b - c * c

    def _b16(x):
        return x.astype(jnp.bfloat16).astype(jnp.float32)

    ux16, uy16, uz16 = _b16(ux), _b16(uy), _b16(uz)
    px = _b16(r00) * ux16 + _b16(r01) * uy16 + _b16(r02) * uz16
    py = _b16(r10) * ux16 + _b16(r11) * uy16 + _b16(r12) * uz16
    pz = _b16(r20) * ux16 + _b16(r21) * uy16 + _b16(r22) * uz16

    alp = jnp.arctan2(py, px)
    dlt = jnp.arctan2(pz, jnp.sqrt(px * px + py * py))
    cdlt = jnp.cos(dlt)
    cs = cdlt * jnp.cos(alp)
    xs = cdlt * jnp.sin(alp)
    ys = jnp.sin(dlt)
    filt = _plateu(xs) * _plateu(ys) * jnp.maximum(cs, 0.0)

    ix = (256.0 + 256.0 * (jnp.fmod(xs, 0.5) / 0.5)).astype(jnp.int32)
    iy = (256.0 + 256.0 * (jnp.fmod(ys, 0.5) / 0.5)).astype(jnp.int32)
    ix = jnp.clip(ix, 0, _IMG - 1)
    iy = jnp.clip(iy, 0, _IMG - 1)
    val = filt * magnitude

    pix = ix * _IMG + iy
    pf = pix.astype(jnp.float32)
    pcol = transpose_row(pf)
    clash = (pcol == pf) & (i0 > i1)
    collide = jnp.any(clash, axis=0, keepdims=True)
    val = jnp.where(collide, 0.0, val)
    val16 = _b16(val)

    vis = val16 > _VIS_EPS
    visf = vis.astype(jnp.float32)
    vcol = transpose_row(visf)
    rank = jnp.sum(jnp.where(i0 < i1, vcol, 0.0), axis=0, keepdims=True)
    rank_col = transpose_row(rank)
    sel_f = ((rank_col == i1.astype(jnp.float32)) &
             (vcol > 0.5)).astype(jnp.float32)
    cnt_out[...] = jnp.sum(visf, axis=1, keepdims=True).astype(
        jnp.int32) * jnp.ones((1, _M), jnp.int32)

    bid = (lane >= _M // _B).astype(jnp.int32)
    gbase = (bid * _PLANE + pix).astype(jnp.float32)
    pix_out[...] = lax.dot_general(gbase, sel_f, (((1,), (0,)), ((), ())),
                                   precision=_HI,
                                   preferred_element_type=jnp.float32
                                   ).astype(jnp.int32)
    val_out[...] = lax.dot_general(val16, sel_f, (((1,), (0,)), ((), ())),
                                   precision=_HI,
                                   preferred_element_type=jnp.float32)


_tc_star = pl.pallas_call(
    _tc_star_body,
    out_shape=(
        jax.ShapeDtypeStruct((1, _M), jnp.int32),
        jax.ShapeDtypeStruct((1, _M), jnp.float32),
        jax.ShapeDtypeStruct((1, _M), jnp.int32),
    ),
)


def _sc_scatter_body(pix_hbm, val_hbm, cnt_hbm, out_hbm,
                     pix_v, val_v, cnt_v, acc, sem_i, sem_v):
    wid = lax.axis_index("s") * _NC + lax.axis_index("c")
    lo = wid * _SLICE
    cp_i = pltpu.async_copy(pix_hbm, pix_v, sem_i)
    cp_v = pltpu.async_copy(val_hbm, val_v, sem_v)
    pltpu.sync_copy(cnt_hbm.at[pl.ds(0, _LANES)], cnt_v)
    nvis = jnp.max(cnt_v[...])
    nvreg = (nvis + _LANES - 1) // _LANES

    def zero_body(i, carry):
        acc[pl.ds(i * _LANES, _LANES)] = jnp.zeros((_LANES,), jnp.float32)
        return carry

    lax.fori_loop(0, _SLICE // _LANES, zero_body, 0, unroll=8)
    cp_i.wait()
    cp_v.wait()

    def star_body(j, carry):
        gb = pix_v[pl.ds(j * _LANES, _LANES)]
        v = val_v[pl.ds(j * _LANES, _LANES)]
        ixl = (gb & (_PLANE - 1)) >> 9
        iyl = gb & (_IMG - 1)
        for dx in range(-3, 4):
            xx = ixl + dx
            vx = (xx >= 0) & (xx < _IMG)
            gx = gb + dx * _IMG - lo
            for dy in range(-3, 4):
                yy = iyl + dy
                m = vx & (yy >= 0) & (yy < _IMG)
                loc = gx + dy
                m = m & (loc >= 0) & (loc < _SLICE)
                locc = jnp.clip(loc, 0, _SLICE - 1)
                tv = v * np.float32(_K2B[dx + 3, dy + 3])
                plsc.addupdate_scatter(acc, [locc], tv, mask=m)
        return carry

    lax.fori_loop(0, nvreg, star_body, 0)
    pltpu.sync_copy(acc, out_hbm.at[pl.ds(lo, _SLICE)])


@functools.cache
def _sc_scatter_kernel():
    return pl.kernel(
        _sc_scatter_body,
        out_type=jax.ShapeDtypeStruct((_OUT,), jnp.float32),
        mesh=plsc.VectorSubcoreMesh(core_axis_name="c", subcore_axis_name="s",
                                    num_cores=_NC, num_subcores=_NS),
        compiler_params=pltpu.CompilerParams(needs_layout_passes=False),
        scratch_types=[
            pltpu.VMEM((_M,), jnp.int32),
            pltpu.VMEM((_M,), jnp.float32),
            pltpu.VMEM((_LANES,), jnp.int32),
            pltpu.VMEM((_SLICE,), jnp.float32),
            pltpu.SemaphoreType.DMA,
            pltpu.SemaphoreType.DMA,
        ],
    )


def kernel(qs, ras, decs, mag_raw):
    pix_c, val_c, cnt = _tc_star(qs, ras, decs, mag_raw)
    sky = _sc_scatter_kernel()(pix_c.reshape(_M), val_c.reshape(_M),
                               cnt.reshape(_M))
    return sky.reshape(_B, 1, _IMG, _IMG)

# --- scband reference (transcript-rebuilt; emitter-appended) ---
"""Pipeline reference for scband-skyview-17781164605795 (READ-ONLY COPY).

The authoritative reference and input builder live on the scoring server;
editing this copy changes nothing except your own understanding.
"""

import jax, jax.numpy as jnp
import numpy as np

BRIGHT = 128
HWIN = 0.5


def plateu(v):
    return 1.0 / ((jnp.exp(100.0 * v - 50.0) + 1.0) * (jnp.exp(-100.0 * v - 50.0) + 1.0))


def window(c):
    return jnp.fmod(c, HWIN) / HWIN


def xyz3(az, alt):
    n = az.shape[0]
    ux = -(jnp.cos(alt) * jnp.sin(2.0 * np.pi - az)).reshape(n, 1, 1)
    uy = -(jnp.cos(alt) * jnp.cos(2.0 * np.pi - az)).reshape(n, 1, 1)
    uz = jnp.sin(alt).reshape(n, 1, 1)
    return jnp.concatenate([ux, uy, uz], axis=1)


def q2rot(qs):
    a, b, c, d = qs[:, 0], qs[:, 1], qs[:, 2], qs[:, 3]
    r00 = a * a + b * b - c * c - d * d
    r01 = 2.0 * (b * c - a * d)
    r02 = 2.0 * (b * d + a * c)
    r10 = 2.0 * (b * c + a * d)
    r11 = a * a + c * c - b * b - d * d
    r12 = 2.0 * (c * d - a * b)
    r20 = 2.0 * (b * d - a * c)
    r21 = 2.0 * (c * d + a * b)
    r22 = a * a + d * d - b * b - c * c
    row0 = jnp.stack([r00, r01, r02], axis=-1)
    row1 = jnp.stack([r10, r11, r12], axis=-1)
    row2 = jnp.stack([r20, r21, r22], axis=-1)
    return jnp.stack([row0, row1, row2], axis=-2)


def rotate_points(rot, points, n_stars):
    # replicates the original flatten-order mismatch exactly:
    # points flattened (star, batch), rot flattened (batch, star)
    B = rot.shape[0]
    pts = jnp.broadcast_to(points.reshape(-1, 1, 3, 1), (n_stars, B, 3, 1)).reshape(-1, 3, 1)
    tr = jnp.broadcast_to(rot.reshape(-1, 1, 3, 3), (B, n_stars, 3, 3)).reshape(-1, 3, 3)
    out = jnp.matmul(tr, pts)
    return out.reshape(-1, n_stars, 3, 1)


def gaussian_blur(field, radius=3, sigma=3.0):
    x = jnp.arange(-radius, radius + 1, dtype=jnp.float32)
    k1 = jnp.exp(-(x * x) / (2.0 * sigma * sigma))
    k1 = k1 / jnp.sum(k1)
    k2 = jnp.outer(k1, k1).reshape(1, 1, 2 * radius + 1, 2 * radius + 1)
    return jax.lax.conv_general_dilated(field, k2, (1, 1), 'SAME',
                                        dimension_numbers=('NCHW', 'OIHW', 'NCHW'))


def _forward(qs, ras, decs, mag_raw):
    B = qs.shape[0]
    N = BRIGHT
    magnitude = (8.0 - mag_raw) / 10.0  # [1, N]
    # sphere()
    hars = -ras * 15.0 / 180.0 * np.pi
    sphere = xyz3(hars, decs).reshape(1, N, 3, 1)
    # q2rot + rotate_points
    rot = q2rot(qs)
    points = rotate_points(rot, sphere, N)  # [B, N, 3, 1]
    # mk_sky
    mags = jnp.broadcast_to(magnitude.reshape(1, 1, N, 1), (B, 1, N, 1))
    uxs, uys, uzs = points[:, :, 0], points[:, :, 1], points[:, :, 2]  # [B, N, 1]
    alps = jnp.arctan2(uys, uxs)
    dlts = jnp.arctan2(uzs, jnp.sqrt(uxs * uxs + uys * uys))
    cs = jnp.cos(dlts) * jnp.cos(alps)
    xs = jnp.cos(dlts) * jnp.sin(alps)
    ys = jnp.sin(dlts)
    filt = (plateu(xs) * plateu(ys) * jax.nn.relu(cs)).reshape(B, N, 1, 1)
    ix = (256.0 + 256.0 * window(xs)).reshape(B * N).astype(jnp.int32)
    iy = (256.0 + 256.0 * window(ys)).reshape(B * N).astype(jnp.int32)
    ix = (ix * (ix < 512) + 511 * (ix > 511)) * (ix >= 0)
    iy = (iy * (iy < 512) + 511 * (iy > 511)) * (iy >= 0)
    diag = jnp.diag(mags.reshape(B * N))
    background = jnp.zeros((B * N, 512, 512), dtype=jnp.float32).at[:, ix, iy].set(diag)
    background = jax.lax.stop_gradient(background.reshape(B, N, 512, 512))
    field = jnp.sum(filt * background, axis=1, keepdims=True)
    sky = gaussian_blur(field)
    return sky.reshape(-1, 1, 512, 512)


def setup_inputs(seed: int = 0) -> dict:
    key = jax.random.key(seed)
    k1, k2, k3, k4 = jax.random.split(key, 4)
    qs = jax.random.normal(k1, (2, 4), dtype=jnp.float32)
    ras = jax.random.uniform(k2, (BRIGHT, 1), minval=0.0, maxval=24.0, dtype=jnp.float32)
    decs = jax.random.uniform(k3, (BRIGHT, 1), minval=-np.pi / 2, maxval=np.pi / 2, dtype=jnp.float32)
    mag_raw = jax.random.uniform(k4, (1, BRIGHT), minval=0.0, maxval=8.0, dtype=jnp.float32)
    return {"qs": qs, "ras": ras, "decs": decs, "mag_raw": mag_raw}


def reference(qs, ras, decs, mag_raw):
    return _forward(qs, ras, decs, mag_raw)

if __name__ == "__main__":
    import jax
    _d = setup_inputs()
    print(jax.jit(kernel)(*tuple(_d.values())))

</pallas_src>

<mosaic_0001>
#map = affine_map<(d0, d1) -> (0)>
module attributes {stable_mosaic.version = 14 : i64} {
  func.func @_sc_scatter_body(%arg0: i32, %arg1: i32, %arg2: memref<128xi32, #tpu.memory_space<hbm>>, %arg3: memref<128xf32, #tpu.memory_space<hbm>>, %arg4: memref<128xi32, #tpu.memory_space<hbm>>, %arg5: memref<524288xf32, #tpu.memory_space<hbm>>, %arg6: memref<128xi32, #tpu.memory_space<vmem>>, %arg7: memref<128xf32, #tpu.memory_space<vmem>>, %arg8: memref<16xi32, #tpu.memory_space<vmem>>, %arg9: memref<16384xf32, #tpu.memory_space<vmem>>, %arg10: memref<!tpu.dma_semaphore, #tpu.memory_space<semaphore_mem>>, %arg11: memref<!tpu.dma_semaphore, #tpu.memory_space<semaphore_mem>>) attributes {dimension_semantics = [#tpu.dimension_semantics<core_parallel>, #tpu.dimension_semantics<subcore_parallel>], iteration_bounds = array<i64: 2, 16>, scalar_prefetch = 0 : i64, scratch_operands = 6 : i64, tpu.core_type = #tpu.core_type<sc_vector_subcore>, window_params = [{transform_indices = #map}, {transform_indices = #map}, {transform_indices = #map}, {transform_indices = #map}]} {
    %mul3A = arith.constant 2 : i32
    %mul3A_0 = arith.muli %arg1, %mul3A : i32
    %add3A = arith.addi %mul3A_0, %arg0 : i32
    %mul3A_1 = arith.constant 16384 : i32
    %mul3A_2 = arith.muli %add3A, %mul3A_1 : i32
    tpu.enqueue_dma source(%arg2 : memref<128xi32, #tpu.memory_space<hbm>>) target(%arg6 : memref<128xi32, #tpu.memory_space<vmem>>) target_semaphore(%arg10 : memref<!tpu.dma_semaphore, #tpu.memory_space<semaphore_mem>>)
    tpu.enqueue_dma source(%arg3 : memref<128xf32, #tpu.memory_space<hbm>>) target(%arg7 : memref<128xf32, #tpu.memory_space<vmem>>) target_semaphore(%arg11 : memref<!tpu.dma_semaphore, #tpu.memory_space<semaphore_mem>>)
    "tpu.region"() ({
      %run_scoped3A = tpu.sem_alloc : memref<!tpu.dma_semaphore, #tpu.memory_space<semaphore_mem>>
      %dma_start3A = arith.constant 0 : i32
      %dma_start3A_45 = tpu.memref_slice %arg4[%dma_start3A] : memref<128xi32, #tpu.memory_space<hbm>> -> memref<16xi32, #tpu.memory_space<hbm>>
      %dma_start3A_46 = arith.constant 0 : i32
      %dma_start3A_47 = tpu.memref_slice %arg4[%dma_start3A_46] : memref<128xi32, #tpu.memory_space<hbm>> -> memref<16xi32, #tpu.memory_space<hbm>>
      tpu.enqueue_dma source(%dma_start3A_47 : memref<16xi32, #tpu.memory_space<hbm>>) target(%arg8 : memref<16xi32, #tpu.memory_space<vmem>>) target_semaphore(%run_scoped3A : memref<!tpu.dma_semaphore, #tpu.memory_space<semaphore_mem>>)
      %dma_wait3A = arith.constant 0 : i32
      %dma_wait3A_48 = tpu.memref_slice %arg4[%dma_wait3A] : memref<128xi32, #tpu.memory_space<hbm>> -> memref<16xi32, #tpu.memory_space<hbm>>
      %dma_wait3A_49 = arith.constant 0 : i32
      %dma_wait3A_50 = tpu.memref_slice %arg4[%dma_wait3A_49] : memref<128xi32, #tpu.memory_space<hbm>> -> memref<16xi32, #tpu.memory_space<hbm>>
      tpu.wait_dma2 semaphore(%run_scoped3A : memref<!tpu.dma_semaphore, #tpu.memory_space<semaphore_mem>>) src(%dma_wait3A_50 : memref<16xi32, #tpu.memory_space<hbm>>) dst(%arg8 : memref<16xi32, #tpu.memory_space<vmem>>)
      tpu.yield
    }) : () -> ()
    %get3A = arith.constant 0 : index
    %get3A_3 = tpu.vector_load %arg8[%get3A] {strides = array<i32>} : memref<16xi32, #tpu.memory_space<vmem>>, vector<16xi32>,
    %reduce_max3A = arith.constant true
    %reduce_max3A_4 = vector.broadcast %reduce_max3A : i1 to vector<16xi1>
    %reduce_max3A_5 = arith.constant -2147483648 : i32
    %reduce_max3A_6 = vector.broadcast %reduce_max3A_5 : i32 to vector<16xi32>
    %reduce_max3A_7 = arith.xori %get3A_3, %reduce_max3A_6 : vector<16xi32>
    %reduce_max3A_8 = tpu.scan <max>, %reduce_max3A_7 masked %reduce_max3A_4 : vector<16xi32>, vector<16xi1> -> vector<16xi32>
    %reduce_max3A_9 = arith.xori %reduce_max3A_8, %reduce_max3A_6 : vector<16xi32>
    %reduce_max3A_10 = vector.extract %reduce_max3A_9[15] : i32 from vector<16xi32>
    %add3A_11 = arith.constant 16 : i32
    %add3A_12 = arith.addi %reduce_max3A_10, %add3A_11 : i32
    %sub3A = arith.constant 1 : i32
    %sub3A_13 = arith.subi %add3A_12, %sub3A : i32
    %jit3A = arith.constant 16 : i32
    %div3A = arith.divsi %sub3A_13, %jit3A : i32
    %sign3A = arith.constant 0 : i32
    %sign3A_14 = arith.cmpi sgt, %sub3A_13, %sign3A : i32
    %sign3A_15 = arith.extui %sign3A_14 : i1 to i32
    %sign3A_16 = arith.constant 0 : i32
    %sign3A_17 = arith.cmpi slt, %sub3A_13, %sign3A_16 : i32
    %sign3A_18 = arith.extui %sign3A_17 : i1 to i32
    %sign3A_19 = arith.subi %sign3A_15, %sign3A_18 : i32
    %sign3A_20 = arith.constant 0 : i32
    %sign3A_21 = arith.cmpi sgt, %jit3A, %sign3A_20 : i32
    %sign3A_22 = arith.extui %sign3A_21 : i1 to i32
    %sign3A_23 = arith.constant 0 : i32
    %sign3A_24 = arith.cmpi slt, %jit3A, %sign3A_23 : i32
    %sign3A_25 = arith.extui %sign3A_24 : i1 to i32
    %sign3A_26 = arith.subi %sign3A_22, %sign3A_25 : i32
    %ne3A = arith.cmpi ne, %sign3A_19, %sign3A_26 : i32
    %rem3A = arith.remsi %sub3A_13, %jit3A : i32
    %ne3A_27 = arith.constant 0 : i32
    %ne3A_28 = arith.cmpi ne, %rem3A, %ne3A_27 : i32
    %and3A = arith.andi %ne3A, %ne3A_28 : i1
    %sub3A_29 = arith.constant 1 : i32
    %sub3A_30 = arith.subi %div3A, %sub3A_29 : i32
    %select_n3A = arith.select %and3A, %sub3A_30, %div3A : i32
    %scan3A = arith.constant 0 : i32
    %scan3A_31 = arith.constant 0 : i32
    %scan3A_32 = arith.constant 1024 : i32
    %scan3A_33 = arith.addi %scan3A_31, %scan3A_32 : i32
    %scan3A_34 = arith.constant 8 : i32
    scf.for %scan3A_45 = %scan3A_31 to %scan3A_33 step %scan3A_34  : i32 {
      %broadcast_in_dim3A = arith.constant 0.000000e+00 : f32
      %broadcast_in_dim3A_46 = vector.broadcast %broadcast_in_dim3A : f32 to vector<16xf32>
      %mul3A_47 = arith.constant 16 : i32
      %mul3A_48 = arith.muli %scan3A_45, %mul3A_47 : i32
      %swap3A = arith.index_cast %mul3A_48 : i32 to index
      %swap3A_49 = tpu.vector_load %arg9[%swap3A] {strides = array<i32>} : memref<16384xf32, #tpu.memory_space<vmem>>, vector<16xf32>,
      tpu.vector_store %arg9[%swap3A], %broadcast_in_dim3A_46 {strides = array<i32>} : memref<16384xf32, #tpu.memory_space<vmem>>, vector<16xf32>,
      %scan3A_50 = arith.constant 1 : i32
      %scan3A_51 = arith.addi %scan3A_45, %scan3A_50 : i32
      %broadcast_in_dim3A_52 = arith.constant 0.000000e+00 : f32
      %broadcast_in_dim3A_53 = vector.broadcast %broadcast_in_dim3A_52 : f32 to vector<16xf32>
      %mul3A_54 = arith.constant 16 : i32
      %mul3A_55 = arith.muli %scan3A_51, %mul3A_54 : i32
      %swap3A_56 = arith.index_cast %mul3A_55 : i32 to index
      %swap3A_57 = tpu.vector_load %arg9[%swap3A_56] {strides = array<i32>} : memref<16384xf32, #tpu.memory_space<vmem>>, vector<16xf32>,
      tpu.vector_store %arg9[%swap3A_56], %broadcast_in_dim3A_53 {strides = array<i32>} : memref<16384xf32, #tpu.memory_space<vmem>>, vector<16xf32>,
      %scan3A_58 = arith.constant 2 : i32
      %scan3A_59 = arith.addi %scan3A_45, %scan3A_58 : i32
      %broadcast_in_dim3A_60 = arith.constant 0.000000e+00 : f32
      %broadcast_in_dim3A_61 = vector.broadcast %broadcast_in_dim3A_60 : f32 to vector<16xf32>
      %mul3A_62 = arith.constant 16 : i32
      %mul3A_63 = arith.muli %scan3A_59, %mul3A_62 : i32
      %swap3A_64 = arith.index_cast %mul3A_63 : i32 to index
      %swap3A_65 = tpu.vector_load %arg9[%swap3A_64] {strides = array<i32>} : memref<16384xf32, #tpu.memory_space<vmem>>, vector<16xf32>,
      tpu.vector_store %arg9[%swap3A_64], %broadcast_in_dim3A_61 {strides = array<i32>} : memref<16384xf32, #tpu.memory_space<vmem>>, vector<16xf32>,
      %scan3A_66 = arith.constant 3 : i32
      %scan3A_67 = arith.addi %scan3A_45, %scan3A_66 : i32
      %broadcast_in_dim3A_68 = arith.constant 0.000000e+00 : f32
      %broadcast_in_dim3A_69 = vector.broadcast %broadcast_in_dim3A_68 : f32 to vector<16xf32>
      %mul3A_70 = arith.constant 16 : i32
      %mul3A_71 = arith.muli %scan3A_67, %mul3A_70 : i32
      %swap3A_72 = arith.index_cast %mul3A_71 : i32 to index
      %swap3A_73 = tpu.vector_load %arg9[%swap3A_72] {strides = array<i32>} : memref<16384xf32, #tpu.memory_space<vmem>>, vector<16xf32>,
      tpu.vector_store %arg9[%swap3A_72], %broadcast_in_dim3A_69 {strides = array<i32>} : memref<16384xf32, #tpu.memory_space<vmem>>, vector<16xf32>,
      %scan3A_74 = arith.constant 4 : i32
      %scan3A_75 = arith.addi %scan3A_45, %scan3A_74 : i32
      %broadcast_in_dim3A_76 = arith.constant 0.000000e+00 : f32
      %broadcast_in_dim3A_77 = vector.broadcast %broadcast_in_dim3A_76 : f32 to vector<16xf32>
      %mul3A_78 = arith.constant 16 : i32
      %mul3A_79 = arith.muli %scan3A_75, %mul3A_78 : i32
      %swap3A_80 = arith.index_cast %mul3A_79 : i32 to index
      %swap3A_81 = tpu.vector_load %arg9[%swap3A_80] {strides = array<i32>} : memref<16384xf32, #tpu.memory_space<vmem>>, vector<16xf32>,
      tpu.vector_store %arg9[%swap3A_80], %broadcast_in_dim3A_77 {strides = array<i32>} : memref<16384xf32, #tpu.memory_space<vmem>>, vector<16xf32>,
      %scan3A_82 = arith.constant 5 : i32
      %scan3A_83 = arith.addi %scan3A_45, %scan3A_82 : i32
      %broadcast_in_dim3A_84 = arith.constant 0.000000e+00 : f32
      %broadcast_in_dim3A_85 = vector.broadcast %broadcast_in_dim3A_84 : f32 to vector<16xf32>
      %mul3A_86 = arith.constant 16 : i32
      %mul3A_87 = arith.muli %scan3A_83, %mul3A_86 : i32
      %swap3A_88 = arith.index_cast %mul3A_87 : i32 to index
      %swap3A_89 = tpu.vector_load %arg9[%swap3A_88] {strides = array<i32>} : memref<16384xf32, #tpu.memory_space<vmem>>, vector<16xf32>,
      tpu.vector_store %arg9[%swap3A_88], %broadcast_in_dim3A_85 {strides = array<i32>} : memref<16384xf32, #tpu.memory_space<vmem>>, vector<16xf32>,
      %scan3A_90 = arith.constant 6 : i32
      %scan3A_91 = arith.addi %scan3A_45, %scan3A_90 : i32
      %broadcast_in_dim3A_92 = arith.constant 0.000000e+00 : f32
      %broadcast_in_dim3A_93 = vector.broadcast %broadcast_in_dim3A_92 : f32 to vector<16xf32>
      %mul3A_94 = arith.constant 16 : i32
      %mul3A_95 = arith.muli %scan3A_91, %mul3A_94 : i32
      %swap3A_96 = arith.index_cast %mul3A_95 : i32 to index
      %swap3A_97 = tpu.vector_load %arg9[%swap3A_96] {strides = array<i32>} : memref<16384xf32, #tpu.memory_space<vmem>>, vector<16xf32>,
      tpu.vector_store %arg9[%swap3A_96], %broadcast_in_dim3A_93 {strides = array<i32>} : memref<16384xf32, #tpu.memory_space<vmem>>, vector<16xf32>,
      %scan3A_98 = arith.constant 7 : i32
      %scan3A_99 = arith.addi %scan3A_45, %scan3A_98 : i32
      %broadcast_in_dim3A_100 = arith.constant 0.000000e+00 : f32
      %broadcast_in_dim3A_101 = vector.broadcast %broadcast_in_dim3A_100 : f32 to vector<16xf32>
      %mul3A_102 = arith.constant 16 : i32
      %mul3A_103 = arith.muli %scan3A_99, %mul3A_102 : i32
      %swap3A_104 = arith.index_cast %mul3A_103 : i32 to index
      %swap3A_105 = tpu.vector_load %arg9[%swap3A_104] {strides = array<i32>} : memref<16384xf32, #tpu.memory_space<vmem>>, vector<16xf32>,
      tpu.vector_store %arg9[%swap3A_104], %broadcast_in_dim3A_101 {strides = array<i32>} : memref<16384xf32, #tpu.memory_space<vmem>>, vector<16xf32>,
    }
    %scan3A_35 = arith.constant 1024 : i32
    tpu.wait_dma2 semaphore(%arg10 : memref<!tpu.dma_semaphore, #tpu.memory_space<semaphore_mem>>) src(%arg2 : memref<128xi32, #tpu.memory_space<hbm>>) dst(%arg6 : memref<128xi32, #tpu.memory_space<vmem>>)
    tpu.wait_dma2 semaphore(%arg11 : memref<!tpu.dma_semaphore, #tpu.memory_space<semaphore_mem>>) src(%arg3 : memref<128xf32, #tpu.memory_space<hbm>>) dst(%arg7 : memref<128xf32, #tpu.memory_space<vmem>>)
    %while3A = arith.constant 0 : i32
    %while3A_36 = arith.constant 0 : i32
    %while3A_37 = arith.subi %select_n3A, %while3A_36 : i32
    %while3A_38 = arith.addi %while3A_36, %while3A_37 : i32
    %while3A_39 = arith.constant 1 : i32
    %while3A_40 = arith.divsi %while3A_37, %while3A_39 : i32
    %while3A_41 = arith.muli %while3A_40, %while3A_39 : i32
    %while3A_42 = arith.addi %while3A_36, %while3A_41 : i32
    %while3A_43 = arith.constant 1 : i32
    scf.for %while3A_45 = %while3A_36 to %while3A_42 step %while3A_43  : i32 {
      %mul3A_46 = arith.constant 16 : i32
      %mul3A_47 = arith.muli %while3A_45, %mul3A_46 : i32
      %get3A_48 = arith.index_cast %mul3A_47 : i32 to index
      %get3A_49 = tpu.vector_load %arg6[%get3A_48] {strides = array<i32>} : memref<128xi32, #tpu.memory_space<vmem>>, vector<16xi32>,
      %mul3A_50 = arith.constant 16 : i32
      %mul3A_51 = arith.muli %while3A_45, %mul3A_50 : i32
      %get3A_52 = arith.index_cast %mul3A_51 : i32 to index
      %get3A_53 = tpu.vector_load %arg7[%get3A_52] {strides = array<i32>} : memref<128xf32, #tpu.memory_space<vmem>>, vector<16xf32>,
      %and3A_54 = arith.constant 262143 : i32
      %and3A_55 = vector.broadcast %and3A_54 : i32 to vector<16xi32>
      %and3A_56 = arith.andi %get3A_49, %and3A_55 : vector<16xi32>
      %shift_right_arithmetic3A = arith.constant 9 : i32
      %shift_right_arithmetic3A_57 = vector.broadcast %shift_right_arithmetic3A : i32 to vector<16xi32>
      %shift_right_arithmetic3A_58 = arith.shrsi %and3A_56, %shift_right_arithmetic3A_57 : vector<16xi32>
      %and3A_59 = arith.constant 511 : i32
      %and3A_60 = vector.broadcast %and3A_59 : i32 to vector<16xi32>
      %and3A_61 = arith.andi %get3A_49, %and3A_60 : vector<16xi32>
      %add3A_62 = arith.constant -3 : i32
      %add3A_63 = vector.broadcast %add3A_62 : i32 to vector<16xi32>
      %add3A_64 = arith.addi %shift_right_arithmetic3A_58, %add3A_63 : vector<16xi32>
      %ge3A = arith.constant 0 : i32
      %ge3A_65 = vector.broadcast %ge3A : i32 to vector<16xi32>
      %ge3A_66 = arith.cmpi sge, %add3A_64, %ge3A_65 : vector<16xi32>
      %lt3A = arith.constant 512 : i32
      %lt3A_67 = vector.broadcast %lt3A : i32 to vector<16xi32>
      %lt3A_68 = arith.cmpi slt, %add3A_64, %lt3A_67 : vector<16xi32>
      %and3A_69 = arith.andi %ge3A_66, %lt3A_68 : vector<16xi1>
      %add3A_70 = arith.constant -1536 : i32
      %add3A_71 = vector.broadcast %add3A_70 : i32 to vector<16xi32>
      %add3A_72 = arith.addi %get3A_49, %add3A_71 : vector<16xi32>
      %sub3A_73 = vector.broadcast %mul3A_2 : i32 to vector<16xi32>
      %sub3A_74 = arith.subi %add3A_72, %sub3A_73 : vector<16xi32>
      %add3A_75 = arith.constant -3 : i32
      %add3A_76 = vector.broadcast %add3A_75 : i32 to vector<16xi32>
      %add3A_77 = arith.addi %and3A_61, %add3A_76 : vector<16xi32>
      %ge3A_78 = arith.constant 0 : i32
      %ge3A_79 = vector.broadcast %ge3A_78 : i32 to vector<16xi32>
      %ge3A_80 = arith.cmpi sge, %add3A_77, %ge3A_79 : vector<16xi32>
      %and3A_81 = arith.andi %and3A_69, %ge3A_80 : vector<16xi1>
      %lt3A_82 = arith.constant 512 : i32
      %lt3A_83 = vector.broadcast %lt3A_82 : i32 to vector<16xi32>
      %lt3A_84 = arith.cmpi slt, %add3A_77, %lt3A_83 : vector<16xi32>
      %and3A_85 = arith.andi %and3A_81, %lt3A_84 : vector<16xi1>
      %add3A_86 = arith.constant -3 : i32
      %add3A_87 = vector.broadcast %add3A_86 : i32 to vector<16xi32>
      %add3A_88 = arith.addi %sub3A_74, %add3A_87 : vector<16xi32>
      %ge3A_89 = arith.constant 0 : i32
      %ge3A_90 = vector.broadcast %ge3A_89 : i32 to vector<16xi32>
      %ge3A_91 = arith.cmpi sge, %add3A_88, %ge3A_90 : vector<16xi32>
      %and3A_92 = arith.andi %and3A_85, %ge3A_91 : vector<16xi1>
      %lt3A_93 = arith.constant 16384 : i32
      %lt3A_94 = vector.broadcast %lt3A_93 : i32 to vector<16xi32>
      %lt3A_95 = arith.cmpi slt, %add3A_88, %lt3A_94 : vector<16xi32>
      %and3A_96 = arith.andi %and3A_92, %lt3A_95 : vector<16xi1>
      %jit3A_97 = arith.constant 0 : i32
      %jit3A_98 = arith.constant 16383 : i32
      %max3A = vector.broadcast %jit3A_97 : i32 to vector<16xi32>
      %max3A_99 = arith.maxsi %max3A, %add3A_88 : vector<16xi32>
      %min3A = vector.broadcast %jit3A_98 : i32 to vector<16xi32>
      %min3A_100 = arith.minsi %min3A, %max3A_99 : vector<16xi32>
      %mul3A_101 = arith.constant 0.0112915039 : f32
      %mul3A_102 = vector.broadcast %mul3A_101 : f32 to vector<16xf32>
      %mul3A_103 = arith.mulf %get3A_53, %mul3A_102 : vector<16xf32>
      tpu.vector_store_idx %arg9[%min3A_100], %mul3A_103 masked %and3A_96 {add = true} : memref<16384xf32, #tpu.memory_space<vmem>>[vector<16xi32>], vector<16xf32>, vector<16xi1>
      %add3A_104 = arith.constant -2 : i32
      %add3A_105 = vector.broadcast %add3A_104 : i32 to vector<16xi32>
      %add3A_106 = arith.addi %and3A_61, %add3A_105 : vector<16xi32>
      %ge3A_107 = arith.constant 0 : i32
      %ge3A_108 = vector.broadcast %ge3A_107 : i32 to vector<16xi32>
      %ge3A_109 = arith.cmpi sge, %add3A_106, %ge3A_108 : vector<16xi32>
      %and3A_110 = arith.andi %and3A_69, %ge3A_109 : vector<16xi1>
      %lt3A_111 = arith.constant 512 : i32
      %lt3A_112 = vector.broadcast %lt3A_111 : i32 to vector<16xi32>
      %lt3A_113 = arith.cmpi slt, %add3A_106, %lt3A_112 : vector<16xi32>
      %and3A_114 = arith.andi %and3A_110, %lt3A_113 : vector<16xi1>
      %add3A_115 = arith.constant -2 : i32
      %add3A_116 = vector.broadcast %add3A_115 : i32 to vector<16xi32>
      %add3A_117 = arith.addi %sub3A_74, %add3A_116 : vector<16xi32>
      %ge3A_118 = arith.constant 0 : i32
      %ge3A_119 = vector.broadcast %ge3A_118 : i32 to vector<16xi32>
      %ge3A_120 = arith.cmpi sge, %add3A_117, %ge3A_119 : vector<16xi32>
      %and3A_121 = arith.andi %and3A_114, %ge3A_120 : vector<16xi1>
      %lt3A_122 = arith.constant 16384 : i32
      %lt3A_123 = vector.broadcast %lt3A_122 : i32 to vector<16xi32>
      %lt3A_124 = arith.cmpi slt, %add3A_117, %lt3A_123 : vector<16xi32>
      %and3A_125 = arith.andi %and3A_121, %lt3A_124 : vector<16xi1>
      %jit3A_126 = arith.constant 0 : i32
      %jit3A_127 = arith.constant 16383 : i32
      %max3A_128 = vector.broadcast %jit3A_126 : i32 to vector<16xi32>
      %max3A_129 = arith.maxsi %max3A_128, %add3A_117 : vector<16xi32>
      %min3A_130 = vector.broadcast %jit3A_127 : i32 to vector<16xi32>
      %min3A_131 = arith.minsi %min3A_130, %max3A_129 : vector<16xi32>
      %mul3A_132 = arith.constant 0.0148925781 : f32
      %mul3A_133 = vector.broadcast %mul3A_132 : f32 to vector<16xf32>
      %mul3A_134 = arith.mulf %get3A_53, %mul3A_133 : vector<16xf32>
      tpu.vector_store_idx %arg9[%min3A_131], %mul3A_134 masked %and3A_125 {add = true} : memref<16384xf32, #tpu.memory_space<vmem>>[vector<16xi32>], vector<16xf32>, vector<16xi1>
      %add3A_135 = arith.constant -1 : i32
      %add3A_136 = vector.broadcast %add3A_135 : i32 to vector<16xi32>
      %add3A_137 = arith.addi %and3A_61, %add3A_136 : vector<16xi32>
      %ge3A_138 = arith.constant 0 : i32
      %ge3A_139 = vector.broadcast %ge3A_138 : i32 to vector<16xi32>
      %ge3A_140 = arith.cmpi sge, %add3A_137, %ge3A_139 : vector<16xi32>
      %and3A_141 = arith.andi %and3A_69, %ge3A_140 : vector<16xi1>
      %lt3A_142 = arith.constant 512 : i32
      %lt3A_143 = vector.broadcast %lt3A_142 : i32 to vector<16xi32>
      %lt3A_144 = arith.cmpi slt, %add3A_137, %lt3A_143 : vector<16xi32>
      %and3A_145 = arith.andi %and3A_141, %lt3A_144 : vector<16xi1>
      %add3A_146 = arith.constant -1 : i32
      %add3A_147 = vector.broadcast %add3A_146 : i32 to vector<16xi32>
      %add3A_148 = arith.addi %sub3A_74, %add3A_147 : vector<16xi32>
      %ge3A_149 = arith.constant 0 : i32
      %ge3A_150 = vector.broadcast %ge3A_149 : i32 to vector<16xi32>
      %ge3A_151 = arith.cmpi sge, %add3A_148, %ge3A_150 : vector<16xi32>
      %and3A_152 = arith.andi %and3A_145, %ge3A_151 : vector<16xi1>
      %lt3A_153 = arith.constant 16384 : i32
      %lt3A_154 = vector.broadcast %lt3A_153 : i32 to vector<16xi32>
      %lt3A_155 = arith.cmpi slt, %add3A_148, %lt3A_154 : vector<16xi32>
      %and3A_156 = arith.andi %and3A_152, %lt3A_155 : vector<16xi1>
      %jit3A_157 = arith.constant 0 : i32
      %jit3A_158 = arith.constant 16383 : i32
      %max3A_159 = vector.broadcast %jit3A_157 : i32 to vector<16xi32>
      %max3A_160 = arith.maxsi %max3A_159, %add3A_148 : vector<16xi32>
      %min3A_161 = vector.broadcast %jit3A_158 : i32 to vector<16xi32>
      %min3A_162 = arith.minsi %min3A_161, %max3A_160 : vector<16xi32>
      %mul3A_163 = arith.constant 0.017578125 : f32
      %mul3A_164 = vector.broadcast %mul3A_163 : f32 to vector<16xf32>
      %mul3A_165 = arith.mulf %get3A_53, %mul3A_164 : vector<16xf32>
      tpu.vector_store_idx %arg9[%min3A_162], %mul3A_165 masked %and3A_156 {add = true} : memref<16384xf32, #tpu.memory_space<vmem>>[vector<16xi32>], vector<16xf32>, vector<16xi1>
      %add3A_166 = arith.constant 0 : i32
      %add3A_167 = vector.broadcast %add3A_166 : i32 to vector<16xi32>
      %add3A_168 = arith.addi %and3A_61, %add3A_167 : vector<16xi32>
      %ge3A_169 = arith.constant 0 : i32
      %ge3A_170 = vector.broadcast %ge3A_169 : i32 to vector<16xi32>
      %ge3A_171 = arith.cmpi sge, %add3A_168, %ge3A_170 : vector<16xi32>
      %and3A_172 = arith.andi %and3A_69, %ge3A_171 : vector<16xi1>
      %lt3A_173 = arith.constant 512 : i32
      %lt3A_174 = vector.broadcast %lt3A_173 : i32 to vector<16xi32>
      %lt3A_175 = arith.cmpi slt, %add3A_168, %lt3A_174 : vector<16xi32>
      %and3A_176 = arith.andi %and3A_172, %lt3A_175 : vector<16xi1>
      %add3A_177 = arith.constant 0 : i32
      %add3A_178 = vector.broadcast %add3A_177 : i32 to vector<16xi32>
      %add3A_179 = arith.addi %sub3A_74, %add3A_178 : vector<16xi32>
      %ge3A_180 = arith.constant 0 : i32
      %ge3A_181 = vector.broadcast %ge3A_180 : i32 to vector<16xi32>
      %ge3A_182 = arith.cmpi sge, %add3A_179, %ge3A_181 : vector<16xi32>
      %and3A_183 = arith.andi %and3A_176, %ge3A_182 : vector<16xi1>
      %lt3A_184 = arith.constant 16384 : i32
      %lt3A_185 = vector.broadcast %lt3A_184 : i32 to vector<16xi32>
      %lt3A_186 = arith.cmpi slt, %add3A_179, %lt3A_185 : vector<16xi32>
      %and3A_187 = arith.andi %and3A_183, %lt3A_186 : vector<16xi1>
      %jit3A_188 = arith.constant 0 : i32
      %jit3A_189 = arith.constant 16383 : i32
      %max3A_190 = vector.broadcast %jit3A_188 : i32 to vector<16xi32>
      %max3A_191 = arith.maxsi %max3A_190, %add3A_179 : vector<16xi32>
      %min3A_192 = vector.broadcast %jit3A_189 : i32 to vector<16xi32>
      %min3A_193 = arith.minsi %min3A_192, %max3A_191 : vector<16xi32>
      %mul3A_194 = arith.constant 0.0186767578 : f32
      %mul3A_195 = vector.broadcast %mul3A_194 : f32 to vector<16xf32>
      %mul3A_196 = arith.mulf %get3A_53, %mul3A_195 : vector<16xf32>
      tpu.vector_store_idx %arg9[%min3A_193], %mul3A_196 masked %and3A_187 {add = true} : memref<16384xf32, #tpu.memory_space<vmem>>[vector<16xi32>], vector<16xf32>, vector<16xi1>
      %add3A_197 = arith.constant 1 : i32
      %add3A_198 = vector.broadcast %add3A_197 : i32 to vector<16xi32>
      %add3A_199 = arith.addi %and3A_61, %add3A_198 : vector<16xi32>
      %ge3A_200 = arith.constant 0 : i32
      %ge3A_201 = vector.broadcast %ge3A_200 : i32 to vector<16xi32>
      %ge3A_202 = arith.cmpi sge, %add3A_199, %ge3A_201 : vector<16xi32>
      %and3A_203 = arith.andi %and3A_69, %ge3A_202 : vector<16xi1>
      %lt3A_204 = arith.constant 512 : i32
      %lt3A_205 = vector.broadcast %lt3A_204 : i32 to vector<16xi32>
      %lt3A_206 = arith.cmpi slt, %add3A_199, %lt3A_205 : vector<16xi32>
      %and3A_207 = arith.andi %and3A_203, %lt3A_206 : vector<16xi1>
      %add3A_208 = arith.constant 1 : i32
      %add3A_209 = vector.broadcast %add3A_208 : i32 to vector<16xi32>
      %add3A_210 = arith.addi %sub3A_74, %add3A_209 : vector<16xi32>
      %ge3A_211 = arith.constant 0 : i32
      %ge3A_212 = vector.broadcast %ge3A_211 : i32 to vector<16xi32>
      %ge3A_213 = arith.cmpi sge, %add3A_210, %ge3A_212 : vector<16xi32>
      %and3A_214 = arith.andi %and3A_207, %ge3A_213 : vector<16xi1>
      %lt3A_215 = arith.constant 16384 : i32
      %lt3A_216 = vector.broadcast %lt3A_215 : i32 to vector<16xi32>
      %lt3A_217 = arith.cmpi slt, %add3A_210, %lt3A_216 : vector<16xi32>
      %and3A_218 = arith.andi %and3A_214, %lt3A_217 : vector<16xi1>
      %jit3A_219 = arith.constant 0 : i32
      %jit3A_220 = arith.constant 16383 : i32
      %max3A_221 = vector.broadcast %jit3A_219 : i32 to vector<16xi32>
      %max3A_222 = arith.maxsi %max3A_221, %add3A_210 : vector<16xi32>
      %min3A_223 = vector.broadcast %jit3A_220 : i32 to vector<16xi32>
      %min3A_224 = arith.minsi %min3A_223, %max3A_222 : vector<16xi32>
      %mul3A_225 = arith.constant 0.017578125 : f32
      %mul3A_226 = vector.broadcast %mul3A_225 : f32 to vector<16xf32>
      %mul3A_227 = arith.mulf %get3A_53, %mul3A_226 : vector<16xf32>
      tpu.vector_store_idx %arg9[%min3A_224], %mul3A_227 masked %and3A_218 {add = true} : memref<16384xf32, #tpu.memory_space<vmem>>[vector<16xi32>], vector<16xf32>, vector<16xi1>
      %add3A_228 = arith.constant 2 : i32
      %add3A_229 = vector.broadcast %add3A_228 : i32 to vector<16xi32>
      %add3A_230 = arith.addi %and3A_61, %add3A_229 : vector<16xi32>
      %ge3A_231 = arith.constant 0 : i32
      %ge3A_232 = vector.broadcast %ge3A_231 : i32 to vector<16xi32>
      %ge3A_233 = arith.cmpi sge, %add3A_230, %ge3A_232 : vector<16xi32>
      %and3A_234 = arith.andi %and3A_69, %ge3A_233 : vector<16xi1>
      %lt3A_235 = arith.constant 512 : i32
      %lt3A_236 = vector.broadcast %lt3A_235 : i32 to vector<16xi32>
      %lt3A_237 = arith.cmpi slt, %add3A_230, %lt3A_236 : vector<16xi32>
      %and3A_238 = arith.andi %and3A_234, %lt3A_237 : vector<16xi1>
      %add3A_239 = arith.constant 2 : i32
      %add3A_240 = vector.broadcast %add3A_239 : i32 to vector<16xi32>
      %add3A_241 = arith.addi %sub3A_74, %add3A_240 : vector<16xi32>
      %ge3A_242 = arith.constant 0 : i32
      %ge3A_243 = vector.broadcast %ge3A_242 : i32 to vector<16xi32>
      %ge3A_244 = arith.cmpi sge, %add3A_241, %ge3A_243 : vector<16xi32>
      %and3A_245 = arith.andi %and3A_238, %ge3A_244 : vector<16xi1>
      %lt3A_246 = arith.constant 16384 : i32
      %lt3A_247 = vector.broadcast %lt3A_246 : i32 to vector<16xi32>
      %lt3A_248 = arith.cmpi slt, %add3A_241, %lt3A_247 : vector<16xi32>
      %and3A_249 = arith.andi %and3A_245, %lt3A_248 : vector<16xi1>
      %jit3A_250 = arith.constant 0 : i32
      %jit3A_251 = arith.constant 16383 : i32
      %max3A_252 = vector.broadcast %jit3A_250 : i32 to vector<16xi32>
      %max3A_253 = arith.maxsi %max3A_252, %add3A_241 : vector<16xi32>
      %min3A_254 = vector.broadcast %jit3A_251 : i32 to vector<16xi32>
      %min3A_255 = arith.minsi %min3A_254, %max3A_253 : vector<16xi32>
      %mul3A_256 = arith.constant 0.0148925781 : f32
      %mul3A_257 = vector.broadcast %mul3A_256 : f32 to vector<16xf32>
      %mul3A_258 = arith.mulf %get3A_53, %mul3A_257 : vector<16xf32>
      tpu.vector_store_idx %arg9[%min3A_255], %mul3A_258 masked %and3A_249 {add = true} : memref<16384xf32, #tpu.memory_space<vmem>>[vector<16xi32>], vector<16xf32>, vector<16xi1>
      %add3A_259 = arith.constant 3 : i32
      %add3A_260 = vector.broadcast %add3A_259 : i32 to vector<16xi32>
      %add3A_261 = arith.addi %and3A_61, %add3A_260 : vector<16xi32>
      %ge3A_262 = arith.constant 0 : i32
      %ge3A_263 = vector.broadcast %ge3A_262 : i32 to vector<16xi32>
      %ge3A_264 = arith.cmpi sge, %add3A_261, %ge3A_263 : vector<16xi32>
      %and3A_265 = arith.andi %and3A_69, %ge3A_264 : vector<16xi1>
      %lt3A_266 = arith.constant 512 : i32
      %lt3A_267 = vector.broadcast %lt3A_266 : i32 to vector<16xi32>
      %lt3A_268 = arith.cmpi slt, %add3A_261, %lt3A_267 : vector<16xi32>
      %and3A_269 = arith.andi %and3A_265, %lt3A_268 : vector<16xi1>
      %add3A_270 = arith.constant 3 : i32
      %add3A_271 = vector.broadcast %add3A_270 : i32 to vector<16xi32>
      %add3A_272 = arith.addi %sub3A_74, %add3A_271 : vector<16xi32>
      %ge3A_273 = arith.constant 0 : i32
      %ge3A_274 = vector.broadcast %ge3A_273 : i32 to vector<16xi32>
      %ge3A_275 = arith.cmpi sge, %add3A_272, %ge3A_274 : vector<16xi32>
      %and3A_276 = arith.andi %and3A_269, %ge3A_275 : vector<16xi1>
      %lt3A_277 = arith.constant 16384 : i32
      %lt3A_278 = vector.broadcast %lt3A_277 : i32 to vector<16xi32>
      %lt3A_279 = arith.cmpi slt, %add3A_272, %lt3A_278 : vector<16xi32>
      %and3A_280 = arith.andi %and3A_276, %lt3A_279 : vector<16xi1>
      %jit3A_281 = arith.constant 0 : i32
      %jit3A_282 = arith.constant 16383 : i32
      %max3A_283 = vector.broadcast %jit3A_281 : i32 to vector<16xi32>
      %max3A_284 = arith.maxsi %max3A_283, %add3A_272 : vector<16xi32>
      %min3A_285 = vector.broadcast %jit3A_282 : i32 to vector<16xi32>
      %min3A_286 = arith.minsi %min3A_285, %max3A_284 : vector<16xi32>
      %mul3A_287 = arith.constant 0.0112915039 : f32
      %mul3A_288 = vector.broadcast %mul3A_287 : f32 to vector<16xf32>
      %mul3A_289 = arith.mulf %get3A_53, %mul3A_288 : vector<16xf32>
      tpu.vector_store_idx %arg9[%min3A_286], %mul3A_289 masked %and3A_280 {add = true} : memref<16384xf32, #tpu.memory_space<vmem>>[vector<16xi32>], vector<16xf32>, vector<16xi1>
      %add3A_290 = arith.constant -2 : i32
      %add3A_291 = vector.broadcast %add3A_290 : i32 to vector<16xi32>
      %add3A_292 = arith.addi %shift_right_arithmetic3A_58, %add3A_291 : vector<16xi32>
      %ge3A_293 = arith.constant 0 : i32
      %ge3A_294 = vector.broadcast %ge3A_293 : i32 to vector<16xi32>
      %ge3A_295 = arith.cmpi sge, %add3A_292, %ge3A_294 : vector<16xi32>
      %lt3A_296 = arith.constant 512 : i32
      %lt3A_297 = vector.broadcast %lt3A_296 : i32 to vector<16xi32>
      %lt3A_298 = arith.cmpi slt, %add3A_292, %lt3A_297 : vector<16xi32>
      %and3A_299 = arith.andi %ge3A_295, %lt3A_298 : vector<16xi1>
      %add3A_300 = arith.constant -1024 : i32
      %add3A_301 = vector.broadcast %add3A_300 : i32 to vector<16xi32>
      %add3A_302 = arith.addi %get3A_49, %add3A_301 : vector<16xi32>
      %sub3A_303 = vector.broadcast %mul3A_2 : i32 to vector<16xi32>
      %sub3A_304 = arith.subi %add3A_302, %sub3A_303 : vector<16xi32>
      %add3A_305 = arith.constant -3 : i32
      %add3A_306 = vector.broadcast %add3A_305 : i32 to vector<16xi32>
      %add3A_307 = arith.addi %and3A_61, %add3A_306 : vector<16xi32>
      %ge3A_308 = arith.constant 0 : i32
      %ge3A_309 = vector.broadcast %ge3A_308 : i32 to vector<16xi32>
      %ge3A_310 = arith.cmpi sge, %add3A_307, %ge3A_309 : vector<16xi32>
      %and3A_311 = arith.andi %and3A_299, %ge3A_310 : vector<16xi1>
      %lt3A_312 = arith.constant 512 : i32
      %lt3A_313 = vector.broadcast %lt3A_312 : i32 to vector<16xi32>
      %lt3A_314 = arith.cmpi slt, %add3A_307, %lt3A_313 : vector<16xi32>
      %and3A_315 = arith.andi %and3A_311, %lt3A_314 : vector<16xi1>
      %add3A_316 = arith.constant -3 : i32
      %add3A_317 = vector.broadcast %add3A_316 : i32 to vector<16xi32>
      %add3A_318 = arith.addi %sub3A_304, %add3A_317 : vector<16xi32>
      %ge3A_319 = arith.constant 0 : i32
      %ge3A_320 = vector.broadcast %ge3A_319 : i32 to vector<16xi32>
      %ge3A_321 = arith.cmpi sge, %add3A_318, %ge3A_320 : vector<16xi32>
      %and3A_322 = arith.andi %and3A_315, %ge3A_321 : vector<16xi1>
      %lt3A_323 = arith.constant 16384 : i32
      %lt3A_324 = vector.broadcast %lt3A_323 : i32 to vector<16xi32>
      %lt3A_325 = arith.cmpi slt, %add3A_318, %lt3A_324 : vector<16xi32>
      %and3A_326 = arith.andi %and3A_322, %lt3A_325 : vector<16xi1>
      %jit3A_327 = arith.constant 0 : i32
      %jit3A_328 = arith.constant 16383 : i32
      %max3A_329 = vector.broadcast %jit3A_327 : i32 to vector<16xi32>
      %max3A_330 = arith.maxsi %max3A_329, %add3A_318 : vector<16xi32>
      %min3A_331 = vector.broadcast %jit3A_328 : i32 to vector<16xi32>
      %min3A_332 = arith.minsi %min3A_331, %max3A_330 : vector<16xi32>
      %mul3A_333 = arith.constant 0.0148925781 : f32
      %mul3A_334 = vector.broadcast %mul3A_333 : f32 to vector<16xf32>
      %mul3A_335 = arith.mulf %get3A_53, %mul3A_334 : vector<16xf32>
      tpu.vector_store_idx %arg9[%min3A_332], %mul3A_335 masked %and3A_326 {add = true} : memref<16384xf32, #tpu.memory_space<vmem>>[vector<16xi32>], vector<16xf32>, vector<16xi1>
      %add3A_336 = arith.constant -2 : i32
      %add3A_337 = vector.broadcast %add3A_336 : i32 to vector<16xi32>
      %add3A_338 = arith.addi %and3A_61, %add3A_337 : vector<16xi32>
      %ge3A_339 = arith.constant 0 : i32
      %ge3A_340 = vector.broadcast %ge3A_339 : i32 to vector<16xi32>
      %ge3A_341 = arith.cmpi sge, %add3A_338, %ge3A_340 : vector<16xi32>
      %and3A_342 = arith.andi %and3A_299, %ge3A_341 : vector<16xi1>
      %lt3A_343 = arith.constant 512 : i32
      %lt3A_344 = vector.broadcast %lt3A_343 : i32 to vector<16xi32>
      %lt3A_345 = arith.cmpi slt, %add3A_338, %lt3A_344 : vector<16xi32>
      %and3A_346 = arith.andi %and3A_342, %lt3A_345 : vector<16xi1>
      %add3A_347 = arith.constant -2 : i32
      %add3A_348 = vector.broadcast %add3A_347 : i32 to vector<16xi32>
      %add3A_349 = arith.addi %sub3A_304, %add3A_348 : vector<16xi32>
      %ge3A_350 = arith.constant 0 : i32
      %ge3A_351 = vector.broadcast %ge3A_350 : i32 to vector<16xi32>
      %ge3A_352 = arith.cmpi sge, %add3A_349, %ge3A_351 : vector<16xi32>
      %and3A_353 = arith.andi %and3A_346, %ge3A_352 : vector<16xi1>
      %lt3A_354 = arith.constant 16384 : i32
      %lt3A_355 = vector.broadcast %lt3A_354 : i32 to vector<16xi32>
      %lt3A_356 = arith.cmpi slt, %add3A_349, %lt3A_355 : vector<16xi32>
      %and3A_357 = arith.andi %and3A_353, %lt3A_356 : vector<16xi1>
      %jit3A_358 = arith.constant 0 : i32
      %jit3A_359 = arith.constant 16383 : i32
      %max3A_360 = vector.broadcast %jit3A_358 : i32 to vector<16xi32>
      %max3A_361 = arith.maxsi %max3A_360, %add3A_349 : vector<16xi32>
      %min3A_362 = vector.broadcast %jit3A_359 : i32 to vector<16xi32>
      %min3A_363 = arith.minsi %min3A_362, %max3A_361 : vector<16xi32>
      %mul3A_364 = arith.constant 0.0196533203 : f32
      %mul3A_365 = vector.broadcast %mul3A_364 : f32 to vector<16xf32>
      %mul3A_366 = arith.mulf %get3A_53, %mul3A_365 : vector<16xf32>
      tpu.vector_store_idx %arg9[%min3A_363], %mul3A_366 masked %and3A_357 {add = true} : memref<16384xf32, #tpu.memory_space<vmem>>[vector<16xi32>], vector<16xf32>, vector<16xi1>
      %add3A_367 = arith.constant -1 : i32
      %add3A_368 = vector.broadcast %add3A_367 : i32 to vector<16xi32>
      %add3A_369 = arith.addi %and3A_61, %add3A_368 : vector<16xi32>
      %ge3A_370 = arith.constant 0 : i32
      %ge3A_371 = vector.broadcast %ge3A_370 : i32 to vector<16xi32>
      %ge3A_372 = arith.cmpi sge, %add3A_369, %ge3A_371 : vector<16xi32>
      %and3A_373 = arith.andi %and3A_299, %ge3A_372 : vector<16xi1>
      %lt3A_374 = arith.constant 512 : i32
      %lt3A_375 = vector.broadcast %lt3A_374 : i32 to vector<16xi32>
      %lt3A_376 = arith.cmpi slt, %add3A_369, %lt3A_375 : vector<16xi32>
      %and3A_377 = arith.andi %and3A_373, %lt3A_376 : vector<16xi1>
      %add3A_378 = arith.constant -1 : i32
      %add3A_379 = vector.broadcast %add3A_378 : i32 to vector<16xi32>
      %add3A_380 = arith.addi %sub3A_304, %add3A_379 : vector<16xi32>
      %ge3A_381 = arith.constant 0 : i32
      %ge3A_382 = vector.broadcast %ge3A_381 : i32 to vector<16xi32>
      %ge3A_383 = arith.cmpi sge, %add3A_380, %ge3A_382 : vector<16xi32>
      %and3A_384 = arith.andi %and3A_377, %ge3A_383 : vector<16xi1>
      %lt3A_385 = arith.constant 16384 : i32
      %lt3A_386 = vector.broadcast %lt3A_385 : i32 to vector<16xi32>
      %lt3A_387 = arith.cmpi slt, %add3A_380, %lt3A_386 : vector<16xi32>
      %and3A_388 = arith.andi %and3A_384, %lt3A_387 : vector<16xi1>
      %jit3A_389 = arith.constant 0 : i32
      %jit3A_390 = arith.constant 16383 : i32
      %max3A_391 = vector.broadcast %jit3A_389 : i32 to vector<16xi32>
      %max3A_392 = arith.maxsi %max3A_391, %add3A_380 : vector<16xi32>
      %min3A_393 = vector.broadcast %jit3A_390 : i32 to vector<16xi32>
      %min3A_394 = arith.minsi %min3A_393, %max3A_392 : vector<16xi32>
      %mul3A_395 = arith.constant 0.0233154297 : f32
      %mul3A_396 = vector.broadcast %mul3A_395 : f32 to vector<16xf32>
      %mul3A_397 = arith.mulf %get3A_53, %mul3A_396 : vector<16xf32>
      tpu.vector_store_idx %arg9[%min3A_394], %mul3A_397 masked %and3A_388 {add = true} : memref<16384xf32, #tpu.memory_space<vmem>>[vector<16xi32>], vector<16xf32>, vector<16xi1>
      %add3A_398 = arith.constant 0 : i32
      %add3A_399 = vector.broadcast %add3A_398 : i32 to vector<16xi32>
      %add3A_400 = arith.addi %and3A_61, %add3A_399 : vector<16xi32>
      %ge3A_401 = arith.constant 0 : i32
      %ge3A_402 = vector.broadcast %ge3A_401 : i32 to vector<16xi32>
      %ge3A_403 = arith.cmpi sge, %add3A_400, %ge3A_402 : vector<16xi32>
      %and3A_404 = arith.andi %and3A_299, %ge3A_403 : vector<16xi1>
      %lt3A_405 = arith.constant 512 : i32
      %lt3A_406 = vector.broadcast %lt3A_405 : i32 to vector<16xi32>
      %lt3A_407 = arith.cmpi slt, %add3A_400, %lt3A_406 : vector<16xi32>
      %and3A_408 = arith.andi %and3A_404, %lt3A_407 : vector<16xi1>
      %add3A_409 = arith.constant 0 : i32
      %add3A_410 = vector.broadcast %add3A_409 : i32 to vector<16xi32>
      %add3A_411 = arith.addi %sub3A_304, %add3A_410 : vector<16xi32>
      %ge3A_412 = arith.constant 0 : i32
      %ge3A_413 = vector.broadcast %ge3A_412 : i32 to vector<16xi32>
      %ge3A_414 = arith.cmpi sge, %add3A_411, %ge3A_413 : vector<16xi32>
      %and3A_415 = arith.andi %and3A_408, %ge3A_414 : vector<16xi1>
      %lt3A_416 = arith.constant 16384 : i32
      %lt3A_417 = vector.broadcast %lt3A_416 : i32 to vector<16xi32>
      %lt3A_418 = arith.cmpi slt, %add3A_411, %lt3A_417 : vector<16xi32>
      %and3A_419 = arith.andi %and3A_415, %lt3A_418 : vector<16xi1>
      %jit3A_420 = arith.constant 0 : i32
      %jit3A_421 = arith.constant 16383 : i32
      %max3A_422 = vector.broadcast %jit3A_420 : i32 to vector<16xi32>
      %max3A_423 = arith.maxsi %max3A_422, %add3A_411 : vector<16xi32>
      %min3A_424 = vector.broadcast %jit3A_421 : i32 to vector<16xi32>
      %min3A_425 = arith.minsi %min3A_424, %max3A_423 : vector<16xi32>
      %mul3A_426 = arith.constant 0.0245361328 : f32
      %mul3A_427 = vector.broadcast %mul3A_426 : f32 to vector<16xf32>
      %mul3A_428 = arith.mulf %get3A_53, %mul3A_427 : vector<16xf32>
      tpu.vector_store_idx %arg9[%min3A_425], %mul3A_428 masked %and3A_419 {add = true} : memref<16384xf32, #tpu.memory_space<vmem>>[vector<16xi32>], vector<16xf32>, vector<16xi1>
      %add3A_429 = arith.constant 1 : i32
      %add3A_430 = vector.broadcast %add3A_429 : i32 to vector<16xi32>
      %add3A_431 = arith.addi %and3A_61, %add3A_430 : vector<16xi32>
      %ge3A_432 = arith.constant 0 : i32
      %ge3A_433 = vector.broadcast %ge3A_432 : i32 to vector<16xi32>
      %ge3A_434 = arith.cmpi sge, %add3A_431, %ge3A_433 : vector<16xi32>
      %and3A_435 = arith.andi %and3A_299, %ge3A_434 : vector<16xi1>
      %lt3A_436 = arith.constant 512 : i32
      %lt3A_437 = vector.broadcast %lt3A_436 : i32 to vector<16xi32>
      %lt3A_438 = arith.cmpi slt, %add3A_431, %lt3A_437 : vector<16xi32>
      %and3A_439 = arith.andi %and3A_435, %lt3A_438 : vector<16xi1>
      %add3A_440 = arith.constant 1 : i32
      %add3A_441 = vector.broadcast %add3A_440 : i32 to vector<16xi32>
      %add3A_442 = arith.addi %sub3A_304, %add3A_441 : vector<16xi32>
      %ge3A_443 = arith.constant 0 : i32
      %ge3A_444 = vector.broadcast %ge3A_443 : i32 to vector<16xi32>
      %ge3A_445 = arith.cmpi sge, %add3A_442, %ge3A_444 : vector<16xi32>
      %and3A_446 = arith.andi %and3A_439, %ge3A_445 : vector<16xi1>
      %lt3A_447 = arith.constant 16384 : i32
      %lt3A_448 = vector.broadcast %lt3A_447 : i32 to vector<16xi32>
      %lt3A_449 = arith.cmpi slt, %add3A_442, %lt3A_448 : vector<16xi32>
      %and3A_450 = arith.andi %and3A_446, %lt3A_449 : vector<16xi1>
      %jit3A_451 = arith.constant 0 : i32
      %jit3A_452 = arith.constant 16383 : i32
      %max3A_453 = vector.broadcast %jit3A_451 : i32 to vector<16xi32>
      %max3A_454 = arith.maxsi %max3A_453, %add3A_442 : vector<16xi32>
      %min3A_455 = vector.broadcast %jit3A_452 : i32 to vector<16xi32>
      %min3A_456 = arith.minsi %min3A_455, %max3A_454 : vector<16xi32>
      %mul3A_457 = arith.constant 0.0233154297 : f32
      %mul3A_458 = vector.broadcast %mul3A_457 : f32 to vector<16xf32>
      %mul3A_459 = arith.mulf %get3A_53, %mul3A_458 : vector<16xf32>
      tpu.vector_store_idx %arg9[%min3A_456], %mul3A_459 masked %and3A_450 {add = true} : memref<16384xf32, #tpu.memory_space<vmem>>[vector<16xi32>], vector<16xf32>, vector<16xi1>
      %add3A_460 = arith.constant 2 : i32
      %add3A_461 = vector.broadcast %add3A_460 : i32 to vector<16xi32>
      %add3A_462 = arith.addi %and3A_61, %add3A_461 : vector<16xi32>
      %ge3A_463 = arith.constant 0 : i32
      %ge3A_464 = vector.broadcast %ge3A_463 : i32 to vector<16xi32>
      %ge3A_465 = arith.cmpi sge, %add3A_462, %ge3A_464 : vector<16xi32>
      %and3A_466 = arith.andi %and3A_299, %ge3A_465 : vector<16xi1>
      %lt3A_467 = arith.constant 512 : i32
      %lt3A_468 = vector.broadcast %lt3A_467 : i32 to vector<16xi32>
      %lt3A_469 = arith.cmpi slt, %add3A_462, %lt3A_468 : vector<16xi32>
      %and3A_470 = arith.andi %and3A_466, %lt3A_469 : vector<16xi1>
      %add3A_471 = arith.constant 2 : i32
      %add3A_472 = vector.broadcast %add3A_471 : i32 to vector<16xi32>
      %add3A_473 = arith.addi %sub3A_304, %add3A_472 : vector<16xi32>
      %ge3A_474 = arith.constant 0 : i32
      %ge3A_475 = vector.broadcast %ge3A_474 : i32 to vector<16xi32>
      %ge3A_476 = arith.cmpi sge, %add3A_473, %ge3A_475 : vector<16xi32>
      %and3A_477 = arith.andi %and3A_470, %ge3A_476 : vector<16xi1>
      %lt3A_478 = arith.constant 16384 : i32
      %lt3A_479 = vector.broadcast %lt3A_478 : i32 to vector<16xi32>
      %lt3A_480 = arith.cmpi slt, %add3A_473, %lt3A_479 : vector<16xi32>
      %and3A_481 = arith.andi %and3A_477, %lt3A_480 : vector<16xi1>
      %jit3A_482 = arith.constant 0 : i32
      %jit3A_483 = arith.constant 16383 : i32
      %max3A_484 = vector.broadcast %jit3A_482 : i32 to vector<16xi32>
      %max3A_485 = arith.maxsi %max3A_484, %add3A_473 : vector<16xi32>
      %min3A_486 = vector.broadcast %jit3A_483 : i32 to vector<16xi32>
      %min3A_487 = arith.minsi %min3A_486, %max3A_485 : vector<16xi32>
      %mul3A_488 = arith.constant 0.0196533203 : f32
      %mul3A_489 = vector.broadcast %mul3A_488 : f32 to vector<16xf32>
      %mul3A_490 = arith.mulf %get3A_53, %mul3A_489 : vector<16xf32>
      tpu.vector_store_idx %arg9[%min3A_487], %mul3A_490 masked %and3A_481 {add = true} : memref<16384xf32, #tpu.memory_space<vmem>>[vector<16xi32>], vector<16xf32>, vector<16xi1>
      %add3A_491 = arith.constant 3 : i32
      %add3A_492 = vector.broadcast %add3A_491 : i32 to vector<16xi32>
      %add3A_493 = arith.addi %and3A_61, %add3A_492 : vector<16xi32>
      %ge3A_494 = arith.constant 0 : i32
      %ge3A_495 = vector.broadcast %ge3A_494 : i32 to vector<16xi32>
      %ge3A_496 = arith.cmpi sge, %add3A_493, %ge3A_495 : vector<16xi32>
      %and3A_497 = arith.andi %and3A_299, %ge3A_496 : vector<16xi1>
      %lt3A_498 = arith.constant 512 : i32
      %lt3A_499 = vector.broadcast %lt3A_498 : i32 to vector<16xi32>
      %lt3A_500 = arith.cmpi slt, %add3A_493, %lt3A_499 : vector<16xi32>
      %and3A_501 = arith.andi %and3A_497, %lt3A_500 : vector<16xi1>
      %add3A_502 = arith.constant 3 : i32
      %add3A_503 = vector.broadcast %add3A_502 : i32 to vector<16xi32>
      %add3A_504 = arith.addi %sub3A_304, %add3A_503 : vector<16xi32>
      %ge3A_505 = arith.constant 0 : i32
      %ge3A_506 = vector.broadcast %ge3A_505 : i32 to vector<16xi32>
      %ge3A_507 = arith.cmpi sge, %add3A_504, %ge3A_506 : vector<16xi32>
      %and3A_508 = arith.andi %and3A_501, %ge3A_507 : vector<16xi1>
      %lt3A_509 = arith.constant 16384 : i32
      %lt3A_510 = vector.broadcast %lt3A_509 : i32 to vector<16xi32>
      %lt3A_511 = arith.cmpi slt, %add3A_504, %lt3A_510 : vector<16xi32>
      %and3A_512 = arith.andi %and3A_508, %lt3A_511 : vector<16xi1>
      %jit3A_513 = arith.constant 0 : i32
      %jit3A_514 = arith.constant 16383 : i32
      %max3A_515 = vector.broadcast %jit3A_513 : i32 to vector<16xi32>
      %max3A_516 = arith.maxsi %max3A_515, %add3A_504 : vector<16xi32>
      %min3A_517 = vector.broadcast %jit3A_514 : i32 to vector<16xi32>
      %min3A_518 = arith.minsi %min3A_517, %max3A_516 : vector<16xi32>
      %mul3A_519 = arith.constant 0.0148925781 : f32
      %mul3A_520 = vector.broadcast %mul3A_519 : f32 to vector<16xf32>
      %mul3A_521 = arith.mulf %get3A_53, %mul3A_520 : vector<16xf32>
      tpu.vector_store_idx %arg9[%min3A_518], %mul3A_521 masked %and3A_512 {add = true} : memref<16384xf32, #tpu.memory_space<vmem>>[vector<16xi32>], vector<16xf32>, vector<16xi1>
      %add3A_522 = arith.constant -1 : i32
      %add3A_523 = vector.broadcast %add3A_522 : i32 to vector<16xi32>
      %add3A_524 = arith.addi %shift_right_arithmetic3A_58, %add3A_523 : vector<16xi32>
      %ge3A_525 = arith.constant 0 : i32
      %ge3A_526 = vector.broadcast %ge3A_525 : i32 to vector<16xi32>
      %ge3A_527 = arith.cmpi sge, %add3A_524, %ge3A_526 : vector<16xi32>
      %lt3A_528 = arith.constant 512 : i32
      %lt3A_529 = vector.broadcast %lt3A_528 : i32 to vector<16xi32>
      %lt3A_530 = arith.cmpi slt, %add3A_524, %lt3A_529 : vector<16xi32>
      %and3A_531 = arith.andi %ge3A_527, %lt3A_530 : vector<16xi1>
      %add3A_532 = arith.constant -512 : i32
      %add3A_533 = vector.broadcast %add3A_532 : i32 to vector<16xi32>
      %add3A_534 = arith.addi %get3A_49, %add3A_533 : vector<16xi32>
      %sub3A_535 = vector.broadcast %mul3A_2 : i32 to vector<16xi32>
      %sub3A_536 = arith.subi %add3A_534, %sub3A_535 : vector<16xi32>
      %add3A_537 = arith.constant -3 : i32
      %add3A_538 = vector.broadcast %add3A_537 : i32 to vector<16xi32>
      %add3A_539 = arith.addi %and3A_61, %add3A_538 : vector<16xi32>
      %ge3A_540 = arith.constant 0 : i32
      %ge3A_541 = vector.broadcast %ge3A_540 : i32 to vector<16xi32>
      %ge3A_542 = arith.cmpi sge, %add3A_539, %ge3A_541 : vector<16xi32>
      %and3A_543 = arith.andi %and3A_531, %ge3A_542 : vector<16xi1>
      %lt3A_544 = arith.constant 512 : i32
      %lt3A_545 = vector.broadcast %lt3A_544 : i32 to vector<16xi32>
      %lt3A_546 = arith.cmpi slt, %add3A_539, %lt3A_545 : vector<16xi32>
      %and3A_547 = arith.andi %and3A_543, %lt3A_546 : vector<16xi1>
      %add3A_548 = arith.constant -3 : i32
      %add3A_549 = vector.broadcast %add3A_548 : i32 to vector<16xi32>
      %add3A_550 = arith.addi %sub3A_536, %add3A_549 : vector<16xi32>
      %ge3A_551 = arith.constant 0 : i32
      %ge3A_552 = vector.broadcast %ge3A_551 : i32 to vector<16xi32>
      %ge3A_553 = arith.cmpi sge, %add3A_550, %ge3A_552 : vector<16xi32>
      %and3A_554 = arith.andi %and3A_547, %ge3A_553 : vector<16xi1>
      %lt3A_555 = arith.constant 16384 : i32
      %lt3A_556 = vector.broadcast %lt3A_555 : i32 to vector<16xi32>
      %lt3A_557 = arith.cmpi slt, %add3A_550, %lt3A_556 : vector<16xi32>
      %and3A_558 = arith.andi %and3A_554, %lt3A_557 : vector<16xi1>
      %jit3A_559 = arith.constant 0 : i32
      %jit3A_560 = arith.constant 16383 : i32
      %max3A_561 = vector.broadcast %jit3A_559 : i32 to vector<16xi32>
      %max3A_562 = arith.maxsi %max3A_561, %add3A_550 : vector<16xi32>
      %min3A_563 = vector.broadcast %jit3A_560 : i32 to vector<16xi32>
      %min3A_564 = arith.minsi %min3A_563, %max3A_562 : vector<16xi32>
      %mul3A_565 = arith.constant 0.017578125 : f32
      %mul3A_566 = vector.broadcast %mul3A_565 : f32 to vector<16xf32>
      %mul3A_567 = arith.mulf %get3A_53, %mul3A_566 : vector<16xf32>
      tpu.vector_store_idx %arg9[%min3A_564], %mul3A_567 masked %and3A_558 {add = true} : memref<16384xf32, #tpu.memory_space<vmem>>[vector<16xi32>], vector<16xf32>, vector<16xi1>
      %add3A_568 = arith.constant -2 : i32
      %add3A_569 = vector.broadcast %add3A_568 : i32 to vector<16xi32>
      %add3A_570 = arith.addi %and3A_61, %add3A_569 : vector<16xi32>
      %ge3A_571 = arith.constant 0 : i32
      %ge3A_572 = vector.broadcast %ge3A_571 : i32 to vector<16xi32>
      %ge3A_573 = arith.cmpi sge, %add3A_570, %ge3A_572 : vector<16xi32>
      %and3A_574 = arith.andi %and3A_531, %ge3A_573 : vector<16xi1>
      %lt3A_575 = arith.constant 512 : i32
      %lt3A_576 = vector.broadcast %lt3A_575 : i32 to vector<16xi32>
      %lt3A_577 = arith.cmpi slt, %add3A_570, %lt3A_576 : vector<16xi32>
      %and3A_578 = arith.andi %and3A_574, %lt3A_577 : vector<16xi1>
      %add3A_579 = arith.constant -2 : i32
      %add3A_580 = vector.broadcast %add3A_579 : i32 to vector<16xi32>
      %add3A_581 = arith.addi %sub3A_536, %add3A_580 : vector<16xi32>
      %ge3A_582 = arith.constant 0 : i32
      %ge3A_583 = vector.broadcast %ge3A_582 : i32 to vector<16xi32>
      %ge3A_584 = arith.cmpi sge, %add3A_581, %ge3A_583 : vector<16xi32>
      %and3A_585 = arith.andi %and3A_578, %ge3A_584 : vector<16xi1>
      %lt3A_586 = arith.constant 16384 : i32
      %lt3A_587 = vector.broadcast %lt3A_586 : i32 to vector<16xi32>
      %lt3A_588 = arith.cmpi slt, %add3A_581, %lt3A_587 : vector<16xi32>
      %and3A_589 = arith.andi %and3A_585, %lt3A_588 : vector<16xi1>
      %jit3A_590 = arith.constant 0 : i32
      %jit3A_591 = arith.constant 16383 : i32
      %max3A_592 = vector.broadcast %jit3A_590 : i32 to vector<16xi32>
      %max3A_593 = arith.maxsi %max3A_592, %add3A_581 : vector<16xi32>
      %min3A_594 = vector.broadcast %jit3A_591 : i32 to vector<16xi32>
      %min3A_595 = arith.minsi %min3A_594, %max3A_593 : vector<16xi32>
      %mul3A_596 = arith.constant 0.0233154297 : f32
      %mul3A_597 = vector.broadcast %mul3A_596 : f32 to vector<16xf32>
      %mul3A_598 = arith.mulf %get3A_53, %mul3A_597 : vector<16xf32>
      tpu.vector_store_idx %arg9[%min3A_595], %mul3A_598 masked %and3A_589 {add = true} : memref<16384xf32, #tpu.memory_space<vmem>>[vector<16xi32>], vector<16xf32>, vector<16xi1>
      %add3A_599 = arith.constant -1 : i32
      %add3A_600 = vector.broadcast %add3A_599 : i32 to vector<16xi32>
      %add3A_601 = arith.addi %and3A_61, %add3A_600 : vector<16xi32>
      %ge3A_602 = arith.constant 0 : i32
      %ge3A_603 = vector.broadcast %ge3A_602 : i32 to vector<16xi32>
      %ge3A_604 = arith.cmpi sge, %add3A_601, %ge3A_603 : vector<16xi32>
      %and3A_605 = arith.andi %and3A_531, %ge3A_604 : vector<16xi1>
      %lt3A_606 = arith.constant 512 : i32
      %lt3A_607 = vector.broadcast %lt3A_606 : i32 to vector<16xi32>
      %lt3A_608 = arith.cmpi slt, %add3A_601, %lt3A_607 : vector<16xi32>
      %and3A_609 = arith.andi %and3A_605, %lt3A_608 : vector<16xi1>
      %add3A_610 = arith.constant -1 : i32
      %add3A_611 = vector.broadcast %add3A_610 : i32 to vector<16xi32>
      %add3A_612 = arith.addi %sub3A_536, %add3A_611 : vector<16xi32>
      %ge3A_613 = arith.constant 0 : i32
      %ge3A_614 = vector.broadcast %ge3A_613 : i32 to vector<16xi32>
      %ge3A_615 = arith.cmpi sge, %add3A_612, %ge3A_614 : vector<16xi32>
      %and3A_616 = arith.andi %and3A_609, %ge3A_615 : vector<16xi1>
      %lt3A_617 = arith.constant 16384 : i32
      %lt3A_618 = vector.broadcast %lt3A_617 : i32 to vector<16xi32>
      %lt3A_619 = arith.cmpi slt, %add3A_612, %lt3A_618 : vector<16xi32>
      %and3A_620 = arith.andi %and3A_616, %lt3A_619 : vector<16xi1>
      %jit3A_621 = arith.constant 0 : i32
      %jit3A_622 = arith.constant 16383 : i32
      %max3A_623 = vector.broadcast %jit3A_621 : i32 to vector<16xi32>
      %max3A_624 = arith.maxsi %max3A_623, %add3A_612 : vector<16xi32>
      %min3A_625 = vector.broadcast %jit3A_622 : i32 to vector<16xi32>
      %min3A_626 = arith.minsi %min3A_625, %max3A_624 : vector<16xi32>
      %mul3A_627 = arith.constant 0.0274658203 : f32
      %mul3A_628 = vector.broadcast %mul3A_627 : f32 to vector<16xf32>
      %mul3A_629 = arith.mulf %get3A_53, %mul3A_628 : vector<16xf32>
      tpu.vector_store_idx %arg9[%min3A_626], %mul3A_629 masked %and3A_620 {add = true} : memref<16384xf32, #tpu.memory_space<vmem>>[vector<16xi32>], vector<16xf32>, vector<16xi1>
      %add3A_630 = arith.constant 0 : i32
      %add3A_631 = vector.broadcast %add3A_630 : i32 to vector<16xi32>
      %add3A_632 = arith.addi %and3A_61, %add3A_631 : vector<16xi32>
      %ge3A_633 = arith.constant 0 : i32
      %ge3A_634 = vector.broadcast %ge3A_633 : i32 to vector<16xi32>
      %ge3A_635 = arith.cmpi sge, %add3A_632, %ge3A_634 : vector<16xi32>
      %and3A_636 = arith.andi %and3A_531, %ge3A_635 : vector<16xi1>
      %lt3A_637 = arith.constant 512 : i32
      %lt3A_638 = vector.broadcast %lt3A_637 : i32 to vector<16xi32>
      %lt3A_639 = arith.cmpi slt, %add3A_632, %lt3A_638 : vector<16xi32>
      %and3A_640 = arith.andi %and3A_636, %lt3A_639 : vector<16xi1>
      %add3A_641 = arith.constant 0 : i32
      %add3A_642 = vector.broadcast %add3A_641 : i32 to vector<16xi32>
      %add3A_643 = arith.addi %sub3A_536, %add3A_642 : vector<16xi32>
      %ge3A_644 = arith.constant 0 : i32
      %ge3A_645 = vector.broadcast %ge3A_644 : i32 to vector<16xi32>
      %ge3A_646 = arith.cmpi sge, %add3A_643, %ge3A_645 : vector<16xi32>
      %and3A_647 = arith.andi %and3A_640, %ge3A_646 : vector<16xi1>
      %lt3A_648 = arith.constant 16384 : i32
      %lt3A_649 = vector.broadcast %lt3A_648 : i32 to vector<16xi32>
      %lt3A_650 = arith.cmpi slt, %add3A_643, %lt3A_649 : vector<16xi32>
      %and3A_651 = arith.andi %and3A_647, %lt3A_650 : vector<16xi1>
      %jit3A_652 = arith.constant 0 : i32
      %jit3A_653 = arith.constant 16383 : i32
      %max3A_654 = vector.broadcast %jit3A_652 : i32 to vector<16xi32>
      %max3A_655 = arith.maxsi %max3A_654, %add3A_643 : vector<16xi32>
      %min3A_656 = vector.broadcast %jit3A_653 : i32 to vector<16xi32>
      %min3A_657 = arith.minsi %min3A_656, %max3A_655 : vector<16xi32>
      %mul3A_658 = arith.constant 0.0290527344 : f32
      %mul3A_659 = vector.broadcast %mul3A_658 : f32 to vector<16xf32>
      %mul3A_660 = arith.mulf %get3A_53, %mul3A_659 : vector<16xf32>
      tpu.vector_store_idx %arg9[%min3A_657], %mul3A_660 masked %and3A_651 {add = true} : memref<16384xf32, #tpu.memory_space<vmem>>[vector<16xi32>], vector<16xf32>, vector<16xi1>
      %add3A_661 = arith.constant 1 : i32
      %add3A_662 = vector.broadcast %add3A_661 : i32 to vector<16xi32>
      %add3A_663 = arith.addi %and3A_61, %add3A_662 : vector<16xi32>
      %ge3A_664 = arith.constant 0 : i32
      %ge3A_665 = vector.broadcast %ge3A_664 : i32 to vector<16xi32>
      %ge3A_666 = arith.cmpi sge, %add3A_663, %ge3A_665 : vector<16xi32>
      %and3A_667 = arith.andi %and3A_531, %ge3A_666 : vector<16xi1>
      %lt3A_668 = arith.constant 512 : i32
      %lt3A_669 = vector.broadcast %lt3A_668 : i32 to vector<16xi32>
      %lt3A_670 = arith.cmpi slt, %add3A_663, %lt3A_669 : vector<16xi32>
      %and3A_671 = arith.andi %and3A_667, %lt3A_670 : vector<16xi1>
      %add3A_672 = arith.constant 1 : i32
      %add3A_673 = vector.broadcast %add3A_672 : i32 to vector<16xi32>
      %add3A_674 = arith.addi %sub3A_536, %add3A_673 : vector<16xi32>
      %ge3A_675 = arith.constant 0 : i32
      %ge3A_676 = vector.broadcast %ge3A_675 : i32 to vector<16xi32>
      %ge3A_677 = arith.cmpi sge, %add3A_674, %ge3A_676 : vector<16xi32>
      %and3A_678 = arith.andi %and3A_671, %ge3A_677 : vector<16xi1>
      %lt3A_679 = arith.constant 16384 : i32
      %lt3A_680 = vector.broadcast %lt3A_679 : i32 to vector<16xi32>
      %lt3A_681 = arith.cmpi slt, %add3A_674, %lt3A_680 : vector<16xi32>
      %and3A_682 = arith.andi %and3A_678, %lt3A_681 : vector<16xi1>
      %jit3A_683 = arith.constant 0 : i32
      %jit3A_684 = arith.constant 16383 : i32
      %max3A_685 = vector.broadcast %jit3A_683 : i32 to vector<16xi32>
      %max3A_686 = arith.maxsi %max3A_685, %add3A_674 : vector<16xi32>
      %min3A_687 = vector.broadcast %jit3A_684 : i32 to vector<16xi32>
      %min3A_688 = arith.minsi %min3A_687, %max3A_686 : vector<16xi32>
      %mul3A_689 = arith.constant 0.0274658203 : f32
      %mul3A_690 = vector.broadcast %mul3A_689 : f32 to vector<16xf32>
      %mul3A_691 = arith.mulf %get3A_53, %mul3A_690 : vector<16xf32>
      tpu.vector_store_idx %arg9[%min3A_688], %mul3A_691 masked %and3A_682 {add = true} : memref<16384xf32, #tpu.memory_space<vmem>>[vector<16xi32>], vector<16xf32>, vector<16xi1>
      %add3A_692 = arith.constant 2 : i32
      %add3A_693 = vector.broadcast %add3A_692 : i32 to vector<16xi32>
      %add3A_694 = arith.addi %and3A_61, %add3A_693 : vector<16xi32>
      %ge3A_695 = arith.constant 0 : i32
      %ge3A_696 = vector.broadcast %ge3A_695 : i32 to vector<16xi32>
      %ge3A_697 = arith.cmpi sge, %add3A_694, %ge3A_696 : vector<16xi32>
      %and3A_698 = arith.andi %and3A_531, %ge3A_697 : vector<16xi1>
      %lt3A_699 = arith.constant 512 : i32
      %lt3A_700 = vector.broadcast %lt3A_699 : i32 to vector<16xi32>
      %lt3A_701 = arith.cmpi slt, %add3A_694, %lt3A_700 : vector<16xi32>
      %and3A_702 = arith.andi %and3A_698, %lt3A_701 : vector<16xi1>
      %add3A_703 = arith.constant 2 : i32
      %add3A_704 = vector.broadcast %add3A_703 : i32 to vector<16xi32>
      %add3A_705 = arith.addi %sub3A_536, %add3A_704 : vector<16xi32>
      %ge3A_706 = arith.constant 0 : i32
      %ge3A_707 = vector.broadcast %ge3A_706 : i32 to vector<16xi32>
      %ge3A_708 = arith.cmpi sge, %add3A_705, %ge3A_707 : vector<16xi32>
      %and3A_709 = arith.andi %and3A_702, %ge3A_708 : vector<16xi1>
      %lt3A_710 = arith.constant 16384 : i32
      %lt3A_711 = vector.broadcast %lt3A_710 : i32 to vector<16xi32>
      %lt3A_712 = arith.cmpi slt, %add3A_705, %lt3A_711 : vector<16xi32>
      %and3A_713 = arith.andi %and3A_709, %lt3A_712 : vector<16xi1>
      %jit3A_714 = arith.constant 0 : i32
      %jit3A_715 = arith.constant 16383 : i32
      %max3A_716 = vector.broadcast %jit3A_714 : i32 to vector<16xi32>
      %max3A_717 = arith.maxsi %max3A_716, %add3A_705 : vector<16xi32>
      %min3A_718 = vector.broadcast %jit3A_715 : i32 to vector<16xi32>
      %min3A_719 = arith.minsi %min3A_718, %max3A_717 : vector<16xi32>
      %mul3A_720 = arith.constant 0.0233154297 : f32
      %mul3A_721 = vector.broadcast %mul3A_720 : f32 to vector<16xf32>
      %mul3A_722 = arith.mulf %get3A_53, %mul3A_721 : vector<16xf32>
      tpu.vector_store_idx %arg9[%min3A_719], %mul3A_722 masked %and3A_713 {add = true} : memref<16384xf32, #tpu.memory_space<vmem>>[vector<16xi32>], vector<16xf32>, vector<16xi1>
      %add3A_723 = arith.constant 3 : i32
      %add3A_724 = vector.broadcast %add3A_723 : i32 to vector<16xi32>
      %add3A_725 = arith.addi %and3A_61, %add3A_724 : vector<16xi32>
      %ge3A_726 = arith.constant 0 : i32
      %ge3A_727 = vector.broadcast %ge3A_726 : i32 to vector<16xi32>
      %ge3A_728 = arith.cmpi sge, %add3A_725, %ge3A_727 : vector<16xi32>
      %and3A_729 = arith.andi %and3A_531, %ge3A_728 : vector<16xi1>
      %lt3A_730 = arith.constant 512 : i32
      %lt3A_731 = vector.broadcast %lt3A_730 : i32 to vector<16xi32>
      %lt3A_732 = arith.cmpi slt, %add3A_725, %lt3A_731 : vector<16xi32>
      %and3A_733 = arith.andi %and3A_729, %lt3A_732 : vector<16xi1>
      %add3A_734 = arith.constant 3 : i32
      %add3A_735 = vector.broadcast %add3A_734 : i32 to vector<16xi32>
      %add3A_736 = arith.addi %sub3A_536, %add3A_735 : vector<16xi32>
      %ge3A_737 = arith.constant 0 : i32
      %ge3A_738 = vector.broadcast %ge3A_737 : i32 to vector<16xi32>
      %ge3A_739 = arith.cmpi sge, %add3A_736, %ge3A_738 : vector<16xi32>
      %and3A_740 = arith.andi %and3A_733, %ge3A_739 : vector<16xi1>
      %lt3A_741 = arith.constant 16384 : i32
      %lt3A_742 = vector.broadcast %lt3A_741 : i32 to vector<16xi32>
      %lt3A_743 = arith.cmpi slt, %add3A_736, %lt3A_742 : vector<16xi32>
      %and3A_744 = arith.andi %and3A_740, %lt3A_743 : vector<16xi1>
      %jit3A_745 = arith.constant 0 : i32
      %jit3A_746 = arith.constant 16383 : i32
      %max3A_747 = vector.broadcast %jit3A_745 : i32 to vector<16xi32>
      %max3A_748 = arith.maxsi %max3A_747, %add3A_736 : vector<16xi32>
      %min3A_749 = vector.broadcast %jit3A_746 : i32 to vector<16xi32>
      %min3A_750 = arith.minsi %min3A_749, %max3A_748 : vector<16xi32>
      %mul3A_751 = arith.constant 0.017578125 : f32
      %mul3A_752 = vector.broadcast %mul3A_751 : f32 to vector<16xf32>
      %mul3A_753 = arith.mulf %get3A_53, %mul3A_752 : vector<16xf32>
      tpu.vector_store_idx %arg9[%min3A_750], %mul3A_753 masked %and3A_744 {add = true} : memref<16384xf32, #tpu.memory_space<vmem>>[vector<16xi32>], vector<16xf32>, vector<16xi1>
      %add3A_754 = arith.constant 0 : i32
      %add3A_755 = vector.broadcast %add3A_754 : i32 to vector<16xi32>
      %add3A_756 = arith.addi %shift_right_arithmetic3A_58, %add3A_755 : vector<16xi32>
      %ge3A_757 = arith.constant 0 : i32
      %ge3A_758 = vector.broadcast %ge3A_757 : i32 to vector<16xi32>
      %ge3A_759 = arith.cmpi sge, %add3A_756, %ge3A_758 : vector<16xi32>
      %lt3A_760 = arith.constant 512 : i32
      %lt3A_761 = vector.broadcast %lt3A_760 : i32 to vector<16xi32>
      %lt3A_762 = arith.cmpi slt, %add3A_756, %lt3A_761 : vector<16xi32>
      %and3A_763 = arith.andi %ge3A_759, %lt3A_762 : vector<16xi1>
      %add3A_764 = arith.constant 0 : i32
      %add3A_765 = vector.broadcast %add3A_764 : i32 to vector<16xi32>
      %add3A_766 = arith.addi %get3A_49, %add3A_765 : vector<16xi32>
      %sub3A_767 = vector.broadcast %mul3A_2 : i32 to vector<16xi32>
      %sub3A_768 = arith.subi %add3A_766, %sub3A_767 : vector<16xi32>
      %add3A_769 = arith.constant -3 : i32
      %add3A_770 = vector.broadcast %add3A_769 : i32 to vector<16xi32>
      %add3A_771 = arith.addi %and3A_61, %add3A_770 : vector<16xi32>
      %ge3A_772 = arith.constant 0 : i32
      %ge3A_773 = vector.broadcast %ge3A_772 : i32 to vector<16xi32>
      %ge3A_774 = arith.cmpi sge, %add3A_771, %ge3A_773 : vector<16xi32>
      %and3A_775 = arith.andi %and3A_763, %ge3A_774 : vector<16xi1>
      %lt3A_776 = arith.constant 512 : i32
      %lt3A_777 = vector.broadcast %lt3A_776 : i32 to vector<16xi32>
      %lt3A_778 = arith.cmpi slt, %add3A_771, %lt3A_777 : vector<16xi32>
      %and3A_779 = arith.andi %and3A_775, %lt3A_778 : vector<16xi1>
      %add3A_780 = arith.constant -3 : i32
      %add3A_781 = vector.broadcast %add3A_780 : i32 to vector<16xi32>
      %add3A_782 = arith.addi %sub3A_768, %add3A_781 : vector<16xi32>
      %ge3A_783 = arith.constant 0 : i32
      %ge3A_784 = vector.broadcast %ge3A_783 : i32 to vector<16xi32>
      %ge3A_785 = arith.cmpi sge, %add3A_782, %ge3A_784 : vector<16xi32>
      %and3A_786 = arith.andi %and3A_779, %ge3A_785 : vector<16xi1>
      %lt3A_787 = arith.constant 16384 : i32
      %lt3A_788 = vector.broadcast %lt3A_787 : i32 to vector<16xi32>
      %lt3A_789 = arith.cmpi slt, %add3A_782, %lt3A_788 : vector<16xi32>
      %and3A_790 = arith.andi %and3A_786, %lt3A_789 : vector<16xi1>
      %jit3A_791 = arith.constant 0 : i32
      %jit3A_792 = arith.constant 16383 : i32
      %max3A_793 = vector.broadcast %jit3A_791 : i32 to vector<16xi32>
      %max3A_794 = arith.maxsi %max3A_793, %add3A_782 : vector<16xi32>
      %min3A_795 = vector.broadcast %jit3A_792 : i32 to vector<16xi32>
      %min3A_796 = arith.minsi %min3A_795, %max3A_794 : vector<16xi32>
      %mul3A_797 = arith.constant 0.0186767578 : f32
      %mul3A_798 = vector.broadcast %mul3A_797 : f32 to vector<16xf32>
      %mul3A_799 = arith.mulf %get3A_53, %mul3A_798 : vector<16xf32>
      tpu.vector_store_idx %arg9[%min3A_796], %mul3A_799 masked %and3A_790 {add = true} : memref<16384xf32, #tpu.memory_space<vmem>>[vector<16xi32>], vector<16xf32>, vector<16xi1>
      %add3A_800 = arith.constant -2 : i32
      %add3A_801 = vector.broadcast %add3A_800 : i32 to vector<16xi32>
      %add3A_802 = arith.addi %and3A_61, %add3A_801 : vector<16xi32>
      %ge3A_803 = arith.constant 0 : i32
      %ge3A_804 = vector.broadcast %ge3A_803 : i32 to vector<16xi32>
      %ge3A_805 = arith.cmpi sge, %add3A_802, %ge3A_804 : vector<16xi32>
      %and3A_806 = arith.andi %and3A_763, %ge3A_805 : vector<16xi1>
      %lt3A_807 = arith.constant 512 : i32
      %lt3A_808 = vector.broadcast %lt3A_807 : i32 to vector<16xi32>
      %lt3A_809 = arith.cmpi slt, %add3A_802, %lt3A_808 : vector<16xi32>
      %and3A_810 = arith.andi %and3A_806, %lt3A_809 : vector<16xi1>
      %add3A_811 = arith.constant -2 : i32
      %add3A_812 = vector.broadcast %add3A_811 : i32 to vector<16xi32>
      %add3A_813 = arith.addi %sub3A_768, %add3A_812 : vector<16xi32>
      %ge3A_814 = arith.constant 0 : i32
      %ge3A_815 = vector.broadcast %ge3A_814 : i32 to vector<16xi32>
      %ge3A_816 = arith.cmpi sge, %add3A_813, %ge3A_815 : vector<16xi32>
      %and3A_817 = arith.andi %and3A_810, %ge3A_816 : vector<16xi1>
      %lt3A_818 = arith.constant 16384 : i32
      %lt3A_819 = vector.broadcast %lt3A_818 : i32 to vector<16xi32>
      %lt3A_820 = arith.cmpi slt, %add3A_813, %lt3A_819 : vector<16xi32>
      %and3A_821 = arith.andi %and3A_817, %lt3A_820 : vector<16xi1>
      %jit3A_822 = arith.constant 0 : i32
      %jit3A_823 = arith.constant 16383 : i32
      %max3A_824 = vector.broadcast %jit3A_822 : i32 to vector<16xi32>
      %max3A_825 = arith.maxsi %max3A_824, %add3A_813 : vector<16xi32>
      %min3A_826 = vector.broadcast %jit3A_823 : i32 to vector<16xi32>
      %min3A_827 = arith.minsi %min3A_826, %max3A_825 : vector<16xi32>
      %mul3A_828 = arith.constant 0.0245361328 : f32
      %mul3A_829 = vector.broadcast %mul3A_828 : f32 to vector<16xf32>
      %mul3A_830 = arith.mulf %get3A_53, %mul3A_829 : vector<16xf32>
      tpu.vector_store_idx %arg9[%min3A_827], %mul3A_830 masked %and3A_821 {add = true} : memref<16384xf32, #tpu.memory_space<vmem>>[vector<16xi32>], vector<16xf32>, vector<16xi1>
      %add3A_831 = arith.constant -1 : i32
      %add3A_832 = vector.broadcast %add3A_831 : i32 to vector<16xi32>
      %add3A_833 = arith.addi %and3A_61, %add3A_832 : vector<16xi32>
      %ge3A_834 = arith.constant 0 : i32
      %ge3A_835 = vector.broadcast %ge3A_834 : i32 to vector<16xi32>
      %ge3A_836 = arith.cmpi sge, %add3A_833, %ge3A_835 : vector<16xi32>
      %and3A_837 = arith.andi %and3A_763, %ge3A_836 : vector<16xi1>
      %lt3A_838 = arith.constant 512 : i32
      %lt3A_839 = vector.broadcast %lt3A_838 : i32 to vector<16xi32>
      %lt3A_840 = arith.cmpi slt, %add3A_833, %lt3A_839 : vector<16xi32>
      %and3A_841 = arith.andi %and3A_837, %lt3A_840 : vector<16xi1>
      %add3A_842 = arith.constant -1 : i32
      %add3A_843 = vector.broadcast %add3A_842 : i32 to vector<16xi32>
      %add3A_844 = arith.addi %sub3A_768, %add3A_843 : vector<16xi32>
      %ge3A_845 = arith.constant 0 : i32
      %ge3A_846 = vector.broadcast %ge3A_845 : i32 to vector<16xi32>
      %ge3A_847 = arith.cmpi sge, %add3A_844, %ge3A_846 : vector<16xi32>
      %and3A_848 = arith.andi %and3A_841, %ge3A_847 : vector<16xi1>
      %lt3A_849 = arith.constant 16384 : i32
      %lt3A_850 = vector.broadcast %lt3A_849 : i32 to vector<16xi32>
      %lt3A_851 = arith.cmpi slt, %add3A_844, %lt3A_850 : vector<16xi32>
      %and3A_852 = arith.andi %and3A_848, %lt3A_851 : vector<16xi1>
      %jit3A_853 = arith.constant 0 : i32
      %jit3A_854 = arith.constant 16383 : i32
      %max3A_855 = vector.broadcast %jit3A_853 : i32 to vector<16xi32>
      %max3A_856 = arith.maxsi %max3A_855, %add3A_844 : vector<16xi32>
      %min3A_857 = vector.broadcast %jit3A_854 : i32 to vector<16xi32>
      %min3A_858 = arith.minsi %min3A_857, %max3A_856 : vector<16xi32>
      %mul3A_859 = arith.constant 0.0290527344 : f32
      %mul3A_860 = vector.broadcast %mul3A_859 : f32 to vector<16xf32>
      %mul3A_861 = arith.mulf %get3A_53, %mul3A_860 : vector<16xf32>
      tpu.vector_store_idx %arg9[%min3A_858], %mul3A_861 masked %and3A_852 {add = true} : memref<16384xf32, #tpu.memory_space<vmem>>[vector<16xi32>], vector<16xf32>, vector<16xi1>
      %add3A_862 = arith.constant 0 : i32
      %add3A_863 = vector.broadcast %add3A_862 : i32 to vector<16xi32>
      %add3A_864 = arith.addi %and3A_61, %add3A_863 : vector<16xi32>
      %ge3A_865 = arith.constant 0 : i32
      %ge3A_866 = vector.broadcast %ge3A_865 : i32 to vector<16xi32>
      %ge3A_867 = arith.cmpi sge, %add3A_864, %ge3A_866 : vector<16xi32>
      %and3A_868 = arith.andi %and3A_763, %ge3A_867 : vector<16xi1>
      %lt3A_869 = arith.constant 512 : i32
      %lt3A_870 = vector.broadcast %lt3A_869 : i32 to vector<16xi32>
      %lt3A_871 = arith.cmpi slt, %add3A_864, %lt3A_870 : vector<16xi32>
      %and3A_872 = arith.andi %and3A_868, %lt3A_871 : vector<16xi1>
      %add3A_873 = arith.constant 0 : i32
      %add3A_874 = vector.broadcast %add3A_873 : i32 to vector<16xi32>
      %add3A_875 = arith.addi %sub3A_768, %add3A_874 : vector<16xi32>
      %ge3A_876 = arith.constant 0 : i32
      %ge3A_877 = vector.broadcast %ge3A_876 : i32 to vector<16xi32>
      %ge3A_878 = arith.cmpi sge, %add3A_875, %ge3A_877 : vector<16xi32>
      %and3A_879 = arith.andi %and3A_872, %ge3A_878 : vector<16xi1>
      %lt3A_880 = arith.constant 16384 : i32
      %lt3A_881 = vector.broadcast %lt3A_880 : i32 to vector<16xi32>
      %lt3A_882 = arith.cmpi slt, %add3A_875, %lt3A_881 : vector<16xi32>
      %and3A_883 = arith.andi %and3A_879, %lt3A_882 : vector<16xi1>
      %jit3A_884 = arith.constant 0 : i32
      %jit3A_885 = arith.constant 16383 : i32
      %max3A_886 = vector.broadcast %jit3A_884 : i32 to vector<16xi32>
      %max3A_887 = arith.maxsi %max3A_886, %add3A_875 : vector<16xi32>
      %min3A_888 = vector.broadcast %jit3A_885 : i32 to vector<16xi32>
      %min3A_889 = arith.minsi %min3A_888, %max3A_887 : vector<16xi32>
      %mul3A_890 = arith.constant 0.0307617188 : f32
      %mul3A_891 = vector.broadcast %mul3A_890 : f32 to vector<16xf32>
      %mul3A_892 = arith.mulf %get3A_53, %mul3A_891 : vector<16xf32>
      tpu.vector_store_idx %arg9[%min3A_889], %mul3A_892 masked %and3A_883 {add = true} : memref<16384xf32, #tpu.memory_space<vmem>>[vector<16xi32>], vector<16xf32>, vector<16xi1>
      %add3A_893 = arith.constant 1 : i32
      %add3A_894 = vector.broadcast %add3A_893 : i32 to vector<16xi32>
      %add3A_895 = arith.addi %and3A_61, %add3A_894 : vector<16xi32>
      %ge3A_896 = arith.constant 0 : i32
      %ge3A_897 = vector.broadcast %ge3A_896 : i32 to vector<16xi32>
      %ge3A_898 = arith.cmpi sge, %add3A_895, %ge3A_897 : vector<16xi32>
      %and3A_899 = arith.andi %and3A_763, %ge3A_898 : vector<16xi1>
      %lt3A_900 = arith.constant 512 : i32
      %lt3A_901 = vector.broadcast %lt3A_900 : i32 to vector<16xi32>
      %lt3A_902 = arith.cmpi slt, %add3A_895, %lt3A_901 : vector<16xi32>
      %and3A_903 = arith.andi %and3A_899, %lt3A_902 : vector<16xi1>
      %add3A_904 = arith.constant 1 : i32
      %add3A_905 = vector.broadcast %add3A_904 : i32 to vector<16xi32>
      %add3A_906 = arith.addi %sub3A_768, %add3A_905 : vector<16xi32>
      %ge3A_907 = arith.constant 0 : i32
      %ge3A_908 = vector.broadcast %ge3A_907 : i32 to vector<16xi32>
      %ge3A_909 = arith.cmpi sge, %add3A_906, %ge3A_908 : vector<16xi32>
      %and3A_910 = arith.andi %and3A_903, %ge3A_909 : vector<16xi1>
      %lt3A_911 = arith.constant 16384 : i32
      %lt3A_912 = vector.broadcast %lt3A_911 : i32 to vector<16xi32>
      %lt3A_913 = arith.cmpi slt, %add3A_906, %lt3A_912 : vector<16xi32>
      %and3A_914 = arith.andi %and3A_910, %lt3A_913 : vector<16xi1>
      %jit3A_915 = arith.constant 0 : i32
      %jit3A_916 = arith.constant 16383 : i32
      %max3A_917 = vector.broadcast %jit3A_915 : i32 to vector<16xi32>
      %max3A_918 = arith.maxsi %max3A_917, %add3A_906 : vector<16xi32>
      %min3A_919 = vector.broadcast %jit3A_916 : i32 to vector<16xi32>
      %min3A_920 = arith.minsi %min3A_919, %max3A_918 : vector<16xi32>
      %mul3A_921 = arith.constant 0.0290527344 : f32
      %mul3A_922 = vector.broadcast %mul3A_921 : f32 to vector<16xf32>
      %mul3A_923 = arith.mulf %get3A_53, %mul3A_922 : vector<16xf32>
      tpu.vector_store_idx %arg9[%min3A_920], %mul3A_923 masked %and3A_914 {add = true} : memref<16384xf32, #tpu.memory_space<vmem>>[vector<16xi32>], vector<16xf32>, vector<16xi1>
      %add3A_924 = arith.constant 2 : i32
      %add3A_925 = vector.broadcast %add3A_924 : i32 to vector<16xi32>
      %add3A_926 = arith.addi %and3A_61, %add3A_925 : vector<16xi32>
      %ge3A_927 = arith.constant 0 : i32
      %ge3A_928 = vector.broadcast %ge3A_927 : i32 to vector<16xi32>
      %ge3A_929 = arith.cmpi sge, %add3A_926, %ge3A_928 : vector<16xi32>
      %and3A_930 = arith.andi %and3A_763, %ge3A_929 : vector<16xi1>
      %lt3A_931 = arith.constant 512 : i32
      %lt3A_932 = vector.broadcast %lt3A_931 : i32 to vector<16xi32>
      %lt3A_933 = arith.cmpi slt, %add3A_926, %lt3A_932 : vector<16xi32>
      %and3A_934 = arith.andi %and3A_930, %lt3A_933 : vector<16xi1>
      %add3A_935 = arith.constant 2 : i32
      %add3A_936 = vector.broadcast %add3A_935 : i32 to vector<16xi32>
      %add3A_937 = arith.addi %sub3A_768, %add3A_936 : vector<16xi32>
      %ge3A_938 = arith.constant 0 : i32
      %ge3A_939 = vector.broadcast %ge3A_938 : i32 to vector<16xi32>
      %ge3A_940 = arith.cmpi sge, %add3A_937, %ge3A_939 : vector<16xi32>
      %and3A_941 = arith.andi %and3A_934, %ge3A_940 : vector<16xi1>
      %lt3A_942 = arith.constant 16384 : i32
      %lt3A_943 = vector.broadcast %lt3A_942 : i32 to vector<16xi32>
      %lt3A_944 = arith.cmpi slt, %add3A_937, %lt3A_943 : vector<16xi32>
      %and3A_945 = arith.andi %and3A_941, %lt3A_944 : vector<16xi1>
      %jit3A_946 = arith.constant 0 : i32
      %jit3A_947 = arith.constant 16383 : i32
      %max3A_948 = vector.broadcast %jit3A_946 : i32 to vector<16xi32>
      %max3A_949 = arith.maxsi %max3A_948, %add3A_937 : vector<16xi32>
      %min3A_950 = vector.broadcast %jit3A_947 : i32 to vector<16xi32>
      %min3A_951 = arith.minsi %min3A_950, %max3A_949 : vector<16xi32>
      %mul3A_952 = arith.constant 0.0245361328 : f32
      %mul3A_953 = vector.broadcast %mul3A_952 : f32 to vector<16xf32>
      %mul3A_954 = arith.mulf %get3A_53, %mul3A_953 : vector<16xf32>
      tpu.vector_store_idx %arg9[%min3A_951], %mul3A_954 masked %and3A_945 {add = true} : memref<16384xf32, #tpu.memory_space<vmem>>[vector<16xi32>], vector<16xf32>, vector<16xi1>
      %add3A_955 = arith.constant 3 : i32
      %add3A_956 = vector.broadcast %add3A_955 : i32 to vector<16xi32>
      %add3A_957 = arith.addi %and3A_61, %add3A_956 : vector<16xi32>
      %ge3A_958 = arith.constant 0 : i32
      %ge3A_959 = vector.broadcast %ge3A_958 : i32 to vector<16xi32>
      %ge3A_960 = arith.cmpi sge, %add3A_957, %ge3A_959 : vector<16xi32>
      %and3A_961 = arith.andi %and3A_763, %ge3A_960 : vector<16xi1>
      %lt3A_962 = arith.constant 512 : i32
      %lt3A_963 = vector.broadcast %lt3A_962 : i32 to vector<16xi32>
      %lt3A_964 = arith.cmpi slt, %add3A_957, %lt3A_963 : vector<16xi32>
      %and3A_965 = arith.andi %and3A_961, %lt3A_964 : vector<16xi1>
      %add3A_966 = arith.constant 3 : i32
      %add3A_967 = vector.broadcast %add3A_966 : i32 to vector<16xi32>
      %add3A_968 = arith.addi %sub3A_768, %add3A_967 : vector<16xi32>
      %ge3A_969 = arith.constant 0 : i32
      %ge3A_970 = vector.broadcast %ge3A_969 : i32 to vector<16xi32>
      %ge3A_971 = arith.cmpi sge, %add3A_968, %ge3A_970 : vector<16xi32>
      %and3A_972 = arith.andi %and3A_965, %ge3A_971 : vector<16xi1>
      %lt3A_973 = arith.constant 16384 : i32
      %lt3A_974 = vector.broadcast %lt3A_973 : i32 to vector<16xi32>
      %lt3A_975 = arith.cmpi slt, %add3A_968, %lt3A_974 : vector<16xi32>
      %and3A_976 = arith.andi %and3A_972, %lt3A_975 : vector<16xi1>
      %jit3A_977 = arith.constant 0 : i32
      %jit3A_978 = arith.constant 16383 : i32
      %max3A_979 = vector.broadcast %jit3A_977 : i32 to vector<16xi32>
      %max3A_980 = arith.maxsi %max3A_979, %add3A_968 : vector<16xi32>
      %min3A_981 = vector.broadcast %jit3A_978 : i32 to vector<16xi32>
      %min3A_982 = arith.minsi %min3A_981, %max3A_980 : vector<16xi32>
      %mul3A_983 = arith.constant 0.0186767578 : f32
      %mul3A_984 = vector.broadcast %mul3A_983 : f32 to vector<16xf32>
      %mul3A_985 = arith.mulf %get3A_53, %mul3A_984 : vector<16xf32>
      tpu.vector_store_idx %arg9[%min3A_982], %mul3A_985 masked %and3A_976 {add = true} : memref<16384xf32, #tpu.memory_space<vmem>>[vector<16xi32>], vector<16xf32>, vector<16xi1>
      %add3A_986 = arith.constant 1 : i32
      %add3A_987 = vector.broadcast %add3A_986 : i32 to vector<16xi32>
      %add3A_988 = arith.addi %shift_right_arithmetic3A_58, %add3A_987 : vector<16xi32>
      %ge3A_989 = arith.constant 0 : i32
      %ge3A_990 = vector.broadcast %ge3A_989 : i32 to vector<16xi32>
      %ge3A_991 = arith.cmpi sge, %add3A_988, %ge3A_990 : vector<16xi32>
      %lt3A_992 = arith.constant 512 : i32
      %lt3A_993 = vector.broadcast %lt3A_992 : i32 to vector<16xi32>
      %lt3A_994 = arith.cmpi slt, %add3A_988, %lt3A_993 : vector<16xi32>
      %and3A_995 = arith.andi %ge3A_991, %lt3A_994 : vector<16xi1>
      %add3A_996 = arith.constant 512 : i32
      %add3A_997 = vector.broadcast %add3A_996 : i32 to vector<16xi32>
      %add3A_998 = arith.addi %get3A_49, %add3A_997 : vector<16xi32>
      %sub3A_999 = vector.broadcast %mul3A_2 : i32 to vector<16xi32>
      %sub3A_1000 = arith.subi %add3A_998, %sub3A_999 : vector<16xi32>
      %add3A_1001 = arith.constant -3 : i32
      %add3A_1002 = vector.broadcast %add3A_1001 : i32 to vector<16xi32>
      %add3A_1003 = arith.addi %and3A_61, %add3A_1002 : vector<16xi32>
      %ge3A_1004 = arith.constant 0 : i32
      %ge3A_1005 = vector.broadcast %ge3A_1004 : i32 to vector<16xi32>
      %ge3A_1006 = arith.cmpi sge, %add3A_1003, %ge3A_1005 : vector<16xi32>
      %and3A_1007 = arith.andi %and3A_995, %ge3A_1006 : vector<16xi1>
      %lt3A_1008 = arith.constant 512 : i32
      %lt3A_1009 = vector.broadcast %lt3A_1008 : i32 to vector<16xi32>
      %lt3A_1010 = arith.cmpi slt, %add3A_1003, %lt3A_1009 : vector<16xi32>
      %and3A_1011 = arith.andi %and3A_1007, %lt3A_1010 : vector<16xi1>
      %add3A_1012 = arith.constant -3 : i32
      %add3A_1013 = vector.broadcast %add3A_1012 : i32 to vector<16xi32>
      %add3A_1014 = arith.addi %sub3A_1000, %add3A_1013 : vector<16xi32>
      %ge3A_1015 = arith.constant 0 : i32
      %ge3A_1016 = vector.broadcast %ge3A_1015 : i32 to vector<16xi32>
      %ge3A_1017 = arith.cmpi sge, %add3A_1014, %ge3A_1016 : vector<16xi32>
      %and3A_1018 = arith.andi %and3A_1011, %ge3A_1017 : vector<16xi1>
      %lt3A_1019 = arith.constant 16384 : i32
      %lt3A_1020 = vector.broadcast %lt3A_1019 : i32 to vector<16xi32>
      %lt3A_1021 = arith.cmpi slt, %add3A_1014, %lt3A_1020 : vector<16xi32>
      %and3A_1022 = arith.andi %and3A_1018, %lt3A_1021 : vector<16xi1>
      %jit3A_1023 = arith.constant 0 : i32
      %jit3A_1024 = arith.constant 16383 : i32
      %max3A_1025 = vector.broadcast %jit3A_1023 : i32 to vector<16xi32>
      %max3A_1026 = arith.maxsi %max3A_1025, %add3A_1014 : vector<16xi32>
      %min3A_1027 = vector.broadcast %jit3A_1024 : i32 to vector<16xi32>
      %min3A_1028 = arith.minsi %min3A_1027, %max3A_1026 : vector<16xi32>
      %mul3A_1029 = arith.constant 0.017578125 : f32
      %mul3A_1030 = vector.broadcast %mul3A_1029 : f32 to vector<16xf32>
      %mul3A_1031 = arith.mulf %get3A_53, %mul3A_1030 : vector<16xf32>
      tpu.vector_store_idx %arg9[%min3A_1028], %mul3A_1031 masked %and3A_1022 {add = true} : memref<16384xf32, #tpu.memory_space<vmem>>[vector<16xi32>], vector<16xf32>, vector<16xi1>
      %add3A_1032 = arith.constant -2 : i32
      %add3A_1033 = vector.broadcast %add3A_1032 : i32 to vector<16xi32>
      %add3A_1034 = arith.addi %and3A_61, %add3A_1033 : vector<16xi32>
      %ge3A_1035 = arith.constant 0 : i32
      %ge3A_1036 = vector.broadcast %ge3A_1035 : i32 to vector<16xi32>
      %ge3A_1037 = arith.cmpi sge, %add3A_1034, %ge3A_1036 : vector<16xi32>
      %and3A_1038 = arith.andi %and3A_995, %ge3A_1037 : vector<16xi1>
      %lt3A_1039 = arith.constant 512 : i32
      %lt3A_1040 = vector.broadcast %lt3A_1039 : i32 to vector<16xi32>
      %lt3A_1041 = arith.cmpi slt, %add3A_1034, %lt3A_1040 : vector<16xi32>
      %and3A_1042 = arith.andi %and3A_1038, %lt3A_1041 : vector<16xi1>
      %add3A_1043 = arith.constant -2 : i32
      %add3A_1044 = vector.broadcast %add3A_1043 : i32 to vector<16xi32>
      %add3A_1045 = arith.addi %sub3A_1000, %add3A_1044 : vector<16xi32>
      %ge3A_1046 = arith.constant 0 : i32
      %ge3A_1047 = vector.broadcast %ge3A_1046 : i32 to vector<16xi32>
      %ge3A_1048 = arith.cmpi sge, %add3A_1045, %ge3A_1047 : vector<16xi32>
      %and3A_1049 = arith.andi %and3A_1042, %ge3A_1048 : vector<16xi1>
      %lt3A_1050 = arith.constant 16384 : i32
      %lt3A_1051 = vector.broadcast %lt3A_1050 : i32 to vector<16xi32>
      %lt3A_1052 = arith.cmpi slt, %add3A_1045, %lt3A_1051 : vector<16xi32>
      %and3A_1053 = arith.andi %and3A_1049, %lt3A_1052 : vector<16xi1>
      %jit3A_1054 = arith.constant 0 : i32
      %jit3A_1055 = arith.constant 16383 : i32
      %max3A_1056 = vector.broadcast %jit3A_1054 : i32 to vector<16xi32>
      %max3A_1057 = arith.maxsi %max3A_1056, %add3A_1045 : vector<16xi32>
      %min3A_1058 = vector.broadcast %jit3A_1055 : i32 to vector<16xi32>
      %min3A_1059 = arith.minsi %min3A_1058, %max3A_1057 : vector<16xi32>
      %mul3A_1060 = arith.constant 0.0233154297 : f32
      %mul3A_1061 = vector.broadcast %mul3A_1060 : f32 to vector<16xf32>
      %mul3A_1062 = arith.mulf %get3A_53, %mul3A_1061 : vector<16xf32>
      tpu.vector_store_idx %arg9[%min3A_1059], %mul3A_1062 masked %and3A_1053 {add = true} : memref<16384xf32, #tpu.memory_space<vmem>>[vector<16xi32>], vector<16xf32>, vector<16xi1>
      %add3A_1063 = arith.constant -1 : i32
      %add3A_1064 = vector.broadcast %add3A_1063 : i32 to vector<16xi32>
      %add3A_1065 = arith.addi %and3A_61, %add3A_1064 : vector<16xi32>
      %ge3A_1066 = arith.constant 0 : i32
      %ge3A_1067 = vector.broadcast %ge3A_1066 : i32 to vector<16xi32>
      %ge3A_1068 = arith.cmpi sge, %add3A_1065, %ge3A_1067 : vector<16xi32>
      %and3A_1069 = arith.andi %and3A_995, %ge3A_1068 : vector<16xi1>
      %lt3A_1070 = arith.constant 512 : i32
      %lt3A_1071 = vector.broadcast %lt3A_1070 : i32 to vector<16xi32>
      %lt3A_1072 = arith.cmpi slt, %add3A_1065, %lt3A_1071 : vector<16xi32>
      %and3A_1073 = arith.andi %and3A_1069, %lt3A_1072 : vector<16xi1>
      %add3A_1074 = arith.constant -1 : i32
      %add3A_1075 = vector.broadcast %add3A_1074 : i32 to vector<16xi32>
      %add3A_1076 = arith.addi %sub3A_1000, %add3A_1075 : vector<16xi32>
      %ge3A_1077 = arith.constant 0 : i32
      %ge3A_1078 = vector.broadcast %ge3A_1077 : i32 to vector<16xi32>
      %ge3A_1079 = arith.cmpi sge, %add3A_1076, %ge3A_1078 : vector<16xi32>
      %and3A_1080 = arith.andi %and3A_1073, %ge3A_1079 : vector<16xi1>
      %lt3A_1081 = arith.constant 16384 : i32
      %lt3A_1082 = vector.broadcast %lt3A_1081 : i32 to vector<16xi32>
      %lt3A_1083 = arith.cmpi slt, %add3A_1076, %lt3A_1082 : vector<16xi32>
      %and3A_1084 = arith.andi %and3A_1080, %lt3A_1083 : vector<16xi1>
      %jit3A_1085 = arith.constant 0 : i32
      %jit3A_1086 = arith.constant 16383 : i32
      %max3A_1087 = vector.broadcast %jit3A_1085 : i32 to vector<16xi32>
      %max3A_1088 = arith.maxsi %max3A_1087, %add3A_1076 : vector<16xi32>
      %min3A_1089 = vector.broadcast %jit3A_1086 : i32 to vector<16xi32>
      %min3A_1090 = arith.minsi %min3A_1089, %max3A_1088 : vector<16xi32>
      %mul3A_1091 = arith.constant 0.0274658203 : f32
      %mul3A_1092 = vector.broadcast %mul3A_1091 : f32 to vector<16xf32>
      %mul3A_1093 = arith.mulf %get3A_53, %mul3A_1092 : vector<16xf32>
      tpu.vector_store_idx %arg9[%min3A_1090], %mul3A_1093 masked %and3A_1084 {add = true} : memref<16384xf32, #tpu.memory_space<vmem>>[vector<16xi32>], vector<16xf32>, vector<16xi1>
      %add3A_1094 = arith.constant 0 : i32
      %add3A_1095 = vector.broadcast %add3A_1094 : i32 to vector<16xi32>
      %add3A_1096 = arith.addi %and3A_61, %add3A_1095 : vector<16xi32>
      %ge3A_1097 = arith.constant 0 : i32
      %ge3A_1098 = vector.broadcast %ge3A_1097 : i32 to vector<16xi32>
      %ge3A_1099 = arith.cmpi sge, %add3A_1096, %ge3A_1098 : vector<16xi32>
      %and3A_1100 = arith.andi %and3A_995, %ge3A_1099 : vector<16xi1>
      %lt3A_1101 = arith.constant 512 : i32
      %lt3A_1102 = vector.broadcast %lt3A_1101 : i32 to vector<16xi32>
      %lt3A_1103 = arith.cmpi slt, %add3A_1096, %lt3A_1102 : vector<16xi32>
      %and3A_1104 = arith.andi %and3A_1100, %lt3A_1103 : vector<16xi1>
      %add3A_1105 = arith.constant 0 : i32
      %add3A_1106 = vector.broadcast %add3A_1105 : i32 to vector<16xi32>
      %add3A_1107 = arith.addi %sub3A_1000, %add3A_1106 : vector<16xi32>
      %ge3A_1108 = arith.constant 0 : i32
      %ge3A_1109 = vector.broadcast %ge3A_1108 : i32 to vector<16xi32>
      %ge3A_1110 = arith.cmpi sge, %add3A_1107, %ge3A_1109 : vector<16xi32>
      %and3A_1111 = arith.andi %and3A_1104, %ge3A_1110 : vector<16xi1>
      %lt3A_1112 = arith.constant 16384 : i32
      %lt3A_1113 = vector.broadcast %lt3A_1112 : i32 to vector<16xi32>
      %lt3A_1114 = arith.cmpi slt, %add3A_1107, %lt3A_1113 : vector<16xi32>
      %and3A_1115 = arith.andi %and3A_1111, %lt3A_1114 : vector<16xi1>
      %jit3A_1116 = arith.constant 0 : i32
      %jit3A_1117 = arith.constant 16383 : i32
      %max3A_1118 = vector.broadcast %jit3A_1116 : i32 to vector<16xi32>
      %max3A_1119 = arith.maxsi %max3A_1118, %add3A_1107 : vector<16xi32>
      %min3A_1120 = vector.broadcast %jit3A_1117 : i32 to vector<16xi32>
      %min3A_1121 = arith.minsi %min3A_1120, %max3A_1119 : vector<16xi32>
      %mul3A_1122 = arith.constant 0.0290527344 : f32
      %mul3A_1123 = vector.broadcast %mul3A_1122 : f32 to vector<16xf32>
      %mul3A_1124 = arith.mulf %get3A_53, %mul3A_1123 : vector<16xf32>
      tpu.vector_store_idx %arg9[%min3A_1121], %mul3A_1124 masked %and3A_1115 {add = true} : memref<16384xf32, #tpu.memory_space<vmem>>[vector<16xi32>], vector<16xf32>, vector<16xi1>
      %add3A_1125 = arith.constant 1 : i32
      %add3A_1126 = vector.broadcast %add3A_1125 : i32 to vector<16xi32>
      %add3A_1127 = arith.addi %and3A_61, %add3A_1126 : vector<16xi32>
      %ge3A_1128 = arith.constant 0 : i32
      %ge3A_1129 = vector.broadcast %ge3A_1128 : i32 to vector<16xi32>
      %ge3A_1130 = arith.cmpi sge, %add3A_1127, %ge3A_1129 : vector<16xi32>
      %and3A_1131 = arith.andi %and3A_995, %ge3A_1130 : vector<16xi1>
      %lt3A_1132 = arith.constant 512 : i32
      %lt3A_1133 = vector.broadcast %lt3A_1132 : i32 to vector<16xi32>
      %lt3A_1134 = arith.cmpi slt, %add3A_1127, %lt3A_1133 : vector<16xi32>
      %and3A_1135 = arith.andi %and3A_1131, %lt3A_1134 : vector<16xi1>
      %add3A_1136 = arith.constant 1 : i32
      %add3A_1137 = vector.broadcast %add3A_1136 : i32 to vector<16xi32>
      %add3A_1138 = arith.addi %sub3A_1000, %add3A_1137 : vector<16xi32>
      %ge3A_1139 = arith.constant 0 : i32
      %ge3A_1140 = vector.broadcast %ge3A_1139 : i32 to vector<16xi32>
      %ge3A_1141 = arith.cmpi sge, %add3A_1138, %ge3A_1140 : vector<16xi32>
      %and3A_1142 = arith.andi %and3A_1135, %ge3A_1141 : vector<16xi1>
      %lt3A_1143 = arith.constant 16384 : i32
      %lt3A_1144 = vector.broadcast %lt3A_1143 : i32 to vector<16xi32>
      %lt3A_1145 = arith.cmpi slt, %add3A_1138, %lt3A_1144 : vector<16xi32>
      %and3A_1146 = arith.andi %and3A_1142, %lt3A_1145 : vector<16xi1>
      %jit3A_1147 = arith.constant 0 : i32
      %jit3A_1148 = arith.constant 16383 : i32
      %max3A_1149 = vector.broadcast %jit3A_1147 : i32 to vector<16xi32>
      %max3A_1150 = arith.maxsi %max3A_1149, %add3A_1138 : vector<16xi32>
      %min3A_1151 = vector.broadcast %jit3A_1148 : i32 to vector<16xi32>
      %min3A_1152 = arith.minsi %min3A_1151, %max3A_1150 : vector<16xi32>
      %mul3A_1153 = arith.constant 0.0274658203 : f32
      %mul3A_1154 = vector.broadcast %mul3A_1153 : f32 to vector<16xf32>
      %mul3A_1155 = arith.mulf %get3A_53, %mul3A_1154 : vector<16xf32>
      tpu.vector_store_idx %arg9[%min3A_1152], %mul3A_1155 masked %and3A_1146 {add = true} : memref<16384xf32, #tpu.memory_space<vmem>>[vector<16xi32>], vector<16xf32>, vector<16xi1>
      %add3A_1156 = arith.constant 2 : i32
      %add3A_1157 = vector.broadcast %add3A_1156 : i32 to vector<16xi32>
      %add3A_1158 = arith.addi %and3A_61, %add3A_1157 : vector<16xi32>
      %ge3A_1159 = arith.constant 0 : i32
      %ge3A_1160 = vector.broadcast %ge3A_1159 : i32 to vector<16xi32>
      %ge3A_1161 = arith.cmpi sge, %add3A_1158, %ge3A_1160 : vector<16xi32>
      %and3A_1162 = arith.andi %and3A_995, %ge3A_1161 : vector<16xi1>
      %lt3A_1163 = arith.constant 512 : i32
      %lt3A_1164 = vector.broadcast %lt3A_1163 : i32 to vector<16xi32>
      %lt3A_1165 = arith.cmpi slt, %add3A_1158, %lt3A_1164 : vector<16xi32>
      %and3A_1166 = arith.andi %and3A_1162, %lt3A_1165 : vector<16xi1>
      %add3A_1167 = arith.constant 2 : i32
      %add3A_1168 = vector.broadcast %add3A_1167 : i32 to vector<16xi32>
      %add3A_1169 = arith.addi %sub3A_1000, %add3A_1168 : vector<16xi32>
      %ge3A_1170 = arith.constant 0 : i32
      %ge3A_1171 = vector.broadcast %ge3A_1170 : i32 to vector<16xi32>
      %ge3A_1172 = arith.cmpi sge, %add3A_1169, %ge3A_1171 : vector<16xi32>
      %and3A_1173 = arith.andi %and3A_1166, %ge3A_1172 : vector<16xi1>
      %lt3A_1174 = arith.constant 16384 : i32
      %lt3A_1175 = vector.broadcast %lt3A_1174 : i32 to vector<16xi32>
      %lt3A_1176 = arith.cmpi slt, %add3A_1169, %lt3A_1175 : vector<16xi32>
      %and3A_1177 = arith.andi %and3A_1173, %lt3A_1176 : vector<16xi1>
      %jit3A_1178 = arith.constant 0 : i32
      %jit3A_1179 = arith.constant 16383 : i32
      %max3A_1180 = vector.broadcast %jit3A_1178 : i32 to vector<16xi32>
      %max3A_1181 = arith.maxsi %max3A_1180, %add3A_1169 : vector<16xi32>
      %min3A_1182 = vector.broadcast %jit3A_1179 : i32 to vector<16xi32>
      %min3A_1183 = arith.minsi %min3A_1182, %max3A_1181 : vector<16xi32>
      %mul3A_1184 = arith.constant 0.0233154297 : f32
      %mul3A_1185 = vector.broadcast %mul3A_1184 : f32 to vector<16xf32>
      %mul3A_1186 = arith.mulf %get3A_53, %mul3A_1185 : vector<16xf32>
      tpu.vector_store_idx %arg9[%min3A_1183], %mul3A_1186 masked %and3A_1177 {add = true} : memref<16384xf32, #tpu.memory_space<vmem>>[vector<16xi32>], vector<16xf32>, vector<16xi1>
      %add3A_1187 = arith.constant 3 : i32
      %add3A_1188 = vector.broadcast %add3A_1187 : i32 to vector<16xi32>
      %add3A_1189 = arith.addi %and3A_61, %add3A_1188 : vector<16xi32>
      %ge3A_1190 = arith.constant 0 : i32
      %ge3A_1191 = vector.broadcast %ge3A_1190 : i32 to vector<16xi32>
      %ge3A_1192 = arith.cmpi sge, %add3A_1189, %ge3A_1191 : vector<16xi32>
      %and3A_1193 = arith.andi %and3A_995, %ge3A_1192 : vector<16xi1>
      %lt3A_1194 = arith.constant 512 : i32
      %lt3A_1195 = vector.broadcast %lt3A_1194 : i32 to vector<16xi32>
      %lt3A_1196 = arith.cmpi slt, %add3A_1189, %lt3A_1195 : vector<16xi32>
      %and3A_1197 = arith.andi %and3A_1193, %lt3A_1196 : vector<16xi1>
      %add3A_1198 = arith.constant 3 : i32
      %add3A_1199 = vector.broadcast %add3A_1198 : i32 to vector<16xi32>
      %add3A_1200 = arith.addi %sub3A_1000, %add3A_1199 : vector<16xi32>
      %ge3A_1201 = arith.constant 0 : i32
      %ge3A_1202 = vector.broadcast %ge3A_1201 : i32 to vector<16xi32>
      %ge3A_1203 = arith.cmpi sge, %add3A_1200, %ge3A_1202 : vector<16xi32>
      %and3A_1204 = arith.andi %and3A_1197, %ge3A_1203 : vector<16xi1>
      %lt3A_1205 = arith.constant 16384 : i32
      %lt3A_1206 = vector.broadcast %lt3A_1205 : i32 to vector<16xi32>
      %lt3A_1207 = arith.cmpi slt, %add3A_1200, %lt3A_1206 : vector<16xi32>
      %and3A_1208 = arith.andi %and3A_1204, %lt3A_1207 : vector<16xi1>
      %jit3A_1209 = arith.constant 0 : i32
      %jit3A_1210 = arith.constant 16383 : i32
      %max3A_1211 = vector.broadcast %jit3A_1209 : i32 to vector<16xi32>
      %max3A_1212 = arith.maxsi %max3A_1211, %add3A_1200 : vector<16xi32>
      %min3A_1213 = vector.broadcast %jit3A_1210 : i32 to vector<16xi32>
      %min3A_1214 = arith.minsi %min3A_1213, %max3A_1212 : vector<16xi32>
      %mul3A_1215 = arith.constant 0.017578125 : f32
      %mul3A_1216 = vector.broadcast %mul3A_1215 : f32 to vector<16xf32>
      %mul3A_1217 = arith.mulf %get3A_53, %mul3A_1216 : vector<16xf32>
      tpu.vector_store_idx %arg9[%min3A_1214], %mul3A_1217 masked %and3A_1208 {add = true} : memref<16384xf32, #tpu.memory_space<vmem>>[vector<16xi32>], vector<16xf32>, vector<16xi1>
      %add3A_1218 = arith.constant 2 : i32
      %add3A_1219 = vector.broadcast %add3A_1218 : i32 to vector<16xi32>
      %add3A_1220 = arith.addi %shift_right_arithmetic3A_58, %add3A_1219 : vector<16xi32>
      %ge3A_1221 = arith.constant 0 : i32
      %ge3A_1222 = vector.broadcast %ge3A_1221 : i32 to vector<16xi32>
      %ge3A_1223 = arith.cmpi sge, %add3A_1220, %ge3A_1222 : vector<16xi32>
      %lt3A_1224 = arith.constant 512 : i32
      %lt3A_1225 = vector.broadcast %lt3A_1224 : i32 to vector<16xi32>
      %lt3A_1226 = arith.cmpi slt, %add3A_1220, %lt3A_1225 : vector<16xi32>
      %and3A_1227 = arith.andi %ge3A_1223, %lt3A_1226 : vector<16xi1>
      %add3A_1228 = arith.constant 1024 : i32
      %add3A_1229 = vector.broadcast %add3A_1228 : i32 to vector<16xi32>
      %add3A_1230 = arith.addi %get3A_49, %add3A_1229 : vector<16xi32>
      %sub3A_1231 = vector.broadcast %mul3A_2 : i32 to vector<16xi32>
      %sub3A_1232 = arith.subi %add3A_1230, %sub3A_1231 : vector<16xi32>
      %add3A_1233 = arith.constant -3 : i32
      %add3A_1234 = vector.broadcast %add3A_1233 : i32 to vector<16xi32>
      %add3A_1235 = arith.addi %and3A_61, %add3A_1234 : vector<16xi32>
      %ge3A_1236 = arith.constant 0 : i32
      %ge3A_1237 = vector.broadcast %ge3A_1236 : i32 to vector<16xi32>
      %ge3A_1238 = arith.cmpi sge, %add3A_1235, %ge3A_1237 : vector<16xi32>
      %and3A_1239 = arith.andi %and3A_1227, %ge3A_1238 : vector<16xi1>
      %lt3A_1240 = arith.constant 512 : i32
      %lt3A_1241 = vector.broadcast %lt3A_1240 : i32 to vector<16xi32>
      %lt3A_1242 = arith.cmpi slt, %add3A_1235, %lt3A_1241 : vector<16xi32>
      %and3A_1243 = arith.andi %and3A_1239, %lt3A_1242 : vector<16xi1>
      %add3A_1244 = arith.constant -3 : i32
      %add3A_1245 = vector.broadcast %add3A_1244 : i32 to vector<16xi32>
      %add3A_1246 = arith.addi %sub3A_1232, %add3A_1245 : vector<16xi32>
      %ge3A_1247 = arith.constant 0 : i32
      %ge3A_1248 = vector.broadcast %ge3A_1247 : i32 to vector<16xi32>
      %ge3A_1249 = arith.cmpi sge, %add3A_1246, %ge3A_1248 : vector<16xi32>
      %and3A_1250 = arith.andi %and3A_1243, %ge3A_1249 : vector<16xi1>
      %lt3A_1251 = arith.constant 16384 : i32
      %lt3A_1252 = vector.broadcast %lt3A_1251 : i32 to vector<16xi32>
      %lt3A_1253 = arith.cmpi slt, %add3A_1246, %lt3A_1252 : vector<16xi32>
      %and3A_1254 = arith.andi %and3A_1250, %lt3A_1253 : vector<16xi1>
      %jit3A_1255 = arith.constant 0 : i32
      %jit3A_1256 = arith.constant 16383 : i32
      %max3A_1257 = vector.broadcast %jit3A_1255 : i32 to vector<16xi32>
      %max3A_1258 = arith.maxsi %max3A_1257, %add3A_1246 : vector<16xi32>
      %min3A_1259 = vector.broadcast %jit3A_1256 : i32 to vector<16xi32>
      %min3A_1260 = arith.minsi %min3A_1259, %max3A_1258 : vector<16xi32>
      %mul3A_1261 = arith.constant 0.0148925781 : f32
      %mul3A_1262 = vector.broadcast %mul3A_1261 : f32 to vector<16xf32>
      %mul3A_1263 = arith.mulf %get3A_53, %mul3A_1262 : vector<16xf32>
      tpu.vector_store_idx %arg9[%min3A_1260], %mul3A_1263 masked %and3A_1254 {add = true} : memref<16384xf32, #tpu.memory_space<vmem>>[vector<16xi32>], vector<16xf32>, vector<16xi1>
      %add3A_1264 = arith.constant -2 : i32
      %add3A_1265 = vector.broadcast %add3A_1264 : i32 to vector<16xi32>
      %add3A_1266 = arith.addi %and3A_61, %add3A_1265 : vector<16xi32>
      %ge3A_1267 = arith.constant 0 : i32
      %ge3A_1268 = vector.broadcast %ge3A_1267 : i32 to vector<16xi32>
      %ge3A_1269 = arith.cmpi sge, %add3A_1266, %ge3A_1268 : vector<16xi32>
      %and3A_1270 = arith.andi %and3A_1227, %ge3A_1269 : vector<16xi1>
      %lt3A_1271 = arith.constant 512 : i32
      %lt3A_1272 = vector.broadcast %lt3A_1271 : i32 to vector<16xi32>
      %lt3A_1273 = arith.cmpi slt, %add3A_1266, %lt3A_1272 : vector<16xi32>
      %and3A_1274 = arith.andi %and3A_1270, %lt3A_1273 : vector<16xi1>
      %add3A_1275 = arith.constant -2 : i32
      %add3A_1276 = vector.broadcast %add3A_1275 : i32 to vector<16xi32>
      %add3A_1277 = arith.addi %sub3A_1232, %add3A_1276 : vector<16xi32>
      %ge3A_1278 = arith.constant 0 : i32
      %ge3A_1279 = vector.broadcast %ge3A_1278 : i32 to vector<16xi32>
      %ge3A_1280 = arith.cmpi sge, %add3A_1277, %ge3A_1279 : vector<16xi32>
      %and3A_1281 = arith.andi %and3A_1274, %ge3A_1280 : vector<16xi1>
      %lt3A_1282 = arith.constant 16384 : i32
      %lt3A_1283 = vector.broadcast %lt3A_1282 : i32 to vector<16xi32>
      %lt3A_1284 = arith.cmpi slt, %add3A_1277, %lt3A_1283 : vector<16xi32>
      %and3A_1285 = arith.andi %and3A_1281, %lt3A_1284 : vector<16xi1>
      %jit3A_1286 = arith.constant 0 : i32
      %jit3A_1287 = arith.constant 16383 : i32
      %max3A_1288 = vector.broadcast %jit3A_1286 : i32 to vector<16xi32>
      %max3A_1289 = arith.maxsi %max3A_1288, %add3A_1277 : vector<16xi32>
      %min3A_1290 = vector.broadcast %jit3A_1287 : i32 to vector<16xi32>
      %min3A_1291 = arith.minsi %min3A_1290, %max3A_1289 : vector<16xi32>
      %mul3A_1292 = arith.constant 0.0196533203 : f32
      %mul3A_1293 = vector.broadcast %mul3A_1292 : f32 to vector<16xf32>
      %mul3A_1294 = arith.mulf %get3A_53, %mul3A_1293 : vector<16xf32>
      tpu.vector_store_idx %arg9[%min3A_1291], %mul3A_1294 masked %and3A_1285 {add = true} : memref<16384xf32, #tpu.memory_space<vmem>>[vector<16xi32>], vector<16xf32>, vector<16xi1>
      %add3A_1295 = arith.constant -1 : i32
      %add3A_1296 = vector.broadcast %add3A_1295 : i32 to vector<16xi32>
      %add3A_1297 = arith.addi %and3A_61, %add3A_1296 : vector<16xi32>
      %ge3A_1298 = arith.constant 0 : i32
      %ge3A_1299 = vector.broadcast %ge3A_1298 : i32 to vector<16xi32>
      %ge3A_1300 = arith.cmpi sge, %add3A_1297, %ge3A_1299 : vector<16xi32>
      %and3A_1301 = arith.andi %and3A_1227, %ge3A_1300 : vector<16xi1>
      %lt3A_1302 = arith.constant 512 : i32
      %lt3A_1303 = vector.broadcast %lt3A_1302 : i32 to vector<16xi32>
      %lt3A_1304 = arith.cmpi slt, %add3A_1297, %lt3A_1303 : vector<16xi32>
      %and3A_1305 = arith.andi %and3A_1301, %lt3A_1304 : vector<16xi1>
      %add3A_1306 = arith.constant -1 : i32
      %add3A_1307 = vector.broadcast %add3A_1306 : i32 to vector<16xi32>
      %add3A_1308 = arith.addi %sub3A_1232, %add3A_1307 : vector<16xi32>
      %ge3A_1309 = arith.constant 0 : i32
      %ge3A_1310 = vector.broadcast %ge3A_1309 : i32 to vector<16xi32>
      %ge3A_1311 = arith.cmpi sge, %add3A_1308, %ge3A_1310 : vector<16xi32>
      %and3A_1312 = arith.andi %and3A_1305, %ge3A_1311 : vector<16xi1>
      %lt3A_1313 = arith.constant 16384 : i32
      %lt3A_1314 = vector.broadcast %lt3A_1313 : i32 to vector<16xi32>
      %lt3A_1315 = arith.cmpi slt, %add3A_1308, %lt3A_1314 : vector<16xi32>
      %and3A_1316 = arith.andi %and3A_1312, %lt3A_1315 : vector<16xi1>
      %jit3A_1317 = arith.constant 0 : i32
      %jit3A_1318 = arith.constant 16383 : i32
      %max3A_1319 = vector.broadcast %jit3A_1317 : i32 to vector<16xi32>
      %max3A_1320 = arith.maxsi %max3A_1319, %add3A_1308 : vector<16xi32>
      %min3A_1321 = vector.broadcast %jit3A_1318 : i32 to vector<16xi32>
      %min3A_1322 = arith.minsi %min3A_1321, %max3A_1320 : vector<16xi32>
      %mul3A_1323 = arith.constant 0.0233154297 : f32
      %mul3A_1324 = vector.broadcast %mul3A_1323 : f32 to vector<16xf32>
      %mul3A_1325 = arith.mulf %get3A_53, %mul3A_1324 : vector<16xf32>
      tpu.vector_store_idx %arg9[%min3A_1322], %mul3A_1325 masked %and3A_1316 {add = true} : memref<16384xf32, #tpu.memory_space<vmem>>[vector<16xi32>], vector<16xf32>, vector<16xi1>
      %add3A_1326 = arith.constant 0 : i32
      %add3A_1327 = vector.broadcast %add3A_1326 : i32 to vector<16xi32>
      %add3A_1328 = arith.addi %and3A_61, %add3A_1327 : vector<16xi32>
      %ge3A_1329 = arith.constant 0 : i32
      %ge3A_1330 = vector.broadcast %ge3A_1329 : i32 to vector<16xi32>
      %ge3A_1331 = arith.cmpi sge, %add3A_1328, %ge3A_1330 : vector<16xi32>
      %and3A_1332 = arith.andi %and3A_1227, %ge3A_1331 : vector<16xi1>
      %lt3A_1333 = arith.constant 512 : i32
      %lt3A_1334 = vector.broadcast %lt3A_1333 : i32 to vector<16xi32>
      %lt3A_1335 = arith.cmpi slt, %add3A_1328, %lt3A_1334 : vector<16xi32>
      %and3A_1336 = arith.andi %and3A_1332, %lt3A_1335 : vector<16xi1>
      %add3A_1337 = arith.constant 0 : i32
      %add3A_1338 = vector.broadcast %add3A_1337 : i32 to vector<16xi32>
      %add3A_1339 = arith.addi %sub3A_1232, %add3A_1338 : vector<16xi32>
      %ge3A_1340 = arith.constant 0 : i32
      %ge3A_1341 = vector.broadcast %ge3A_1340 : i32 to vector<16xi32>
      %ge3A_1342 = arith.cmpi sge, %add3A_1339, %ge3A_1341 : vector<16xi32>
      %and3A_1343 = arith.andi %and3A_1336, %ge3A_1342 : vector<16xi1>
      %lt3A_1344 = arith.constant 16384 : i32
      %lt3A_1345 = vector.broadcast %lt3A_1344 : i32 to vector<16xi32>
      %lt3A_1346 = arith.cmpi slt, %add3A_1339, %lt3A_1345 : vector<16xi32>
      %and3A_1347 = arith.andi %and3A_1343, %lt3A_1346 : vector<16xi1>
      %jit3A_1348 = arith.constant 0 : i32
      %jit3A_1349 = arith.constant 16383 : i32
      %max3A_1350 = vector.broadcast %jit3A_1348 : i32 to vector<16xi32>
      %max3A_1351 = arith.maxsi %max3A_1350, %add3A_1339 : vector<16xi32>
      %min3A_1352 = vector.broadcast %jit3A_1349 : i32 to vector<16xi32>
      %min3A_1353 = arith.minsi %min3A_1352, %max3A_1351 : vector<16xi32>
      %mul3A_1354 = arith.constant 0.0245361328 : f32
      %mul3A_1355 = vector.broadcast %mul3A_1354 : f32 to vector<16xf32>
      %mul3A_1356 = arith.mulf %get3A_53, %mul3A_1355 : vector<16xf32>
      tpu.vector_store_idx %arg9[%min3A_1353], %mul3A_1356 masked %and3A_1347 {add = true} : memref<16384xf32, #tpu.memory_space<vmem>>[vector<16xi32>], vector<16xf32>, vector<16xi1>
      %add3A_1357 = arith.constant 1 : i32
      %add3A_1358 = vector.broadcast %add3A_1357 : i32 to vector<16xi32>
      %add3A_1359 = arith.addi %and3A_61, %add3A_1358 : vector<16xi32>
      %ge3A_1360 = arith.constant 0 : i32
      %ge3A_1361 = vector.broadcast %ge3A_1360 : i32 to vector<16xi32>
      %ge3A_1362 = arith.cmpi sge, %add3A_1359, %ge3A_1361 : vector<16xi32>
      %and3A_1363 = arith.andi %and3A_1227, %ge3A_1362 : vector<16xi1>
      %lt3A_1364 = arith.constant 512 : i32
      %lt3A_1365 = vector.broadcast %lt3A_1364 : i32 to vector<16xi32>
      %lt3A_1366 = arith.cmpi slt, %add3A_1359, %lt3A_1365 : vector<16xi32>
      %and3A_1367 = arith.andi %and3A_1363, %lt3A_1366 : vector<16xi1>
      %add3A_1368 = arith.constant 1 : i32
      %add3A_1369 = vector.broadcast %add3A_1368 : i32 to vector<16xi32>
      %add3A_1370 = arith.addi %sub3A_1232, %add3A_1369 : vector<16xi32>
      %ge3A_1371 = arith.constant 0 : i32
      %ge3A_1372 = vector.broadcast %ge3A_1371 : i32 to vector<16xi32>
      %ge3A_1373 = arith.cmpi sge, %add3A_1370, %ge3A_1372 : vector<16xi32>
      %and3A_1374 = arith.andi %and3A_1367, %ge3A_1373 : vector<16xi1>
      %lt3A_1375 = arith.constant 16384 : i32
      %lt3A_1376 = vector.broadcast %lt3A_1375 : i32 to vector<16xi32>
      %lt3A_1377 = arith.cmpi slt, %add3A_1370, %lt3A_1376 : vector<16xi32>
      %and3A_1378 = arith.andi %and3A_1374, %lt3A_1377 : vector<16xi1>
      %jit3A_1379 = arith.constant 0 : i32
      %jit3A_1380 = arith.constant 16383 : i32
      %max3A_1381 = vector.broadcast %jit3A_1379 : i32 to vector<16xi32>
      %max3A_1382 = arith.maxsi %max3A_1381, %add3A_1370 : vector<16xi32>
      %min3A_1383 = vector.broadcast %jit3A_1380 : i32 to vector<16xi32>
      %min3A_1384 = arith.minsi %min3A_1383, %max3A_1382 : vector<16xi32>
      %mul3A_1385 = arith.constant 0.0233154297 : f32
      %mul3A_1386 = vector.broadcast %mul3A_1385 : f32 to vector<16xf32>
      %mul3A_1387 = arith.mulf %get3A_53, %mul3A_1386 : vector<16xf32>
      tpu.vector_store_idx %arg9[%min3A_1384], %mul3A_1387 masked %and3A_1378 {add = true} : memref<16384xf32, #tpu.memory_space<vmem>>[vector<16xi32>], vector<16xf32>, vector<16xi1>
      %add3A_1388 = arith.constant 2 : i32
      %add3A_1389 = vector.broadcast %add3A_1388 : i32 to vector<16xi32>
      %add3A_1390 = arith.addi %and3A_61, %add3A_1389 : vector<16xi32>
      %ge3A_1391 = arith.constant 0 : i32
      %ge3A_1392 = vector.broadcast %ge3A_1391 : i32 to vector<16xi32>
      %ge3A_1393 = arith.cmpi sge, %add3A_1390, %ge3A_1392 : vector<16xi32>
      %and3A_1394 = arith.andi %and3A_1227, %ge3A_1393 : vector<16xi1>
      %lt3A_1395 = arith.constant 512 : i32
      %lt3A_1396 = vector.broadcast %lt3A_1395 : i32 to vector<16xi32>
      %lt3A_1397 = arith.cmpi slt, %add3A_1390, %lt3A_1396 : vector<16xi32>
      %and3A_1398 = arith.andi %and3A_1394, %lt3A_1397 : vector<16xi1>
      %add3A_1399 = arith.constant 2 : i32
      %add3A_1400 = vector.broadcast %add3A_1399 : i32 to vector<16xi32>
      %add3A_1401 = arith.addi %sub3A_1232, %add3A_1400 : vector<16xi32>
      %ge3A_1402 = arith.constant 0 : i32
      %ge3A_1403 = vector.broadcast %ge3A_1402 : i32 to vector<16xi32>
      %ge3A_1404 = arith.cmpi sge, %add3A_1401, %ge3A_1403 : vector<16xi32>
      %and3A_1405 = arith.andi %and3A_1398, %ge3A_1404 : vector<16xi1>
      %lt3A_1406 = arith.constant 16384 : i32
      %lt3A_1407 = vector.broadcast %lt3A_1406 : i32 to vector<16xi32>
      %lt3A_1408 = arith.cmpi slt, %add3A_1401, %lt3A_1407 : vector<16xi32>
      %and3A_1409 = arith.andi %and3A_1405, %lt3A_1408 : vector<16xi1>
      %jit3A_1410 = arith.constant 0 : i32
      %jit3A_1411 = arith.constant 16383 : i32
      %max3A_1412 = vector.broadcast %jit3A_1410 : i32 to vector<16xi32>
      %max3A_1413 = arith.maxsi %max3A_1412, %add3A_1401 : vector<16xi32>
      %min3A_1414 = vector.broadcast %jit3A_1411 : i32 to vector<16xi32>
      %min3A_1415 = arith.minsi %min3A_1414, %max3A_1413 : vector<16xi32>
      %mul3A_1416 = arith.constant 0.0196533203 : f32
      %mul3A_1417 = vector.broadcast %mul3A_1416 : f32 to vector<16xf32>
      %mul3A_1418 = arith.mulf %get3A_53, %mul3A_1417 : vector<16xf32>
      tpu.vector_store_idx %arg9[%min3A_1415], %mul3A_1418 masked %and3A_1409 {add = true} : memref<16384xf32, #tpu.memory_space<vmem>>[vector<16xi32>], vector<16xf32>, vector<16xi1>
      %add3A_1419 = arith.constant 3 : i32
      %add3A_1420 = vector.broadcast %add3A_1419 : i32 to vector<16xi32>
      %add3A_1421 = arith.addi %and3A_61, %add3A_1420 : vector<16xi32>
      %ge3A_1422 = arith.constant 0 : i32
      %ge3A_1423 = vector.broadcast %ge3A_1422 : i32 to vector<16xi32>
      %ge3A_1424 = arith.cmpi sge, %add3A_1421, %ge3A_1423 : vector<16xi32>
      %and3A_1425 = arith.andi %and3A_1227, %ge3A_1424 : vector<16xi1>
      %lt3A_1426 = arith.constant 512 : i32
      %lt3A_1427 = vector.broadcast %lt3A_1426 : i32 to vector<16xi32>
      %lt3A_1428 = arith.cmpi slt, %add3A_1421, %lt3A_1427 : vector<16xi32>
      %and3A_1429 = arith.andi %and3A_1425, %lt3A_1428 : vector<16xi1>
      %add3A_1430 = arith.constant 3 : i32
      %add3A_1431 = vector.broadcast %add3A_1430 : i32 to vector<16xi32>
      %add3A_1432 = arith.addi %sub3A_1232, %add3A_1431 : vector<16xi32>
      %ge3A_1433 = arith.constant 0 : i32
      %ge3A_1434 = vector.broadcast %ge3A_1433 : i32 to vector<16xi32>
      %ge3A_1435 = arith.cmpi sge, %add3A_1432, %ge3A_1434 : vector<16xi32>
      %and3A_1436 = arith.andi %and3A_1429, %ge3A_1435 : vector<16xi1>
      %lt3A_1437 = arith.constant 16384 : i32
      %lt3A_1438 = vector.broadcast %lt3A_1437 : i32 to vector<16xi32>
      %lt3A_1439 = arith.cmpi slt, %add3A_1432, %lt3A_1438 : vector<16xi32>
      %and3A_1440 = arith.andi %and3A_1436, %lt3A_1439 : vector<16xi1>
      %jit3A_1441 = arith.constant 0 : i32
      %jit3A_1442 = arith.constant 16383 : i32
      %max3A_1443 = vector.broadcast %jit3A_1441 : i32 to vector<16xi32>
      %max3A_1444 = arith.maxsi %max3A_1443, %add3A_1432 : vector<16xi32>
      %min3A_1445 = vector.broadcast %jit3A_1442 : i32 to vector<16xi32>
      %min3A_1446 = arith.minsi %min3A_1445, %max3A_1444 : vector<16xi32>
      %mul3A_1447 = arith.constant 0.0148925781 : f32
      %mul3A_1448 = vector.broadcast %mul3A_1447 : f32 to vector<16xf32>
      %mul3A_1449 = arith.mulf %get3A_53, %mul3A_1448 : vector<16xf32>
      tpu.vector_store_idx %arg9[%min3A_1446], %mul3A_1449 masked %and3A_1440 {add = true} : memref<16384xf32, #tpu.memory_space<vmem>>[vector<16xi32>], vector<16xf32>, vector<16xi1>
      %add3A_1450 = arith.constant 3 : i32
      %add3A_1451 = vector.broadcast %add3A_1450 : i32 to vector<16xi32>
      %add3A_1452 = arith.addi %shift_right_arithmetic3A_58, %add3A_1451 : vector<16xi32>
      %ge3A_1453 = arith.constant 0 : i32
      %ge3A_1454 = vector.broadcast %ge3A_1453 : i32 to vector<16xi32>
      %ge3A_1455 = arith.cmpi sge, %add3A_1452, %ge3A_1454 : vector<16xi32>
      %lt3A_1456 = arith.constant 512 : i32
      %lt3A_1457 = vector.broadcast %lt3A_1456 : i32 to vector<16xi32>
      %lt3A_1458 = arith.cmpi slt, %add3A_1452, %lt3A_1457 : vector<16xi32>
      %and3A_1459 = arith.andi %ge3A_1455, %lt3A_1458 : vector<16xi1>
      %add3A_1460 = arith.constant 1536 : i32
      %add3A_1461 = vector.broadcast %add3A_1460 : i32 to vector<16xi32>
      %add3A_1462 = arith.addi %get3A_49, %add3A_1461 : vector<16xi32>
      %sub3A_1463 = vector.broadcast %mul3A_2 : i32 to vector<16xi32>
      %sub3A_1464 = arith.subi %add3A_1462, %sub3A_1463 : vector<16xi32>
      %add3A_1465 = arith.constant -3 : i32
      %add3A_1466 = vector.broadcast %add3A_1465 : i32 to vector<16xi32>
      %add3A_1467 = arith.addi %and3A_61, %add3A_1466 : vector<16xi32>
      %ge3A_1468 = arith.constant 0 : i32
      %ge3A_1469 = vector.broadcast %ge3A_1468 : i32 to vector<16xi32>
      %ge3A_1470 = arith.cmpi sge, %add3A_1467, %ge3A_1469 : vector<16xi32>
      %and3A_1471 = arith.andi %and3A_1459, %ge3A_1470 : vector<16xi1>
      %lt3A_1472 = arith.constant 512 : i32
      %lt3A_1473 = vector.broadcast %lt3A_1472 : i32 to vector<16xi32>
      %lt3A_1474 = arith.cmpi slt, %add3A_1467, %lt3A_1473 : vector<16xi32>
      %and3A_1475 = arith.andi %and3A_1471, %lt3A_1474 : vector<16xi1>
      %add3A_1476 = arith.constant -3 : i32
      %add3A_1477 = vector.broadcast %add3A_1476 : i32 to vector<16xi32>
      %add3A_1478 = arith.addi %sub3A_1464, %add3A_1477 : vector<16xi32>
      %ge3A_1479 = arith.constant 0 : i32
      %ge3A_1480 = vector.broadcast %ge3A_1479 : i32 to vector<16xi32>
      %ge3A_1481 = arith.cmpi sge, %add3A_1478, %ge3A_1480 : vector<16xi32>
      %and3A_1482 = arith.andi %and3A_1475, %ge3A_1481 : vector<16xi1>
      %lt3A_1483 = arith.constant 16384 : i32
      %lt3A_1484 = vector.broadcast %lt3A_1483 : i32 to vector<16xi32>
      %lt3A_1485 = arith.cmpi slt, %add3A_1478, %lt3A_1484 : vector<16xi32>
      %and3A_1486 = arith.andi %and3A_1482, %lt3A_1485 : vector<16xi1>
      %jit3A_1487 = arith.constant 0 : i32
      %jit3A_1488 = arith.constant 16383 : i32
      %max3A_1489 = vector.broadcast %jit3A_1487 : i32 to vector<16xi32>
      %max3A_1490 = arith.maxsi %max3A_1489, %add3A_1478 : vector<16xi32>
      %min3A_1491 = vector.broadcast %jit3A_1488 : i32 to vector<16xi32>
      %min3A_1492 = arith.minsi %min3A_1491, %max3A_1490 : vector<16xi32>
      %mul3A_1493 = arith.constant 0.0112915039 : f32
      %mul3A_1494 = vector.broadcast %mul3A_1493 : f32 to vector<16xf32>
      %mul3A_1495 = arith.mulf %get3A_53, %mul3A_1494 : vector<16xf32>
      tpu.vector_store_idx %arg9[%min3A_1492], %mul3A_1495 masked %and3A_1486 {add = true} : memref<16384xf32, #tpu.memory_space<vmem>>[vector<16xi32>], vector<16xf32>, vector<16xi1>
      %add3A_1496 = arith.constant -2 : i32
      %add3A_1497 = vector.broadcast %add3A_1496 : i32 to vector<16xi32>
      %add3A_1498 = arith.addi %and3A_61, %add3A_1497 : vector<16xi32>
      %ge3A_1499 = arith.constant 0 : i32
      %ge3A_1500 = vector.broadcast %ge3A_1499 : i32 to vector<16xi32>
      %ge3A_1501 = arith.cmpi sge, %add3A_1498, %ge3A_1500 : vector<16xi32>
      %and3A_1502 = arith.andi %and3A_1459, %ge3A_1501 : vector<16xi1>
      %lt3A_1503 = arith.constant 512 : i32
      %lt3A_1504 = vector.broadcast %lt3A_1503 : i32 to vector<16xi32>
      %lt3A_1505 = arith.cmpi slt, %add3A_1498, %lt3A_1504 : vector<16xi32>
      %and3A_1506 = arith.andi %and3A_1502, %lt3A_1505 : vector<16xi1>
      %add3A_1507 = arith.constant -2 : i32
      %add3A_1508 = vector.broadcast %add3A_1507 : i32 to vector<16xi32>
      %add3A_1509 = arith.addi %sub3A_1464, %add3A_1508 : vector<16xi32>
      %ge3A_1510 = arith.constant 0 : i32
      %ge3A_1511 = vector.broadcast %ge3A_1510 : i32 to vector<16xi32>
      %ge3A_1512 = arith.cmpi sge, %add3A_1509, %ge3A_1511 : vector<16xi32>
      %and3A_1513 = arith.andi %and3A_1506, %ge3A_1512 : vector<16xi1>
      %lt3A_1514 = arith.constant 16384 : i32
      %lt3A_1515 = vector.broadcast %lt3A_1514 : i32 to vector<16xi32>
      %lt3A_1516 = arith.cmpi slt, %add3A_1509, %lt3A_1515 : vector<16xi32>
      %and3A_1517 = arith.andi %and3A_1513, %lt3A_1516 : vector<16xi1>
      %jit3A_1518 = arith.constant 0 : i32
      %jit3A_1519 = arith.constant 16383 : i32
      %max3A_1520 = vector.broadcast %jit3A_1518 : i32 to vector<16xi32>
      %max3A_1521 = arith.maxsi %max3A_1520, %add3A_1509 : vector<16xi32>
      %min3A_1522 = vector.broadcast %jit3A_1519 : i32 to vector<16xi32>
      %min3A_1523 = arith.minsi %min3A_1522, %max3A_1521 : vector<16xi32>
      %mul3A_1524 = arith.constant 0.0148925781 : f32
      %mul3A_1525 = vector.broadcast %mul3A_1524 : f32 to vector<16xf32>
      %mul3A_1526 = arith.mulf %get3A_53, %mul3A_1525 : vector<16xf32>
      tpu.vector_store_idx %arg9[%min3A_1523], %mul3A_1526 masked %and3A_1517 {add = true} : memref<16384xf32, #tpu.memory_space<vmem>>[vector<16xi32>], vector<16xf32>, vector<16xi1>
      %add3A_1527 = arith.constant -1 : i32
      %add3A_1528 = vector.broadcast %add3A_1527 : i32 to vector<16xi32>
      %add3A_1529 = arith.addi %and3A_61, %add3A_1528 : vector<16xi32>
      %ge3A_1530 = arith.constant 0 : i32
      %ge3A_1531 = vector.broadcast %ge3A_1530 : i32 to vector<16xi32>
      %ge3A_1532 = arith.cmpi sge, %add3A_1529, %ge3A_1531 : vector<16xi32>
      %and3A_1533 = arith.andi %and3A_1459, %ge3A_1532 : vector<16xi1>
      %lt3A_1534 = arith.constant 512 : i32
      %lt3A_1535 = vector.broadcast %lt3A_1534 : i32 to vector<16xi32>
      %lt3A_1536 = arith.cmpi slt, %add3A_1529, %lt3A_1535 : vector<16xi32>
      %and3A_1537 = arith.andi %and3A_1533, %lt3A_1536 : vector<16xi1>
      %add3A_1538 = arith.constant -1 : i32
      %add3A_1539 = vector.broadcast %add3A_1538 : i32 to vector<16xi32>
      %add3A_1540 = arith.addi %sub3A_1464, %add3A_1539 : vector<16xi32>
      %ge3A_1541 = arith.constant 0 : i32
      %ge3A_1542 = vector.broadcast %ge3A_1541 : i32 to vector<16xi32>
      %ge3A_1543 = arith.cmpi sge, %add3A_1540, %ge3A_1542 : vector<16xi32>
      %and3A_1544 = arith.andi %and3A_1537, %ge3A_1543 : vector<16xi1>
      %lt3A_1545 = arith.constant 16384 : i32
      %lt3A_1546 = vector.broadcast %lt3A_1545 : i32 to vector<16xi32>
      %lt3A_1547 = arith.cmpi slt, %add3A_1540, %lt3A_1546 : vector<16xi32>
      %and3A_1548 = arith.andi %and3A_1544, %lt3A_1547 : vector<16xi1>
      %jit3A_1549 = arith.constant 0 : i32
      %jit3A_1550 = arith.constant 16383 : i32
      %max3A_1551 = vector.broadcast %jit3A_1549 : i32 to vector<16xi32>
      %max3A_1552 = arith.maxsi %max3A_1551, %add3A_1540 : vector<16xi32>
      %min3A_1553 = vector.broadcast %jit3A_1550 : i32 to vector<16xi32>
      %min3A_1554 = arith.minsi %min3A_1553, %max3A_1552 : vector<16xi32>
      %mul3A_1555 = arith.constant 0.017578125 : f32
      %mul3A_1556 = vector.broadcast %mul3A_1555 : f32 to vector<16xf32>
      %mul3A_1557 = arith.mulf %get3A_53, %mul3A_1556 : vector<16xf32>
      tpu.vector_store_idx %arg9[%min3A_1554], %mul3A_1557 masked %and3A_1548 {add = true} : memref<16384xf32, #tpu.memory_space<vmem>>[vector<16xi32>], vector<16xf32>, vector<16xi1>
      %add3A_1558 = arith.constant 0 : i32
      %add3A_1559 = vector.broadcast %add3A_1558 : i32 to vector<16xi32>
      %add3A_1560 = arith.addi %and3A_61, %add3A_1559 : vector<16xi32>
      %ge3A_1561 = arith.constant 0 : i32
      %ge3A_1562 = vector.broadcast %ge3A_1561 : i32 to vector<16xi32>
      %ge3A_1563 = arith.cmpi sge, %add3A_1560, %ge3A_1562 : vector<16xi32>
      %and3A_1564 = arith.andi %and3A_1459, %ge3A_1563 : vector<16xi1>
      %lt3A_1565 = arith.constant 512 : i32
      %lt3A_1566 = vector.broadcast %lt3A_1565 : i32 to vector<16xi32>
      %lt3A_1567 = arith.cmpi slt, %add3A_1560, %lt3A_1566 : vector<16xi32>
      %and3A_1568 = arith.andi %and3A_1564, %lt3A_1567 : vector<16xi1>
      %add3A_1569 = arith.constant 0 : i32
      %add3A_1570 = vector.broadcast %add3A_1569 : i32 to vector<16xi32>
      %add3A_1571 = arith.addi %sub3A_1464, %add3A_1570 : vector<16xi32>
      %ge3A_1572 = arith.constant 0 : i32
      %ge3A_1573 = vector.broadcast %ge3A_1572 : i32 to vector<16xi32>
      %ge3A_1574 = arith.cmpi sge, %add3A_1571, %ge3A_1573 : vector<16xi32>
      %and3A_1575 = arith.andi %and3A_1568, %ge3A_1574 : vector<16xi1>
      %lt3A_1576 = arith.constant 16384 : i32
      %lt3A_1577 = vector.broadcast %lt3A_1576 : i32 to vector<16xi32>
      %lt3A_1578 = arith.cmpi slt, %add3A_1571, %lt3A_1577 : vector<16xi32>
      %and3A_1579 = arith.andi %and3A_1575, %lt3A_1578 : vector<16xi1>
      %jit3A_1580 = arith.constant 0 : i32
      %jit3A_1581 = arith.constant 16383 : i32
      %max3A_1582 = vector.broadcast %jit3A_1580 : i32 to vector<16xi32>
      %max3A_1583 = arith.maxsi %max3A_1582, %add3A_1571 : vector<16xi32>
      %min3A_1584 = vector.broadcast %jit3A_1581 : i32 to vector<16xi32>
      %min3A_1585 = arith.minsi %min3A_1584, %max3A_1583 : vector<16xi32>
      %mul3A_1586 = arith.constant 0.0186767578 : f32
      %mul3A_1587 = vector.broadcast %mul3A_1586 : f32 to vector<16xf32>
      %mul3A_1588 = arith.mulf %get3A_53, %mul3A_1587 : vector<16xf32>
      tpu.vector_store_idx %arg9[%min3A_1585], %mul3A_1588 masked %and3A_1579 {add = true} : memref<16384xf32, #tpu.memory_space<vmem>>[vector<16xi32>], vector<16xf32>, vector<16xi1>
      %add3A_1589 = arith.constant 1 : i32
      %add3A_1590 = vector.broadcast %add3A_1589 : i32 to vector<16xi32>
      %add3A_1591 = arith.addi %and3A_61, %add3A_1590 : vector<16xi32>
      %ge3A_1592 = arith.constant 0 : i32
      %ge3A_1593 = vector.broadcast %ge3A_1592 : i32 to vector<16xi32>
      %ge3A_1594 = arith.cmpi sge, %add3A_1591, %ge3A_1593 : vector<16xi32>
      %and3A_1595 = arith.andi %and3A_1459, %ge3A_1594 : vector<16xi1>
      %lt3A_1596 = arith.constant 512 : i32
      %lt3A_1597 = vector.broadcast %lt3A_1596 : i32 to vector<16xi32>
      %lt3A_1598 = arith.cmpi slt, %add3A_1591, %lt3A_1597 : vector<16xi32>
      %and3A_1599 = arith.andi %and3A_1595, %lt3A_1598 : vector<16xi1>
      %add3A_1600 = arith.constant 1 : i32
      %add3A_1601 = vector.broadcast %add3A_1600 : i32 to vector<16xi32>
      %add3A_1602 = arith.addi %sub3A_1464, %add3A_1601 : vector<16xi32>
      %ge3A_1603 = arith.constant 0 : i32
      %ge3A_1604 = vector.broadcast %ge3A_1603 : i32 to vector<16xi32>
      %ge3A_1605 = arith.cmpi sge, %add3A_1602, %ge3A_1604 : vector<16xi32>
      %and3A_1606 = arith.andi %and3A_1599, %ge3A_1605 : vector<16xi1>
      %lt3A_1607 = arith.constant 16384 : i32
      %lt3A_1608 = vector.broadcast %lt3A_1607 : i32 to vector<16xi32>
      %lt3A_1609 = arith.cmpi slt, %add3A_1602, %lt3A_1608 : vector<16xi32>
      %and3A_1610 = arith.andi %and3A_1606, %lt3A_1609 : vector<16xi1>
      %jit3A_1611 = arith.constant 0 : i32
      %jit3A_1612 = arith.constant 16383 : i32
      %max3A_1613 = vector.broadcast %jit3A_1611 : i32 to vector<16xi32>
      %max3A_1614 = arith.maxsi %max3A_1613, %add3A_1602 : vector<16xi32>
      %min3A_1615 = vector.broadcast %jit3A_1612 : i32 to vector<16xi32>
      %min3A_1616 = arith.minsi %min3A_1615, %max3A_1614 : vector<16xi32>
      %mul3A_1617 = arith.constant 0.017578125 : f32
      %mul3A_1618 = vector.broadcast %mul3A_1617 : f32 to vector<16xf32>
      %mul3A_1619 = arith.mulf %get3A_53, %mul3A_1618 : vector<16xf32>
      tpu.vector_store_idx %arg9[%min3A_1616], %mul3A_1619 masked %and3A_1610 {add = true} : memref<16384xf32, #tpu.memory_space<vmem>>[vector<16xi32>], vector<16xf32>, vector<16xi1>
      %add3A_1620 = arith.constant 2 : i32
      %add3A_1621 = vector.broadcast %add3A_1620 : i32 to vector<16xi32>
      %add3A_1622 = arith.addi %and3A_61, %add3A_1621 : vector<16xi32>
      %ge3A_1623 = arith.constant 0 : i32
      %ge3A_1624 = vector.broadcast %ge3A_1623 : i32 to vector<16xi32>
      %ge3A_1625 = arith.cmpi sge, %add3A_1622, %ge3A_1624 : vector<16xi32>
      %and3A_1626 = arith.andi %and3A_1459, %ge3A_1625 : vector<16xi1>
      %lt3A_1627 = arith.constant 512 : i32
      %lt3A_1628 = vector.broadcast %lt3A_1627 : i32 to vector<16xi32>
      %lt3A_1629 = arith.cmpi slt, %add3A_1622, %lt3A_1628 : vector<16xi32>
      %and3A_1630 = arith.andi %and3A_1626, %lt3A_1629 : vector<16xi1>
      %add3A_1631 = arith.constant 2 : i32
      %add3A_1632 = vector.broadcast %add3A_1631 : i32 to vector<16xi32>
      %add3A_1633 = arith.addi %sub3A_1464, %add3A_1632 : vector<16xi32>
      %ge3A_1634 = arith.constant 0 : i32
      %ge3A_1635 = vector.broadcast %ge3A_1634 : i32 to vector<16xi32>
      %ge3A_1636 = arith.cmpi sge, %add3A_1633, %ge3A_1635 : vector<16xi32>
      %and3A_1637 = arith.andi %and3A_1630, %ge3A_1636 : vector<16xi1>
      %lt3A_1638 = arith.constant 16384 : i32
      %lt3A_1639 = vector.broadcast %lt3A_1638 : i32 to vector<16xi32>
      %lt3A_1640 = arith.cmpi slt, %add3A_1633, %lt3A_1639 : vector<16xi32>
      %and3A_1641 = arith.andi %and3A_1637, %lt3A_1640 : vector<16xi1>
      %jit3A_1642 = arith.constant 0 : i32
      %jit3A_1643 = arith.constant 16383 : i32
      %max3A_1644 = vector.broadcast %jit3A_1642 : i32 to vector<16xi32>
      %max3A_1645 = arith.maxsi %max3A_1644, %add3A_1633 : vector<16xi32>
      %min3A_1646 = vector.broadcast %jit3A_1643 : i32 to vector<16xi32>
      %min3A_1647 = arith.minsi %min3A_1646, %max3A_1645 : vector<16xi32>
      %mul3A_1648 = arith.constant 0.0148925781 : f32
      %mul3A_1649 = vector.broadcast %mul3A_1648 : f32 to vector<16xf32>
      %mul3A_1650 = arith.mulf %get3A_53, %mul3A_1649 : vector<16xf32>
      tpu.vector_store_idx %arg9[%min3A_1647], %mul3A_1650 masked %and3A_1641 {add = true} : memref<16384xf32, #tpu.memory_space<vmem>>[vector<16xi32>], vector<16xf32>, vector<16xi1>
      %add3A_1651 = arith.constant 3 : i32
      %add3A_1652 = vector.broadcast %add3A_1651 : i32 to vector<16xi32>
      %add3A_1653 = arith.addi %and3A_61, %add3A_1652 : vector<16xi32>
      %ge3A_1654 = arith.constant 0 : i32
      %ge3A_1655 = vector.broadcast %ge3A_1654 : i32 to vector<16xi32>
      %ge3A_1656 = arith.cmpi sge, %add3A_1653, %ge3A_1655 : vector<16xi32>
      %and3A_1657 = arith.andi %and3A_1459, %ge3A_1656 : vector<16xi1>
      %lt3A_1658 = arith.constant 512 : i32
      %lt3A_1659 = vector.broadcast %lt3A_1658 : i32 to vector<16xi32>
      %lt3A_1660 = arith.cmpi slt, %add3A_1653, %lt3A_1659 : vector<16xi32>
      %and3A_1661 = arith.andi %and3A_1657, %lt3A_1660 : vector<16xi1>
      %add3A_1662 = arith.constant 3 : i32
      %add3A_1663 = vector.broadcast %add3A_1662 : i32 to vector<16xi32>
      %add3A_1664 = arith.addi %sub3A_1464, %add3A_1663 : vector<16xi32>
      %ge3A_1665 = arith.constant 0 : i32
      %ge3A_1666 = vector.broadcast %ge3A_1665 : i32 to vector<16xi32>
      %ge3A_1667 = arith.cmpi sge, %add3A_1664, %ge3A_1666 : vector<16xi32>
      %and3A_1668 = arith.andi %and3A_1661, %ge3A_1667 : vector<16xi1>
      %lt3A_1669 = arith.constant 16384 : i32
      %lt3A_1670 = vector.broadcast %lt3A_1669 : i32 to vector<16xi32>
      %lt3A_1671 = arith.cmpi slt, %add3A_1664, %lt3A_1670 : vector<16xi32>
      %and3A_1672 = arith.andi %and3A_1668, %lt3A_1671 : vector<16xi1>
      %jit3A_1673 = arith.constant 0 : i32
      %jit3A_1674 = arith.constant 16383 : i32
      %max3A_1675 = vector.broadcast %jit3A_1673 : i32 to vector<16xi32>
      %max3A_1676 = arith.maxsi %max3A_1675, %add3A_1664 : vector<16xi32>
      %min3A_1677 = vector.broadcast %jit3A_1674 : i32 to vector<16xi32>
      %min3A_1678 = arith.minsi %min3A_1677, %max3A_1676 : vector<16xi32>
      %mul3A_1679 = arith.constant 0.0112915039 : f32
      %mul3A_1680 = vector.broadcast %mul3A_1679 : f32 to vector<16xf32>
      %mul3A_1681 = arith.mulf %get3A_53, %mul3A_1680 : vector<16xf32>
      tpu.vector_store_idx %arg9[%min3A_1678], %mul3A_1681 masked %and3A_1672 {add = true} : memref<16384xf32, #tpu.memory_space<vmem>>[vector<16xi32>], vector<16xf32>, vector<16xi1>
    }
    %while3A_44 = arith.constant 1 : i32
    scf.for %while3A_45 = %while3A_42 to %while3A_38 step %while3A_44  : i32 {
      %mul3A_46 = arith.constant 16 : i32
      %mul3A_47 = arith.muli %while3A_45, %mul3A_46 : i32
      %get3A_48 = arith.index_cast %mul3A_47 : i32 to index
      %get3A_49 = tpu.vector_load %arg6[%get3A_48] {strides = array<i32>} : memref<128xi32, #tpu.memory_space<vmem>>, vector<16xi32>,
      %mul3A_50 = arith.constant 16 : i32
      %mul3A_51 = arith.muli %while3A_45, %mul3A_50 : i32
      %get3A_52 = arith.index_cast %mul3A_51 : i32 to index
      %get3A_53 = tpu.vector_load %arg7[%get3A_52] {strides = array<i32>} : memref<128xf32, #tpu.memory_space<vmem>>, vector<16xf32>,
      %and3A_54 = arith.constant 262143 : i32
      %and3A_55 = vector.broadcast %and3A_54 : i32 to vector<16xi32>
      %and3A_56 = arith.andi %get3A_49, %and3A_55 : vector<16xi32>
      %shift_right_arithmetic3A = arith.constant 9 : i32
      %shift_right_arithmetic3A_57 = vector.broadcast %shift_right_arithmetic3A : i32 to vector<16xi32>
      %shift_right_arithmetic3A_58 = arith.shrsi %and3A_56, %shift_right_arithmetic3A_57 : vector<16xi32>
      %and3A_59 = arith.constant 511 : i32
      %and3A_60 = vector.broadcast %and3A_59 : i32 to vector<16xi32>
      %and3A_61 = arith.andi %get3A_49, %and3A_60 : vector<16xi32>
      %add3A_62 = arith.constant -3 : i32
      %add3A_63 = vector.broadcast %add3A_62 : i32 to vector<16xi32>
      %add3A_64 = arith.addi %shift_right_arithmetic3A_58, %add3A_63 : vector<16xi32>
      %ge3A = arith.constant 0 : i32
      %ge3A_65 = vector.broadcast %ge3A : i32 to vector<16xi32>
      %ge3A_66 = arith.cmpi sge, %add3A_64, %ge3A_65 : vector<16xi32>
      %lt3A = arith.constant 512 : i32
      %lt3A_67 = vector.broadcast %lt3A : i32 to vector<16xi32>
      %lt3A_68 = arith.cmpi slt, %add3A_64, %lt3A_67 : vector<16xi32>
      %and3A_69 = arith.andi %ge3A_66, %lt3A_68 : vector<16xi1>
      %add3A_70 = arith.constant -1536 : i32
      %add3A_71 = vector.broadcast %add3A_70 : i32 to vector<16xi32>
      %add3A_72 = arith.addi %get3A_49, %add3A_71 : vector<16xi32>
      %sub3A_73 = vector.broadcast %mul3A_2 : i32 to vector<16xi32>
      %sub3A_74 = arith.subi %add3A_72, %sub3A_73 : vector<16xi32>
      %add3A_75 = arith.constant -3 : i32
      %add3A_76 = vector.broadcast %add3A_75 : i32 to vector<16xi32>
      %add3A_77 = arith.addi %and3A_61, %add3A_76 : vector<16xi32>
      %ge3A_78 = arith.constant 0 : i32
      %ge3A_79 = vector.broadcast %ge3A_78 : i32 to vector<16xi32>
      %ge3A_80 = arith.cmpi sge, %add3A_77, %ge3A_79 : vector<16xi32>
      %and3A_81 = arith.andi %and3A_69, %ge3A_80 : vector<16xi1>
      %lt3A_82 = arith.constant 512 : i32
      %lt3A_83 = vector.broadcast %lt3A_82 : i32 to vector<16xi32>
      %lt3A_84 = arith.cmpi slt, %add3A_77, %lt3A_83 : vector<16xi32>
      %and3A_85 = arith.andi %and3A_81, %lt3A_84 : vector<16xi1>
      %add3A_86 = arith.constant -3 : i32
      %add3A_87 = vector.broadcast %add3A_86 : i32 to vector<16xi32>
      %add3A_88 = arith.addi %sub3A_74, %add3A_87 : vector<16xi32>
      %ge3A_89 = arith.constant 0 : i32
      %ge3A_90 = vector.broadcast %ge3A_89 : i32 to vector<16xi32>
      %ge3A_91 = arith.cmpi sge, %add3A_88, %ge3A_90 : vector<16xi32>
      %and3A_92 = arith.andi %and3A_85, %ge3A_91 : vector<16xi1>
      %lt3A_93 = arith.constant 16384 : i32
      %lt3A_94 = vector.broadcast %lt3A_93 : i32 to vector<16xi32>
      %lt3A_95 = arith.cmpi slt, %add3A_88, %lt3A_94 : vector<16xi32>
      %and3A_96 = arith.andi %and3A_92, %lt3A_95 : vector<16xi1>
      %jit3A_97 = arith.constant 0 : i32
      %jit3A_98 = arith.constant 16383 : i32
      %max3A = vector.broadcast %jit3A_97 : i32 to vector<16xi32>
      %max3A_99 = arith.maxsi %max3A, %add3A_88 : vector<16xi32>
      %min3A = vector.broadcast %jit3A_98 : i32 to vector<16xi32>
      %min3A_100 = arith.minsi %min3A, %max3A_99 : vector<16xi32>
      %mul3A_101 = arith.constant 0.0112915039 : f32
      %mul3A_102 = vector.broadcast %mul3A_101 : f32 to vector<16xf32>
      %mul3A_103 = arith.mulf %get3A_53, %mul3A_102 : vector<16xf32>
      tpu.vector_store_idx %arg9[%min3A_100], %mul3A_103 masked %and3A_96 {add = true} : memref<16384xf32, #tpu.memory_space<vmem>>[vector<16xi32>], vector<16xf32>, vector<16xi1>
      %add3A_104 = arith.constant -2 : i32
      %add3A_105 = vector.broadcast %add3A_104 : i32 to vector<16xi32>
      %add3A_106 = arith.addi %and3A_61, %add3A_105 : vector<16xi32>
      %ge3A_107 = arith.constant 0 : i32
      %ge3A_108 = vector.broadcast %ge3A_107 : i32 to vector<16xi32>
      %ge3A_109 = arith.cmpi sge, %add3A_106, %ge3A_108 : vector<16xi32>
      %and3A_110 = arith.andi %and3A_69, %ge3A_109 : vector<16xi1>
      %lt3A_111 = arith.constant 512 : i32
      %lt3A_112 = vector.broadcast %lt3A_111 : i32 to vector<16xi32>
      %lt3A_113 = arith.cmpi slt, %add3A_106, %lt3A_112 : vector<16xi32>
      %and3A_114 = arith.andi %and3A_110, %lt3A_113 : vector<16xi1>
      %add3A_115 = arith.constant -2 : i32
      %add3A_116 = vector.broadcast %add3A_115 : i32 to vector<16xi32>
      %add3A_117 = arith.addi %sub3A_74, %add3A_116 : vector<16xi32>
      %ge3A_118 = arith.constant 0 : i32
      %ge3A_119 = vector.broadcast %ge3A_118 : i32 to vector<16xi32>
      %ge3A_120 = arith.cmpi sge, %add3A_117, %ge3A_119 : vector<16xi32>
      %and3A_121 = arith.andi %and3A_114, %ge3A_120 : vector<16xi1>
      %lt3A_122 = arith.constant 16384 : i32
      %lt3A_123 = vector.broadcast %lt3A_122 : i32 to vector<16xi32>
      %lt3A_124 = arith.cmpi slt, %add3A_117, %lt3A_123 : vector<16xi32>
      %and3A_125 = arith.andi %and3A_121, %lt3A_124 : vector<16xi1>
      %jit3A_126 = arith.constant 0 : i32
      %jit3A_127 = arith.constant 16383 : i32
      %max3A_128 = vector.broadcast %jit3A_126 : i32 to vector<16xi32>
      %max3A_129 = arith.maxsi %max3A_128, %add3A_117 : vector<16xi32>
      %min3A_130 = vector.broadcast %jit3A_127 : i32 to vector<16xi32>
      %min3A_131 = arith.minsi %min3A_130, %max3A_129 : vector<16xi32>
      %mul3A_132 = arith.constant 0.0148925781 : f32
      %mul3A_133 = vector.broadcast %mul3A_132 : f32 to vector<16xf32>
      %mul3A_134 = arith.mulf %get3A_53, %mul3A_133 : vector<16xf32>
      tpu.vector_store_idx %arg9[%min3A_131], %mul3A_134 masked %and3A_125 {add = true} : memref<16384xf32, #tpu.memory_space<vmem>>[vector<16xi32>], vector<16xf32>, vector<16xi1>
      %add3A_135 = arith.constant -1 : i32
      %add3A_136 = vector.broadcast %add3A_135 : i32 to vector<16xi32>
      %add3A_137 = arith.addi %and3A_61, %add3A_136 : vector<16xi32>
      %ge3A_138 = arith.constant 0 : i32
      %ge3A_139 = vector.broadcast %ge3A_138 : i32 to vector<16xi32>
      %ge3A_140 = arith.cmpi sge, %add3A_137, %ge3A_139 : vector<16xi32>
      %and3A_141 = arith.andi %and3A_69, %ge3A_140 : vector<16xi1>
      %lt3A_142 = arith.constant 512 : i32
      %lt3A_143 = vector.broadcast %lt3A_142 : i32 to vector<16xi32>
      %lt3A_144 = arith.cmpi slt, %add3A_137, %lt3A_143 : vector<16xi32>
      %and3A_145 = arith.andi %and3A_141, %lt3A_144 : vector<16xi1>
      %add3A_146 = arith.constant -1 : i32
      %add3A_147 = vector.broadcast %add3A_146 : i32 to vector<16xi32>
      %add3A_148 = arith.addi %sub3A_74, %add3A_147 : vector<16xi32>
      %ge3A_149 = arith.constant 0 : i32
      %ge3A_150 = vector.broadcast %ge3A_149 : i32 to vector<16xi32>
      %ge3A_151 = arith.cmpi sge, %add3A_148, %ge3A_150 : vector<16xi32>
      %and3A_152 = arith.andi %and3A_145, %ge3A_151 : vector<16xi1>
      %lt3A_153 = arith.constant 16384 : i32
      %lt3A_154 = vector.broadcast %lt3A_153 : i32 to vector<16xi32>
      %lt3A_155 = arith.cmpi slt, %add3A_148, %lt3A_154 : vector<16xi32>
      %and3A_156 = arith.andi %and3A_152, %lt3A_155 : vector<16xi1>
      %jit3A_157 = arith.constant 0 : i32
      %jit3A_158 = arith.constant 16383 : i32
      %max3A_159 = vector.broadcast %jit3A_157 : i32 to vector<16xi32>
      %max3A_160 = arith.maxsi %max3A_159, %add3A_148 : vector<16xi32>
      %min3A_161 = vector.broadcast %jit3A_158 : i32 to vector<16xi32>
      %min3A_162 = arith.minsi %min3A_161, %max3A_160 : vector<16xi32>
      %mul3A_163 = arith.constant 0.017578125 : f32
      %mul3A_164 = vector.broadcast %mul3A_163 : f32 to vector<16xf32>
      %mul3A_165 = arith.mulf %get3A_53, %mul3A_164 : vector<16xf32>
      tpu.vector_store_idx %arg9[%min3A_162], %mul3A_165 masked %and3A_156 {add = true} : memref<16384xf32, #tpu.memory_space<vmem>>[vector<16xi32>], vector<16xf32>, vector<16xi1>
      %add3A_166 = arith.constant 0 : i32
      %add3A_167 = vector.broadcast %add3A_166 : i32 to vector<16xi32>
      %add3A_168 = arith.addi %and3A_61, %add3A_167 : vector<16xi32>
      %ge3A_169 = arith.constant 0 : i32
      %ge3A_170 = vector.broadcast %ge3A_169 : i32 to vector<16xi32>
      %ge3A_171 = arith.cmpi sge, %add3A_168, %ge3A_170 : vector<16xi32>
      %and3A_172 = arith.andi %and3A_69, %ge3A_171 : vector<16xi1>
      %lt3A_173 = arith.constant 512 : i32
      %lt3A_174 = vector.broadcast %lt3A_173 : i32 to vector<16xi32>
      %lt3A_175 = arith.cmpi slt, %add3A_168, %lt3A_174 : vector<16xi32>
      %and3A_176 = arith.andi %and3A_172, %lt3A_175 : vector<16xi1>
      %add3A_177 = arith.constant 0 : i32
      %add3A_178 = vector.broadcast %add3A_177 : i32 to vector<16xi32>
      %add3A_179 = arith.addi %sub3A_74, %add3A_178 : vector<16xi32>
      %ge3A_180 = arith.constant 0 : i32
      %ge3A_181 = vector.broadcast %ge3A_180 : i32 to vector<16xi32>
      %ge3A_182 = arith.cmpi sge, %add3A_179, %ge3A_181 : vector<16xi32>
      %and3A_183 = arith.andi %and3A_176, %ge3A_182 : vector<16xi1>
      %lt3A_184 = arith.constant 16384 : i32
      %lt3A_185 = vector.broadcast %lt3A_184 : i32 to vector<16xi32>
      %lt3A_186 = arith.cmpi slt, %add3A_179, %lt3A_185 : vector<16xi32>
      %and3A_187 = arith.andi %and3A_183, %lt3A_186 : vector<16xi1>
      %jit3A_188 = arith.constant 0 : i32
      %jit3A_189 = arith.constant 16383 : i32
      %max3A_190 = vector.broadcast %jit3A_188 : i32 to vector<16xi32>
      %max3A_191 = arith.maxsi %max3A_190, %add3A_179 : vector<16xi32>
      %min3A_192 = vector.broadcast %jit3A_189 : i32 to vector<16xi32>
      %min3A_193 = arith.minsi %min3A_192, %max3A_191 : vector<16xi32>
      %mul3A_194 = arith.constant 0.0186767578 : f32
      %mul3A_195 = vector.broadcast %mul3A_194 : f32 to vector<16xf32>
      %mul3A_196 = arith.mulf %get3A_53, %mul3A_195 : vector<16xf32>
      tpu.vector_store_idx %arg9[%min3A_193], %mul3A_196 masked %and3A_187 {add = true} : memref<16384xf32, #tpu.memory_space<vmem>>[vector<16xi32>], vector<16xf32>, vector<16xi1>
      %add3A_197 = arith.constant 1 : i32
      %add3A_198 = vector.broadcast %add3A_197 : i32 to vector<16xi32>
      %add3A_199 = arith.addi %and3A_61, %add3A_198 : vector<16xi32>
      %ge3A_200 = arith.constant 0 : i32
      %ge3A_201 = vector.broadcast %ge3A_200 : i32 to vector<16xi32>
      %ge3A_202 = arith.cmpi sge, %add3A_199, %ge3A_201 : vector<16xi32>
      %and3A_203 = arith.andi %and3A_69, %ge3A_202 : vector<16xi1>
      %lt3A_204 = arith.constant 512 : i32
      %lt3A_205 = vector.broadcast %lt3A_204 : i32 to vector<16xi32>
      %lt3A_206 = arith.cmpi slt, %add3A_199, %lt3A_205 : vector<16xi32>
      %and3A_207 = arith.andi %and3A_203, %lt3A_206 : vector<16xi1>
      %add3A_208 = arith.constant 1 : i32
      %add3A_209 = vector.broadcast %add3A_208 : i32 to vector<16xi32>
      %add3A_210 = arith.addi %sub3A_74, %add3A_209 : vector<16xi32>
      %ge3A_211 = arith.constant 0 : i32
      %ge3A_212 = vector.broadcast %ge3A_211 : i32 to vector<16xi32>
      %ge3A_213 = arith.cmpi sge, %add3A_210, %ge3A_212 : vector<16xi32>
      %and3A_214 = arith.andi %and3A_207, %ge3A_213 : vector<16xi1>
      %lt3A_215 = arith.constant 16384 : i32
      %lt3A_216 = vector.broadcast %lt3A_215 : i32 to vector<16xi32>
      %lt3A_217 = arith.cmpi slt, %add3A_210, %lt3A_216 : vector<16xi32>
      %and3A_218 = arith.andi %and3A_214, %lt3A_217 : vector<16xi1>
      %jit3A_219 = arith.constant 0 : i32
      %jit3A_220 = arith.constant 16383 : i32
      %max3A_221 = vector.broadcast %jit3A_219 : i32 to vector<16xi32>
      %max3A_222 = arith.maxsi %max3A_221, %add3A_210 : vector<16xi32>
      %min3A_223 = vector.broadcast %jit3A_220 : i32 to vector<16xi32>
      %min3A_224 = arith.minsi %min3A_223, %max3A_222 : vector<16xi32>
      %mul3A_225 = arith.constant 0.017578125 : f32
      %mul3A_226 = vector.broadcast %mul3A_225 : f32 to vector<16xf32>
      %mul3A_227 = arith.mulf %get3A_53, %mul3A_226 : vector<16xf32>
      tpu.vector_store_idx %arg9[%min3A_224], %mul3A_227 masked %and3A_218 {add = true} : memref<16384xf32, #tpu.memory_space<vmem>>[vector<16xi32>], vector<16xf32>, vector<16xi1>
      %add3A_228 = arith.constant 2 : i32
      %add3A_229 = vector.broadcast %add3A_228 : i32 to vector<16xi32>
      %add3A_230 = arith.addi %and3A_61, %add3A_229 : vector<16xi32>
      %ge3A_231 = arith.constant 0 : i32
      %ge3A_232 = vector.broadcast %ge3A_231 : i32 to vector<16xi32>
      %ge3A_233 = arith.cmpi sge, %add3A_230, %ge3A_232 : vector<16xi32>
      %and3A_234 = arith.andi %and3A_69, %ge3A_233 : vector<16xi1>
      %lt3A_235 = arith.constant 512 : i32
      %lt3A_236 = vector.broadcast %lt3A_235 : i32 to vector<16xi32>
      %lt3A_237 = arith.cmpi slt, %add3A_230, %lt3A_236 : vector<16xi32>
      %and3A_238 = arith.andi %and3A_234, %lt3A_237 : vector<16xi1>
      %add3A_239 = arith.constant 2 : i32
      %add3A_240 = vector.broadcast %add3A_239 : i32 to vector<16xi32>
      %add3A_241 = arith.addi %sub3A_74, %add3A_240 : vector<16xi32>
      %ge3A_242 = arith.constant 0 : i32
      %ge3A_243 = vector.broadcast %ge3A_242 : i32 to vector<16xi32>
      %ge3A_244 = arith.cmpi sge, %add3A_241, %ge3A_243 : vector<16xi32>
      %and3A_245 = arith.andi %and3A_238, %ge3A_244 : vector<16xi1>
      %lt3A_246 = arith.constant 16384 : i32
      %lt3A_247 = vector.broadcast %lt3A_246 : i32 to vector<16xi32>
      %lt3A_248 = arith.cmpi slt, %add3A_241, %lt3A_247 : vector<16xi32>
      %and3A_249 = arith.andi %and3A_245, %lt3A_248 : vector<16xi1>
      %jit3A_250 = arith.constant 0 : i32
      %jit3A_251 = arith.constant 16383 : i32
      %max3A_252 = vector.broadcast %jit3A_250 : i32 to vector<16xi32>
      %max3A_253 = arith.maxsi %max3A_252, %add3A_241 : vector<16xi32>
      %min3A_254 = vector.broadcast %jit3A_251 : i32 to vector<16xi32>
      %min3A_255 = arith.minsi %min3A_254, %max3A_253 : vector<16xi32>
      %mul3A_256 = arith.constant 0.0148925781 : f32
      %mul3A_257 = vector.broadcast %mul3A_256 : f32 to vector<16xf32>
      %mul3A_258 = arith.mulf %get3A_53, %mul3A_257 : vector<16xf32>
      tpu.vector_store_idx %arg9[%min3A_255], %mul3A_258 masked %and3A_249 {add = true} : memref<16384xf32, #tpu.memory_space<vmem>>[vector<16xi32>], vector<16xf32>, vector<16xi1>
      %add3A_259 = arith.constant 3 : i32
      %add3A_260 = vector.broadcast %add3A_259 : i32 to vector<16xi32>
      %add3A_261 = arith.addi %and3A_61, %add3A_260 : vector<16xi32>
      %ge3A_262 = arith.constant 0 : i32
      %ge3A_263 = vector.broadcast %ge3A_262 : i32 to vector<16xi32>
      %ge3A_264 = arith.cmpi sge, %add3A_261, %ge3A_263 : vector<16xi32>
      %and3A_265 = arith.andi %and3A_69, %ge3A_264 : vector<16xi1>
      %lt3A_266 = arith.constant 512 : i32
      %lt3A_267 = vector.broadcast %lt3A_266 : i32 to vector<16xi32>
      %lt3A_268 = arith.cmpi slt, %add3A_261, %lt3A_267 : vector<16xi32>
      %and3A_269 = arith.andi %and3A_265, %lt3A_268 : vector<16xi1>
      %add3A_270 = arith.constant 3 : i32
      %add3A_271 = vector.broadcast %add3A_270 : i32 to vector<16xi32>
      %add3A_272 = arith.addi %sub3A_74, %add3A_271 : vector<16xi32>
      %ge3A_273 = arith.constant 0 : i32
      %ge3A_274 = vector.broadcast %ge3A_273 : i32 to vector<16xi32>
      %ge3A_275 = arith.cmpi sge, %add3A_272, %ge3A_274 : vector<16xi32>
      %and3A_276 = arith.andi %and3A_269, %ge3A_275 : vector<16xi1>
      %lt3A_277 = arith.constant 16384 : i32
      %lt3A_278 = vector.broadcast %lt3A_277 : i32 to vector<16xi32>
      %lt3A_279 = arith.cmpi slt, %add3A_272, %lt3A_278 : vector<16xi32>
      %and3A_280 = arith.andi %and3A_276, %lt3A_279 : vector<16xi1>
      %jit3A_281 = arith.constant 0 : i32
      %jit3A_282 = arith.constant 16383 : i32
      %max3A_283 = vector.broadcast %jit3A_281 : i32 to vector<16xi32>
      %max3A_284 = arith.maxsi %max3A_283, %add3A_272 : vector<16xi32>
      %min3A_285 = vector.broadcast %jit3A_282 : i32 to vector<16xi32>
      %min3A_286 = arith.minsi %min3A_285, %max3A_284 : vector<16xi32>
      %mul3A_287 = arith.constant 0.0112915039 : f32
      %mul3A_288 = vector.broadcast %mul3A_287 : f32 to vector<16xf32>
      %mul3A_289 = arith.mulf %get3A_53, %mul3A_288 : vector<16xf32>
      tpu.vector_store_idx %arg9[%min3A_286], %mul3A_289 masked %and3A_280 {add = true} : memref<16384xf32, #tpu.memory_space<vmem>>[vector<16xi32>], vector<16xf32>, vector<16xi1>
      %add3A_290 = arith.constant -2 : i32
      %add3A_291 = vector.broadcast %add3A_290 : i32 to vector<16xi32>
      %add3A_292 = arith.addi %shift_right_arithmetic3A_58, %add3A_291 : vector<16xi32>
      %ge3A_293 = arith.constant 0 : i32
      %ge3A_294 = vector.broadcast %ge3A_293 : i32 to vector<16xi32>
      %ge3A_295 = arith.cmpi sge, %add3A_292, %ge3A_294 : vector<16xi32>
      %lt3A_296 = arith.constant 512 : i32
      %lt3A_297 = vector.broadcast %lt3A_296 : i32 to vector<16xi32>
      %lt3A_298 = arith.cmpi slt, %add3A_292, %lt3A_297 : vector<16xi32>
      %and3A_299 = arith.andi %ge3A_295, %lt3A_298 : vector<16xi1>
      %add3A_300 = arith.constant -1024 : i32
      %add3A_301 = vector.broadcast %add3A_300 : i32 to vector<16xi32>
      %add3A_302 = arith.addi %get3A_49, %add3A_301 : vector<16xi32>
      %sub3A_303 = vector.broadcast %mul3A_2 : i32 to vector<16xi32>
      %sub3A_304 = arith.subi %add3A_302, %sub3A_303 : vector<16xi32>
      %add3A_305 = arith.constant -3 : i32
      %add3A_306 = vector.broadcast %add3A_305 : i32 to vector<16xi32>
      %add3A_307 = arith.addi %and3A_61, %add3A_306 : vector<16xi32>
      %ge3A_308 = arith.constant 0 : i32
      %ge3A_309 = vector.broadcast %ge3A_308 : i32 to vector<16xi32>
      %ge3A_310 = arith.cmpi sge, %add3A_307, %ge3A_309 : vector<16xi32>
      %and3A_311 = arith.andi %and3A_299, %ge3A_310 : vector<16xi1>
      %lt3A_312 = arith.constant 512 : i32
      %lt3A_313 = vector.broadcast %lt3A_312 : i32 to vector<16xi32>
      %lt3A_314 = arith.cmpi slt, %add3A_307, %lt3A_313 : vector<16xi32>
      %and3A_315 = arith.andi %and3A_311, %lt3A_314 : vector<16xi1>
      %add3A_316 = arith.constant -3 : i32
      %add3A_317 = vector.broadcast %add3A_316 : i32 to vector<16xi32>
      %add3A_318 = arith.addi %sub3A_304, %add3A_317 : vector<16xi32>
      %ge3A_319 = arith.constant 0 : i32
      %ge3A_320 = vector.broadcast %ge3A_319 : i32 to vector<16xi32>
      %ge3A_321 = arith.cmpi sge, %add3A_318, %ge3A_320 : vector<16xi32>
      %and3A_322 = arith.andi %and3A_315, %ge3A_321 : vector<16xi1>
      %lt3A_323 = arith.constant 16384 : i32
      %lt3A_324 = vector.broadcast %lt3A_323 : i32 to vector<16xi32>
      %lt3A_325 = arith.cmpi slt, %add3A_318, %lt3A_324 : vector<16xi32>
      %and3A_326 = arith.andi %and3A_322, %lt3A_325 : vector<16xi1>
      %jit3A_327 = arith.constant 0 : i32
      %jit3A_328 = arith.constant 16383 : i32
      %max3A_329 = vector.broadcast %jit3A_327 : i32 to vector<16xi32>
      %max3A_330 = arith.maxsi %max3A_329, %add3A_318 : vector<16xi32>
      %min3A_331 = vector.broadcast %jit3A_328 : i32 to vector<16xi32>
      %min3A_332 = arith.minsi %min3A_331, %max3A_330 : vector<16xi32>
      %mul3A_333 = arith.constant 0.0148925781 : f32
      %mul3A_334 = vector.broadcast %mul3A_333 : f32 to vector<16xf32>
      %mul3A_335 = arith.mulf %get3A_53, %mul3A_334 : vector<16xf32>
      tpu.vector_store_idx %arg9[%min3A_332], %mul3A_335 masked %and3A_326 {add = true} : memref<16384xf32, #tpu.memory_space<vmem>>[vector<16xi32>], vector<16xf32>, vector<16xi1>
      %add3A_336 = arith.constant -2 : i32
      %add3A_337 = vector.broadcast %add3A_336 : i32 to vector<16xi32>
      %add3A_338 = arith.addi %and3A_61, %add3A_337 : vector<16xi32>
      %ge3A_339 = arith.constant 0 : i32
      %ge3A_340 = vector.broadcast %ge3A_339 : i32 to vector<16xi32>
      %ge3A_341 = arith.cmpi sge, %add3A_338, %ge3A_340 : vector<16xi32>
      %and3A_342 = arith.andi %and3A_299, %ge3A_341 : vector<16xi1>
      %lt3A_343 = arith.constant 512 : i32
      %lt3A_344 = vector.broadcast %lt3A_343 : i32 to vector<16xi32>
      %lt3A_345 = arith.cmpi slt, %add3A_338, %lt3A_344 : vector<16xi32>
      %and3A_346 = arith.andi %and3A_342, %lt3A_345 : vector<16xi1>
      %add3A_347 = arith.constant -2 : i32
      %add3A_348 = vector.broadcast %add3A_347 : i32 to vector<16xi32>
      %add3A_349 = arith.addi %sub3A_304, %add3A_348 : vector<16xi32>
      %ge3A_350 = arith.constant 0 : i32
      %ge3A_351 = vector.broadcast %ge3A_350 : i32 to vector<16xi32>
      %ge3A_352 = arith.cmpi sge, %add3A_349, %ge3A_351 : vector<16xi32>
      %and3A_353 = arith.andi %and3A_346, %ge3A_352 : vector<16xi1>
      %lt3A_354 = arith.constant 16384 : i32
      %lt3A_355 = vector.broadcast %lt3A_354 : i32 to vector<16xi32>
      %lt3A_356 = arith.cmpi slt, %add3A_349, %lt3A_355 : vector<16xi32>
      %and3A_357 = arith.andi %and3A_353, %lt3A_356 : vector<16xi1>
      %jit3A_358 = arith.constant 0 : i32
      %jit3A_359 = arith.constant 16383 : i32
      %max3A_360 = vector.broadcast %jit3A_358 : i32 to vector<16xi32>
      %max3A_361 = arith.maxsi %max3A_360, %add3A_349 : vector<16xi32>
      %min3A_362 = vector.broadcast %jit3A_359 : i32 to vector<16xi32>
      %min3A_363 = arith.minsi %min3A_362, %max3A_361 : vector<16xi32>
      %mul3A_364 = arith.constant 0.0196533203 : f32
      %mul3A_365 = vector.broadcast %mul3A_364 : f32 to vector<16xf32>
      %mul3A_366 = arith.mulf %get3A_53, %mul3A_365 : vector<16xf32>
      tpu.vector_store_idx %arg9[%min3A_363], %mul3A_366 masked %and3A_357 {add = true} : memref<16384xf32, #tpu.memory_space<vmem>>[vector<16xi32>], vector<16xf32>, vector<16xi1>
      %add3A_367 = arith.constant -1 : i32
      %add3A_368 = vector.broadcast %add3A_367 : i32 to vector<16xi32>
      %add3A_369 = arith.addi %and3A_61, %add3A_368 : vector<16xi32>
      %ge3A_370 = arith.constant 0 : i32
      %ge3A_371 = vector.broadcast %ge3A_370 : i32 to vector<16xi32>
      %ge3A_372 = arith.cmpi sge, %add3A_369, %ge3A_371 : vector<16xi32>
      %and3A_373 = arith.andi %and3A_299, %ge3A_372 : vector<16xi1>
      %lt3A_374 = arith.constant 512 : i32
      %lt3A_375 = vector.broadcast %lt3A_374 : i32 to vector<16xi32>
      %lt3A_376 = arith.cmpi slt, %add3A_369, %lt3A_375 : vector<16xi32>
      %and3A_377 = arith.andi %and3A_373, %lt3A_376 : vector<16xi1>
      %add3A_378 = arith.constant -1 : i32
      %add3A_379 = vector.broadcast %add3A_378 : i32 to vector<16xi32>
      %add3A_380 = arith.addi %sub3A_304, %add3A_379 : vector<16xi32>
      %ge3A_381 = arith.constant 0 : i32
      %ge3A_382 = vector.broadcast %ge3A_381 : i32 to vector<16xi32>
      %ge3A_383 = arith.cmpi sge, %add3A_380, %ge3A_382 : vector<16xi32>
      %and3A_384 = arith.andi %and3A_377, %ge3A_383 : vector<16xi1>
      %lt3A_385 = arith.constant 16384 : i32
      %lt3A_386 = vector.broadcast %lt3A_385 : i32 to vector<16xi32>
      %lt3A_387 = arith.cmpi slt, %add3A_380, %lt3A_386 : vector<16xi32>
      %and3A_388 = arith.andi %and3A_384, %lt3A_387 : vector<16xi1>
      %jit3A_389 = arith.constant 0 : i32
      %jit3A_390 = arith.constant 16383 : i32
      %max3A_391 = vector.broadcast %jit3A_389 : i32 to vector<16xi32>
      %max3A_392 = arith.maxsi %max3A_391, %add3A_380 : vector<16xi32>
      %min3A_393 = vector.broadcast %jit3A_390 : i32 to vector<16xi32>
      %min3A_394 = arith.minsi %min3A_393, %max3A_392 : vector<16xi32>
      %mul3A_395 = arith.constant 0.0233154297 : f32
      %mul3A_396 = vector.broadcast %mul3A_395 : f32 to vector<16xf32>
      %mul3A_397 = arith.mulf %get3A_53, %mul3A_396 : vector<16xf32>
      tpu.vector_store_idx %arg9[%min3A_394], %mul3A_397 masked %and3A_388 {add = true} : memref<16384xf32, #tpu.memory_space<vmem>>[vector<16xi32>], vector<16xf32>, vector<16xi1>
      %add3A_398 = arith.constant 0 : i32
      %add3A_399 = vector.broadcast %add3A_398 : i32 to vector<16xi32>
      %add3A_400 = arith.addi %and3A_61, %add3A_399 : vector<16xi32>
      %ge3A_401 = arith.constant 0 : i32
      %ge3A_402 = vector.broadcast %ge3A_401 : i32 to vector<16xi32>
      %ge3A_403 = arith.cmpi sge, %add3A_400, %ge3A_402 : vector<16xi32>
      %and3A_404 = arith.andi %and3A_299, %ge3A_403 : vector<16xi1>
      %lt3A_405 = arith.constant 512 : i32
      %lt3A_406 = vector.broadcast %lt3A_405 : i32 to vector<16xi32>
      %lt3A_407 = arith.cmpi slt, %add3A_400, %lt3A_406 : vector<16xi32>
      %and3A_408 = arith.andi %and3A_404, %lt3A_407 : vector<16xi1>
      %add3A_409 = arith.constant 0 : i32
      %add3A_410 = vector.broadcast %add3A_409 : i32 to vector<16xi32>
      %add3A_411 = arith.addi %sub3A_304, %add3A_410 : vector<16xi32>
      %ge3A_412 = arith.constant 0 : i32
      %ge3A_413 = vector.broadcast %ge3A_412 : i32 to vector<16xi32>
      %ge3A_414 = arith.cmpi sge, %add3A_411, %ge3A_413 : vector<16xi32>
      %and3A_415 = arith.andi %and3A_408, %ge3A_414 : vector<16xi1>
      %lt3A_416 = arith.constant 16384 : i32
      %lt3A_417 = vector.broadcast %lt3A_416 : i32 to vector<16xi32>
      %lt3A_418 = arith.cmpi slt, %add3A_411, %lt3A_417 : vector<16xi32>
      %and3A_419 = arith.andi %and3A_415, %lt3A_418 : vector<16xi1>
      %jit3A_420 = arith.constant 0 : i32
      %jit3A_421 = arith.constant 16383 : i32
      %max3A_422 = vector.broadcast %jit3A_420 : i32 to vector<16xi32>
      %max3A_423 = arith.maxsi %max3A_422, %add3A_411 : vector<16xi32>
      %min3A_424 = vector.broadcast %jit3A_421 : i32 to vector<16xi32>
      %min3A_425 = arith.minsi %min3A_424, %max3A_423 : vector<16xi32>
      %mul3A_426 = arith.constant 0.0245361328 : f32
      %mul3A_427 = vector.broadcast %mul3A_426 : f32 to vector<16xf32>
      %mul3A_428 = arith.mulf %get3A_53, %mul3A_427 : vector<16xf32>
      tpu.vector_store_idx %arg9[%min3A_425], %mul3A_428 masked %and3A_419 {add = true} : memref<16384xf32, #tpu.memory_space<vmem>>[vector<16xi32>], vector<16xf32>, vector<16xi1>
      %add3A_429 = arith.constant 1 : i32
      %add3A_430 = vector.broadcast %add3A_429 : i32 to vector<16xi32>
      %add3A_431 = arith.addi %and3A_61, %add3A_430 : vector<16xi32>
      %ge3A_432 = arith.constant 0 : i32
      %ge3A_433 = vector.broadcast %ge3A_432 : i32 to vector<16xi32>
      %ge3A_434 = arith.cmpi sge, %add3A_431, %ge3A_433 : vector<16xi32>
      %and3A_435 = arith.andi %and3A_299, %ge3A_434 : vector<16xi1>
      %lt3A_436 = arith.constant 512 : i32
      %lt3A_437 = vector.broadcast %lt3A_436 : i32 to vector<16xi32>
      %lt3A_438 = arith.cmpi slt, %add3A_431, %lt3A_437 : vector<16xi32>
      %and3A_439 = arith.andi %and3A_435, %lt3A_438 : vector<16xi1>
      %add3A_440 = arith.constant 1 : i32
      %add3A_441 = vector.broadcast %add3A_440 : i32 to vector<16xi32>
      %add3A_442 = arith.addi %sub3A_304, %add3A_441 : vector<16xi32>
      %ge3A_443 = arith.constant 0 : i32
      %ge3A_444 = vector.broadcast %ge3A_443 : i32 to vector<16xi32>
      %ge3A_445 = arith.cmpi sge, %add3A_442, %ge3A_444 : vector<16xi32>
      %and3A_446 = arith.andi %and3A_439, %ge3A_445 : vector<16xi1>
      %lt3A_447 = arith.constant 16384 : i32
      %lt3A_448 = vector.broadcast %lt3A_447 : i32 to vector<16xi32>
      %lt3A_449 = arith.cmpi slt, %add3A_442, %lt3A_448 : vector<16xi32>
      %and3A_450 = arith.andi %and3A_446, %lt3A_449 : vector<16xi1>
      %jit3A_451 = arith.constant 0 : i32
      %jit3A_452 = arith.constant 16383 : i32
      %max3A_453 = vector.broadcast %jit3A_451 : i32 to vector<16xi32>
      %max3A_454 = arith.maxsi %max3A_453, %add3A_442 : vector<16xi32>
      %min3A_455 = vector.broadcast %jit3A_452 : i32 to vector<16xi32>
      %min3A_456 = arith.minsi %min3A_455, %max3A_454 : vector<16xi32>
      %mul3A_457 = arith.constant 0.0233154297 : f32
      %mul3A_458 = vector.broadcast %mul3A_457 : f32 to vector<16xf32>
      %mul3A_459 = arith.mulf %get3A_53, %mul3A_458 : vector<16xf32>
      tpu.vector_store_idx %arg9[%min3A_456], %mul3A_459 masked %and3A_450 {add = true} : memref<16384xf32, #tpu.memory_space<vmem>>[vector<16xi32>], vector<16xf32>, vector<16xi1>
      %add3A_460 = arith.constant 2 : i32
      %add3A_461 = vector.broadcast %add3A_460 : i32 to vector<16xi32>
      %add3A_462 = arith.addi %and3A_61, %add3A_461 : vector<16xi32>
      %ge3A_463 = arith.constant 0 : i32
      %ge3A_464 = vector.broadcast %ge3A_463 : i32 to vector<16xi32>
      %ge3A_465 = arith.cmpi sge, %add3A_462, %ge3A_464 : vector<16xi32>
      %and3A_466 = arith.andi %and3A_299, %ge3A_465 : vector<16xi1>
      %lt3A_467 = arith.constant 512 : i32
      %lt3A_468 = vector.broadcast %lt3A_467 : i32 to vector<16xi32>
      %lt3A_469 = arith.cmpi slt, %add3A_462, %lt3A_468 : vector<16xi32>
      %and3A_470 = arith.andi %and3A_466, %lt3A_469 : vector<16xi1>
      %add3A_471 = arith.constant 2 : i32
      %add3A_472 = vector.broadcast %add3A_471 : i32 to vector<16xi32>
      %add3A_473 = arith.addi %sub3A_304, %add3A_472 : vector<16xi32>
      %ge3A_474 = arith.constant 0 : i32
      %ge3A_475 = vector.broadcast %ge3A_474 : i32 to vector<16xi32>
      %ge3A_476 = arith.cmpi sge, %add3A_473, %ge3A_475 : vector<16xi32>
      %and3A_477 = arith.andi %and3A_470, %ge3A_476 : vector<16xi1>
      %lt3A_478 = arith.constant 16384 : i32
      %lt3A_479 = vector.broadcast %lt3A_478 : i32 to vector<16xi32>
      %lt3A_480 = arith.cmpi slt, %add3A_473, %lt3A_479 : vector<16xi32>
      %and3A_481 = arith.andi %and3A_477, %lt3A_480 : vector<16xi1>
      %jit3A_482 = arith.constant 0 : i32
      %jit3A_483 = arith.constant 16383 : i32
      %max3A_484 = vector.broadcast %jit3A_482 : i32 to vector<16xi32>
      %max3A_485 = arith.maxsi %max3A_484, %add3A_473 : vector<16xi32>
      %min3A_486 = vector.broadcast %jit3A_483 : i32 to vector<16xi32>
      %min3A_487 = arith.minsi %min3A_486, %max3A_485 : vector<16xi32>
      %mul3A_488 = arith.constant 0.0196533203 : f32
      %mul3A_489 = vector.broadcast %mul3A_488 : f32 to vector<16xf32>
      %mul3A_490 = arith.mulf %get3A_53, %mul3A_489 : vector<16xf32>
      tpu.vector_store_idx %arg9[%min3A_487], %mul3A_490 masked %and3A_481 {add = true} : memref<16384xf32, #tpu.memory_space<vmem>>[vector<16xi32>], vector<16xf32>, vector<16xi1>
      %add3A_491 = arith.constant 3 : i32
      %add3A_492 = vector.broadcast %add3A_491 : i32 to vector<16xi32>
      %add3A_493 = arith.addi %and3A_61, %add3A_492 : vector<16xi32>
      %ge3A_494 = arith.constant 0 : i32
      %ge3A_495 = vector.broadcast %ge3A_494 : i32 to vector<16xi32>
      %ge3A_496 = arith.cmpi sge, %add3A_493, %ge3A_495 : vector<16xi32>
      %and3A_497 = arith.andi %and3A_299, %ge3A_496 : vector<16xi1>
      %lt3A_498 = arith.constant 512 : i32
      %lt3A_499 = vector.broadcast %lt3A_498 : i32 to vector<16xi32>
      %lt3A_500 = arith.cmpi slt, %add3A_493, %lt3A_499 : vector<16xi32>
      %and3A_501 = arith.andi %and3A_497, %lt3A_500 : vector<16xi1>
      %add3A_502 = arith.constant 3 : i32
      %add3A_503 = vector.broadcast %add3A_502 : i32 to vector<16xi32>
      %add3A_504 = arith.addi %sub3A_304, %add3A_503 : vector<16xi32>
      %ge3A_505 = arith.constant 0 : i32
      %ge3A_506 = vector.broadcast %ge3A_505 : i32 to vector<16xi32>
      %ge3A_507 = arith.cmpi sge, %add3A_504, %ge3A_506 : vector<16xi32>
      %and3A_508 = arith.andi %and3A_501, %ge3A_507 : vector<16xi1>
      %lt3A_509 = arith.constant 16384 : i32
      %lt3A_510 = vector.broadcast %lt3A_509 : i32 to vector<16xi32>
      %lt3A_511 = arith.cmpi slt, %add3A_504, %lt3A_510 : vector<16xi32>
      %and3A_512 = arith.andi %and3A_508, %lt3A_511 : vector<16xi1>
      %jit3A_513 = arith.constant 0 : i32
      %jit3A_514 = arith.constant 16383 : i32
      %max3A_515 = vector.broadcast %jit3A_513 : i32 to vector<16xi32>
      %max3A_516 = arith.maxsi %max3A_515, %add3A_504 : vector<16xi32>
      %min3A_517 = vector.broadcast %jit3A_514 : i32 to vector<16xi32>
      %min3A_518 = arith.minsi %min3A_517, %max3A_516 : vector<16xi32>
      %mul3A_519 = arith.constant 0.0148925781 : f32
      %mul3A_520 = vector.broadcast %mul3A_519 : f32 to vector<16xf32>
      %mul3A_521 = arith.mulf %get3A_53, %mul3A_520 : vector<16xf32>
      tpu.vector_store_idx %arg9[%min3A_518], %mul3A_521 masked %and3A_512 {add = true} : memref<16384xf32, #tpu.memory_space<vmem>>[vector<16xi32>], vector<16xf32>, vector<16xi1>
      %add3A_522 = arith.constant -1 : i32
      %add3A_523 = vector.broadcast %add3A_522 : i32 to vector<16xi32>
      %add3A_524 = arith.addi %shift_right_arithmetic3A_58, %add3A_523 : vector<16xi32>
      %ge3A_525 = arith.constant 0 : i32
      %ge3A_526 = vector.broadcast %ge3A_525 : i32 to vector<16xi32>
      %ge3A_527 = arith.cmpi sge, %add3A_524, %ge3A_526 : vector<16xi32>
      %lt3A_528 = arith.constant 512 : i32
      %lt3A_529 = vector.broadcast %lt3A_528 : i32 to vector<16xi32>
      %lt3A_530 = arith.cmpi slt, %add3A_524, %lt3A_529 : vector<16xi32>
      %and3A_531 = arith.andi %ge3A_527, %lt3A_530 : vector<16xi1>
      %add3A_532 = arith.constant -512 : i32
      %add3A_533 = vector.broadcast %add3A_532 : i32 to vector<16xi32>
      %add3A_534 = arith.addi %get3A_49, %add3A_533 : vector<16xi32>
      %sub3A_535 = vector.broadcast %mul3A_2 : i32 to vector<16xi32>
      %sub3A_536 = arith.subi %add3A_534, %sub3A_535 : vector<16xi32>
      %add3A_537 = arith.constant -3 : i32
      %add3A_538 = vector.broadcast %add3A_537 : i32 to vector<16xi32>
      %add3A_539 = arith.addi %and3A_61, %add3A_538 : vector<16xi32>
      %ge3A_540 = arith.constant 0 : i32
      %ge3A_541 = vector.broadcast %ge3A_540 : i32 to vector<16xi32>
      %ge3A_542 = arith.cmpi sge, %add3A_539, %ge3A_541 : vector<16xi32>
      %and3A_543 = arith.andi %and3A_531, %ge3A_542 : vector<16xi1>
      %lt3A_544 = arith.constant 512 : i32
      %lt3A_545 = vector.broadcast %lt3A_544 : i32 to vector<16xi32>
      %lt3A_546 = arith.cmpi slt, %add3A_539, %lt3A_545 : vector<16xi32>
      %and3A_547 = arith.andi %and3A_543, %lt3A_546 : vector<16xi1>
      %add3A_548 = arith.constant -3 : i32
      %add3A_549 = vector.broadcast %add3A_548 : i32 to vector<16xi32>
      %add3A_550 = arith.addi %sub3A_536, %add3A_549 : vector<16xi32>
      %ge3A_551 = arith.constant 0 : i32
      %ge3A_552 = vector.broadcast %ge3A_551 : i32 to vector<16xi32>
      %ge3A_553 = arith.cmpi sge, %add3A_550, %ge3A_552 : vector<16xi32>
      %and3A_554 = arith.andi %and3A_547, %ge3A_553 : vector<16xi1>
      %lt3A_555 = arith.constant 16384 : i32
      %lt3A_556 = vector.broadcast %lt3A_555 : i32 to vector<16xi32>
      %lt3A_557 = arith.cmpi slt, %add3A_550, %lt3A_556 : vector<16xi32>
      %and3A_558 = arith.andi %and3A_554, %lt3A_557 : vector<16xi1>
      %jit3A_559 = arith.constant 0 : i32
      %jit3A_560 = arith.constant 16383 : i32
      %max3A_561 = vector.broadcast %jit3A_559 : i32 to vector<16xi32>
      %max3A_562 = arith.maxsi %max3A_561, %add3A_550 : vector<16xi32>
      %min3A_563 = vector.broadcast %jit3A_560 : i32 to vector<16xi32>
      %min3A_564 = arith.minsi %min3A_563, %max3A_562 : vector<16xi32>
      %mul3A_565 = arith.constant 0.017578125 : f32
      %mul3A_566 = vector.broadcast %mul3A_565 : f32 to vector<16xf32>
      %mul3A_567 = arith.mulf %get3A_53, %mul3A_566 : vector<16xf32>
      tpu.vector_store_idx %arg9[%min3A_564], %mul3A_567 masked %and3A_558 {add = true} : memref<16384xf32, #tpu.memory_space<vmem>>[vector<16xi32>], vector<16xf32>, vector<16xi1>
      %add3A_568 = arith.constant -2 : i32
      %add3A_569 = vector.broadcast %add3A_568 : i32 to vector<16xi32>
      %add3A_570 = arith.addi %and3A_61, %add3A_569 : vector<16xi32>
      %ge3A_571 = arith.constant 0 : i32
      %ge3A_572 = vector.broadcast %ge3A_571 : i32 to vector<16xi32>
      %ge3A_573 = arith.cmpi sge, %add3A_570, %ge3A_572 : vector<16xi32>
      %and3A_574 = arith.andi %and3A_531, %ge3A_573 : vector<16xi1>
      %lt3A_575 = arith.constant 512 : i32
      %lt3A_576 = vector.broadcast %lt3A_575 : i32 to vector<16xi32>
      %lt3A_577 = arith.cmpi slt, %add3A_570, %lt3A_576 : vector<16xi32>
      %and3A_578 = arith.andi %and3A_574, %lt3A_577 : vector<16xi1>
      %add3A_579 = arith.constant -2 : i32
      %add3A_580 = vector.broadcast %add3A_579 : i32 to vector<16xi32>
      %add3A_581 = arith.addi %sub3A_536, %add3A_580 : vector<16xi32>
      %ge3A_582 = arith.constant 0 : i32
      %ge3A_583 = vector.broadcast %ge3A_582 : i32 to vector<16xi32>
      %ge3A_584 = arith.cmpi sge, %add3A_581, %ge3A_583 : vector<16xi32>
      %and3A_585 = arith.andi %and3A_578, %ge3A_584 : vector<16xi1>
      %lt3A_586 = arith.constant 16384 : i32
      %lt3A_587 = vector.broadcast %lt3A_586 : i32 to vector<16xi32>
      %lt3A_588 = arith.cmpi slt, %add3A_581, %lt3A_587 : vector<16xi32>
      %and3A_589 = arith.andi %and3A_585, %lt3A_588 : vector<16xi1>
      %jit3A_590 = arith.constant 0 : i32
      %jit3A_591 = arith.constant 16383 : i32
      %max3A_592 = vector.broadcast %jit3A_590 : i32 to vector<16xi32>
      %max3A_593 = arith.maxsi %max3A_592, %add3A_581 : vector<16xi32>
      %min3A_594 = vector.broadcast %jit3A_591 : i32 to vector<16xi32>
      %min3A_595 = arith.minsi %min3A_594, %max3A_593 : vector<16xi32>
      %mul3A_596 = arith.constant 0.0233154297 : f32
      %mul3A_597 = vector.broadcast %mul3A_596 : f32 to vector<16xf32>
      %mul3A_598 = arith.mulf %get3A_53, %mul3A_597 : vector<16xf32>
      tpu.vector_store_idx %arg9[%min3A_595], %mul3A_598 masked %and3A_589 {add = true} : memref<16384xf32, #tpu.memory_space<vmem>>[vector<16xi32>], vector<16xf32>, vector<16xi1>
      %add3A_599 = arith.constant -1 : i32
      %add3A_600 = vector.broadcast %add3A_599 : i32 to vector<16xi32>
      %add3A_601 = arith.addi %and3A_61, %add3A_600 : vector<16xi32>
      %ge3A_602 = arith.constant 0 : i32
      %ge3A_603 = vector.broadcast %ge3A_602 : i32 to vector<16xi32>
      %ge3A_604 = arith.cmpi sge, %add3A_601, %ge3A_603 : vector<16xi32>
      %and3A_605 = arith.andi %and3A_531, %ge3A_604 : vector<16xi1>
      %lt3A_606 = arith.constant 512 : i32
      %lt3A_607 = vector.broadcast %lt3A_606 : i32 to vector<16xi32>
      %lt3A_608 = arith.cmpi slt, %add3A_601, %lt3A_607 : vector<16xi32>
      %and3A_609 = arith.andi %and3A_605, %lt3A_608 : vector<16xi1>
      %add3A_610 = arith.constant -1 : i32
      %add3A_611 = vector.broadcast %add3A_610 : i32 to vector<16xi32>
      %add3A_612 = arith.addi %sub3A_536, %add3A_611 : vector<16xi32>
      %ge3A_613 = arith.constant 0 : i32
      %ge3A_614 = vector.broadcast %ge3A_613 : i32 to vector<16xi32>
      %ge3A_615 = arith.cmpi sge, %add3A_612, %ge3A_614 : vector<16xi32>
      %and3A_616 = arith.andi %and3A_609, %ge3A_615 : vector<16xi1>
      %lt3A_617 = arith.constant 16384 : i32
      %lt3A_618 = vector.broadcast %lt3A_617 : i32 to vector<16xi32>
      %lt3A_619 = arith.cmpi slt, %add3A_612, %lt3A_618 : vector<16xi32>
      %and3A_620 = arith.andi %and3A_616, %lt3A_619 : vector<16xi1>
      %jit3A_621 = arith.constant 0 : i32
      %jit3A_622 = arith.constant 16383 : i32
      %max3A_623 = vector.broadcast %jit3A_621 : i32 to vector<16xi32>
      %max3A_624 = arith.maxsi %max3A_623, %add3A_612 : vector<16xi32>
      %min3A_625 = vector.broadcast %jit3A_622 : i32 to vector<16xi32>
      %min3A_626 = arith.minsi %min3A_625, %max3A_624 : vector<16xi32>
      %mul3A_627 = arith.constant 0.0274658203 : f32
      %mul3A_628 = vector.broadcast %mul3A_627 : f32 to vector<16xf32>
      %mul3A_629 = arith.mulf %get3A_53, %mul3A_628 : vector<16xf32>
      tpu.vector_store_idx %arg9[%min3A_626], %mul3A_629 masked %and3A_620 {add = true} : memref<16384xf32, #tpu.memory_space<vmem>>[vector<16xi32>], vector<16xf32>, vector<16xi1>
      %add3A_630 = arith.constant 0 : i32
      %add3A_631 = vector.broadcast %add3A_630 : i32 to vector<16xi32>
      %add3A_632 = arith.addi %and3A_61, %add3A_631 : vector<16xi32>
      %ge3A_633 = arith.constant 0 : i32
      %ge3A_634 = vector.broadcast %ge3A_633 : i32 to vector<16xi32>
      %ge3A_635 = arith.cmpi sge, %add3A_632, %ge3A_634 : vector<16xi32>
      %and3A_636 = arith.andi %and3A_531, %ge3A_635 : vector<16xi1>
      %lt3A_637 = arith.constant 512 : i32
      %lt3A_638 = vector.broadcast %lt3A_637 : i32 to vector<16xi32>
      %lt3A_639 = arith.cmpi slt, %add3A_632, %lt3A_638 : vector<16xi32>
      %and3A_640 = arith.andi %and3A_636, %lt3A_639 : vector<16xi1>
      %add3A_641 = arith.constant 0 : i32
      %add3A_642 = vector.broadcast %add3A_641 : i32 to vector<16xi32>
      %add3A_643 = arith.addi %sub3A_536, %add3A_642 : vector<16xi32>
      %ge3A_644 = arith.constant 0 : i32
      %ge3A_645 = vector.broadcast %ge3A_644 : i32 to vector<16xi32>
      %ge3A_646 = arith.cmpi sge, %add3A_643, %ge3A_645 : vector<16xi32>
      %and3A_647 = arith.andi %and3A_640, %ge3A_646 : vector<16xi1>
      %lt3A_648 = arith.constant 16384 : i32
      %lt3A_649 = vector.broadcast %lt3A_648 : i32 to vector<16xi32>
      %lt3A_650 = arith.cmpi slt, %add3A_643, %lt3A_649 : vector<16xi32>
      %and3A_651 = arith.andi %and3A_647, %lt3A_650 : vector<16xi1>
      %jit3A_652 = arith.constant 0 : i32
      %jit3A_653 = arith.constant 16383 : i32
      %max3A_654 = vector.broadcast %jit3A_652 : i32 to vector<16xi32>
      %max3A_655 = arith.maxsi %max3A_654, %add3A_643 : vector<16xi32>
      %min3A_656 = vector.broadcast %jit3A_653 : i32 to vector<16xi32>
      %min3A_657 = arith.minsi %min3A_656, %max3A_655 : vector<16xi32>
      %mul3A_658 = arith.constant 0.0290527344 : f32
      %mul3A_659 = vector.broadcast %mul3A_658 : f32 to vector<16xf32>
      %mul3A_660 = arith.mulf %get3A_53, %mul3A_659 : vector<16xf32>
      tpu.vector_store_idx %arg9[%min3A_657], %mul3A_660 masked %and3A_651 {add = true} : memref<16384xf32, #tpu.memory_space<vmem>>[vector<16xi32>], vector<16xf32>, vector<16xi1>
      %add3A_661 = arith.constant 1 : i32
      %add3A_662 = vector.broadcast %add3A_661 : i32 to vector<16xi32>
      %add3A_663 = arith.addi %and3A_61, %add3A_662 : vector<16xi32>
      %ge3A_664 = arith.constant 0 : i32
      %ge3A_665 = vector.broadcast %ge3A_664 : i32 to vector<16xi32>
      %ge3A_666 = arith.cmpi sge, %add3A_663, %ge3A_665 : vector<16xi32>
      %and3A_667 = arith.andi %and3A_531, %ge3A_666 : vector<16xi1>
      %lt3A_668 = arith.constant 512 : i32
      %lt3A_669 = vector.broadcast %lt3A_668 : i32 to vector<16xi32>
      %lt3A_670 = arith.cmpi slt, %add3A_663, %lt3A_669 : vector<16xi32>
      %and3A_671 = arith.andi %and3A_667, %lt3A_670 : vector<16xi1>
      %add3A_672 = arith.constant 1 : i32
      %add3A_673 = vector.broadcast %add3A_672 : i32 to vector<16xi32>
      %add3A_674 = arith.addi %sub3A_536, %add3A_673 : vector<16xi32>
      %ge3A_675 = arith.constant 0 : i32
      %ge3A_676 = vector.broadcast %ge3A_675 : i32 to vector<16xi32>
      %ge3A_677 = arith.cmpi sge, %add3A_674, %ge3A_676 : vector<16xi32>
      %and3A_678 = arith.andi %and3A_671, %ge3A_677 : vector<16xi1>
      %lt3A_679 = arith.constant 16384 : i32
      %lt3A_680 = vector.broadcast %lt3A_679 : i32 to vector<16xi32>
      %lt3A_681 = arith.cmpi slt, %add3A_674, %lt3A_680 : vector<16xi32>
      %and3A_682 = arith.andi %and3A_678, %lt3A_681 : vector<16xi1>
      %jit3A_683 = arith.constant 0 : i32
      %jit3A_684 = arith.constant 16383 : i32
      %max3A_685 = vector.broadcast %jit3A_683 : i32 to vector<16xi32>
      %max3A_686 = arith.maxsi %max3A_685, %add3A_674 : vector<16xi32>
      %min3A_687 = vector.broadcast %jit3A_684 : i32 to vector<16xi32>
      %min3A_688 = arith.minsi %min3A_687, %max3A_686 : vector<16xi32>
      %mul3A_689 = arith.constant 0.0274658203 : f32
      %mul3A_690 = vector.broadcast %mul3A_689 : f32 to vector<16xf32>
      %mul3A_691 = arith.mulf %get3A_53, %mul3A_690 : vector<16xf32>
      tpu.vector_store_idx %arg9[%min3A_688], %mul3A_691 masked %and3A_682 {add = true} : memref<16384xf32, #tpu.memory_space<vmem>>[vector<16xi32>], vector<16xf32>, vector<16xi1>
      %add3A_692 = arith.constant 2 : i32
      %add3A_693 = vector.broadcast %add3A_692 : i32 to vector<16xi32>
      %add3A_694 = arith.addi %and3A_61, %add3A_693 : vector<16xi32>
      %ge3A_695 = arith.constant 0 : i32
      %ge3A_696 = vector.broadcast %ge3A_695 : i32 to vector<16xi32>
      %ge3A_697 = arith.cmpi sge, %add3A_694, %ge3A_696 : vector<16xi32>
      %and3A_698 = arith.andi %and3A_531, %ge3A_697 : vector<16xi1>
      %lt3A_699 = arith.constant 512 : i32
      %lt3A_700 = vector.broadcast %lt3A_699 : i32 to vector<16xi32>
      %lt3A_701 = arith.cmpi slt, %add3A_694, %lt3A_700 : vector<16xi32>
      %and3A_702 = arith.andi %and3A_698, %lt3A_701 : vector<16xi1>
      %add3A_703 = arith.constant 2 : i32
      %add3A_704 = vector.broadcast %add3A_703 : i32 to vector<16xi32>
      %add3A_705 = arith.addi %sub3A_536, %add3A_704 : vector<16xi32>
      %ge3A_706 = arith.constant 0 : i32
      %ge3A_707 = vector.broadcast %ge3A_706 : i32 to vector<16xi32>
      %ge3A_708 = arith.cmpi sge, %add3A_705, %ge3A_707 : vector<16xi32>
      %and3A_709 = arith.andi %and3A_702, %ge3A_708 : vector<16xi1>
      %lt3A_710 = arith.constant 16384 : i32
      %lt3A_711 = vector.broadcast %lt3A_710 : i32 to vector<16xi32>
      %lt3A_712 = arith.cmpi slt, %add3A_705, %lt3A_711 : vector<16xi32>
      %and3A_713 = arith.andi %and3A_709, %lt3A_712 : vector<16xi1>
      %jit3A_714 = arith.constant 0 : i32
      %jit3A_715 = arith.constant 16383 : i32
      %max3A_716 = vector.broadcast %jit3A_714 : i32 to vector<16xi32>
      %max3A_717 = arith.maxsi %max3A_716, %add3A_705 : vector<16xi32>
      %min3A_718 = vector.broadcast %jit3A_715 : i32 to vector<16xi32>
      %min3A_719 = arith.minsi %min3A_718, %max3A_717 : vector<16xi32>
      %mul3A_720 = arith.constant 0.0233154297 : f32
      %mul3A_721 = vector.broadcast %mul3A_720 : f32 to vector<16xf32>
      %mul3A_722 = arith.mulf %get3A_53, %mul3A_721 : vector<16xf32>
      tpu.vector_store_idx %arg9[%min3A_719], %mul3A_722 masked %and3A_713 {add = true} : memref<16384xf32, #tpu.memory_space<vmem>>[vector<16xi32>], vector<16xf32>, vector<16xi1>
      %add3A_723 = arith.constant 3 : i32
      %add3A_724 = vector.broadcast %add3A_723 : i32 to vector<16xi32>
      %add3A_725 = arith.addi %and3A_61, %add3A_724 : vector<16xi32>
      %ge3A_726 = arith.constant 0 : i32
      %ge3A_727 = vector.broadcast %ge3A_726 : i32 to vector<16xi32>
      %ge3A_728 = arith.cmpi sge, %add3A_725, %ge3A_727 : vector<16xi32>
      %and3A_729 = arith.andi %and3A_531, %ge3A_728 : vector<16xi1>
      %lt3A_730 = arith.constant 512 : i32
      %lt3A_731 = vector.broadcast %lt3A_730 : i32 to vector<16xi32>
      %lt3A_732 = arith.cmpi slt, %add3A_725, %lt3A_731 : vector<16xi32>
      %and3A_733 = arith.andi %and3A_729, %lt3A_732 : vector<16xi1>
      %add3A_734 = arith.constant 3 : i32
      %add3A_735 = vector.broadcast %add3A_734 : i32 to vector<16xi32>
      %add3A_736 = arith.addi %sub3A_536, %add3A_735 : vector<16xi32>
      %ge3A_737 = arith.constant 0 : i32
      %ge3A_738 = vector.broadcast %ge3A_737 : i32 to vector<16xi32>
      %ge3A_739 = arith.cmpi sge, %add3A_736, %ge3A_738 : vector<16xi32>
      %and3A_740 = arith.andi %and3A_733, %ge3A_739 : vector<16xi1>
      %lt3A_741 = arith.constant 16384 : i32
      %lt3A_742 = vector.broadcast %lt3A_741 : i32 to vector<16xi32>
      %lt3A_743 = arith.cmpi slt, %add3A_736, %lt3A_742 : vector<16xi32>
      %and3A_744 = arith.andi %and3A_740, %lt3A_743 : vector<16xi1>
      %jit3A_745 = arith.constant 0 : i32
      %jit3A_746 = arith.constant 16383 : i32
      %max3A_747 = vector.broadcast %jit3A_745 : i32 to vector<16xi32>
      %max3A_748 = arith.maxsi %max3A_747, %add3A_736 : vector<16xi32>
      %min3A_749 = vector.broadcast %jit3A_746 : i32 to vector<16xi32>
      %min3A_750 = arith.minsi %min3A_749, %max3A_748 : vector<16xi32>
      %mul3A_751 = arith.constant 0.017578125 : f32
      %mul3A_752 = vector.broadcast %mul3A_751 : f32 to vector<16xf32>
      %mul3A_753 = arith.mulf %get3A_53, %mul3A_752 : vector<16xf32>
      tpu.vector_store_idx %arg9[%min3A_750], %mul3A_753 masked %and3A_744 {add = true} : memref<16384xf32, #tpu.memory_space<vmem>>[vector<16xi32>], vector<16xf32>, vector<16xi1>
      %add3A_754 = arith.constant 0 : i32
      %add3A_755 = vector.broadcast %add3A_754 : i32 to vector<16xi32>
      %add3A_756 = arith.addi %shift_right_arithmetic3A_58, %add3A_755 : vector<16xi32>
      %ge3A_757 = arith.constant 0 : i32
      %ge3A_758 = vector.broadcast %ge3A_757 : i32 to vector<16xi32>
      %ge3A_759 = arith.cmpi sge, %add3A_756, %ge3A_758 : vector<16xi32>
      %lt3A_760 = arith.constant 512 : i32
      %lt3A_761 = vector.broadcast %lt3A_760 : i32 to vector<16xi32>
      %lt3A_762 = arith.cmpi slt, %add3A_756, %lt3A_761 : vector<16xi32>
      %and3A_763 = arith.andi %ge3A_759, %lt3A_762 : vector<16xi1>
      %add3A_764 = arith.constant 0 : i32
      %add3A_765 = vector.broadcast %add3A_764 : i32 to vector<16xi32>
      %add3A_766 = arith.addi %get3A_49, %add3A_765 : vector<16xi32>
      %sub3A_767 = vector.broadcast %mul3A_2 : i32 to vector<16xi32>
      %sub3A_768 = arith.subi %add3A_766, %sub3A_767 : vector<16xi32>
      %add3A_769 = arith.constant -3 : i32
      %add3A_770 = vector.broadcast %add3A_769 : i32 to vector<16xi32>
      %add3A_771 = arith.addi %and3A_61, %add3A_770 : vector<16xi32>
      %ge3A_772 = arith.constant 0 : i32
      %ge3A_773 = vector.broadcast %ge3A_772 : i32 to vector<16xi32>
      %ge3A_774 = arith.cmpi sge, %add3A_771, %ge3A_773 : vector<16xi32>
      %and3A_775 = arith.andi %and3A_763, %ge3A_774 : vector<16xi1>
      %lt3A_776 = arith.constant 512 : i32
      %lt3A_777 = vector.broadcast %lt3A_776 : i32 to vector<16xi32>
      %lt3A_778 = arith.cmpi slt, %add3A_771, %lt3A_777 : vector<16xi32>
      %and3A_779 = arith.andi %and3A_775, %lt3A_778 : vector<16xi1>
      %add3A_780 = arith.constant -3 : i32
      %add3A_781 = vector.broadcast %add3A_780 : i32 to vector<16xi32>
      %add3A_782 = arith.addi %sub3A_768, %add3A_781 : vector<16xi32>
      %ge3A_783 = arith.constant 0 : i32
      %ge3A_784 = vector.broadcast %ge3A_783 : i32 to vector<16xi32>
      %ge3A_785 = arith.cmpi sge, %add3A_782, %ge3A_784 : vector<16xi32>
      %and3A_786 = arith.andi %and3A_779, %ge3A_785 : vector<16xi1>
      %lt3A_787 = arith.constant 16384 : i32
      %lt3A_788 = vector.broadcast %lt3A_787 : i32 to vector<16xi32>
      %lt3A_789 = arith.cmpi slt, %add3A_782, %lt3A_788 : vector<16xi32>
      %and3A_790 = arith.andi %and3A_786, %lt3A_789 : vector<16xi1>
      %jit3A_791 = arith.constant 0 : i32
      %jit3A_792 = arith.constant 16383 : i32
      %max3A_793 = vector.broadcast %jit3A_791 : i32 to vector<16xi32>
      %max3A_794 = arith.maxsi %max3A_793, %add3A_782 : vector<16xi32>
      %min3A_795 = vector.broadcast %jit3A_792 : i32 to vector<16xi32>
      %min3A_796 = arith.minsi %min3A_795, %max3A_794 : vector<16xi32>
      %mul3A_797 = arith.constant 0.0186767578 : f32
      %mul3A_798 = vector.broadcast %mul3A_797 : f32 to vector<16xf32>
      %mul3A_799 = arith.mulf %get3A_53, %mul3A_798 : vector<16xf32>
      tpu.vector_store_idx %arg9[%min3A_796], %mul3A_799 masked %and3A_790 {add = true} : memref<16384xf32, #tpu.memory_space<vmem>>[vector<16xi32>], vector<16xf32>, vector<16xi1>
      %add3A_800 = arith.constant -2 : i32
      %add3A_801 = vector.broadcast %add3A_800 : i32 to vector<16xi32>
      %add3A_802 = arith.addi %and3A_61, %add3A_801 : vector<16xi32>
      %ge3A_803 = arith.constant 0 : i32
      %ge3A_804 = vector.broadcast %ge3A_803 : i32 to vector<16xi32>
      %ge3A_805 = arith.cmpi sge, %add3A_802, %ge3A_804 : vector<16xi32>
      %and3A_806 = arith.andi %and3A_763, %ge3A_805 : vector<16xi1>
      %lt3A_807 = arith.constant 512 : i32
      %lt3A_808 = vector.broadcast %lt3A_807 : i32 to vector<16xi32>
      %lt3A_809 = arith.cmpi slt, %add3A_802, %lt3A_808 : vector<16xi32>
      %and3A_810 = arith.andi %and3A_806, %lt3A_809 : vector<16xi1>
      %add3A_811 = arith.constant -2 : i32
      %add3A_812 = vector.broadcast %add3A_811 : i32 to vector<16xi32>
      %add3A_813 = arith.addi %sub3A_768, %add3A_812 : vector<16xi32>
      %ge3A_814 = arith.constant 0 : i32
      %ge3A_815 = vector.broadcast %ge3A_814 : i32 to vector<16xi32>
      %ge3A_816 = arith.cmpi sge, %add3A_813, %ge3A_815 : vector<16xi32>
      %and3A_817 = arith.andi %and3A_810, %ge3A_816 : vector<16xi1>
      %lt3A_818 = arith.constant 16384 : i32
      %lt3A_819 = vector.broadcast %lt3A_818 : i32 to vector<16xi32>
      %lt3A_820 = arith.cmpi slt, %add3A_813, %lt3A_819 : vector<16xi32>
      %and3A_821 = arith.andi %and3A_817, %lt3A_820 : vector<16xi1>
      %jit3A_822 = arith.constant 0 : i32
      %jit3A_823 = arith.constant 16383 : i32
      %max3A_824 = vector.broadcast %jit3A_822 : i32 to vector<16xi32>
      %max3A_825 = arith.maxsi %max3A_824, %add3A_813 : vector<16xi32>
      %min3A_826 = vector.broadcast %jit3A_823 : i32 to vector<16xi32>
      %min3A_827 = arith.minsi %min3A_826, %max3A_825 : vector<16xi32>
      %mul3A_828 = arith.constant 0.0245361328 : f32
      %mul3A_829 = vector.broadcast %mul3A_828 : f32 to vector<16xf32>
      %mul3A_830 = arith.mulf %get3A_53, %mul3A_829 : vector<16xf32>
      tpu.vector_store_idx %arg9[%min3A_827], %mul3A_830 masked %and3A_821 {add = true} : memref<16384xf32, #tpu.memory_space<vmem>>[vector<16xi32>], vector<16xf32>, vector<16xi1>
      %add3A_831 = arith.constant -1 : i32
      %add3A_832 = vector.broadcast %add3A_831 : i32 to vector<16xi32>
      %add3A_833 = arith.addi %and3A_61, %add3A_832 : vector<16xi32>
      %ge3A_834 = arith.constant 0 : i32
      %ge3A_835 = vector.broadcast %ge3A_834 : i32 to vector<16xi32>
      %ge3A_836 = arith.cmpi sge, %add3A_833, %ge3A_835 : vector<16xi32>
      %and3A_837 = arith.andi %and3A_763, %ge3A_836 : vector<16xi1>
      %lt3A_838 = arith.constant 512 : i32
      %lt3A_839 = vector.broadcast %lt3A_838 : i32 to vector<16xi32>
      %lt3A_840 = arith.cmpi slt, %add3A_833, %lt3A_839 : vector<16xi32>
      %and3A_841 = arith.andi %and3A_837, %lt3A_840 : vector<16xi1>
      %add3A_842 = arith.constant -1 : i32
      %add3A_843 = vector.broadcast %add3A_842 : i32 to vector<16xi32>
      %add3A_844 = arith.addi %sub3A_768, %add3A_843 : vector<16xi32>
      %ge3A_845 = arith.constant 0 : i32
      %ge3A_846 = vector.broadcast %ge3A_845 : i32 to vector<16xi32>
      %ge3A_847 = arith.cmpi sge, %add3A_844, %ge3A_846 : vector<16xi32>
      %and3A_848 = arith.andi %and3A_841, %ge3A_847 : vector<16xi1>
      %lt3A_849 = arith.constant 16384 : i32
      %lt3A_850 = vector.broadcast %lt3A_849 : i32 to vector<16xi32>
      %lt3A_851 = arith.cmpi slt, %add3A_844, %lt3A_850 : vector<16xi32>
      %and3A_852 = arith.andi %and3A_848, %lt3A_851 : vector<16xi1>
      %jit3A_853 = arith.constant 0 : i32
      %jit3A_854 = arith.constant 16383 : i32
      %max3A_855 = vector.broadcast %jit3A_853 : i32 to vector<16xi32>
      %max3A_856 = arith.maxsi %max3A_855, %add3A_844 : vector<16xi32>
      %min3A_857 = vector.broadcast %jit3A_854 : i32 to vector<16xi32>
      %min3A_858 = arith.minsi %min3A_857, %max3A_856 : vector<16xi32>
      %mul3A_859 = arith.constant 0.0290527344 : f32
      %mul3A_860 = vector.broadcast %mul3A_859 : f32 to vector<16xf32>
      %mul3A_861 = arith.mulf %get3A_53, %mul3A_860 : vector<16xf32>
      tpu.vector_store_idx %arg9[%min3A_858], %mul3A_861 masked %and3A_852 {add = true} : memref<16384xf32, #tpu.memory_space<vmem>>[vector<16xi32>], vector<16xf32>, vector<16xi1>
      %add3A_862 = arith.constant 0 : i32
      %add3A_863 = vector.broadcast %add3A_862 : i32 to vector<16xi32>
      %add3A_864 = arith.addi %and3A_61, %add3A_863 : vector<16xi32>
      %ge3A_865 = arith.constant 0 : i32
      %ge3A_866 = vector.broadcast %ge3A_865 : i32 to vector<16xi32>
      %ge3A_867 = arith.cmpi sge, %add3A_864, %ge3A_866 : vector<16xi32>
      %and3A_868 = arith.andi %and3A_763, %ge3A_867 : vector<16xi1>
      %lt3A_869 = arith.constant 512 : i32
      %lt3A_870 = vector.broadcast %lt3A_869 : i32 to vector<16xi32>
      %lt3A_871 = arith.cmpi slt, %add3A_864, %lt3A_870 : vector<16xi32>
      %and3A_872 = arith.andi %and3A_868, %lt3A_871 : vector<16xi1>
      %add3A_873 = arith.constant 0 : i32
      %add3A_874 = vector.broadcast %add3A_873 : i32 to vector<16xi32>
      %add3A_875 = arith.addi %sub3A_768, %add3A_874 : vector<16xi32>
      %ge3A_876 = arith.constant 0 : i32
      %ge3A_877 = vector.broadcast %ge3A_876 : i32 to vector<16xi32>
      %ge3A_878 = arith.cmpi sge, %add3A_875, %ge3A_877 : vector<16xi32>
      %and3A_879 = arith.andi %and3A_872, %ge3A_878 : vector<16xi1>
      %lt3A_880 = arith.constant 16384 : i32
      %lt3A_881 = vector.broadcast %lt3A_880 : i32 to vector<16xi32>
      %lt3A_882 = arith.cmpi slt, %add3A_875, %lt3A_881 : vector<16xi32>
      %and3A_883 = arith.andi %and3A_879, %lt3A_882 : vector<16xi1>
      %jit3A_884 = arith.constant 0 : i32
      %jit3A_885 = arith.constant 16383 : i32
      %max3A_886 = vector.broadcast %jit3A_884 : i32 to vector<16xi32>
      %max3A_887 = arith.maxsi %max3A_886, %add3A_875 : vector<16xi32>
      %min3A_888 = vector.broadcast %jit3A_885 : i32 to vector<16xi32>
      %min3A_889 = arith.minsi %min3A_888, %max3A_887 : vector<16xi32>
      %mul3A_890 = arith.constant 0.0307617188 : f32
      %mul3A_891 = vector.broadcast %mul3A_890 : f32 to vector<16xf32>
      %mul3A_892 = arith.mulf %get3A_53, %mul3A_891 : vector<16xf32>
      tpu.vector_store_idx %arg9[%min3A_889], %mul3A_892 masked %and3A_883 {add = true} : memref<16384xf32, #tpu.memory_space<vmem>>[vector<16xi32>], vector<16xf32>, vector<16xi1>
      %add3A_893 = arith.constant 1 : i32
      %add3A_894 = vector.broadcast %add3A_893 : i32 to vector<16xi32>
      %add3A_895 = arith.addi %and3A_61, %add3A_894 : vector<16xi32>
      %ge3A_896 = arith.constant 0 : i32
      %ge3A_897 = vector.broadcast %ge3A_896 : i32 to vector<16xi32>
      %ge3A_898 = arith.cmpi sge, %add3A_895, %ge3A_897 : vector<16xi32>
      %and3A_899 = arith.andi %and3A_763, %ge3A_898 : vector<16xi1>
      %lt3A_900 = arith.constant 512 : i32
      %lt3A_901 = vector.broadcast %lt3A_900 : i32 to vector<16xi32>
      %lt3A_902 = arith.cmpi slt, %add3A_895, %lt3A_901 : vector<16xi32>
      %and3A_903 = arith.andi %and3A_899, %lt3A_902 : vector<16xi1>
      %add3A_904 = arith.constant 1 : i32
      %add3A_905 = vector.broadcast %add3A_904 : i32 to vector<16xi32>
      %add3A_906 = arith.addi %sub3A_768, %add3A_905 : vector<16xi32>
      %ge3A_907 = arith.constant 0 : i32
      %ge3A_908 = vector.broadcast %ge3A_907 : i32 to vector<16xi32>
      %ge3A_909 = arith.cmpi sge, %add3A_906, %ge3A_908 : vector<16xi32>
      %and3A_910 = arith.andi %and3A_903, %ge3A_909 : vector<16xi1>
      %lt3A_911 = arith.constant 16384 : i32
      %lt3A_912 = vector.broadcast %lt3A_911 : i32 to vector<16xi32>
      %lt3A_913 = arith.cmpi slt, %add3A_906, %lt3A_912 : vector<16xi32>
      %and3A_914 = arith.andi %and3A_910, %lt3A_913 : vector<16xi1>
      %jit3A_915 = arith.constant 0 : i32
      %jit3A_916 = arith.constant 16383 : i32
      %max3A_917 = vector.broadcast %jit3A_915 : i32 to vector<16xi32>
      %max3A_918 = arith.maxsi %max3A_917, %add3A_906 : vector<16xi32>
      %min3A_919 = vector.broadcast %jit3A_916 : i32 to vector<16xi32>
      %min3A_920 = arith.minsi %min3A_919, %max3A_918 : vector<16xi32>
      %mul3A_921 = arith.constant 0.0290527344 : f32
      %mul3A_922 = vector.broadcast %mul3A_921 : f32 to vector<16xf32>
      %mul3A_923 = arith.mulf %get3A_53, %mul3A_922 : vector<16xf32>
      tpu.vector_store_idx %arg9[%min3A_920], %mul3A_923 masked %and3A_914 {add = true} : memref<16384xf32, #tpu.memory_space<vmem>>[vector<16xi32>], vector<16xf32>, vector<16xi1>
      %add3A_924 = arith.constant 2 : i32
      %add3A_925 = vector.broadcast %add3A_924 : i32 to vector<16xi32>
      %add3A_926 = arith.addi %and3A_61, %add3A_925 : vector<16xi32>
      %ge3A_927 = arith.constant 0 : i32
      %ge3A_928 = vector.broadcast %ge3A_927 : i32 to vector<16xi32>
      %ge3A_929 = arith.cmpi sge, %add3A_926, %ge3A_928 : vector<16xi32>
      %and3A_930 = arith.andi %and3A_763, %ge3A_929 : vector<16xi1>
      %lt3A_931 = arith.constant 512 : i32
      %lt3A_932 = vector.broadcast %lt3A_931 : i32 to vector<16xi32>
      %lt3A_933 = arith.cmpi slt, %add3A_926, %lt3A_932 : vector<16xi32>
      %and3A_934 = arith.andi %and3A_930, %lt3A_933 : vector<16xi1>
      %add3A_935 = arith.constant 2 : i32
      %add3A_936 = vector.broadcast %add3A_935 : i32 to vector<16xi32>
      %add3A_937 = arith.addi %sub3A_768, %add3A_936 : vector<16xi32>
      %ge3A_938 = arith.constant 0 : i32
      %ge3A_939 = vector.broadcast %ge3A_938 : i32 to vector<16xi32>
      %ge3A_940 = arith.cmpi sge, %add3A_937, %ge3A_939 : vector<16xi32>
      %and3A_941 = arith.andi %and3A_934, %ge3A_940 : vector<16xi1>
      %lt3A_942 = arith.constant 16384 : i32
      %lt3A_943 = vector.broadcast %lt3A_942 : i32 to vector<16xi32>
      %lt3A_944 = arith.cmpi slt, %add3A_937, %lt3A_943 : vector<16xi32>
      %and3A_945 = arith.andi %and3A_941, %lt3A_944 : vector<16xi1>
      %jit3A_946 = arith.constant 0 : i32
      %jit3A_947 = arith.constant 16383 : i32
      %max3A_948 = vector.broadcast %jit3A_946 : i32 to vector<16xi32>
      %max3A_949 = arith.maxsi %max3A_948, %add3A_937 : vector<16xi32>
      %min3A_950 = vector.broadcast %jit3A_947 : i32 to vector<16xi32>
      %min3A_951 = arith.minsi %min3A_950, %max3A_949 : vector<16xi32>
      %mul3A_952 = arith.constant 0.0245361328 : f32
      %mul3A_953 = vector.broadcast %mul3A_952 : f32 to vector<16xf32>
      %mul3A_954 = arith.mulf %get3A_53, %mul3A_953 : vector<16xf32>
      tpu.vector_store_idx %arg9[%min3A_951], %mul3A_954 masked %and3A_945 {add = true} : memref<16384xf32, #tpu.memory_space<vmem>>[vector<16xi32>], vector<16xf32>, vector<16xi1>
      %add3A_955 = arith.constant 3 : i32
      %add3A_956 = vector.broadcast %add3A_955 : i32 to vector<16xi32>
      %add3A_957 = arith.addi %and3A_61, %add3A_956 : vector<16xi32>
      %ge3A_958 = arith.constant 0 : i32
      %ge3A_959 = vector.broadcast %ge3A_958 : i32 to vector<16xi32>
      %ge3A_960 = arith.cmpi sge, %add3A_957, %ge3A_959 : vector<16xi32>
      %and3A_961 = arith.andi %and3A_763, %ge3A_960 : vector<16xi1>
      %lt3A_962 = arith.constant 512 : i32
      %lt3A_963 = vector.broadcast %lt3A_962 : i32 to vector<16xi32>
      %lt3A_964 = arith.cmpi slt, %add3A_957, %lt3A_963 : vector<16xi32>
      %and3A_965 = arith.andi %and3A_961, %lt3A_964 : vector<16xi1>
      %add3A_966 = arith.constant 3 : i32
      %add3A_967 = vector.broadcast %add3A_966 : i32 to vector<16xi32>
      %add3A_968 = arith.addi %sub3A_768, %add3A_967 : vector<16xi32>
      %ge3A_969 = arith.constant 0 : i32
      %ge3A_970 = vector.broadcast %ge3A_969 : i32 to vector<16xi32>
      %ge3A_971 = arith.cmpi sge, %add3A_968, %ge3A_970 : vector<16xi32>
      %and3A_972 = arith.andi %and3A_965, %ge3A_971 : vector<16xi1>
      %lt3A_973 = arith.constant 16384 : i32
      %lt3A_974 = vector.broadcast %lt3A_973 : i32 to vector<16xi32>
      %lt3A_975 = arith.cmpi slt, %add3A_968, %lt3A_974 : vector<16xi32>
      %and3A_976 = arith.andi %and3A_972, %lt3A_975 : vector<16xi1>
      %jit3A_977 = arith.constant 0 : i32
      %jit3A_978 = arith.constant 16383 : i32
      %max3A_979 = vector.broadcast %jit3A_977 : i32 to vector<16xi32>
      %max3A_980 = arith.maxsi %max3A_979, %add3A_968 : vector<16xi32>
      %min3A_981 = vector.broadcast %jit3A_978 : i32 to vector<16xi32>
      %min3A_982 = arith.minsi %min3A_981, %max3A_980 : vector<16xi32>
      %mul3A_983 = arith.constant 0.0186767578 : f32
      %mul3A_984 = vector.broadcast %mul3A_983 : f32 to vector<16xf32>
      %mul3A_985 = arith.mulf %get3A_53, %mul3A_984 : vector<16xf32>
      tpu.vector_store_idx %arg9[%min3A_982], %mul3A_985 masked %and3A_976 {add = true} : memref<16384xf32, #tpu.memory_space<vmem>>[vector<16xi32>], vector<16xf32>, vector<16xi1>
      %add3A_986 = arith.constant 1 : i32
      %add3A_987 = vector.broadcast %add3A_986 : i32 to vector<16xi32>
      %add3A_988 = arith.addi %shift_right_arithmetic3A_58, %add3A_987 : vector<16xi32>
      %ge3A_989 = arith.constant 0 : i32
      %ge3A_990 = vector.broadcast %ge3A_989 : i32 to vector<16xi32>
      %ge3A_991 = arith.cmpi sge, %add3A_988, %ge3A_990 : vector<16xi32>
      %lt3A_992 = arith.constant 512 : i32
      %lt3A_993 = vector.broadcast %lt3A_992 : i32 to vector<16xi32>
      %lt3A_994 = arith.cmpi slt, %add3A_988, %lt3A_993 : vector<16xi32>
      %and3A_995 = arith.andi %ge3A_991, %lt3A_994 : vector<16xi1>
      %add3A_996 = arith.constant 512 : i32
      %add3A_997 = vector.broadcast %add3A_996 : i32 to vector<16xi32>
      %add3A_998 = arith.addi %get3A_49, %add3A_997 : vector<16xi32>
      %sub3A_999 = vector.broadcast %mul3A_2 : i32 to vector<16xi32>
      %sub3A_1000 = arith.subi %add3A_998, %sub3A_999 : vector<16xi32>
      %add3A_1001 = arith.constant -3 : i32
      %add3A_1002 = vector.broadcast %add3A_1001 : i32 to vector<16xi32>
      %add3A_1003 = arith.addi %and3A_61, %add3A_1002 : vector<16xi32>
      %ge3A_1004 = arith.constant 0 : i32
      %ge3A_1005 = vector.broadcast %ge3A_1004 : i32 to vector<16xi32>
      %ge3A_1006 = arith.cmpi sge, %add3A_1003, %ge3A_1005 : vector<16xi32>
      %and3A_1007 = arith.andi %and3A_995, %ge3A_1006 : vector<16xi1>
      %lt3A_1008 = arith.constant 512 : i32
      %lt3A_1009 = vector.broadcast %lt3A_1008 : i32 to vector<16xi32>
      %lt3A_1010 = arith.cmpi slt, %add3A_1003, %lt3A_1009 : vector<16xi32>
      %and3A_1011 = arith.andi %and3A_1007, %lt3A_1010 : vector<16xi1>
      %add3A_1012 = arith.constant -3 : i32
      %add3A_1013 = vector.broadcast %add3A_1012 : i32 to vector<16xi32>
      %add3A_1014 = arith.addi %sub3A_1000, %add3A_1013 : vector<16xi32>
      %ge3A_1015 = arith.constant 0 : i32
      %ge3A_1016 = vector.broadcast %ge3A_1015 : i32 to vector<16xi32>
      %ge3A_1017 = arith.cmpi sge, %add3A_1014, %ge3A_1016 : vector<16xi32>
      %and3A_1018 = arith.andi %and3A_1011, %ge3A_1017 : vector<16xi1>
      %lt3A_1019 = arith.constant 16384 : i32
      %lt3A_1020 = vector.broadcast %lt3A_1019 : i32 to vector<16xi32>
      %lt3A_1021 = arith.cmpi slt, %add3A_1014, %lt3A_1020 : vector<16xi32>
      %and3A_1022 = arith.andi %and3A_1018, %lt3A_1021 : vector<16xi1>
      %jit3A_1023 = arith.constant 0 : i32
      %jit3A_1024 = arith.constant 16383 : i32
      %max3A_1025 = vector.broadcast %jit3A_1023 : i32 to vector<16xi32>
      %max3A_1026 = arith.maxsi %max3A_1025, %add3A_1014 : vector<16xi32>
      %min3A_1027 = vector.broadcast %jit3A_1024 : i32 to vector<16xi32>
      %min3A_1028 = arith.minsi %min3A_1027, %max3A_1026 : vector<16xi32>
      %mul3A_1029 = arith.constant 0.017578125 : f32
      %mul3A_1030 = vector.broadcast %mul3A_1029 : f32 to vector<16xf32>
      %mul3A_1031 = arith.mulf %get3A_53, %mul3A_1030 : vector<16xf32>
      tpu.vector_store_idx %arg9[%min3A_1028], %mul3A_1031 masked %and3A_1022 {add = true} : memref<16384xf32, #tpu.memory_space<vmem>>[vector<16xi32>], vector<16xf32>, vector<16xi1>
      %add3A_1032 = arith.constant -2 : i32
      %add3A_1033 = vector.broadcast %add3A_1032 : i32 to vector<16xi32>
      %add3A_1034 = arith.addi %and3A_61, %add3A_1033 : vector<16xi32>
      %ge3A_1035 = arith.constant 0 : i32
      %ge3A_1036 = vector.broadcast %ge3A_1035 : i32 to vector<16xi32>
      %ge3A_1037 = arith.cmpi sge, %add3A_1034, %ge3A_1036 : vector<16xi32>
      %and3A_1038 = arith.andi %and3A_995, %ge3A_1037 : vector<16xi1>
      %lt3A_1039 = arith.constant 512 : i32
      %lt3A_1040 = vector.broadcast %lt3A_1039 : i32 to vector<16xi32>
      %lt3A_1041 = arith.cmpi slt, %add3A_1034, %lt3A_1040 : vector<16xi32>
      %and3A_1042 = arith.andi %and3A_1038, %lt3A_1041 : vector<16xi1>
      %add3A_1043 = arith.constant -2 : i32
      %add3A_1044 = vector.broadcast %add3A_1043 : i32 to vector<16xi32>
      %add3A_1045 = arith.addi %sub3A_1000, %add3A_1044 : vector<16xi32>
      %ge3A_1046 = arith.constant 0 : i32
      %ge3A_1047 = vector.broadcast %ge3A_1046 : i32 to vector<16xi32>
      %ge3A_1048 = arith.cmpi sge, %add3A_1045, %ge3A_1047 : vector<16xi32>
      %and3A_1049 = arith.andi %and3A_1042, %ge3A_1048 : vector<16xi1>
      %lt3A_1050 = arith.constant 16384 : i32
      %lt3A_1051 = vector.broadcast %lt3A_1050 : i32 to vector<16xi32>
      %lt3A_1052 = arith.cmpi slt, %add3A_1045, %lt3A_1051 : vector<16xi32>
      %and3A_1053 = arith.andi %and3A_1049, %lt3A_1052 : vector<16xi1>
      %jit3A_1054 = arith.constant 0 : i32
      %jit3A_1055 = arith.constant 16383 : i32
      %max3A_1056 = vector.broadcast %jit3A_1054 : i32 to vector<16xi32>
      %max3A_1057 = arith.maxsi %max3A_1056, %add3A_1045 : vector<16xi32>
      %min3A_1058 = vector.broadcast %jit3A_1055 : i32 to vector<16xi32>
      %min3A_1059 = arith.minsi %min3A_1058, %max3A_1057 : vector<16xi32>
      %mul3A_1060 = arith.constant 0.0233154297 : f32
      %mul3A_1061 = vector.broadcast %mul3A_1060 : f32 to vector<16xf32>
      %mul3A_1062 = arith.mulf %get3A_53, %mul3A_1061 : vector<16xf32>
      tpu.vector_store_idx %arg9[%min3A_1059], %mul3A_1062 masked %and3A_1053 {add = true} : memref<16384xf32, #tpu.memory_space<vmem>>[vector<16xi32>], vector<16xf32>, vector<16xi1>
      %add3A_1063 = arith.constant -1 : i32
      %add3A_1064 = vector.broadcast %add3A_1063 : i32 to vector<16xi32>
      %add3A_1065 = arith.addi %and3A_61, %add3A_1064 : vector<16xi32>
      %ge3A_1066 = arith.constant 0 : i32
      %ge3A_1067 = vector.broadcast %ge3A_1066 : i32 to vector<16xi32>
      %ge3A_1068 = arith.cmpi sge, %add3A_1065, %ge3A_1067 : vector<16xi32>
      %and3A_1069 = arith.andi %and3A_995, %ge3A_1068 : vector<16xi1>
      %lt3A_1070 = arith.constant 512 : i32
      %lt3A_1071 = vector.broadcast %lt3A_1070 : i32 to vector<16xi32>
      %lt3A_1072 = arith.cmpi slt, %add3A_1065, %lt3A_1071 : vector<16xi32>
      %and3A_1073 = arith.andi %and3A_1069, %lt3A_1072 : vector<16xi1>
      %add3A_1074 = arith.constant -1 : i32
      %add3A_1075 = vector.broadcast %add3A_1074 : i32 to vector<16xi32>
      %add3A_1076 = arith.addi %sub3A_1000, %add3A_1075 : vector<16xi32>
      %ge3A_1077 = arith.constant 0 : i32
      %ge3A_1078 = vector.broadcast %ge3A_1077 : i32 to vector<16xi32>
      %ge3A_1079 = arith.cmpi sge, %add3A_1076, %ge3A_1078 : vector<16xi32>
      %and3A_1080 = arith.andi %and3A_1073, %ge3A_1079 : vector<16xi1>
      %lt3A_1081 = arith.constant 16384 : i32
      %lt3A_1082 = vector.broadcast %lt3A_1081 : i32 to vector<16xi32>
      %lt3A_1083 = arith.cmpi slt, %add3A_1076, %lt3A_1082 : vector<16xi32>
      %and3A_1084 = arith.andi %and3A_1080, %lt3A_1083 : vector<16xi1>
      %jit3A_1085 = arith.constant 0 : i32
      %jit3A_1086 = arith.constant 16383 : i32
      %max3A_1087 = vector.broadcast %jit3A_1085 : i32 to vector<16xi32>
      %max3A_1088 = arith.maxsi %max3A_1087, %add3A_1076 : vector<16xi32>
      %min3A_1089 = vector.broadcast %jit3A_1086 : i32 to vector<16xi32>
      %min3A_1090 = arith.minsi %min3A_1089, %max3A_1088 : vector<16xi32>
      %mul3A_1091 = arith.constant 0.0274658203 : f32
      %mul3A_1092 = vector.broadcast %mul3A_1091 : f32 to vector<16xf32>
      %mul3A_1093 = arith.mulf %get3A_53, %mul3A_1092 : vector<16xf32>
      tpu.vector_store_idx %arg9[%min3A_1090], %mul3A_1093 masked %and3A_1084 {add = true} : memref<16384xf32, #tpu.memory_space<vmem>>[vector<16xi32>], vector<16xf32>, vector<16xi1>
      %add3A_1094 = arith.constant 0 : i32
      %add3A_1095 = vector.broadcast %add3A_1094 : i32 to vector<16xi32>
      %add3A_1096 = arith.addi %and3A_61, %add3A_1095 : vector<16xi32>
      %ge3A_1097 = arith.constant 0 : i32
      %ge3A_1098 = vector.broadcast %ge3A_1097 : i32 to vector<16xi32>
      %ge3A_1099 = arith.cmpi sge, %add3A_1096, %ge3A_1098 : vector<16xi32>
      %and3A_1100 = arith.andi %and3A_995, %ge3A_1099 : vector<16xi1>
      %lt3A_1101 = arith.constant 512 : i32
      %lt3A_1102 = vector.broadcast %lt3A_1101 : i32 to vector<16xi32>
      %lt3A_1103 = arith.cmpi slt, %add3A_1096, %lt3A_1102 : vector<16xi32>
      %and3A_1104 = arith.andi %and3A_1100, %lt3A_1103 : vector<16xi1>
      %add3A_1105 = arith.constant 0 : i32
      %add3A_1106 = vector.broadcast %add3A_1105 : i32 to vector<16xi32>
      %add3A_1107 = arith.addi %sub3A_1000, %add3A_1106 : vector<16xi32>
      %ge3A_1108 = arith.constant 0 : i32
      %ge3A_1109 = vector.broadcast %ge3A_1108 : i32 to vector<16xi32>
      %ge3A_1110 = arith.cmpi sge, %add3A_1107, %ge3A_1109 : vector<16xi32>
      %and3A_1111 = arith.andi %and3A_1104, %ge3A_1110 : vector<16xi1>
      %lt3A_1112 = arith.constant 16384 : i32
      %lt3A_1113 = vector.broadcast %lt3A_1112 : i32 to vector<16xi32>
      %lt3A_1114 = arith.cmpi slt, %add3A_1107, %lt3A_1113 : vector<16xi32>
      %and3A_1115 = arith.andi %and3A_1111, %lt3A_1114 : vector<16xi1>
      %jit3A_1116 = arith.constant 0 : i32
      %jit3A_1117 = arith.constant 16383 : i32
      %max3A_1118 = vector.broadcast %jit3A_1116 : i32 to vector<16xi32>
      %max3A_1119 = arith.maxsi %max3A_1118, %add3A_1107 : vector<16xi32>
      %min3A_1120 = vector.broadcast %jit3A_1117 : i32 to vector<16xi32>
      %min3A_1121 = arith.minsi %min3A_1120, %max3A_1119 : vector<16xi32>
      %mul3A_1122 = arith.constant 0.0290527344 : f32
      %mul3A_1123 = vector.broadcast %mul3A_1122 : f32 to vector<16xf32>
      %mul3A_1124 = arith.mulf %get3A_53, %mul3A_1123 : vector<16xf32>
      tpu.vector_store_idx %arg9[%min3A_1121], %mul3A_1124 masked %and3A_1115 {add = true} : memref<16384xf32, #tpu.memory_space<vmem>>[vector<16xi32>], vector<16xf32>, vector<16xi1>
      %add3A_1125 = arith.constant 1 : i32
      %add3A_1126 = vector.broadcast %add3A_1125 : i32 to vector<16xi32>
      %add3A_1127 = arith.addi %and3A_61, %add3A_1126 : vector<16xi32>
      %ge3A_1128 = arith.constant 0 : i32
      %ge3A_1129 = vector.broadcast %ge3A_1128 : i32 to vector<16xi32>
      %ge3A_1130 = arith.cmpi sge, %add3A_1127, %ge3A_1129 : vector<16xi32>
      %and3A_1131 = arith.andi %and3A_995, %ge3A_1130 : vector<16xi1>
      %lt3A_1132 = arith.constant 512 : i32
      %lt3A_1133 = vector.broadcast %lt3A_1132 : i32 to vector<16xi32>
      %lt3A_1134 = arith.cmpi slt, %add3A_1127, %lt3A_1133 : vector<16xi32>
      %and3A_1135 = arith.andi %and3A_1131, %lt3A_1134 : vector<16xi1>
      %add3A_1136 = arith.constant 1 : i32
      %add3A_1137 = vector.broadcast %add3A_1136 : i32 to vector<16xi32>
      %add3A_1138 = arith.addi %sub3A_1000, %add3A_1137 : vector<16xi32>
      %ge3A_1139 = arith.constant 0 : i32
      %ge3A_1140 = vector.broadcast %ge3A_1139 : i32 to vector<16xi32>
      %ge3A_1141 = arith.cmpi sge, %add3A_1138, %ge3A_1140 : vector<16xi32>
      %and3A_1142 = arith.andi %and3A_1135, %ge3A_1141 : vector<16xi1>
      %lt3A_1143 = arith.constant 16384 : i32
      %lt3A_1144 = vector.broadcast %lt3A_1143 : i32 to vector<16xi32>
      %lt3A_1145 = arith.cmpi slt, %add3A_1138, %lt3A_1144 : vector<16xi32>
      %and3A_1146 = arith.andi %and3A_1142, %lt3A_1145 : vector<16xi1>
      %jit3A_1147 = arith.constant 0 : i32
      %jit3A_1148 = arith.constant 16383 : i32
      %max3A_1149 = vector.broadcast %jit3A_1147 : i32 to vector<16xi32>
      %max3A_1150 = arith.maxsi %max3A_1149, %add3A_1138 : vector<16xi32>
      %min3A_1151 = vector.broadcast %jit3A_1148 : i32 to vector<16xi32>
      %min3A_1152 = arith.minsi %min3A_1151, %max3A_1150 : vector<16xi32>
      %mul3A_1153 = arith.constant 0.0274658203 : f32
      %mul3A_1154 = vector.broadcast %mul3A_1153 : f32 to vector<16xf32>
      %mul3A_1155 = arith.mulf %get3A_53, %mul3A_1154 : vector<16xf32>
      tpu.vector_store_idx %arg9[%min3A_1152], %mul3A_1155 masked %and3A_1146 {add = true} : memref<16384xf32, #tpu.memory_space<vmem>>[vector<16xi32>], vector<16xf32>, vector<16xi1>
      %add3A_1156 = arith.constant 2 : i32
      %add3A_1157 = vector.broadcast %add3A_1156 : i32 to vector<16xi32>
      %add3A_1158 = arith.addi %and3A_61, %add3A_1157 : vector<16xi32>
      %ge3A_1159 = arith.constant 0 : i32
      %ge3A_1160 = vector.broadcast %ge3A_1159 : i32 to vector<16xi32>
      %ge3A_1161 = arith.cmpi sge, %add3A_1158, %ge3A_1160 : vector<16xi32>
      %and3A_1162 = arith.andi %and3A_995, %ge3A_1161 : vector<16xi1>
      %lt3A_1163 = arith.constant 512 : i32
      %lt3A_1164 = vector.broadcast %lt3A_1163 : i32 to vector<16xi32>
      %lt3A_1165 = arith.cmpi slt, %add3A_1158, %lt3A_1164 : vector<16xi32>
      %and3A_1166 = arith.andi %and3A_1162, %lt3A_1165 : vector<16xi1>
      %add3A_1167 = arith.constant 2 : i32
      %add3A_1168 = vector.broadcast %add3A_1167 : i32 to vector<16xi32>
      %add3A_1169 = arith.addi %sub3A_1000, %add3A_1168 : vector<16xi32>
      %ge3A_1170 = arith.constant 0 : i32
      %ge3A_1171 = vector.broadcast %ge3A_1170 : i32 to vector<16xi32>
      %ge3A_1172 = arith.cmpi sge, %add3A_1169, %ge3A_1171 : vector<16xi32>
      %and3A_1173 = arith.andi %and3A_1166, %ge3A_1172 : vector<16xi1>
      %lt3A_1174 = arith.constant 16384 : i32
      %lt3A_1175 = vector.broadcast %lt3A_1174 : i32 to vector<16xi32>
      %lt3A_1176 = arith.cmpi slt, %add3A_1169, %lt3A_1175 : vector<16xi32>
      %and3A_1177 = arith.andi %and3A_1173, %lt3A_1176 : vector<16xi1>
      %jit3A_1178 = arith.constant 0 : i32
      %jit3A_1179 = arith.constant 16383 : i32
      %max3A_1180 = vector.broadcast %jit3A_1178 : i32 to vector<16xi32>
      %max3A_1181 = arith.maxsi %max3A_1180, %add3A_1169 : vector<16xi32>
      %min3A_1182 = vector.broadcast %jit3A_1179 : i32 to vector<16xi32>
      %min3A_1183 = arith.minsi %min3A_1182, %max3A_1181 : vector<16xi32>
      %mul3A_1184 = arith.constant 0.0233154297 : f32
      %mul3A_1185 = vector.broadcast %mul3A_1184 : f32 to vector<16xf32>
      %mul3A_1186 = arith.mulf %get3A_53, %mul3A_1185 : vector<16xf32>
      tpu.vector_store_idx %arg9[%min3A_1183], %mul3A_1186 masked %and3A_1177 {add = true} : memref<16384xf32, #tpu.memory_space<vmem>>[vector<16xi32>], vector<16xf32>, vector<16xi1>
      %add3A_1187 = arith.constant 3 : i32
      %add3A_1188 = vector.broadcast %add3A_1187 : i32 to vector<16xi32>
      %add3A_1189 = arith.addi %and3A_61, %add3A_1188 : vector<16xi32>
      %ge3A_1190 = arith.constant 0 : i32
      %ge3A_1191 = vector.broadcast %ge3A_1190 : i32 to vector<16xi32>
      %ge3A_1192 = arith.cmpi sge, %add3A_1189, %ge3A_1191 : vector<16xi32>
      %and3A_1193 = arith.andi %and3A_995, %ge3A_1192 : vector<16xi1>
      %lt3A_1194 = arith.constant 512 : i32
      %lt3A_1195 = vector.broadcast %lt3A_1194 : i32 to vector<16xi32>
      %lt3A_1196 = arith.cmpi slt, %add3A_1189, %lt3A_1195 : vector<16xi32>
      %and3A_1197 = arith.andi %and3A_1193, %lt3A_1196 : vector<16xi1>
      %add3A_1198 = arith.constant 3 : i32
      %add3A_1199 = vector.broadcast %add3A_1198 : i32 to vector<16xi32>
      %add3A_1200 = arith.addi %sub3A_1000, %add3A_1199 : vector<16xi32>
      %ge3A_1201 = arith.constant 0 : i32
      %ge3A_1202 = vector.broadcast %ge3A_1201 : i32 to vector<16xi32>
      %ge3A_1203 = arith.cmpi sge, %add3A_1200, %ge3A_1202 : vector<16xi32>
      %and3A_1204 = arith.andi %and3A_1197, %ge3A_1203 : vector<16xi1>
      %lt3A_1205 = arith.constant 16384 : i32
      %lt3A_1206 = vector.broadcast %lt3A_1205 : i32 to vector<16xi32>
      %lt3A_1207 = arith.cmpi slt, %add3A_1200, %lt3A_1206 : vector<16xi32>
      %and3A_1208 = arith.andi %and3A_1204, %lt3A_1207 : vector<16xi1>
      %jit3A_1209 = arith.constant 0 : i32
      %jit3A_1210 = arith.constant 16383 : i32
      %max3A_1211 = vector.broadcast %jit3A_1209 : i32 to vector<16xi32>
      %max3A_1212 = arith.maxsi %max3A_1211, %add3A_1200 : vector<16xi32>
      %min3A_1213 = vector.broadcast %jit3A_1210 : i32 to vector<16xi32>
      %min3A_1214 = arith.minsi %min3A_1213, %max3A_1212 : vector<16xi32>
      %mul3A_1215 = arith.constant 0.017578125 : f32
      %mul3A_1216 = vector.broadcast %mul3A_1215 : f32 to vector<16xf32>
      %mul3A_1217 = arith.mulf %get3A_53, %mul3A_1216 : vector<16xf32>
      tpu.vector_store_idx %arg9[%min3A_1214], %mul3A_1217 masked %and3A_1208 {add = true} : memref<16384xf32, #tpu.memory_space<vmem>>[vector<16xi32>], vector<16xf32>, vector<16xi1>
      %add3A_1218 = arith.constant 2 : i32
      %add3A_1219 = vector.broadcast %add3A_1218 : i32 to vector<16xi32>
      %add3A_1220 = arith.addi %shift_right_arithmetic3A_58, %add3A_1219 : vector<16xi32>
      %ge3A_1221 = arith.constant 0 : i32
      %ge3A_1222 = vector.broadcast %ge3A_1221 : i32 to vector<16xi32>
      %ge3A_1223 = arith.cmpi sge, %add3A_1220, %ge3A_1222 : vector<16xi32>
      %lt3A_1224 = arith.constant 512 : i32
      %lt3A_1225 = vector.broadcast %lt3A_1224 : i32 to vector<16xi32>
      %lt3A_1226 = arith.cmpi slt, %add3A_1220, %lt3A_1225 : vector<16xi32>
      %and3A_1227 = arith.andi %ge3A_1223, %lt3A_1226 : vector<16xi1>
      %add3A_1228 = arith.constant 1024 : i32
      %add3A_1229 = vector.broadcast %add3A_1228 : i32 to vector<16xi32>
      %add3A_1230 = arith.addi %get3A_49, %add3A_1229 : vector<16xi32>
      %sub3A_1231 = vector.broadcast %mul3A_2 : i32 to vector<16xi32>
      %sub3A_1232 = arith.subi %add3A_1230, %sub3A_1231 : vector<16xi32>
      %add3A_1233 = arith.constant -3 : i32
      %add3A_1234 = vector.broadcast %add3A_1233 : i32 to vector<16xi32>
      %add3A_1235 = arith.addi %and3A_61, %add3A_1234 : vector<16xi32>
      %ge3A_1236 = arith.constant 0 : i32
      %ge3A_1237 = vector.broadcast %ge3A_1236 : i32 to vector<16xi32>
      %ge3A_1238 = arith.cmpi sge, %add3A_1235, %ge3A_1237 : vector<16xi32>
      %and3A_1239 = arith.andi %and3A_1227, %ge3A_1238 : vector<16xi1>
      %lt3A_1240 = arith.constant 512 : i32
      %lt3A_1241 = vector.broadcast %lt3A_1240 : i32 to vector<16xi32>
      %lt3A_1242 = arith.cmpi slt, %add3A_1235, %lt3A_1241 : vector<16xi32>
      %and3A_1243 = arith.andi %and3A_1239, %lt3A_1242 : vector<16xi1>
      %add3A_1244 = arith.constant -3 : i32
      %add3A_1245 = vector.broadcast %add3A_1244 : i32 to vector<16xi32>
      %add3A_1246 = arith.addi %sub3A_1232, %add3A_1245 : vector<16xi32>
      %ge3A_1247 = arith.constant 0 : i32
      %ge3A_1248 = vector.broadcast %ge3A_1247 : i32 to vector<16xi32>
      %ge3A_1249 = arith.cmpi sge, %add3A_1246, %ge3A_1248 : vector<16xi32>
      %and3A_1250 = arith.andi %and3A_1243, %ge3A_1249 : vector<16xi1>
      %lt3A_1251 = arith.constant 16384 : i32
      %lt3A_1252 = vector.broadcast %lt3A_1251 : i32 to vector<16xi32>
      %lt3A_1253 = arith.cmpi slt, %add3A_1246, %lt3A_1252 : vector<16xi32>
      %and3A_1254 = arith.andi %and3A_1250, %lt3A_1253 : vector<16xi1>
      %jit3A_1255 = arith.constant 0 : i32
      %jit3A_1256 = arith.constant 16383 : i32
      %max3A_1257 = vector.broadcast %jit3A_1255 : i32 to vector<16xi32>
      %max3A_1258 = arith.maxsi %max3A_1257, %add3A_1246 : vector<16xi32>
      %min3A_1259 = vector.broadcast %jit3A_1256 : i32 to vector<16xi32>
      %min3A_1260 = arith.minsi %min3A_1259, %max3A_1258 : vector<16xi32>
      %mul3A_1261 = arith.constant 0.0148925781 : f32
      %mul3A_1262 = vector.broadcast %mul3A_1261 : f32 to vector<16xf32>
      %mul3A_1263 = arith.mulf %get3A_53, %mul3A_1262 : vector<16xf32>
      tpu.vector_store_idx %arg9[%min3A_1260], %mul3A_1263 masked %and3A_1254 {add = true} : memref<16384xf32, #tpu.memory_space<vmem>>[vector<16xi32>], vector<16xf32>, vector<16xi1>
      %add3A_1264 = arith.constant -2 : i32
      %add3A_1265 = vector.broadcast %add3A_1264 : i32 to vector<16xi32>
      %add3A_1266 = arith.addi %and3A_61, %add3A_1265 : vector<16xi32>
      %ge3A_1267 = arith.constant 0 : i32
      %ge3A_1268 = vector.broadcast %ge3A_1267 : i32 to vector<16xi32>
      %ge3A_1269 = arith.cmpi sge, %add3A_1266, %ge3A_1268 : vector<16xi32>
      %and3A_1270 = arith.andi %and3A_1227, %ge3A_1269 : vector<16xi1>
      %lt3A_1271 = arith.constant 512 : i32
      %lt3A_1272 = vector.broadcast %lt3A_1271 : i32 to vector<16xi32>
      %lt3A_1273 = arith.cmpi slt, %add3A_1266, %lt3A_1272 : vector<16xi32>
      %and3A_1274 = arith.andi %and3A_1270, %lt3A_1273 : vector<16xi1>
      %add3A_1275 = arith.constant -2 : i32
      %add3A_1276 = vector.broadcast %add3A_1275 : i32 to vector<16xi32>
      %add3A_1277 = arith.addi %sub3A_1232, %add3A_1276 : vector<16xi32>
      %ge3A_1278 = arith.constant 0 : i32
      %ge3A_1279 = vector.broadcast %ge3A_1278 : i32 to vector<16xi32>
      %ge3A_1280 = arith.cmpi sge, %add3A_1277, %ge3A_1279 : vector<16xi32>
      %and3A_1281 = arith.andi %and3A_1274, %ge3A_1280 : vector<16xi1>
      %lt3A_1282 = arith.constant 16384 : i32
      %lt3A_1283 = vector.broadcast %lt3A_1282 : i32 to vector<16xi32>
      %lt3A_1284 = arith.cmpi slt, %add3A_1277, %lt3A_1283 : vector<16xi32>
      %and3A_1285 = arith.andi %and3A_1281, %lt3A_1284 : vector<16xi1>
      %jit3A_1286 = arith.constant 0 : i32
      %jit3A_1287 = arith.constant 16383 : i32
      %max3A_1288 = vector.broadcast %jit3A_1286 : i32 to vector<16xi32>
      %max3A_1289 = arith.maxsi %max3A_1288, %add3A_1277 : vector<16xi32>
      %min3A_1290 = vector.broadcast %jit3A_1287 : i32 to vector<16xi32>
      %min3A_1291 = arith.minsi %min3A_1290, %max3A_1289 : vector<16xi32>
      %mul3A_1292 = arith.constant 0.0196533203 : f32
      %mul3A_1293 = vector.broadcast %mul3A_1292 : f32 to vector<16xf32>
      %mul3A_1294 = arith.mulf %get3A_53, %mul3A_1293 : vector<16xf32>
      tpu.vector_store_idx %arg9[%min3A_1291], %mul3A_1294 masked %and3A_1285 {add = true} : memref<16384xf32, #tpu.memory_space<vmem>>[vector<16xi32>], vector<16xf32>, vector<16xi1>
      %add3A_1295 = arith.constant -1 : i32
      %add3A_1296 = vector.broadcast %add3A_1295 : i32 to vector<16xi32>
      %add3A_1297 = arith.addi %and3A_61, %add3A_1296 : vector<16xi32>
      %ge3A_1298 = arith.constant 0 : i32
      %ge3A_1299 = vector.broadcast %ge3A_1298 : i32 to vector<16xi32>
      %ge3A_1300 = arith.cmpi sge, %add3A_1297, %ge3A_1299 : vector<16xi32>
      %and3A_1301 = arith.andi %and3A_1227, %ge3A_1300 : vector<16xi1>
      %lt3A_1302 = arith.constant 512 : i32
      %lt3A_1303 = vector.broadcast %lt3A_1302 : i32 to vector<16xi32>
      %lt3A_1304 = arith.cmpi slt, %add3A_1297, %lt3A_1303 : vector<16xi32>
      %and3A_1305 = arith.andi %and3A_1301, %lt3A_1304 : vector<16xi1>
      %add3A_1306 = arith.constant -1 : i32
      %add3A_1307 = vector.broadcast %add3A_1306 : i32 to vector<16xi32>
      %add3A_1308 = arith.addi %sub3A_1232, %add3A_1307 : vector<16xi32>
      %ge3A_1309 = arith.constant 0 : i32
      %ge3A_1310 = vector.broadcast %ge3A_1309 : i32 to vector<16xi32>
      %ge3A_1311 = arith.cmpi sge, %add3A_1308, %ge3A_1310 : vector<16xi32>
      %and3A_1312 = arith.andi %and3A_1305, %ge3A_1311 : vector<16xi1>
      %lt3A_1313 = arith.constant 16384 : i32
      %lt3A_1314 = vector.broadcast %lt3A_1313 : i32 to vector<16xi32>
      %lt3A_1315 = arith.cmpi slt, %add3A_1308, %lt3A_1314 : vector<16xi32>
      %and3A_1316 = arith.andi %and3A_1312, %lt3A_1315 : vector<16xi1>
      %jit3A_1317 = arith.constant 0 : i32
      %jit3A_1318 = arith.constant 16383 : i32
      %max3A_1319 = vector.broadcast %jit3A_1317 : i32 to vector<16xi32>
      %max3A_1320 = arith.maxsi %max3A_1319, %add3A_1308 : vector<16xi32>
      %min3A_1321 = vector.broadcast %jit3A_1318 : i32 to vector<16xi32>
      %min3A_1322 = arith.minsi %min3A_1321, %max3A_1320 : vector<16xi32>
      %mul3A_1323 = arith.constant 0.0233154297 : f32
      %mul3A_1324 = vector.broadcast %mul3A_1323 : f32 to vector<16xf32>
      %mul3A_1325 = arith.mulf %get3A_53, %mul3A_1324 : vector<16xf32>
      tpu.vector_store_idx %arg9[%min3A_1322], %mul3A_1325 masked %and3A_1316 {add = true} : memref<16384xf32, #tpu.memory_space<vmem>>[vector<16xi32>], vector<16xf32>, vector<16xi1>
      %add3A_1326 = arith.constant 0 : i32
      %add3A_1327 = vector.broadcast %add3A_1326 : i32 to vector<16xi32>
      %add3A_1328 = arith.addi %and3A_61, %add3A_1327 : vector<16xi32>
      %ge3A_1329 = arith.constant 0 : i32
      %ge3A_1330 = vector.broadcast %ge3A_1329 : i32 to vector<16xi32>
      %ge3A_1331 = arith.cmpi sge, %add3A_1328, %ge3A_1330 : vector<16xi32>
      %and3A_1332 = arith.andi %and3A_1227, %ge3A_1331 : vector<16xi1>
      %lt3A_1333 = arith.constant 512 : i32
      %lt3A_1334 = vector.broadcast %lt3A_1333 : i32 to vector<16xi32>
      %lt3A_1335 = arith.cmpi slt, %add3A_1328, %lt3A_1334 : vector<16xi32>
      %and3A_1336 = arith.andi %and3A_1332, %lt3A_1335 : vector<16xi1>
      %add3A_1337 = arith.constant 0 : i32
      %add3A_1338 = vector.broadcast %add3A_1337 : i32 to vector<16xi32>
      %add3A_1339 = arith.addi %sub3A_1232, %add3A_1338 : vector<16xi32>
      %ge3A_1340 = arith.constant 0 : i32
      %ge3A_1341 = vector.broadcast %ge3A_1340 : i32 to vector<16xi32>
      %ge3A_1342 = arith.cmpi sge, %add3A_1339, %ge3A_1341 : vector<16xi32>
      %and3A_1343 = arith.andi %and3A_1336, %ge3A_1342 : vector<16xi1>
      %lt3A_1344 = arith.constant 16384 : i32
      %lt3A_1345 = vector.broadcast %lt3A_1344 : i32 to vector<16xi32>
      %lt3A_1346 = arith.cmpi slt, %add3A_1339, %lt3A_1345 : vector<16xi32>
      %and3A_1347 = arith.andi %and3A_1343, %lt3A_1346 : vector<16xi1>
      %jit3A_1348 = arith.constant 0 : i32
      %jit3A_1349 = arith.constant 16383 : i32
      %max3A_1350 = vector.broadcast %jit3A_1348 : i32 to vector<16xi32>
      %max3A_1351 = arith.maxsi %max3A_1350, %add3A_1339 : vector<16xi32>
      %min3A_1352 = vector.broadcast %jit3A_1349 : i32 to vector<16xi32>
      %min3A_1353 = arith.minsi %min3A_1352, %max3A_1351 : vector<16xi32>
      %mul3A_1354 = arith.constant 0.0245361328 : f32
      %mul3A_1355 = vector.broadcast %mul3A_1354 : f32 to vector<16xf32>
      %mul3A_1356 = arith.mulf %get3A_53, %mul3A_1355 : vector<16xf32>
      tpu.vector_store_idx %arg9[%min3A_1353], %mul3A_1356 masked %and3A_1347 {add = true} : memref<16384xf32, #tpu.memory_space<vmem>>[vector<16xi32>], vector<16xf32>, vector<16xi1>
      %add3A_1357 = arith.constant 1 : i32
      %add3A_1358 = vector.broadcast %add3A_1357 : i32 to vector<16xi32>
      %add3A_1359 = arith.addi %and3A_61, %add3A_1358 : vector<16xi32>
      %ge3A_1360 = arith.constant 0 : i32
      %ge3A_1361 = vector.broadcast %ge3A_1360 : i32 to vector<16xi32>
      %ge3A_1362 = arith.cmpi sge, %add3A_1359, %ge3A_1361 : vector<16xi32>
      %and3A_1363 = arith.andi %and3A_1227, %ge3A_1362 : vector<16xi1>
      %lt3A_1364 = arith.constant 512 : i32
      %lt3A_1365 = vector.broadcast %lt3A_1364 : i32 to vector<16xi32>
      %lt3A_1366 = arith.cmpi slt, %add3A_1359, %lt3A_1365 : vector<16xi32>
      %and3A_1367 = arith.andi %and3A_1363, %lt3A_1366 : vector<16xi1>
      %add3A_1368 = arith.constant 1 : i32
      %add3A_1369 = vector.broadcast %add3A_1368 : i32 to vector<16xi32>
      %add3A_1370 = arith.addi %sub3A_1232, %add3A_1369 : vector<16xi32>
      %ge3A_1371 = arith.constant 0 : i32
      %ge3A_1372 = vector.broadcast %ge3A_1371 : i32 to vector<16xi32>
      %ge3A_1373 = arith.cmpi sge, %add3A_1370, %ge3A_1372 : vector<16xi32>
      %and3A_1374 = arith.andi %and3A_1367, %ge3A_1373 : vector<16xi1>
      %lt3A_1375 = arith.constant 16384 : i32
      %lt3A_1376 = vector.broadcast %lt3A_1375 : i32 to vector<16xi32>
      %lt3A_1377 = arith.cmpi slt, %add3A_1370, %lt3A_1376 : vector<16xi32>
      %and3A_1378 = arith.andi %and3A_1374, %lt3A_1377 : vector<16xi1>
      %jit3A_1379 = arith.constant 0 : i32
      %jit3A_1380 = arith.constant 16383 : i32
      %max3A_1381 = vector.broadcast %jit3A_1379 : i32 to vector<16xi32>
      %max3A_1382 = arith.maxsi %max3A_1381, %add3A_1370 : vector<16xi32>
      %min3A_1383 = vector.broadcast %jit3A_1380 : i32 to vector<16xi32>
      %min3A_1384 = arith.minsi %min3A_1383, %max3A_1382 : vector<16xi32>
      %mul3A_1385 = arith.constant 0.0233154297 : f32
      %mul3A_1386 = vector.broadcast %mul3A_1385 : f32 to vector<16xf32>
      %mul3A_1387 = arith.mulf %get3A_53, %mul3A_1386 : vector<16xf32>
      tpu.vector_store_idx %arg9[%min3A_1384], %mul3A_1387 masked %and3A_1378 {add = true} : memref<16384xf32, #tpu.memory_space<vmem>>[vector<16xi32>], vector<16xf32>, vector<16xi1>
      %add3A_1388 = arith.constant 2 : i32
      %add3A_1389 = vector.broadcast %add3A_1388 : i32 to vector<16xi32>
      %add3A_1390 = arith.addi %and3A_61, %add3A_1389 : vector<16xi32>
      %ge3A_1391 = arith.constant 0 : i32
      %ge3A_1392 = vector.broadcast %ge3A_1391 : i32 to vector<16xi32>
      %ge3A_1393 = arith.cmpi sge, %add3A_1390, %ge3A_1392 : vector<16xi32>
      %and3A_1394 = arith.andi %and3A_1227, %ge3A_1393 : vector<16xi1>
      %lt3A_1395 = arith.constant 512 : i32
      %lt3A_1396 = vector.broadcast %lt3A_1395 : i32 to vector<16xi32>
      %lt3A_1397 = arith.cmpi slt, %add3A_1390, %lt3A_1396 : vector<16xi32>
      %and3A_1398 = arith.andi %and3A_1394, %lt3A_1397 : vector<16xi1>
      %add3A_1399 = arith.constant 2 : i32
      %add3A_1400 = vector.broadcast %add3A_1399 : i32 to vector<16xi32>
      %add3A_1401 = arith.addi %sub3A_1232, %add3A_1400 : vector<16xi32>
      %ge3A_1402 = arith.constant 0 : i32
      %ge3A_1403 = vector.broadcast %ge3A_1402 : i32 to vector<16xi32>
      %ge3A_1404 = arith.cmpi sge, %add3A_1401, %ge3A_1403 : vector<16xi32>
      %and3A_1405 = arith.andi %and3A_1398, %ge3A_1404 : vector<16xi1>
      %lt3A_1406 = arith.constant 16384 : i32
      %lt3A_1407 = vector.broadcast %lt3A_1406 : i32 to vector<16xi32>
      %lt3A_1408 = arith.cmpi slt, %add3A_1401, %lt3A_1407 : vector<16xi32>
      %and3A_1409 = arith.andi %and3A_1405, %lt3A_1408 : vector<16xi1>
      %jit3A_1410 = arith.constant 0 : i32
      %jit3A_1411 = arith.constant 16383 : i32
      %max3A_1412 = vector.broadcast %jit3A_1410 : i32 to vector<16xi32>
      %max3A_1413 = arith.maxsi %max3A_1412, %add3A_1401 : vector<16xi32>
      %min3A_1414 = vector.broadcast %jit3A_1411 : i32 to vector<16xi32>
      %min3A_1415 = arith.minsi %min3A_1414, %max3A_1413 : vector<16xi32>
      %mul3A_1416 = arith.constant 0.0196533203 : f32
      %mul3A_1417 = vector.broadcast %mul3A_1416 : f32 to vector<16xf32>
      %mul3A_1418 = arith.mulf %get3A_53, %mul3A_1417 : vector<16xf32>
      tpu.vector_store_idx %arg9[%min3A_1415], %mul3A_1418 masked %and3A_1409 {add = true} : memref<16384xf32, #tpu.memory_space<vmem>>[vector<16xi32>], vector<16xf32>, vector<16xi1>
      %add3A_1419 = arith.constant 3 : i32
      %add3A_1420 = vector.broadcast %add3A_1419 : i32 to vector<16xi32>
      %add3A_1421 = arith.addi %and3A_61, %add3A_1420 : vector<16xi32>
      %ge3A_1422 = arith.constant 0 : i32
      %ge3A_1423 = vector.broadcast %ge3A_1422 : i32 to vector<16xi32>
      %ge3A_1424 = arith.cmpi sge, %add3A_1421, %ge3A_1423 : vector<16xi32>
      %and3A_1425 = arith.andi %and3A_1227, %ge3A_1424 : vector<16xi1>
      %lt3A_1426 = arith.constant 512 : i32
      %lt3A_1427 = vector.broadcast %lt3A_1426 : i32 to vector<16xi32>
      %lt3A_1428 = arith.cmpi slt, %add3A_1421, %lt3A_1427 : vector<16xi32>
      %and3A_1429 = arith.andi %and3A_1425, %lt3A_1428 : vector<16xi1>
      %add3A_1430 = arith.constant 3 : i32
      %add3A_1431 = vector.broadcast %add3A_1430 : i32 to vector<16xi32>
      %add3A_1432 = arith.addi %sub3A_1232, %add3A_1431 : vector<16xi32>
      %ge3A_1433 = arith.constant 0 : i32
      %ge3A_1434 = vector.broadcast %ge3A_1433 : i32 to vector<16xi32>
      %ge3A_1435 = arith.cmpi sge, %add3A_1432, %ge3A_1434 : vector<16xi32>
      %and3A_1436 = arith.andi %and3A_1429, %ge3A_1435 : vector<16xi1>
      %lt3A_1437 = arith.constant 16384 : i32
      %lt3A_1438 = vector.broadcast %lt3A_1437 : i32 to vector<16xi32>
      %lt3A_1439 = arith.cmpi slt, %add3A_1432, %lt3A_1438 : vector<16xi32>
      %and3A_1440 = arith.andi %and3A_1436, %lt3A_1439 : vector<16xi1>
      %jit3A_1441 = arith.constant 0 : i32
      %jit3A_1442 = arith.constant 16383 : i32
      %max3A_1443 = vector.broadcast %jit3A_1441 : i32 to vector<16xi32>
      %max3A_1444 = arith.maxsi %max3A_1443, %add3A_1432 : vector<16xi32>
      %min3A_1445 = vector.broadcast %jit3A_1442 : i32 to vector<16xi32>
      %min3A_1446 = arith.minsi %min3A_1445, %max3A_1444 : vector<16xi32>
      %mul3A_1447 = arith.constant 0.0148925781 : f32
      %mul3A_1448 = vector.broadcast %mul3A_1447 : f32 to vector<16xf32>
      %mul3A_1449 = arith.mulf %get3A_53, %mul3A_1448 : vector<16xf32>
      tpu.vector_store_idx %arg9[%min3A_1446], %mul3A_1449 masked %and3A_1440 {add = true} : memref<16384xf32, #tpu.memory_space<vmem>>[vector<16xi32>], vector<16xf32>, vector<16xi1>
      %add3A_1450 = arith.constant 3 : i32
      %add3A_1451 = vector.broadcast %add3A_1450 : i32 to vector<16xi32>
      %add3A_1452 = arith.addi %shift_right_arithmetic3A_58, %add3A_1451 : vector<16xi32>
      %ge3A_1453 = arith.constant 0 : i32
      %ge3A_1454 = vector.broadcast %ge3A_1453 : i32 to vector<16xi32>
      %ge3A_1455 = arith.cmpi sge, %add3A_1452, %ge3A_1454 : vector<16xi32>
      %lt3A_1456 = arith.constant 512 : i32
      %lt3A_1457 = vector.broadcast %lt3A_1456 : i32 to vector<16xi32>
      %lt3A_1458 = arith.cmpi slt, %add3A_1452, %lt3A_1457 : vector<16xi32>
      %and3A_1459 = arith.andi %ge3A_1455, %lt3A_1458 : vector<16xi1>
      %add3A_1460 = arith.constant 1536 : i32
      %add3A_1461 = vector.broadcast %add3A_1460 : i32 to vector<16xi32>
      %add3A_1462 = arith.addi %get3A_49, %add3A_1461 : vector<16xi32>
      %sub3A_1463 = vector.broadcast %mul3A_2 : i32 to vector<16xi32>
      %sub3A_1464 = arith.subi %add3A_1462, %sub3A_1463 : vector<16xi32>
      %add3A_1465 = arith.constant -3 : i32
      %add3A_1466 = vector.broadcast %add3A_1465 : i32 to vector<16xi32>
      %add3A_1467 = arith.addi %and3A_61, %add3A_1466 : vector<16xi32>
      %ge3A_1468 = arith.constant 0 : i32
      %ge3A_1469 = vector.broadcast %ge3A_1468 : i32 to vector<16xi32>
      %ge3A_1470 = arith.cmpi sge, %add3A_1467, %ge3A_1469 : vector<16xi32>
      %and3A_1471 = arith.andi %and3A_1459, %ge3A_1470 : vector<16xi1>
      %lt3A_1472 = arith.constant 512 : i32
      %lt3A_1473 = vector.broadcast %lt3A_1472 : i32 to vector<16xi32>
      %lt3A_1474 = arith.cmpi slt, %add3A_1467, %lt3A_1473 : vector<16xi32>
      %and3A_1475 = arith.andi %and3A_1471, %lt3A_1474 : vector<16xi1>
      %add3A_1476 = arith.constant -3 : i32
      %add3A_1477 = vector.broadcast %add3A_1476 : i32 to vector<16xi32>
      %add3A_1478 = arith.addi %sub3A_1464, %add3A_1477 : vector<16xi32>
      %ge3A_1479 = arith.constant 0 : i32
      %ge3A_1480 = vector.broadcast %ge3A_1479 : i32 to vector<16xi32>
      %ge3A_1481 = arith.cmpi sge, %add3A_1478, %ge3A_1480 : vector<16xi32>
      %and3A_1482 = arith.andi %and3A_1475, %ge3A_1481 : vector<16xi1>
      %lt3A_1483 = arith.constant 16384 : i32
      %lt3A_1484 = vector.broadcast %lt3A_1483 : i32 to vector<16xi32>
      %lt3A_1485 = arith.cmpi slt, %add3A_1478, %lt3A_1484 : vector<16xi32>
      %and3A_1486 = arith.andi %and3A_1482, %lt3A_1485 : vector<16xi1>
      %jit3A_1487 = arith.constant 0 : i32
      %jit3A_1488 = arith.constant 16383 : i32
      %max3A_1489 = vector.broadcast %jit3A_1487 : i32 to vector<16xi32>
      %max3A_1490 = arith.maxsi %max3A_1489, %add3A_1478 : vector<16xi32>
      %min3A_1491 = vector.broadcast %jit3A_1488 : i32 to vector<16xi32>
      %min3A_1492 = arith.minsi %min3A_1491, %max3A_1490 : vector<16xi32>
      %mul3A_1493 = arith.constant 0.0112915039 : f32
      %mul3A_1494 = vector.broadcast %mul3A_1493 : f32 to vector<16xf32>
      %mul3A_1495 = arith.mulf %get3A_53, %mul3A_1494 : vector<16xf32>
      tpu.vector_store_idx %arg9[%min3A_1492], %mul3A_1495 masked %and3A_1486 {add = true} : memref<16384xf32, #tpu.memory_space<vmem>>[vector<16xi32>], vector<16xf32>, vector<16xi1>
      %add3A_1496 = arith.constant -2 : i32
      %add3A_1497 = vector.broadcast %add3A_1496 : i32 to vector<16xi32>
      %add3A_1498 = arith.addi %and3A_61, %add3A_1497 : vector<16xi32>
      %ge3A_1499 = arith.constant 0 : i32
      %ge3A_1500 = vector.broadcast %ge3A_1499 : i32 to vector<16xi32>
      %ge3A_1501 = arith.cmpi sge, %add3A_1498, %ge3A_1500 : vector<16xi32>
      %and3A_1502 = arith.andi %and3A_1459, %ge3A_1501 : vector<16xi1>
      %lt3A_1503 = arith.constant 512 : i32
      %lt3A_1504 = vector.broadcast %lt3A_1503 : i32 to vector<16xi32>
      %lt3A_1505 = arith.cmpi slt, %add3A_1498, %lt3A_1504 : vector<16xi32>
      %and3A_1506 = arith.andi %and3A_1502, %lt3A_1505 : vector<16xi1>
      %add3A_1507 = arith.constant -2 : i32
      %add3A_1508 = vector.broadcast %add3A_1507 : i32 to vector<16xi32>
      %add3A_1509 = arith.addi %sub3A_1464, %add3A_1508 : vector<16xi32>
      %ge3A_1510 = arith.constant 0 : i32
      %ge3A_1511 = vector.broadcast %ge3A_1510 : i32 to vector<16xi32>
      %ge3A_1512 = arith.cmpi sge, %add3A_1509, %ge3A_1511 : vector<16xi32>
      %and3A_1513 = arith.andi %and3A_1506, %ge3A_1512 : vector<16xi1>
      %lt3A_1514 = arith.constant 16384 : i32
      %lt3A_1515 = vector.broadcast %lt3A_1514 : i32 to vector<16xi32>
      %lt3A_1516 = arith.cmpi slt, %add3A_1509, %lt3A_1515 : vector<16xi32>
      %and3A_1517 = arith.andi %and3A_1513, %lt3A_1516 : vector<16xi1>
      %jit3A_1518 = arith.constant 0 : i32
      %jit3A_1519 = arith.constant 16383 : i32
      %max3A_1520 = vector.broadcast %jit3A_1518 : i32 to vector<16xi32>
      %max3A_1521 = arith.maxsi %max3A_1520, %add3A_1509 : vector<16xi32>
      %min3A_1522 = vector.broadcast %jit3A_1519 : i32 to vector<16xi32>
      %min3A_1523 = arith.minsi %min3A_1522, %max3A_1521 : vector<16xi32>
      %mul3A_1524 = arith.constant 0.0148925781 : f32
      %mul3A_1525 = vector.broadcast %mul3A_1524 : f32 to vector<16xf32>
      %mul3A_1526 = arith.mulf %get3A_53, %mul3A_1525 : vector<16xf32>
      tpu.vector_store_idx %arg9[%min3A_1523], %mul3A_1526 masked %and3A_1517 {add = true} : memref<16384xf32, #tpu.memory_space<vmem>>[vector<16xi32>], vector<16xf32>, vector<16xi1>
      %add3A_1527 = arith.constant -1 : i32
      %add3A_1528 = vector.broadcast %add3A_1527 : i32 to vector<16xi32>
      %add3A_1529 = arith.addi %and3A_61, %add3A_1528 : vector<16xi32>
      %ge3A_1530 = arith.constant 0 : i32
      %ge3A_1531 = vector.broadcast %ge3A_1530 : i32 to vector<16xi32>
      %ge3A_1532 = arith.cmpi sge, %add3A_1529, %ge3A_1531 : vector<16xi32>
      %and3A_1533 = arith.andi %and3A_1459, %ge3A_1532 : vector<16xi1>
      %lt3A_1534 = arith.constant 512 : i32
      %lt3A_1535 = vector.broadcast %lt3A_1534 : i32 to vector<16xi32>
      %lt3A_1536 = arith.cmpi slt, %add3A_1529, %lt3A_1535 : vector<16xi32>
      %and3A_1537 = arith.andi %and3A_1533, %lt3A_1536 : vector<16xi1>
      %add3A_1538 = arith.constant -1 : i32
      %add3A_1539 = vector.broadcast %add3A_1538 : i32 to vector<16xi32>
      %add3A_1540 = arith.addi %sub3A_1464, %add3A_1539 : vector<16xi32>
      %ge3A_1541 = arith.constant 0 : i32
      %ge3A_1542 = vector.broadcast %ge3A_1541 : i32 to vector<16xi32>
      %ge3A_1543 = arith.cmpi sge, %add3A_1540, %ge3A_1542 : vector<16xi32>
      %and3A_1544 = arith.andi %and3A_1537, %ge3A_1543 : vector<16xi1>
      %lt3A_1545 = arith.constant 16384 : i32
      %lt3A_1546 = vector.broadcast %lt3A_1545 : i32 to vector<16xi32>
      %lt3A_1547 = arith.cmpi slt, %add3A_1540, %lt3A_1546 : vector<16xi32>
      %and3A_1548 = arith.andi %and3A_1544, %lt3A_1547 : vector<16xi1>
      %jit3A_1549 = arith.constant 0 : i32
      %jit3A_1550 = arith.constant 16383 : i32
      %max3A_1551 = vector.broadcast %jit3A_1549 : i32 to vector<16xi32>
      %max3A_1552 = arith.maxsi %max3A_1551, %add3A_1540 : vector<16xi32>
      %min3A_1553 = vector.broadcast %jit3A_1550 : i32 to vector<16xi32>
      %min3A_1554 = arith.minsi %min3A_1553, %max3A_1552 : vector<16xi32>
      %mul3A_1555 = arith.constant 0.017578125 : f32
      %mul3A_1556 = vector.broadcast %mul3A_1555 : f32 to vector<16xf32>
      %mul3A_1557 = arith.mulf %get3A_53, %mul3A_1556 : vector<16xf32>
      tpu.vector_store_idx %arg9[%min3A_1554], %mul3A_1557 masked %and3A_1548 {add = true} : memref<16384xf32, #tpu.memory_space<vmem>>[vector<16xi32>], vector<16xf32>, vector<16xi1>
      %add3A_1558 = arith.constant 0 : i32
      %add3A_1559 = vector.broadcast %add3A_1558 : i32 to vector<16xi32>
      %add3A_1560 = arith.addi %and3A_61, %add3A_1559 : vector<16xi32>
      %ge3A_1561 = arith.constant 0 : i32
      %ge3A_1562 = vector.broadcast %ge3A_1561 : i32 to vector<16xi32>
      %ge3A_1563 = arith.cmpi sge, %add3A_1560, %ge3A_1562 : vector<16xi32>
      %and3A_1564 = arith.andi %and3A_1459, %ge3A_1563 : vector<16xi1>
      %lt3A_1565 = arith.constant 512 : i32
      %lt3A_1566 = vector.broadcast %lt3A_1565 : i32 to vector<16xi32>
      %lt3A_1567 = arith.cmpi slt, %add3A_1560, %lt3A_1566 : vector<16xi32>
      %and3A_1568 = arith.andi %and3A_1564, %lt3A_1567 : vector<16xi1>
      %add3A_1569 = arith.constant 0 : i32
      %add3A_1570 = vector.broadcast %add3A_1569 : i32 to vector<16xi32>
      %add3A_1571 = arith.addi %sub3A_1464, %add3A_1570 : vector<16xi32>
      %ge3A_1572 = arith.constant 0 : i32
      %ge3A_1573 = vector.broadcast %ge3A_1572 : i32 to vector<16xi32>
      %ge3A_1574 = arith.cmpi sge, %add3A_1571, %ge3A_1573 : vector<16xi32>
      %and3A_1575 = arith.andi %and3A_1568, %ge3A_1574 : vector<16xi1>
      %lt3A_1576 = arith.constant 16384 : i32
      %lt3A_1577 = vector.broadcast %lt3A_1576 : i32 to vector<16xi32>
      %lt3A_1578 = arith.cmpi slt, %add3A_1571, %lt3A_1577 : vector<16xi32>
      %and3A_1579 = arith.andi %and3A_1575, %lt3A_1578 : vector<16xi1>
      %jit3A_1580 = arith.constant 0 : i32
      %jit3A_1581 = arith.constant 16383 : i32
      %max3A_1582 = vector.broadcast %jit3A_1580 : i32 to vector<16xi32>
      %max3A_1583 = arith.maxsi %max3A_1582, %add3A_1571 : vector<16xi32>
      %min3A_1584 = vector.broadcast %jit3A_1581 : i32 to vector<16xi32>
      %min3A_1585 = arith.minsi %min3A_1584, %max3A_1583 : vector<16xi32>
      %mul3A_1586 = arith.constant 0.0186767578 : f32
      %mul3A_1587 = vector.broadcast %mul3A_1586 : f32 to vector<16xf32>
      %mul3A_1588 = arith.mulf %get3A_53, %mul3A_1587 : vector<16xf32>
      tpu.vector_store_idx %arg9[%min3A_1585], %mul3A_1588 masked %and3A_1579 {add = true} : memref<16384xf32, #tpu.memory_space<vmem>>[vector<16xi32>], vector<16xf32>, vector<16xi1>
      %add3A_1589 = arith.constant 1 : i32
      %add3A_1590 = vector.broadcast %add3A_1589 : i32 to vector<16xi32>
      %add3A_1591 = arith.addi %and3A_61, %add3A_1590 : vector<16xi32>
      %ge3A_1592 = arith.constant 0 : i32
      %ge3A_1593 = vector.broadcast %ge3A_1592 : i32 to vector<16xi32>
      %ge3A_1594 = arith.cmpi sge, %add3A_1591, %ge3A_1593 : vector<16xi32>
      %and3A_1595 = arith.andi %and3A_1459, %ge3A_1594 : vector<16xi1>
      %lt3A_1596 = arith.constant 512 : i32
      %lt3A_1597 = vector.broadcast %lt3A_1596 : i32 to vector<16xi32>
      %lt3A_1598 = arith.cmpi slt, %add3A_1591, %lt3A_1597 : vector<16xi32>
      %and3A_1599 = arith.andi %and3A_1595, %lt3A_1598 : vector<16xi1>
      %add3A_1600 = arith.constant 1 : i32
      %add3A_1601 = vector.broadcast %add3A_1600 : i32 to vector<16xi32>
      %add3A_1602 = arith.addi %sub3A_1464, %add3A_1601 : vector<16xi32>
      %ge3A_1603 = arith.constant 0 : i32
      %ge3A_1604 = vector.broadcast %ge3A_1603 : i32 to vector<16xi32>
      %ge3A_1605 = arith.cmpi sge, %add3A_1602, %ge3A_1604 : vector<16xi32>
      %and3A_1606 = arith.andi %and3A_1599, %ge3A_1605 : vector<16xi1>
      %lt3A_1607 = arith.constant 16384 : i32
      %lt3A_1608 = vector.broadcast %lt3A_1607 : i32 to vector<16xi32>
      %lt3A_1609 = arith.cmpi slt, %add3A_1602, %lt3A_1608 : vector<16xi32>
      %and3A_1610 = arith.andi %and3A_1606, %lt3A_1609 : vector<16xi1>
      %jit3A_1611 = arith.constant 0 : i32
      %jit3A_1612 = arith.constant 16383 : i32
      %max3A_1613 = vector.broadcast %jit3A_1611 : i32 to vector<16xi32>
      %max3A_1614 = arith.maxsi %max3A_1613, %add3A_1602 : vector<16xi32>
      %min3A_1615 = vector.broadcast %jit3A_1612 : i32 to vector<16xi32>
      %min3A_1616 = arith.minsi %min3A_1615, %max3A_1614 : vector<16xi32>
      %mul3A_1617 = arith.constant 0.017578125 : f32
      %mul3A_1618 = vector.broadcast %mul3A_1617 : f32 to vector<16xf32>
      %mul3A_1619 = arith.mulf %get3A_53, %mul3A_1618 : vector<16xf32>
      tpu.vector_store_idx %arg9[%min3A_1616], %mul3A_1619 masked %and3A_1610 {add = true} : memref<16384xf32, #tpu.memory_space<vmem>>[vector<16xi32>], vector<16xf32>, vector<16xi1>
      %add3A_1620 = arith.constant 2 : i32
      %add3A_1621 = vector.broadcast %add3A_1620 : i32 to vector<16xi32>
      %add3A_1622 = arith.addi %and3A_61, %add3A_1621 : vector<16xi32>
      %ge3A_1623 = arith.constant 0 : i32
      %ge3A_1624 = vector.broadcast %ge3A_1623 : i32 to vector<16xi32>
      %ge3A_1625 = arith.cmpi sge, %add3A_1622, %ge3A_1624 : vector<16xi32>
      %and3A_1626 = arith.andi %and3A_1459, %ge3A_1625 : vector<16xi1>
      %lt3A_1627 = arith.constant 512 : i32
      %lt3A_1628 = vector.broadcast %lt3A_1627 : i32 to vector<16xi32>
      %lt3A_1629 = arith.cmpi slt, %add3A_1622, %lt3A_1628 : vector<16xi32>
      %and3A_1630 = arith.andi %and3A_1626, %lt3A_1629 : vector<16xi1>
      %add3A_1631 = arith.constant 2 : i32
      %add3A_1632 = vector.broadcast %add3A_1631 : i32 to vector<16xi32>
      %add3A_1633 = arith.addi %sub3A_1464, %add3A_1632 : vector<16xi32>
      %ge3A_1634 = arith.constant 0 : i32
      %ge3A_1635 = vector.broadcast %ge3A_1634 : i32 to vector<16xi32>
      %ge3A_1636 = arith.cmpi sge, %add3A_1633, %ge3A_1635 : vector<16xi32>
      %and3A_1637 = arith.andi %and3A_1630, %ge3A_1636 : vector<16xi1>
      %lt3A_1638 = arith.constant 16384 : i32
      %lt3A_1639 = vector.broadcast %lt3A_1638 : i32 to vector<16xi32>
      %lt3A_1640 = arith.cmpi slt, %add3A_1633, %lt3A_1639 : vector<16xi32>
      %and3A_1641 = arith.andi %and3A_1637, %lt3A_1640 : vector<16xi1>
      %jit3A_1642 = arith.constant 0 : i32
      %jit3A_1643 = arith.constant 16383 : i32
      %max3A_1644 = vector.broadcast %jit3A_1642 : i32 to vector<16xi32>
      %max3A_1645 = arith.maxsi %max3A_1644, %add3A_1633 : vector<16xi32>
      %min3A_1646 = vector.broadcast %jit3A_1643 : i32 to vector<16xi32>
      %min3A_1647 = arith.minsi %min3A_1646, %max3A_1645 : vector<16xi32>
      %mul3A_1648 = arith.constant 0.0148925781 : f32
      %mul3A_1649 = vector.broadcast %mul3A_1648 : f32 to vector<16xf32>
      %mul3A_1650 = arith.mulf %get3A_53, %mul3A_1649 : vector<16xf32>
      tpu.vector_store_idx %arg9[%min3A_1647], %mul3A_1650 masked %and3A_1641 {add = true} : memref<16384xf32, #tpu.memory_space<vmem>>[vector<16xi32>], vector<16xf32>, vector<16xi1>
      %add3A_1651 = arith.constant 3 : i32
      %add3A_1652 = vector.broadcast %add3A_1651 : i32 to vector<16xi32>
      %add3A_1653 = arith.addi %and3A_61, %add3A_1652 : vector<16xi32>
      %ge3A_1654 = arith.constant 0 : i32
      %ge3A_1655 = vector.broadcast %ge3A_1654 : i32 to vector<16xi32>
      %ge3A_1656 = arith.cmpi sge, %add3A_1653, %ge3A_1655 : vector<16xi32>
      %and3A_1657 = arith.andi %and3A_1459, %ge3A_1656 : vector<16xi1>
      %lt3A_1658 = arith.constant 512 : i32
      %lt3A_1659 = vector.broadcast %lt3A_1658 : i32 to vector<16xi32>
      %lt3A_1660 = arith.cmpi slt, %add3A_1653, %lt3A_1659 : vector<16xi32>
      %and3A_1661 = arith.andi %and3A_1657, %lt3A_1660 : vector<16xi1>
      %add3A_1662 = arith.constant 3 : i32
      %add3A_1663 = vector.broadcast %add3A_1662 : i32 to vector<16xi32>
      %add3A_1664 = arith.addi %sub3A_1464, %add3A_1663 : vector<16xi32>
      %ge3A_1665 = arith.constant 0 : i32
      %ge3A_1666 = vector.broadcast %ge3A_1665 : i32 to vector<16xi32>
      %ge3A_1667 = arith.cmpi sge, %add3A_1664, %ge3A_1666 : vector<16xi32>
      %and3A_1668 = arith.andi %and3A_1661, %ge3A_1667 : vector<16xi1>
      %lt3A_1669 = arith.constant 16384 : i32
      %lt3A_1670 = vector.broadcast %lt3A_1669 : i32 to vector<16xi32>
      %lt3A_1671 = arith.cmpi slt, %add3A_1664, %lt3A_1670 : vector<16xi32>
      %and3A_1672 = arith.andi %and3A_1668, %lt3A_1671 : vector<16xi1>
      %jit3A_1673 = arith.constant 0 : i32
      %jit3A_1674 = arith.constant 16383 : i32
      %max3A_1675 = vector.broadcast %jit3A_1673 : i32 to vector<16xi32>
      %max3A_1676 = arith.maxsi %max3A_1675, %add3A_1664 : vector<16xi32>
      %min3A_1677 = vector.broadcast %jit3A_1674 : i32 to vector<16xi32>
      %min3A_1678 = arith.minsi %min3A_1677, %max3A_1676 : vector<16xi32>
      %mul3A_1679 = arith.constant 0.0112915039 : f32
      %mul3A_1680 = vector.broadcast %mul3A_1679 : f32 to vector<16xf32>
      %mul3A_1681 = arith.mulf %get3A_53, %mul3A_1680 : vector<16xf32>
      tpu.vector_store_idx %arg9[%min3A_1678], %mul3A_1681 masked %and3A_1672 {add = true} : memref<16384xf32, #tpu.memory_space<vmem>>[vector<16xi32>], vector<16xf32>, vector<16xi1>
    }
    "tpu.region"() ({
      %run_scoped3A = tpu.sem_alloc : memref<!tpu.dma_semaphore, #tpu.memory_space<semaphore_mem>>
      %dma_start3A = tpu.memref_slice %arg5[%mul3A_2] : memref<524288xf32, #tpu.memory_space<hbm>> -> memref<16384xf32, #tpu.memory_space<hbm>>
      %dma_start3A_45 = tpu.memref_slice %arg5[%mul3A_2] : memref<524288xf32, #tpu.memory_space<hbm>> -> memref<16384xf32, #tpu.memory_space<hbm>>
      tpu.enqueue_dma source(%arg9 : memref<16384xf32, #tpu.memory_space<vmem>>) target(%dma_start3A_45 : memref<16384xf32, #tpu.memory_space<hbm>>) target_semaphore(%run_scoped3A : memref<!tpu.dma_semaphore, #tpu.memory_space<semaphore_mem>>)
      %dma_wait3A = tpu.memref_slice %arg5[%mul3A_2] : memref<524288xf32, #tpu.memory_space<hbm>> -> memref<16384xf32, #tpu.memory_space<hbm>>
      %dma_wait3A_46 = tpu.memref_slice %arg5[%mul3A_2] : memref<524288xf32, #tpu.memory_space<hbm>> -> memref<16384xf32, #tpu.memory_space<hbm>>
      tpu.wait_dma2 semaphore(%run_scoped3A : memref<!tpu.dma_semaphore, #tpu.memory_space<semaphore_mem>>) src(%arg9 : memref<16384xf32, #tpu.memory_space<vmem>>) dst(%dma_wait3A_46 : memref<16384xf32, #tpu.memory_space<hbm>>)
      tpu.yield
    }) : () -> ()
    return
  }
}

module attributes {stable_mosaic.version = 14 : i64} {
  func.func @_tc_star_body(%arg0: memref<2x4xf32, #tpu.memory_space<vmem>>, %arg1: memref<128x1xf32, #tpu.memory_space<vmem>>, %arg2: memref<128x1xf32, #tpu.memory_space<vmem>>, %arg3: memref<1x128xf32, #tpu.memory_space<vmem>>, %arg4: memref<1x128xi32, #tpu.memory_space<vmem>>, %arg5: memref<1x128xf32, #tpu.memory_space<vmem>>, %arg6: memref<1x128xi32, #tpu.memory_space<vmem>>) attributes {dimension_semantics = [], scalar_prefetch = 0 : i64, scratch_operands = 0 : i64, tpu.core_type = #tpu.core_type<tc>} {
    %iota3A = tpu.iota {dimensions = array<i32: 1>} : vector<1x128xi32>
    %iota3A_0 = tpu.iota {dimensions = array<i32: 0>} : vector<128x128xi32>
    %iota3A_1 = tpu.iota {dimensions = array<i32: 1>} : vector<128x128xi32>
    %eq3A = arith.cmpi eq, %iota3A_0, %iota3A_1 : vector<128x128xi32>
    %lt3A = arith.constant 64 : i32
    %lt3A_2 = vector.broadcast %lt3A : i32 to vector<1x128xi32>
    %lt3A_3 = arith.cmpi slt, %iota3A, %lt3A_2 : vector<1x128xi32>
    %get3A = arith.constant 0 : index
    %get3A_4 = arith.constant 0 : index
    %get3A_5 = vector.load %arg0[%get3A, %get3A_4] : memref<2x4xf32, #tpu.memory_space<vmem>>, vector<1x1xf32>
    %broadcast_in_dim3A = vector.shape_cast %get3A_5 : vector<1x1xf32> to vector<1x1xf32>
    %broadcast_in_dim3A_6 = vector.broadcast %broadcast_in_dim3A : vector<1x1xf32> to vector<1x128xf32>
    %get3A_7 = arith.constant 1 : index
    %get3A_8 = arith.constant 0 : index
    %get3A_9 = vector.load %arg0[%get3A_7, %get3A_8] : memref<2x4xf32, #tpu.memory_space<vmem>>, vector<1x1xf32>
    %broadcast_in_dim3A_10 = vector.shape_cast %get3A_9 : vector<1x1xf32> to vector<1x1xf32>
    %broadcast_in_dim3A_11 = vector.broadcast %broadcast_in_dim3A_10 : vector<1x1xf32> to vector<1x128xf32>
    %select_n3A = arith.select %lt3A_3, %broadcast_in_dim3A_6, %broadcast_in_dim3A_11 : vector<1x128xi1>, vector<1x128xf32>
    %get3A_12 = arith.constant 0 : index
    %get3A_13 = arith.constant 1 : index
    %get3A_14 = vector.load %arg0[%get3A_12, %get3A_13] : memref<2x4xf32, #tpu.memory_space<vmem>>, vector<1x1xf32>
    %broadcast_in_dim3A_15 = vector.shape_cast %get3A_14 : vector<1x1xf32> to vector<1x1xf32>
    %broadcast_in_dim3A_16 = vector.broadcast %broadcast_in_dim3A_15 : vector<1x1xf32> to vector<1x128xf32>
    %get3A_17 = arith.constant 1 : index
    %get3A_18 = arith.constant 1 : index
    %get3A_19 = vector.load %arg0[%get3A_17, %get3A_18] : memref<2x4xf32, #tpu.memory_space<vmem>>, vector<1x1xf32>
    %broadcast_in_dim3A_20 = vector.shape_cast %get3A_19 : vector<1x1xf32> to vector<1x1xf32>
    %broadcast_in_dim3A_21 = vector.broadcast %broadcast_in_dim3A_20 : vector<1x1xf32> to vector<1x128xf32>
    %select_n3A_22 = arith.select %lt3A_3, %broadcast_in_dim3A_16, %broadcast_in_dim3A_21 : vector<1x128xi1>, vector<1x128xf32>
    %get3A_23 = arith.constant 0 : index
    %get3A_24 = arith.constant 2 : index
    %get3A_25 = vector.load %arg0[%get3A_23, %get3A_24] : memref<2x4xf32, #tpu.memory_space<vmem>>, vector<1x1xf32>
    %broadcast_in_dim3A_26 = vector.shape_cast %get3A_25 : vector<1x1xf32> to vector<1x1xf32>
    %broadcast_in_dim3A_27 = vector.broadcast %broadcast_in_dim3A_26 : vector<1x1xf32> to vector<1x128xf32>
    %get3A_28 = arith.constant 1 : index
    %get3A_29 = arith.constant 2 : index
    %get3A_30 = vector.load %arg0[%get3A_28, %get3A_29] : memref<2x4xf32, #tpu.memory_space<vmem>>, vector<1x1xf32>
    %broadcast_in_dim3A_31 = vector.shape_cast %get3A_30 : vector<1x1xf32> to vector<1x1xf32>
    %broadcast_in_dim3A_32 = vector.broadcast %broadcast_in_dim3A_31 : vector<1x1xf32> to vector<1x128xf32>
    %select_n3A_33 = arith.select %lt3A_3, %broadcast_in_dim3A_27, %broadcast_in_dim3A_32 : vector<1x128xi1>, vector<1x128xf32>
    %get3A_34 = arith.constant 0 : index
    %get3A_35 = arith.constant 3 : index
    %get3A_36 = vector.load %arg0[%get3A_34, %get3A_35] : memref<2x4xf32, #tpu.memory_space<vmem>>, vector<1x1xf32>
    %broadcast_in_dim3A_37 = vector.shape_cast %get3A_36 : vector<1x1xf32> to vector<1x1xf32>
    %broadcast_in_dim3A_38 = vector.broadcast %broadcast_in_dim3A_37 : vector<1x1xf32> to vector<1x128xf32>
    %get3A_39 = arith.constant 1 : index
    %get3A_40 = arith.constant 3 : index
    %get3A_41 = vector.load %arg0[%get3A_39, %get3A_40] : memref<2x4xf32, #tpu.memory_space<vmem>>, vector<1x1xf32>
    %broadcast_in_dim3A_42 = vector.shape_cast %get3A_41 : vector<1x1xf32> to vector<1x1xf32>
    %broadcast_in_dim3A_43 = vector.broadcast %broadcast_in_dim3A_42 : vector<1x1xf32> to vector<1x128xf32>
    %select_n3A_44 = arith.select %lt3A_3, %broadcast_in_dim3A_38, %broadcast_in_dim3A_43 : vector<1x128xi1>, vector<1x128xf32>
    %get3A_45 = arith.constant 0 : index
    %get3A_46 = arith.constant 0 : index
    %get3A_47 = vector.load %arg1[%get3A_45, %get3A_46] : memref<128x1xf32, #tpu.memory_space<vmem>>, vector<128x1xf32>
    %jit3A = arith.constant 0.000000e+00 : f32
    %broadcast_in_dim3A_48 = vector.shape_cast %get3A_47 : vector<128x1xf32> to vector<128x1xf32>
    %broadcast_in_dim3A_49 = vector.broadcast %broadcast_in_dim3A_48 : vector<128x1xf32> to vector<128x128xf32>
    %broadcast_in_dim3A_50 = vector.broadcast %jit3A : f32 to vector<128x128xf32>
    %select_n3A_51 = arith.select %eq3A, %broadcast_in_dim3A_49, %broadcast_in_dim3A_50 : vector<128x128xi1>, vector<128x128xf32>
    %reduce_sum3A = arith.constant dense<0.000000e+00> : vector<128xf32>
    %reduce_sum3A_52 = vector.multi_reduction <add>, %select_n3A_51, %reduce_sum3A [0] : vector<128x128xf32> to vector<128xf32>
    %broadcast_in_dim3A_53 = vector.shape_cast %reduce_sum3A_52 : vector<128xf32> to vector<1x128xf32>
    %get3A_54 = arith.constant 0 : index
    %get3A_55 = arith.constant 0 : index
    %get3A_56 = vector.load %arg2[%get3A_54, %get3A_55] : memref<128x1xf32, #tpu.memory_space<vmem>>, vector<128x1xf32>
    %jit3A_57 = arith.constant 0.000000e+00 : f32
    %broadcast_in_dim3A_58 = vector.shape_cast %get3A_56 : vector<128x1xf32> to vector<128x1xf32>
    %broadcast_in_dim3A_59 = vector.broadcast %broadcast_in_dim3A_58 : vector<128x1xf32> to vector<128x128xf32>
    %broadcast_in_dim3A_60 = vector.broadcast %jit3A_57 : f32 to vector<128x128xf32>
    %select_n3A_61 = arith.select %eq3A, %broadcast_in_dim3A_59, %broadcast_in_dim3A_60 : vector<128x128xi1>, vector<128x128xf32>
    %reduce_sum3A_62 = arith.constant dense<0.000000e+00> : vector<128xf32>
    %reduce_sum3A_63 = vector.multi_reduction <add>, %select_n3A_61, %reduce_sum3A_62 [0] : vector<128x128xf32> to vector<128xf32>
    %broadcast_in_dim3A_64 = vector.shape_cast %reduce_sum3A_63 : vector<128xf32> to vector<1x128xf32>
    %mul3A = arith.constant 2 : i32
    %mul3A_65 = vector.broadcast %mul3A : i32 to vector<128x128xi32>
    %mul3A_66 = arith.muli %mul3A_65, %iota3A_1 : vector<128x128xi32>
    %add3A = arith.constant 1 : i32
    %add3A_67 = vector.broadcast %add3A : i32 to vector<128x128xi32>
    %add3A_68 = arith.addi %mul3A_66, %add3A_67 : vector<128x128xi32>
    %ge3A = arith.constant 64 : i32
    %ge3A_69 = vector.broadcast %ge3A : i32 to vector<128x128xi32>
    %ge3A_70 = arith.cmpi sge, %iota3A_1, %ge3A_69 : vector<128x128xi32>
    %convert_element_type3A = arith.extui %ge3A_70 : vector<128x128xi1> to vector<128x128xi32>
    %mul3A_71 = arith.constant 128 : i32
    %mul3A_72 = vector.broadcast %mul3A_71 : i32 to vector<128x128xi32>
    %mul3A_73 = arith.muli %mul3A_72, %convert_element_type3A : vector<128x128xi32>
    %sub3A = arith.subi %add3A_68, %mul3A_73 : vector<128x128xi32>
    %eq3A_74 = arith.cmpi eq, %iota3A_0, %sub3A : vector<128x128xi32>
    %get3A_75 = arith.constant 0 : index
    %get3A_76 = arith.constant 0 : index
    %get3A_77 = vector.load %arg3[%get3A_75, %get3A_76] : memref<1x128xf32, #tpu.memory_space<vmem>>, vector<1x128xf32>
    %jit3A_78 = arith.constant 0.000000e+00 : f32
    %broadcast_in_dim3A_79 = vector.shape_cast %get3A_77 : vector<1x128xf32> to vector<1x128xf32>
    %broadcast_in_dim3A_80 = vector.broadcast %broadcast_in_dim3A_79 : vector<1x128xf32> to vector<128x128xf32>
    %broadcast_in_dim3A_81 = vector.broadcast %jit3A_78 : f32 to vector<128x128xf32>
    %select_n3A_82 = arith.select %eq3A, %broadcast_in_dim3A_80, %broadcast_in_dim3A_81 : vector<128x128xi1>, vector<128x128xf32>
    %reduce_sum3A_83 = arith.constant dense<0.000000e+00> : vector<128xf32>
    %reduce_sum3A_84 = vector.multi_reduction <add>, %select_n3A_82, %reduce_sum3A_83 [1] : vector<128x128xf32> to vector<128xf32>
    %broadcast_in_dim3A_85 = vector.shape_cast %reduce_sum3A_84 : vector<128xf32> to vector<128x1xf32>
    %jit3A_86 = arith.constant 0.000000e+00 : f32
    %broadcast_in_dim3A_87 = vector.shape_cast %broadcast_in_dim3A_85 : vector<128x1xf32> to vector<128x1xf32>
    %broadcast_in_dim3A_88 = vector.broadcast %broadcast_in_dim3A_87 : vector<128x1xf32> to vector<128x128xf32>
    %broadcast_in_dim3A_89 = vector.broadcast %jit3A_86 : f32 to vector<128x128xf32>
    %select_n3A_90 = arith.select %eq3A_74, %broadcast_in_dim3A_88, %broadcast_in_dim3A_89 : vector<128x128xi1>, vector<128x128xf32>
    %reduce_sum3A_91 = arith.constant dense<0.000000e+00> : vector<128xf32>
    %reduce_sum3A_92 = vector.multi_reduction <add>, %select_n3A_90, %reduce_sum3A_91 [0] : vector<128x128xf32> to vector<128xf32>
    %broadcast_in_dim3A_93 = vector.shape_cast %reduce_sum3A_92 : vector<128xf32> to vector<1x128xf32>
    %sub3A_94 = arith.constant 8.000000e+00 : f32
    %sub3A_95 = vector.broadcast %sub3A_94 : f32 to vector<1x128xf32>
    %sub3A_96 = arith.subf %sub3A_95, %broadcast_in_dim3A_93 : vector<1x128xf32>
    %div3A = arith.constant 1.000000e+01 : f32
    %div3A_97 = vector.broadcast %div3A : f32 to vector<1x128xf32>
    %div3A_98 = arith.divf %sub3A_96, %div3A_97 : vector<1x128xf32>
    %neg3A = arith.constant 0.000000e+00 : f32
    %neg3A_99 = vector.broadcast %neg3A : f32 to vector<1x128xf32>
    %neg3A_100 = arith.subf %neg3A_99, %broadcast_in_dim3A_53 : vector<1x128xf32>
    %mul3A_101 = arith.constant 1.500000e+01 : f32
    %mul3A_102 = vector.broadcast %mul3A_101 : f32 to vector<1x128xf32>
    %mul3A_103 = arith.mulf %neg3A_100, %mul3A_102 : vector<1x128xf32>
    %div3A_104 = arith.constant 1.800000e+02 : f32
    %div3A_105 = vector.broadcast %div3A_104 : f32 to vector<1x128xf32>
    %div3A_106 = arith.divf %mul3A_103, %div3A_105 : vector<1x128xf32>
    %mul3A_107 = arith.constant 3.14159274 : f32
    %mul3A_108 = vector.broadcast %mul3A_107 : f32 to vector<1x128xf32>
    %mul3A_109 = arith.mulf %div3A_106, %mul3A_108 : vector<1x128xf32>
    %cos3A = math.cos %broadcast_in_dim3A_64 : vector<1x128xf32>
    %sub3A_110 = arith.constant 6.28318548 : f32
    %sub3A_111 = vector.broadcast %sub3A_110 : f32 to vector<1x128xf32>
    %sub3A_112 = arith.subf %sub3A_111, %mul3A_109 : vector<1x128xf32>
    %sin3A = math.sin %sub3A_112 : vector<1x128xf32>
    %mul3A_113 = arith.mulf %cos3A, %sin3A : vector<1x128xf32>
    %neg3A_114 = arith.constant 0.000000e+00 : f32
    %neg3A_115 = vector.broadcast %neg3A_114 : f32 to vector<1x128xf32>
    %neg3A_116 = arith.subf %neg3A_115, %mul3A_113 : vector<1x128xf32>
    %cos3A_117 = math.cos %broadcast_in_dim3A_64 : vector<1x128xf32>
    %sub3A_118 = arith.constant 6.28318548 : f32
    %sub3A_119 = vector.broadcast %sub3A_118 : f32 to vector<1x128xf32>
    %sub3A_120 = arith.subf %sub3A_119, %mul3A_109 : vector<1x128xf32>
    %cos3A_121 = math.cos %sub3A_120 : vector<1x128xf32>
    %mul3A_122 = arith.mulf %cos3A_117, %cos3A_121 : vector<1x128xf32>
    %neg3A_123 = arith.constant 0.000000e+00 : f32
    %neg3A_124 = vector.broadcast %neg3A_123 : f32 to vector<1x128xf32>
    %neg3A_125 = arith.subf %neg3A_124, %mul3A_122 : vector<1x128xf32>
    %sin3A_126 = math.sin %broadcast_in_dim3A_64 : vector<1x128xf32>
    %mul3A_127 = arith.mulf %select_n3A, %select_n3A : vector<1x128xf32>
    %mul3A_128 = arith.mulf %select_n3A_22, %select_n3A_22 : vector<1x128xf32>
    %add3A_129 = arith.addf %mul3A_127, %mul3A_128 : vector<1x128xf32>
    %mul3A_130 = arith.mulf %select_n3A_33, %select_n3A_33 : vector<1x128xf32>
    %sub3A_131 = arith.subf %add3A_129, %mul3A_130 : vector<1x128xf32>
    %mul3A_132 = arith.mulf %select_n3A_44, %select_n3A_44 : vector<1x128xf32>
    %sub3A_133 = arith.subf %sub3A_131, %mul3A_132 : vector<1x128xf32>
    %mul3A_134 = arith.mulf %select_n3A_22, %select_n3A_33 : vector<1x128xf32>
    %mul3A_135 = arith.mulf %select_n3A, %select_n3A_44 : vector<1x128xf32>
    %sub3A_136 = arith.subf %mul3A_134, %mul3A_135 : vector<1x128xf32>
    %mul3A_137 = arith.constant 2.000000e+00 : f32
    %mul3A_138 = vector.broadcast %mul3A_137 : f32 to vector<1x128xf32>
    %mul3A_139 = arith.mulf %mul3A_138, %sub3A_136 : vector<1x128xf32>
    %mul3A_140 = arith.mulf %select_n3A_22, %select_n3A_44 : vector<1x128xf32>
    %mul3A_141 = arith.mulf %select_n3A, %select_n3A_33 : vector<1x128xf32>
    %add3A_142 = arith.addf %mul3A_140, %mul3A_141 : vector<1x128xf32>
    %mul3A_143 = arith.constant 2.000000e+00 : f32
    %mul3A_144 = vector.broadcast %mul3A_143 : f32 to vector<1x128xf32>
    %mul3A_145 = arith.mulf %mul3A_144, %add3A_142 : vector<1x128xf32>
    %mul3A_146 = arith.mulf %select_n3A_22, %select_n3A_33 : vector<1x128xf32>
    %mul3A_147 = arith.mulf %select_n3A, %select_n3A_44 : vector<1x128xf32>
    %add3A_148 = arith.addf %mul3A_146, %mul3A_147 : vector<1x128xf32>
    %mul3A_149 = arith.constant 2.000000e+00 : f32
    %mul3A_150 = vector.broadcast %mul3A_149 : f32 to vector<1x128xf32>
    %mul3A_151 = arith.mulf %mul3A_150, %add3A_148 : vector<1x128xf32>
    %mul3A_152 = arith.mulf %select_n3A, %select_n3A : vector<1x128xf32>
    %mul3A_153 = arith.mulf %select_n3A_33, %select_n3A_33 : vector<1x128xf32>
    %add3A_154 = arith.addf %mul3A_152, %mul3A_153 : vector<1x128xf32>
    %mul3A_155 = arith.mulf %select_n3A_22, %select_n3A_22 : vector<1x128xf32>
    %sub3A_156 = arith.subf %add3A_154, %mul3A_155 : vector<1x128xf32>
    %mul3A_157 = arith.mulf %select_n3A_44, %select_n3A_44 : vector<1x128xf32>
    %sub3A_158 = arith.subf %sub3A_156, %mul3A_157 : vector<1x128xf32>
    %mul3A_159 = arith.mulf %select_n3A_33, %select_n3A_44 : vector<1x128xf32>
    %mul3A_160 = arith.mulf %select_n3A, %select_n3A_22 : vector<1x128xf32>
    %sub3A_161 = arith.subf %mul3A_159, %mul3A_160 : vector<1x128xf32>
    %mul3A_162 = arith.constant 2.000000e+00 : f32
    %mul3A_163 = vector.broadcast %mul3A_162 : f32 to vector<1x128xf32>
    %mul3A_164 = arith.mulf %mul3A_163, %sub3A_161 : vector<1x128xf32>
    %mul3A_165 = arith.mulf %select_n3A_22, %select_n3A_44 : vector<1x128xf32>
    %mul3A_166 = arith.mulf %select_n3A, %select_n3A_33 : vector<1x128xf32>
    %sub3A_167 = arith.subf %mul3A_165, %mul3A_166 : vector<1x128xf32>
    %mul3A_168 = arith.constant 2.000000e+00 : f32
    %mul3A_169 = vector.broadcast %mul3A_168 : f32 to vector<1x128xf32>
    %mul3A_170 = arith.mulf %mul3A_169, %sub3A_167 : vector<1x128xf32>
    %mul3A_171 = arith.mulf %select_n3A_33, %select_n3A_44 : vector<1x128xf32>
    %mul3A_172 = arith.mulf %select_n3A, %select_n3A_22 : vector<1x128xf32>
    %add3A_173 = arith.addf %mul3A_171, %mul3A_172 : vector<1x128xf32>
    %mul3A_174 = arith.constant 2.000000e+00 : f32
    %mul3A_175 = vector.broadcast %mul3A_174 : f32 to vector<1x128xf32>
    %mul3A_176 = arith.mulf %mul3A_175, %add3A_173 : vector<1x128xf32>
    %mul3A_177 = arith.mulf %select_n3A, %select_n3A : vector<1x128xf32>
    %mul3A_178 = arith.mulf %select_n3A_44, %select_n3A_44 : vector<1x128xf32>
    %add3A_179 = arith.addf %mul3A_177, %mul3A_178 : vector<1x128xf32>
    %mul3A_180 = arith.mulf %select_n3A_22, %select_n3A_22 : vector<1x128xf32>
    %sub3A_181 = arith.subf %add3A_179, %mul3A_180 : vector<1x128xf32>
    %mul3A_182 = arith.mulf %select_n3A_33, %select_n3A_33 : vector<1x128xf32>
    %sub3A_183 = arith.subf %sub3A_181, %mul3A_182 : vector<1x128xf32>
    %convert_element_type3A_184 = arith.truncf %neg3A_116 : vector<1x128xf32> to vector<1x128xbf16>
    %convert_element_type3A_185 = arith.extf %convert_element_type3A_184 : vector<1x128xbf16> to vector<1x128xf32>
    %convert_element_type3A_186 = arith.truncf %neg3A_125 : vector<1x128xf32> to vector<1x128xbf16>
    %convert_element_type3A_187 = arith.extf %convert_element_type3A_186 : vector<1x128xbf16> to vector<1x128xf32>
    %convert_element_type3A_188 = arith.truncf %sin3A_126 : vector<1x128xf32> to vector<1x128xbf16>
    %convert_element_type3A_189 = arith.extf %convert_element_type3A_188 : vector<1x128xbf16> to vector<1x128xf32>
    %convert_element_type3A_190 = arith.truncf %sub3A_133 : vector<1x128xf32> to vector<1x128xbf16>
    %convert_element_type3A_191 = arith.extf %convert_element_type3A_190 : vector<1x128xbf16> to vector<1x128xf32>
    %mul3A_192 = arith.mulf %convert_element_type3A_191, %convert_element_type3A_185 : vector<1x128xf32>
    %convert_element_type3A_193 = arith.truncf %mul3A_139 : vector<1x128xf32> to vector<1x128xbf16>
    %convert_element_type3A_194 = arith.extf %convert_element_type3A_193 : vector<1x128xbf16> to vector<1x128xf32>
    %mul3A_195 = arith.mulf %convert_element_type3A_194, %convert_element_type3A_187 : vector<1x128xf32>
    %add3A_196 = arith.addf %mul3A_192, %mul3A_195 : vector<1x128xf32>
    %convert_element_type3A_197 = arith.truncf %mul3A_145 : vector<1x128xf32> to vector<1x128xbf16>
    %convert_element_type3A_198 = arith.extf %convert_element_type3A_197 : vector<1x128xbf16> to vector<1x128xf32>
    %mul3A_199 = arith.mulf %convert_element_type3A_198, %convert_element_type3A_189 : vector<1x128xf32>
    %add3A_200 = arith.addf %add3A_196, %mul3A_199 : vector<1x128xf32>
    %convert_element_type3A_201 = arith.truncf %mul3A_151 : vector<1x128xf32> to vector<1x128xbf16>
    %convert_element_type3A_202 = arith.extf %convert_element_type3A_201 : vector<1x128xbf16> to vector<1x128xf32>
    %mul3A_203 = arith.mulf %convert_element_type3A_202, %convert_element_type3A_185 : vector<1x128xf32>
    %convert_element_type3A_204 = arith.truncf %sub3A_158 : vector<1x128xf32> to vector<1x128xbf16>
    %convert_element_type3A_205 = arith.extf %convert_element_type3A_204 : vector<1x128xbf16> to vector<1x128xf32>
    %mul3A_206 = arith.mulf %convert_element_type3A_205, %convert_element_type3A_187 : vector<1x128xf32>
    %add3A_207 = arith.addf %mul3A_203, %mul3A_206 : vector<1x128xf32>
    %convert_element_type3A_208 = arith.truncf %mul3A_164 : vector<1x128xf32> to vector<1x128xbf16>
    %convert_element_type3A_209 = arith.extf %convert_element_type3A_208 : vector<1x128xbf16> to vector<1x128xf32>
    %mul3A_210 = arith.mulf %convert_element_type3A_209, %convert_element_type3A_189 : vector<1x128xf32>
    %add3A_211 = arith.addf %add3A_207, %mul3A_210 : vector<1x128xf32>
    %convert_element_type3A_212 = arith.truncf %mul3A_170 : vector<1x128xf32> to vector<1x128xbf16>
    %convert_element_type3A_213 = arith.extf %convert_element_type3A_212 : vector<1x128xbf16> to vector<1x128xf32>
    %mul3A_214 = arith.mulf %convert_element_type3A_213, %convert_element_type3A_185 : vector<1x128xf32>
    %convert_element_type3A_215 = arith.truncf %mul3A_176 : vector<1x128xf32> to vector<1x128xbf16>
    %convert_element_type3A_216 = arith.extf %convert_element_type3A_215 : vector<1x128xbf16> to vector<1x128xf32>
    %mul3A_217 = arith.mulf %convert_element_type3A_216, %convert_element_type3A_187 : vector<1x128xf32>
    %add3A_218 = arith.addf %mul3A_214, %mul3A_217 : vector<1x128xf32>
    %convert_element_type3A_219 = arith.truncf %sub3A_183 : vector<1x128xf32> to vector<1x128xbf16>
    %convert_element_type3A_220 = arith.extf %convert_element_type3A_219 : vector<1x128xbf16> to vector<1x128xf32>
    %mul3A_221 = arith.mulf %convert_element_type3A_220, %convert_element_type3A_189 : vector<1x128xf32>
    %add3A_222 = arith.addf %add3A_218, %mul3A_221 : vector<1x128xf32>
    %atan23A = math.atan2 %add3A_211, %add3A_200 : vector<1x128xf32>
    %mul3A_223 = arith.mulf %add3A_200, %add3A_200 : vector<1x128xf32>
    %mul3A_224 = arith.mulf %add3A_211, %add3A_211 : vector<1x128xf32>
    %add3A_225 = arith.addf %mul3A_223, %mul3A_224 : vector<1x128xf32>
    %sqrt3A = math.sqrt %add3A_225 : vector<1x128xf32>
    %atan23A_226 = math.atan2 %add3A_222, %sqrt3A : vector<1x128xf32>
    %cos3A_227 = math.cos %atan23A_226 : vector<1x128xf32>
    %cos3A_228 = math.cos %atan23A : vector<1x128xf32>
    %mul3A_229 = arith.mulf %cos3A_227, %cos3A_228 : vector<1x128xf32>
    %sin3A_230 = math.sin %atan23A : vector<1x128xf32>
    %mul3A_231 = arith.mulf %cos3A_227, %sin3A_230 : vector<1x128xf32>
    %sin3A_232 = math.sin %atan23A_226 : vector<1x128xf32>
    %mul3A_233 = arith.constant 1.000000e+02 : f32
    %mul3A_234 = vector.broadcast %mul3A_233 : f32 to vector<1x128xf32>
    %mul3A_235 = arith.mulf %mul3A_234, %mul3A_231 : vector<1x128xf32>
    %sub3A_236 = arith.constant 5.000000e+01 : f32
    %sub3A_237 = vector.broadcast %sub3A_236 : f32 to vector<1x128xf32>
    %sub3A_238 = arith.subf %mul3A_235, %sub3A_237 : vector<1x128xf32>
    %exp3A = math.exp %sub3A_238 : vector<1x128xf32>
    %add3A_239 = arith.constant 1.000000e+00 : f32
    %add3A_240 = vector.broadcast %add3A_239 : f32 to vector<1x128xf32>
    %add3A_241 = arith.addf %exp3A, %add3A_240 : vector<1x128xf32>
    %mul3A_242 = arith.constant -1.000000e+02 : f32
    %mul3A_243 = vector.broadcast %mul3A_242 : f32 to vector<1x128xf32>
    %mul3A_244 = arith.mulf %mul3A_243, %mul3A_231 : vector<1x128xf32>
    %sub3A_245 = arith.constant 5.000000e+01 : f32
    %sub3A_246 = vector.broadcast %sub3A_245 : f32 to vector<1x128xf32>
    %sub3A_247 = arith.subf %mul3A_244, %sub3A_246 : vector<1x128xf32>
    %exp3A_248 = math.exp %sub3A_247 : vector<1x128xf32>
    %add3A_249 = arith.constant 1.000000e+00 : f32
    %add3A_250 = vector.broadcast %add3A_249 : f32 to vector<1x128xf32>
    %add3A_251 = arith.addf %exp3A_248, %add3A_250 : vector<1x128xf32>
    %mul3A_252 = arith.mulf %add3A_241, %add3A_251 : vector<1x128xf32>
    %div3A_253 = arith.constant 1.000000e+00 : f32
    %div3A_254 = vector.broadcast %div3A_253 : f32 to vector<1x128xf32>
    %div3A_255 = arith.divf %div3A_254, %mul3A_252 : vector<1x128xf32>
    %mul3A_256 = arith.constant 1.000000e+02 : f32
    %mul3A_257 = vector.broadcast %mul3A_256 : f32 to vector<1x128xf32>
    %mul3A_258 = arith.mulf %mul3A_257, %sin3A_232 : vector<1x128xf32>
    %sub3A_259 = arith.constant 5.000000e+01 : f32
    %sub3A_260 = vector.broadcast %sub3A_259 : f32 to vector<1x128xf32>
    %sub3A_261 = arith.subf %mul3A_258, %sub3A_260 : vector<1x128xf32>
    %exp3A_262 = math.exp %sub3A_261 : vector<1x128xf32>
    %add3A_263 = arith.constant 1.000000e+00 : f32
    %add3A_264 = vector.broadcast %add3A_263 : f32 to vector<1x128xf32>
    %add3A_265 = arith.addf %exp3A_262, %add3A_264 : vector<1x128xf32>
    %mul3A_266 = arith.constant -1.000000e+02 : f32
    %mul3A_267 = vector.broadcast %mul3A_266 : f32 to vector<1x128xf32>
    %mul3A_268 = arith.mulf %mul3A_267, %sin3A_232 : vector<1x128xf32>
    %sub3A_269 = arith.constant 5.000000e+01 : f32
    %sub3A_270 = vector.broadcast %sub3A_269 : f32 to vector<1x128xf32>
    %sub3A_271 = arith.subf %mul3A_268, %sub3A_270 : vector<1x128xf32>
    %exp3A_272 = math.exp %sub3A_271 : vector<1x128xf32>
    %add3A_273 = arith.constant 1.000000e+00 : f32
    %add3A_274 = vector.broadcast %add3A_273 : f32 to vector<1x128xf32>
    %add3A_275 = arith.addf %exp3A_272, %add3A_274 : vector<1x128xf32>
    %mul3A_276 = arith.mulf %add3A_265, %add3A_275 : vector<1x128xf32>
    %div3A_277 = arith.constant 1.000000e+00 : f32
    %div3A_278 = vector.broadcast %div3A_277 : f32 to vector<1x128xf32>
    %div3A_279 = arith.divf %div3A_278, %mul3A_276 : vector<1x128xf32>
    %mul3A_280 = arith.mulf %div3A_255, %div3A_279 : vector<1x128xf32>
    %max3A = arith.constant 0.000000e+00 : f32
    %max3A_281 = vector.broadcast %max3A : f32 to vector<1x128xf32>
    %max3A_282 = arith.maximumf %mul3A_229, %max3A_281 : vector<1x128xf32>
    %mul3A_283 = arith.mulf %mul3A_280, %max3A_282 : vector<1x128xf32>
    %jit3A_284 = arith.constant 5.000000e-01 : f32
    %rem3A = vector.broadcast %jit3A_284 : f32 to vector<1x128xf32>
    %rem3A_285 = arith.remf %mul3A_231, %rem3A : vector<1x128xf32>
    %div3A_286 = arith.constant 5.000000e-01 : f32
    %div3A_287 = vector.broadcast %div3A_286 : f32 to vector<1x128xf32>
    %div3A_288 = arith.divf %rem3A_285, %div3A_287 : vector<1x128xf32>
    %mul3A_289 = arith.constant 2.560000e+02 : f32
    %mul3A_290 = vector.broadcast %mul3A_289 : f32 to vector<1x128xf32>
    %mul3A_291 = arith.mulf %mul3A_290, %div3A_288 : vector<1x128xf32>
    %add3A_292 = arith.constant 2.560000e+02 : f32
    %add3A_293 = vector.broadcast %add3A_292 : f32 to vector<1x128xf32>
    %add3A_294 = arith.addf %add3A_293, %mul3A_291 : vector<1x128xf32>
    %convert_element_type3A_295 = arith.fptosi %add3A_294 : vector<1x128xf32> to vector<1x128xi32>
    %jit3A_296 = arith.constant 5.000000e-01 : f32
    %rem3A_297 = vector.broadcast %jit3A_296 : f32 to vector<1x128xf32>
    %rem3A_298 = arith.remf %sin3A_232, %rem3A_297 : vector<1x128xf32>
    %div3A_299 = arith.constant 5.000000e-01 : f32
    %div3A_300 = vector.broadcast %div3A_299 : f32 to vector<1x128xf32>
    %div3A_301 = arith.divf %rem3A_298, %div3A_300 : vector<1x128xf32>
    %mul3A_302 = arith.constant 2.560000e+02 : f32
    %mul3A_303 = vector.broadcast %mul3A_302 : f32 to vector<1x128xf32>
    %mul3A_304 = arith.mulf %mul3A_303, %div3A_301 : vector<1x128xf32>
    %add3A_305 = arith.constant 2.560000e+02 : f32
    %add3A_306 = vector.broadcast %add3A_305 : f32 to vector<1x128xf32>
    %add3A_307 = arith.addf %add3A_306, %mul3A_304 : vector<1x128xf32>
    %convert_element_type3A_308 = arith.fptosi %add3A_307 : vector<1x128xf32> to vector<1x128xi32>
    %jit3A_309 = arith.constant 0 : i32
    %jit3A_310 = arith.constant 511 : i32
    %max3A_311 = vector.broadcast %jit3A_309 : i32 to vector<1x128xi32>
    %max3A_312 = arith.maxsi %max3A_311, %convert_element_type3A_295 : vector<1x128xi32>
    %min3A = vector.broadcast %jit3A_310 : i32 to vector<1x128xi32>
    %min3A_313 = arith.minsi %min3A, %max3A_312 : vector<1x128xi32>
    %jit3A_314 = arith.constant 0 : i32
    %jit3A_315 = arith.constant 511 : i32
    %max3A_316 = vector.broadcast %jit3A_314 : i32 to vector<1x128xi32>
    %max3A_317 = arith.maxsi %max3A_316, %convert_element_type3A_308 : vector<1x128xi32>
    %min3A_318 = vector.broadcast %jit3A_315 : i32 to vector<1x128xi32>
    %min3A_319 = arith.minsi %min3A_318, %max3A_317 : vector<1x128xi32>
    %mul3A_320 = arith.mulf %mul3A_283, %div3A_98 : vector<1x128xf32>
    %mul3A_321 = arith.constant 512 : i32
    %mul3A_322 = vector.broadcast %mul3A_321 : i32 to vector<1x128xi32>
    %mul3A_323 = arith.muli %min3A_313, %mul3A_322 : vector<1x128xi32>
    %add3A_324 = arith.addi %mul3A_323, %min3A_319 : vector<1x128xi32>
    %convert_element_type3A_325 = arith.sitofp %add3A_324 : vector<1x128xi32> to vector<1x128xf32>
    %jit3A_326 = arith.constant 0.000000e+00 : f32
    %broadcast_in_dim3A_327 = vector.shape_cast %convert_element_type3A_325 : vector<1x128xf32> to vector<1x128xf32>
    %broadcast_in_dim3A_328 = vector.broadcast %broadcast_in_dim3A_327 : vector<1x128xf32> to vector<128x128xf32>
    %broadcast_in_dim3A_329 = vector.broadcast %jit3A_326 : f32 to vector<128x128xf32>
    %select_n3A_330 = arith.select %eq3A, %broadcast_in_dim3A_328, %broadcast_in_dim3A_329 : vector<128x128xi1>, vector<128x128xf32>
    %reduce_sum3A_331 = arith.constant dense<0.000000e+00> : vector<128xf32>
    %reduce_sum3A_332 = vector.multi_reduction <add>, %select_n3A_330, %reduce_sum3A_331 [1] : vector<128x128xf32> to vector<128xf32>
    %broadcast_in_dim3A_333 = vector.shape_cast %reduce_sum3A_332 : vector<128xf32> to vector<128x1xf32>
    %eq3A_334 = vector.broadcast %broadcast_in_dim3A_333 : vector<128x1xf32> to vector<128x128xf32>
    %eq3A_335 = vector.broadcast %convert_element_type3A_325 : vector<1x128xf32> to vector<128x128xf32>
    %eq3A_336 = arith.cmpf oeq, %eq3A_334, %eq3A_335 : vector<128x128xf32>
    %gt3A = arith.cmpi sgt, %iota3A_0, %iota3A_1 : vector<128x128xi32>
    %and3A = arith.andi %eq3A_336, %gt3A : vector<128x128xi1>
    %reduce_or3A = arith.constant 1.000000e+00 : f32
    %reduce_or3A_337 = arith.constant 0.000000e+00 : f32
    %reduce_or3A_338 = vector.broadcast %reduce_or3A : f32 to vector<128x128xf32>
    %reduce_or3A_339 = vector.broadcast %reduce_or3A_337 : f32 to vector<128x128xf32>
    %reduce_or3A_340 = arith.select %and3A, %reduce_or3A_338, %reduce_or3A_339 : vector<128x128xi1>, vector<128x128xf32>
    %reduce_or3A_341 = arith.constant dense<0xFF800000> : vector<128xf32>
    %reduce_or3A_342 = vector.multi_reduction <maximumf>, %reduce_or3A_340, %reduce_or3A_341 [0] : vector<128x128xf32> to vector<128xf32>
    %reduce_or3A_343 = arith.constant 0.000000e+00 : f32
    %reduce_or3A_344 = vector.broadcast %reduce_or3A_343 : f32 to vector<128xf32>
    %reduce_or3A_345 = arith.cmpf ogt, %reduce_or3A_342, %reduce_or3A_344 : vector<128xf32>
    %broadcast_in_dim3A_346 = vector.shape_cast %reduce_or3A_345 : vector<128xi1> to vector<1x128xi1>
    %jit3A_347 = arith.constant 0.000000e+00 : f32
    %broadcast_in_dim3A_348 = vector.broadcast %jit3A_347 : f32 to vector<1x128xf32>
    %select_n3A_349 = arith.select %broadcast_in_dim3A_346, %broadcast_in_dim3A_348, %mul3A_320 : vector<1x128xi1>, vector<1x128xf32>
    %convert_element_type3A_350 = arith.truncf %select_n3A_349 : vector<1x128xf32> to vector<1x128xbf16>
    %convert_element_type3A_351 = arith.extf %convert_element_type3A_350 : vector<1x128xbf16> to vector<1x128xf32>
    %gt3A_352 = arith.constant 9.99999996E-13 : f32
    %gt3A_353 = vector.broadcast %gt3A_352 : f32 to vector<1x128xf32>
    %gt3A_354 = arith.cmpf ogt, %convert_element_type3A_351, %gt3A_353 : vector<1x128xf32>
    %convert_element_type3A_355 = arith.extui %gt3A_354 : vector<1x128xi1> to vector<1x128xi32>
    %convert_element_type3A_356 = arith.sitofp %convert_element_type3A_355 : vector<1x128xi32> to vector<1x128xf32>
    %jit3A_357 = arith.constant 0.000000e+00 : f32
    %broadcast_in_dim3A_358 = vector.shape_cast %convert_element_type3A_356 : vector<1x128xf32> to vector<1x128xf32>
    %broadcast_in_dim3A_359 = vector.broadcast %broadcast_in_dim3A_358 : vector<1x128xf32> to vector<128x128xf32>
    %broadcast_in_dim3A_360 = vector.broadcast %jit3A_357 : f32 to vector<128x128xf32>
    %select_n3A_361 = arith.select %eq3A, %broadcast_in_dim3A_359, %broadcast_in_dim3A_360 : vector<128x128xi1>, vector<128x128xf32>
    %reduce_sum3A_362 = arith.constant dense<0.000000e+00> : vector<128xf32>
    %reduce_sum3A_363 = vector.multi_reduction <add>, %select_n3A_361, %reduce_sum3A_362 [1] : vector<128x128xf32> to vector<128xf32>
    %broadcast_in_dim3A_364 = vector.shape_cast %reduce_sum3A_363 : vector<128xf32> to vector<128x1xf32>
    %lt3A_365 = arith.cmpi slt, %iota3A_0, %iota3A_1 : vector<128x128xi32>
    %jit3A_366 = arith.constant 0.000000e+00 : f32
    %broadcast_in_dim3A_367 = vector.shape_cast %broadcast_in_dim3A_364 : vector<128x1xf32> to vector<128x1xf32>
    %broadcast_in_dim3A_368 = vector.broadcast %broadcast_in_dim3A_367 : vector<128x1xf32> to vector<128x128xf32>
    %broadcast_in_dim3A_369 = vector.broadcast %jit3A_366 : f32 to vector<128x128xf32>
    %select_n3A_370 = arith.select %lt3A_365, %broadcast_in_dim3A_368, %broadcast_in_dim3A_369 : vector<128x128xi1>, vector<128x128xf32>
    %reduce_sum3A_371 = arith.constant dense<0.000000e+00> : vector<128xf32>
    %reduce_sum3A_372 = vector.multi_reduction <add>, %select_n3A_370, %reduce_sum3A_371 [0] : vector<128x128xf32> to vector<128xf32>
    %broadcast_in_dim3A_373 = vector.shape_cast %reduce_sum3A_372 : vector<128xf32> to vector<1x128xf32>
    %jit3A_374 = arith.constant 0.000000e+00 : f32
    %broadcast_in_dim3A_375 = vector.shape_cast %broadcast_in_dim3A_373 : vector<1x128xf32> to vector<1x128xf32>
    %broadcast_in_dim3A_376 = vector.broadcast %broadcast_in_dim3A_375 : vector<1x128xf32> to vector<128x128xf32>
    %broadcast_in_dim3A_377 = vector.broadcast %jit3A_374 : f32 to vector<128x128xf32>
    %select_n3A_378 = arith.select %eq3A, %broadcast_in_dim3A_376, %broadcast_in_dim3A_377 : vector<128x128xi1>, vector<128x128xf32>
    %reduce_sum3A_379 = arith.constant dense<0.000000e+00> : vector<128xf32>
    %reduce_sum3A_380 = vector.multi_reduction <add>, %select_n3A_378, %reduce_sum3A_379 [1] : vector<128x128xf32> to vector<128xf32>
    %broadcast_in_dim3A_381 = vector.shape_cast %reduce_sum3A_380 : vector<128xf32> to vector<128x1xf32>
    %convert_element_type3A_382 = arith.sitofp %iota3A_1 : vector<128x128xi32> to vector<128x128xf32>
    %eq3A_383 = vector.broadcast %broadcast_in_dim3A_381 : vector<128x1xf32> to vector<128x128xf32>
    %eq3A_384 = arith.cmpf oeq, %eq3A_383, %convert_element_type3A_382 : vector<128x128xf32>
    %gt3A_385 = arith.constant 5.000000e-01 : f32
    %gt3A_386 = vector.broadcast %gt3A_385 : f32 to vector<128x1xf32>
    %gt3A_387 = arith.cmpf ogt, %broadcast_in_dim3A_364, %gt3A_386 : vector<128x1xf32>
    %and3A_388 = vector.broadcast %gt3A_387 : vector<128x1xi1> to vector<128x128xi1>
    %and3A_389 = arith.andi %eq3A_384, %and3A_388 : vector<128x128xi1>
    %convert_element_type3A_390 = arith.extui %and3A_389 : vector<128x128xi1> to vector<128x128xi32>
    %convert_element_type3A_391 = arith.sitofp %convert_element_type3A_390 : vector<128x128xi32> to vector<128x128xf32>
    %reduce_sum3A_392 = arith.constant dense<0.000000e+00> : vector<1xf32>
    %reduce_sum3A_393 = vector.multi_reduction <add>, %convert_element_type3A_356, %reduce_sum3A_392 [1] : vector<1x128xf32> to vector<1xf32>
    %broadcast_in_dim3A_394 = vector.shape_cast %reduce_sum3A_393 : vector<1xf32> to vector<1x1xf32>
    %convert_element_type3A_395 = arith.fptosi %broadcast_in_dim3A_394 : vector<1x1xf32> to vector<1x1xi32>
    %broadcast_in_dim3A_396 = arith.constant 1 : i32
    %broadcast_in_dim3A_397 = vector.broadcast %broadcast_in_dim3A_396 : i32 to vector<1x128xi32>
    %mul3A_398 = vector.broadcast %convert_element_type3A_395 : vector<1x1xi32> to vector<1x128xi32>
    %mul3A_399 = arith.muli %mul3A_398, %broadcast_in_dim3A_397 : vector<1x128xi32>
    %swap3A = arith.constant 0 : index
    %swap3A_400 = arith.constant 0 : index
    %swap3A_401 = vector.load %arg6[%swap3A, %swap3A_400] : memref<1x128xi32, #tpu.memory_space<vmem>>, vector<1x128xi32>
    tpu.vector_store %arg6[%swap3A, %swap3A_400], %mul3A_399 {strides = array<i32>} : memref<1x128xi32, #tpu.memory_space<vmem>>, vector<1x128xi32>,
    %ge3A_402 = arith.constant 64 : i32
    %ge3A_403 = vector.broadcast %ge3A_402 : i32 to vector<1x128xi32>
    %ge3A_404 = arith.cmpi sge, %iota3A, %ge3A_403 : vector<1x128xi32>
    %convert_element_type3A_405 = arith.extui %ge3A_404 : vector<1x128xi1> to vector<1x128xi32>
    %mul3A_406 = arith.constant 262144 : i32
    %mul3A_407 = vector.broadcast %mul3A_406 : i32 to vector<1x128xi32>
    %mul3A_408 = arith.muli %convert_element_type3A_405, %mul3A_407 : vector<1x128xi32>
    %add3A_409 = arith.addi %mul3A_408, %add3A_324 : vector<1x128xi32>
    %convert_element_type3A_410 = arith.sitofp %add3A_409 : vector<1x128xi32> to vector<1x128xf32>
    %dot_general3A = arith.constant dense<0.000000e+00> : vector<1x128xf32>
    %dot_general3A_411 = tpu.matmul %convert_element_type3A_410, %convert_element_type3A_391, %dot_general3A {dimension_numbers = #tpu.dot_dimension_numbers<[1], [0], [0], [1], [0, 0, 1, 1], [], []>, precision = #tpu.contract_precision<fp32>, transpose_lhs_hint = false} : vector<1x128xf32>, vector<128x128xf32>, vector<1x128xf32> -> vector<1x128xf32>
    %convert_element_type3A_412 = arith.fptosi %dot_general3A_411 : vector<1x128xf32> to vector<1x128xi32>
    %swap3A_413 = arith.constant 0 : index
    %swap3A_414 = arith.constant 0 : index
    %swap3A_415 = vector.load %arg4[%swap3A_413, %swap3A_414] : memref<1x128xi32, #tpu.memory_space<vmem>>, vector<1x128xi32>
    tpu.vector_store %arg4[%swap3A_413, %swap3A_414], %convert_element_type3A_412 {strides = array<i32>} : memref<1x128xi32, #tpu.memory_space<vmem>>, vector<1x128xi32>,
    %dot_general3A_416 = arith.constant dense<0.000000e+00> : vector<1x128xf32>
    %dot_general3A_417 = tpu.matmul %convert_element_type3A_351, %convert_element_type3A_391, %dot_general3A_416 {dimension_numbers = #tpu.dot_dimension_numbers<[1], [0], [0], [1], [0, 0, 1, 1], [], []>, precision = #tpu.contract_precision<fp32>, transpose_lhs_hint = false} : vector<1x128xf32>, vector<128x128xf32>, vector<1x128xf32> -> vector<1x128xf32>
    %swap3A_418 = arith.constant 0 : index
    %swap3A_419 = arith.constant 0 : index
    %swap3A_420 = vector.load %arg5[%swap3A_418, %swap3A_419] : memref<1x128xf32, #tpu.memory_space<vmem>>, vector<1x128xf32>
    tpu.vector_store %arg5[%swap3A_418, %swap3A_419], %dot_general3A_417 {strides = array<i32>} : memref<1x128xf32, #tpu.memory_space<vmem>>, vector<1x128xf32>,
    return
  }
}

</mosaic_0001>

<sc_bundles>
// kernel: kernel.4.cloned.1.call-start
scs
__scs_entry_jumppad:
0x0: {  	(pc) =	sbr.rel $0x88, $3  }
0x1: {  	(tag) =	ssettag $0x0;
	lr =	simm.s32 $0x1  }
0x2: {  	[smem:$0x3F9D] =	sst lr;
	_ =	strace $0xD0000000  }
0x3: {  	_ = 	snop  }
0x4: {  	_ = 	snop  }
0x5: {  	_ = 	snop  }
0x6: {  	_ = 	snop  }
0x7: {  	_ = 	snop  }
__scs_overlays_trampoline_lowered:
0x8: {  	[smem:$0x3FAC] =	sst s0  }
0x9: {  	[smem:$0x3FAD] =	sst s1  }
0xa: {  	[smem:$0x3FAE] =	sst s2  }
0xb: {  	[smem:$0x3FAF] =	sst s3  }
0xc: {  	[smem:$0x3FB0] =	sst s4  }
0xd: {  	[smem:$0x3FB1] =	sst s5  }
0xe: {  	[smem:$0x3FB2] =	sst s6  }
0xf: {  	[smem:$0x3FB3] =	sst s7  }
0x10: {  	[smem:$0x3FB4] =	sst s8  }
0x11: {  	[smem:$0x3FB5] =	sst s9;
	s0 =	simm.s32 @!p0 $0x0  }
0x12: {  	s1 =	sld [smem:$0x3F9B];
	s0 =	simm.s32 @p0 $0x1  }
0x13: {  	[smem:$0x3FB6] =	sst s0;
	s0 =	simm.s32 @!p1 $0x0  }
0x14: {  	s2 =	sld [smem:$0x3F9A];
	s0 =	simm.s32 @p1 $0x1  }
0x15: {  	[smem:$0x3FB7] =	sst s0;
	s0 =	simm.s32 @!p2 $0x0  }
0x16: {  	s3 =	sld [smem:$0x3FDB];
	s0 =	simm.s32 @p2 $0x1  }
0x17: {  	s4 =	simm.s32 $0x1BF5;
	[smem:$0x3FB9] =	sst s0  }
0x18: {  	s0 =	sld [smem:$0x3F9C];
	_ =	swait.ge [sflag:s4], $0x0  }
0x19: {  	s7 =	sld [smem:$0x3F9D]  }
0x1a: {  	s8 =	sadd.s32 $0xFFFFE003, lr  }
0x1b: {  	s9 =	sadd.s32 $0xFFFFFEF7, lr;
	s5 =	simm.s32 $0xFFFFFFFF;
	p2 =	slt.u32 s8, $0xFFFFF086  }
0x1c: {  	p1 =	slt.u32 s9, $0xF7A;
	s5 =	simm.s32 @!p2 $0x0  }
0x1d: {  	s5 =	simm.s32 @p1 $0x1;
	p0 =	seq.s32 s7, s2  }
0x1e: {  	s7 =	smul.u32 @!p0 $0xF7A, s2;
	p2 =	seq.s32 @!p0 s5, $0x0  }
0x1f: {  	s9 =	smul.u32 $0xF7A, s1;
	s8 =	simm.s32 @!p0 $0x1BF5;
	p2 =	por !p2, p0  }
0x20: {  	[sflag:s8] =	ssyncset.s32 @!p0 $0xFFFFF086;
	s6 =	sadd.s32 @!p0 s3, s7;
	s7 =	simm.s32 @!p0 $0x108  }
0x21: {  	s3 =	sadd.s32 s3, s9;
	s6 =	sadd.s32 @!p0 $0x88, s6;
	s7 =	simm.s32 @p2 $0x1082  }
0x22: {  	[simem:s7], [sflag:s8] =	dma.local @!p0 [hbm:s6], $0xF7A  }
0x23: {  	s9 =	sor.u32 $0xD0000000, s2;
	s6 =	simm.s32 $0x108;
	_ =	swait.ge @!p0 [sflag:s8], $0x0  }
0x24: {  	s3 =	sadd.s32 $0x88, s3;
	s6 =	simm.s32 @!p1 $0x1082;
	[sflag:s4] =	ssyncset.s32 $0xFFFFF086  }
0x25: {  	[simem:s6], [sflag:s4] =	dma.local [hbm:s3], $0xF7A  }
0x26: {  	[smem:$0x3F9D] =	sst s1;
	(tag) =	ssettag s2;
	_ =	strace s9  }
0x27: {  	s1 =	sld [smem:$0x3FAD]  }
0x28: {  	s2 =	sld [smem:$0x3FAE]  }
0x29: {  	s4 =	sld [smem:$0x3FB0]  }
0x2a: {  	p0 =	seq.s32 s5, $0x0;
	s5 =	sld [smem:$0x3FB1]  }
0x2b: {  	s6 =	sld [smem:$0x3FB2]  }
0x2c: {  	s7 =	sld [smem:$0x3FB3]  }
0x2d: {  	s3 =	simm.s32 $0x108;
	s8 =	sld [smem:$0x3FB4]  }
0x2e: {  	s3 =	simm.s32 @!p0 $0x1082;
	s9 =	sld [smem:$0x3FB5]  }
0x2f: {  	lr =	sadd.s32 s0, s3;
	s0 =	sld [smem:$0x3FAC]  }
0x30: {  	s3 =	sld [smem:$0x3FAF]  }
0x31: {  	[smem:$0x3FB8] =	sst s10  }
0x32: {  	s10 =	sld [smem:$0x3FB6];
	_ =	sdelay $0x3  }
0x33: {  	p0 =	seq.s32 s10, $0x1;
	s10 =	sld [smem:$0x3FB8];
	_ =	sdelay $0x3  }
0x34: {  	[smem:$0x3FB8] =	sst s10  }
0x35: {  	s10 =	sld [smem:$0x3FB7];
	_ =	sdelay $0x3  }
0x36: {  	p1 =	seq.s32 s10, $0x1;
	s10 =	sld [smem:$0x3FB8];
	_ =	sdelay $0x3  }
0x37: {  	[smem:$0x3FB8] =	sst s10  }
0x38: {  	s10 =	sld [smem:$0x3FB9]  }
0x39: {  	_ = 	snop;
	(pc) =	sbr.ind lr, $3  }
0x3a: {  	_ = 	snop  }
0x3b: {  	_ = 	snop  }
0x3c: {  	p2 =	seq.s32 s10, $0x1;
	s10 =	sld [smem:$0x3FB8]  }
0x3d: {  	_ =	shalt  }
0x3e: {  	_ =	shalt  }
0x3f: {  	_ =	shalt  }
0x40: {  	_ =	shalt  }
0x41: {  	_ =	shalt  }
0x42: {  	_ =	shalt  }
0x43: {  	_ =	shalt  }
0x44: {  	_ =	shalt  }
0x45: {  	_ =	shalt  }
0x46: {  	_ =	shalt  }
0x47: {  	_ =	shalt  }
0x48: {  	_ =	shalt  }
0x49: {  	_ =	shalt  }
0x4a: {  	_ =	shalt  }
0x4b: {  	_ =	shalt  }
0x4c: {  	_ =	shalt  }
0x4d: {  	_ =	shalt  }
0x4e: {  	_ =	shalt  }
0x4f: {  	_ =	shalt  }
0x50: {  	_ =	shalt  }
0x51: {  	_ =	shalt  }
0x52: {  	_ =	shalt  }
0x53: {  	_ =	shalt  }
0x54: {  	_ =	shalt  }
0x55: {  	_ =	shalt  }
0x56: {  	_ =	shalt  }
0x57: {  	_ =	shalt  }
0x58: {  	_ =	shalt  }
0x59: {  	_ =	shalt  }
0x5a: {  	_ =	shalt  }
0x5b: {  	_ =	shalt  }
0x5c: {  	_ =	shalt  }
0x5d: {  	_ =	shalt  }
0x5e: {  	_ =	shalt  }
0x5f: {  	_ =	shalt  }
0x60: {  	_ =	shalt  }
0x61: {  	_ =	shalt  }
0x62: {  	_ =	shalt  }
0x63: {  	_ =	shalt  }
0x64: {  	_ =	shalt  }
0x65: {  	_ =	shalt  }
0x66: {  	_ =	shalt  }
0x67: {  	_ =	shalt  }
0x68: {  	_ =	shalt  }
0x69: {  	_ =	shalt  }
0x6a: {  	_ =	shalt  }
0x6b: {  	_ =	shalt  }
0x6c: {  	_ =	shalt  }
0x6d: {  	_ =	shalt  }
0x6e: {  	_ =	shalt  }
0x6f: {  	_ =	shalt  }
0x70: {  	_ =	shalt  }
0x71: {  	_ =	shalt  }
0x72: {  	_ =	shalt  }
0x73: {  	_ =	shalt  }
0x74: {  	_ =	shalt  }
0x75: {  	_ =	shalt  }
0x76: {  	_ =	shalt  }
0x77: {  	_ =	shalt  }
0x78: {  	_ =	shalt  }
0x79: {  	_ =	shalt  }
0x7a: {  	_ =	shalt  }
0x7b: {  	_ =	shalt  }
0x7c: {  	_ =	shalt  }
0x7d: {  	_ =	shalt  }
0x7e: {  	_ =	shalt  }
0x7f: {  	_ =	shalt  }
0x80: {  	_ =	shalt  }
0x81: {  	_ =	shalt  }
0x82: {  	_ =	shalt  }
0x83: {  	_ =	shalt  }
0x84: {  	_ =	shalt  }
0x85: {  	_ =	shalt  }
0x86: {  	_ =	shalt  }
0x87: {  	_ =	shalt  }
.Lfunc_end0:
.L_simem_size_0:
called_computation_lowered:
.L_overlay_start_0:
0x88: {  	s2 =	sld [smem:$0x3FD9]  }
0x89: {  	s3 =	sld [smem:$0x3FFE];
	_ =	sdelay $0x1  }
0x8a: {  	s1 =	srdreg.scid  }
0x8b: {  	s0 =	sand.u32 $0x1, s1  }
0x8c: {  	s17 =	sshll.u32 s0, $0xA;
	s2 =	sadd.s32 s3, s2  }
0x8d: {  	s2 =	sadd.s32 s2, s17  }
0x8e: {  	[smem:$0x3FC4] =	sst s2  }
0x8f: {  	_ = 	snop  }
0x90: {  	s2 =	sld [smem:$0x3FD0];
	(tm) =	ssettm $0x1  }
0x91: {  	s18 =	sld [smem:$0x3FFB];
	_ =	sdelay $0x3  }
0x92: {  	_ =	strace s18  }
0x93: {  	s3 =	sld [smem:$0x3FFC];
	_ =	sdelay $0x3  }
0x94: {  	_ =	strace s3  }
0x95: {  	s3 =	sld [smem:$0x3FFD];
	_ =	sdelay $0x3  }
0x96: {  	_ =	strace s3  }
0x97: {  	_ =	strace $0x8FFFFFFF  }
0x98: {  	s19 =	sld [smem:$0x3FDB];
	_ =	sdelay $0x1  }
0x99: {  	s4 =	simm.s32 $_scs_section_size  }
0x9a: {  	s5 =	simm.s32 $_size__tile_overlayer_lowered;
	s6 =	simm.s32 $_tile_overlayer_lowered  }
0x9b: {  	s22 =	simm.s32 $0x1BFF;
	s21 =	sshll.u32 s6, $0x1;
	s3 =	sadd.s32 s4, s19  }
0x9c: {  	s7 =	simm.s32 $0x0;
	s20 =	sshll.u32 s5, $0x1;
	s5 =	sadd.s32 s21, s3  }
0x9d: {  	[timem:s7], [sflag:s22] =	dma.local [hbm:s5], s20  }
0x9e: {  	_ =	swait.ge [sflag:s22], s20  }
0x9f: {  	s4 =	ssub.s32 $0x0, s20;
	[sflag:s22] =	ssyncset.done $0x0  }
0xa0: {  	[sflag:s22] =	ssyncadd.s32 s4;
	_ =	sdelay $0x1  }
0xa1: {  	s23 =	simm.s32 $0x1B8B  }
0xa2: {  	_ =	swait.ge [sflag:s23], $0x1  }
0xa3: {  	[sflag:s23] =	ssyncset.done $0x0  }
0xa4: {  	s25 =	simm.s32 $0x1B8E;
	s24 =	sld [smem:$0x3FFE];
	[sflag:s23] =	ssyncadd.s32 $0xFFFFFFFF  }
0xa5: {  	s26 =	simm.s32 $execute0_lowered;
	[smem:$0x3FD2] =	sst s25  }
0xa6: {  	s5 =	sshll.u32 s26, $0x1;
	_ =	strace $0x80000046;
	[dreg:$0x1] =	wrdreg $0xFFFFFFFF  }
0xa7: {  	s28 =	simm.s32 $_size_execute0_lowered;
	s3 =	sadd.s32 s3, s5;
	[dreg:$0x0] =	wrdreg $0x0  }
0xa8: {  	s5 =	sshll.u32 s28, $0x1;
	[dreg:$0x2] =	wrdreg s3  }
0xa9: {  	[dreg:$0x3] =	wrdreg s5  }
0xaa: {  	[dreg:$0x4] =	wrdreg $0xC0  }
0xab: {  	_ =	task [dreg:s7], $0x5FFFF  }
0xac: {  	[dreg:$0x1] =	wrdreg $0xFFFFFFFF  }
0xad: {  	[dreg:$0x0] =	wrdreg $0x60  }
0xae: {  	[dreg:$0x2] =	wrdreg s2  }
0xaf: {  	[dreg:$0x3] =	wrdreg s24  }
0xb0: {  	[dreg:$0x4] =	wrdreg $0x9  }
0xb1: {  	_ =	task.clear_ibuf [dreg:s7], $0x5FFFF;
	_ =	strace $0x90000046  }
0xb2: {  	s29 =	simm.s32 $0x9;
	_ =	strace $0x80000048  }
0xb3: {  	_ =	swait.ge [sflag:s29], $0x1  }
0xb4: {  	[sflag:s29] =	ssyncadd.s32 $0xFFFFFFFF  }
0xb5: {  	_ =	strace $0x90000048  }
0xb6: {  	_ =	sfence  }
0xb7: {  	s30 =	sld [smem:$0x0];
	_ =	sdelay $0x2  }
0xb8: {  	s31 =	sshll.u32 s1, $0xD;
	s1 =	sshrl.u32 s1, $0x2  }
0xb9: {  	s3 =	sand.u32 $0x4000, s31;
	s1 =	sadd.s32 s1, s30  }
0xba: {  	s0 =	sor.u32 s3, s0;
	s1 =	sshll.u32 s1, $0x11  }
0xbb: {  	s0 =	sor.u32 s1, s0  }
0xbc: {  	s0 =	sadd.s32 $0x8F2B, s0  }
0xbd: {  	[sflag:s0] =	ssyncadd.remote.s32 $0x1  }
0xbe: {  	_ =	sfence.sel $0xFFFF  }
0xbf: {  	[dreg:$0x0] =	wrdreg $0xFFFFFFFF;
	(pc) =	sbr.abs _section_cstart, $3  }
0xc0: {  	[dreg:$0x1] =	wrdreg $0xFFFFFFFF  }
0xc1: {  	_ =	task.clear_ibuf [dreg:s7], $0x2FFFF;
	_ =	strace $0x9FFFFFFF  }
0xc2: {  	(tm) =	ssettm $0x7FFFFFFF  }
0xc3: {  	_ =	shalt  }
tec
execute0_lowered:
.L_overlay_start_1:
0x0: {  	(tag) =	ssettag $0x1  }
0x1: {  	s1 =	rddreg [dreg:$0x0]  }
0x2: {  	s6 =	rddreg [dreg:$0x1]  }
0x3: {  	s0 =	rddreg [dreg:$0x2];
	s4 =	srdreg.scid;
	s3 =	simm.s32 $0x0  }
0x4: {  	s2 =	stileid.u32;
	s10 =	simm.s32 $0x3;
	s11 =	simm.s32 $0x1  }
0x5: {  	s13 =	simm.s32 $0x180;
	s14 =	simm.s32 $0x0;
	s4 =	sand.u32 $0x1, s4  }
0x6: {  	[smem:$0x7FF] =	sst s3;
	s5 =	sshll.u32 s2, $0xF;
	s7 =	sshll.u32 s4, $0xE  }
.Ltmp0:
0x7: {  	_ =	strace $0x80000047;
	s31 =	ssub.s32 $0x2, s4;
	(pc) =	sbr.rel .LBB2_1-.Ltmp0, $4  }
0x8: {  	s4 =	sadd.s32 $0x1000, s6;
	s12 =	sor.u32 s7, s5;
	s9 =	sshrl.u32 s31, $0x1  }
0x9: {  	s5 =	sadd.s32 $0x1200, s6;
	s8 =	sshrl.u32 s12, $0x3;
	s7 =	ssub.s32 s31, s9  }
0xa: {  	s9 =	simm.s32 $0x100;
	v0 =	vmov s12;
	s12 =	simm.s32 $0x2;
	s6 =	sadd.s32 s8, s6  }
0xb: {  	v1 =	vimm.f32 $0.0e+00;
	s7 =	smax.u32 s7, $0x1;
	s8 =	simm.s32 $0x80;
	s6 =	sadd.s32 $0x1400, s6  }
.LBB2_6:
0xc: {  	s14 =	sadd.s32 $0x1, s14  }
0xd: {  	p0 =	sne.s32 s14, s7  }
.Ltmp1:
0xe: {  	_ = 	snop;
	(pc) =	sbr.rel @!p0 .LBB2_7-.Ltmp1, $4  }
0xf: {  	[hbm4b:s6+s3] =	stream.linear.scatter [tilespmem:s13], [sflag:$0x3], $0x4000, $0x38;
	[tilespmem:$0x4180] =	vst v63  }
0x10: {  	_ =	swait.ge [sflag:s10], $0x4000  }
0x11: {  	[sflag:s10] =	ssyncset.done $0x0  }
0x12: {  	[sflag:s10] =	ssyncadd.s32 $0xFFFFC000  }
.LBB2_1:
0x13: {  	[tilespmem:s3], [sflag:$0x1] =	stream.linear.gather [hbm4b:s1+s3], $0x80, $0x38;
	[tilespmem:$0x4180] =	vst v63  }
0x14: {  	_ = 	snop  }
0x15: {  	[tilespmem:s8], [sflag:$0x2] =	stream.linear.gather [hbm4b:s4+s3], $0x80, $0x38;
	[tilespmem:$0x4180] =	vst v63  }
0x16: {  	_ = 	snop  }
0x17: {  	[tilespmem:s9], [sflag:$0x3] =	stream.linear.gather [hbm4b:s5+s3], $0x10, $0x38;
	[tilespmem:$0x4180] =	vst v63  }
0x18: {  	_ =	swait.ge [sflag:s10], $0x10  }
0x19: {  	[sflag:s10] =	ssyncset.done $0x0  }
0x1a: {  	s15 =	simm.s32 $0x1C0;
	[sflag:s10] =	ssyncadd.s32 $0xFFFFFFF0  }
0x1b: {  	v2 =	vld [tilespmem:$0x100];
	[tilespmem:s15+$0xFFFFFFC0] =	vst v1  }
0x1c: {  	[tilespmem:s15+$0x30] =	vst v1  }
0x1d: {  	[tilespmem:s15+$0x20] =	vst v1  }
0x1e: {  	[tilespmem:s15+$0x10] =	vst v1  }
0x1f: {  	[tilespmem:s15+$0x0] =	vst v1  }
0x20: {  	[tilespmem:s15+$0xFFFFFFF0] =	vst v1  }
0x21: {  	s16 =	simm.s32 $0x0;
	[tilespmem:s15+$0xFFFFFFE0] =	vst v1  }
.LBB2_2:
0x22: {  	s16 =	sadd.s32 $0x8, s16;
	[tilespmem:s15+$0xFFFFFFD0] =	vst v1;
	s15 =	sadd.s32 $0x80, s15  }
0x23: {  	[tilespmem:s15+$0xFFFFFFC0] =	vst v1;
	p0 =	slt.u32 s16, $0x3F8  }
0x24: {  	[tilespmem:s15+$0x30] =	vst v1  }
.Ltmp2:
0x25: {  	[tilespmem:s15+$0x20] =	vst v1;
	(pc) =	sbr.rel @p0 .LBB2_2-.Ltmp2, $4  }
0x26: {  	[tilespmem:s15+$0x10] =	vst v1  }
0x27: {  	[tilespmem:s15+$0x0] =	vst v1  }
0x28: {  	[tilespmem:s15+$0xFFFFFFF0] =	vst v1  }
0x29: {  	[tilespmem:s15+$0xFFFFFFE0] =	vst v1  }
0x2a: {  	v2 =	vxor.u32 $0x80000000, v2  }
0x2b: {  	(xrf0) =	vmax.scan.msk.u32 $0xffff, v2;
	_ =	sdelay $0x5  }
0x2c: {  	v2, _, _ =	vpop (xrf0)  }
0x2d: {  	(v2sf) =	vpush v2, $0xF;
	_ =	sdelay $0xe  }
0x2e: {  	s16 =	spop (v2sf)  }
0x2f: {  	s16 =	sadd.s32 $0x8000000F, s16  }
0x30: {  	s18 =	sand.u32 $0xF, s16  }
0x31: {  	s17 =	sshra.s32 s16, $0x1F;
	p1 =	slt.s32 s16, $0x1;
	p0 =	sne.s32 s18, $0x0  }
0x32: {  	s31 =	sshrl.u32 s17, $0x1C;
	p0 =	por !p1, !p0  }
0x33: {  	[tilespmem:s15+$0xFFFFFFD0] =	vst v1;
	s15 =	sadd.s32 s31, s16;
	s16 =	simm.s32 $0x1;
	p0 =	por !p0, !p0  }
0x34: {  	s15 =	sshra.s32 s15, $0x4;
	s16 =	simm.s32 @!p0 $0x0  }
0x35: {  	s15 =	ssub.s32 s15, s16  }
0x36: {  	_ =	swait.ge [sflag:s11], $0x80;
	p0 =	slt.s32 s15, $0x1  }
.Ltmp3:
0x37: {  	[sflag:s11] =	ssyncset.done $0x0;
	(pc) =	sbr.rel @p0 .LBB2_6-.Ltmp3, $4  }
0x38: {  	[sflag:s11] =	ssyncadd.s32 $0xFFFFFF80  }
0x39: {  	_ =	swait.ge [sflag:s12], $0x80  }
0x3a: {  	[sflag:s12] =	ssyncset.done $0x0  }
0x3b: {  	[sflag:s12] =	ssyncadd.s32 $0xFFFFFF80  }
0x3c: {  	s16 =	simm.s32 $0x0;
	s17 =	simm.s32 $0x80  }
.LBB2_5:
0x3d: {  	v6 =	vimm.s32 $0x0;
	v25 =	vimm.s32 $0x0  }
0x3e: {  	v27 =	vimm.s32 $0x0;
	v28 =	vimm.s32 $0x0;
	v29 =	vimm.s32 $0x0  }
0x3f: {  	v30 =	vimm.s32 $0x0;
	v31 =	vimm.s32 $0x0;
	v32 =	vimm.s32 $0x0  }
0x40: {  	v2 =	vld [tilespmem:s16+$0x0];
	v34 =	vimm.s32 $0x0;
	v35 =	vimm.s32 $0x0;
	v37 =	vimm.s32 $0x0  }
0x41: {  	v42 =	vimm.s32 $0x0;
	v44 =	vimm.s32 $0x0;
	v23 =	vimm.s32 $0x0  }
0x42: {  	v46 =	vimm.s32 $0x0;
	v48 =	vimm.s32 $0x0;
	v49 =	vimm.s32 $0x0  }
0x43: {  	v50 =	vimm.s32 $0x0;
	v24 =	vimm.s32 $0x0;
	v54 =	vimm.s32 $0x0  }
0x44: {  	v55 =	vimm.s32 $0x0;
	v57 =	vimm.s32 $0x0;
	v58 =	vimm.s32 $0x0  }
0x45: {  	v3 =	vshrl.u32 v2, $0x9;
	v9 =	vand.u32 $0x1FF, v2;
	v2 =	vsub.s32 v2, v0  }
0x46: {  	v3 =	vand.u32 $0x1FF, v3;
	v7 =	vadd.s32 $0xFFFFFA00, v2;
	vm13 =	vgt.u32 v9, $0x2  }
0x47: {  	v4 =	vadd.s32 $0xFFFFF9FD, v2;
	v5 =	vadd.s32 $0xFFFFF9FE, v2;
	vm14 =	vgt.u32 v9, $0x1  }
0x48: {  	v8 =	vadd.s32 $0xFFFFF9FF, v2;
	vm15 =	vne.s32 v9, $0x0;
	v10 =	vadd.s32 $0xFFFFFA01, v2  }
0x49: {  	v26 =	vadd.s32 $0xFFFFFA02, v2;
	v11 =	vadd.s32 $0xFFFFFA03, v2;
	v12 =	vadd.s32 $0xFFFFFBFD, v2  }
0x4a: {  	v13 =	vadd.s32 $0xFFFFFBFE, v2;
	v16 =	vadd.s32 $0xFFFFFBFF, v2;
	v18 =	vadd.s32 $0xFFFFFC00, v2  }
0x4b: {  	v19 =	vadd.s32 $0xFFFFFC01, v2;
	v20 =	vadd.s32 $0xFFFFFC02, v2;
	v33 =	vadd.s32 $0xFFFFFC03, v2  }
0x4c: {  	v36 =	vadd.s32 $0xFFFFFDFD, v2;
	v21 =	vadd.s32 $0xFFFFFDFE, v2;
	v38 =	vadd.s32 $0xFFFFFDFF, v2  }
0x4d: {  	v22 =	vadd.s32 $0xFFFFFE00, v2;
	v43 =	vadd.s32 $0xFFFFFE01, v2;
	v45 =	vadd.s32 $0xFFFFFE02, v2  }
0x4e: {  	v47 =	vadd.s32 $0xFFFFFE03, v2;
	v39 =	vadd.s32 $0x1, v2;
	v51 =	vadd.s32 $0x1FF, v2  }
0x4f: {  	v52 =	vadd.s32 $0x201, v2;
	v53 =	vadd.s32 $0x202, v2;
	v56 =	vadd.s32 $0x203, v2  }
0x50: {  	vm0 =	vgt.u32 v3, $0x2;
	vm1 =	vlt.u32 v4, $0x4000;
	vm3 =	vgt.s32 v4, $0x0  }
0x51: {  	vm10 =	vlt.u32 v5, $0x4000;
	vm6 =	vlt.u32 v8, $0x4000;
	vm5 =	vgt.s32 v5, $0x0  }
0x52: {  	vm7 =	vgt.s32 v8, $0x0;
	vm8 =	vlt.u32 v7, $0x4000;
	vm9 =	vlt.u32 v10, $0x4000  }
0x53: {  	vm12 =	vlt.u32 v26, $0x4000;
	vm2 =	vmand vm13, vm0;
	v4 =	vnsel vm3, $0x0, v4  }
0x54: {  	vm11 =	vmand vm14, vm0;
	vm6 =	vmand vm15, vm6;
	v62 =	vnsel vm5, $0x0, v5  }
0x55: {  	v63 =	vnsel vm7, $0x0, v8;
	vm3 =	vne.s32 v9, $0x1FF;
	vm7 =	vgt.s32 v10, $0x0  }
0x56: {  	vm4 =	vmand vm2, vm1;
	vm1 =	vmand vm11, vm10;
	vm11 =	vmand vm0, vm6  }
0x57: {  	vm10 =	vgt.s32 v7, $0x0;
	vm2 =	vmand vm3, vm9;
	vm9 =	vgt.s32 v26, $0x0  }
0x58: {  	v6 =	vsel vm1, $0xFFFFFFFF, v6;
	vm1 =	vmand vm8, vm0;
	vm6 =	vmand vm0, vm2  }
0x59: {  	vm2 =	vlt.u32 v9, $0x1FE;
	vm8 =	vlt.u32 v11, $0x4000;
	v8 =	vsel vm1, $0xFFFFFFFF, v25  }
0x5a: {  	vm1 =	vlt.u32 v9, $0x1FD;
	[tilespmem:$0x1FE10] =	vst v8;
	v8 =	vnsel vm10, $0x0, v7;
	v7 =	vnsel vm7, $0x0, v10  }
0x5b: {  	vm7 =	vmand vm2, vm12;
	vm8 =	vmand vm1, vm8;
	vm10 =	vgt.s32 v11, $0x0  }
0x5c: {  	vm12 =	vlt.u32 v12, $0x4000;
	vm7 =	vmand vm0, vm7;
	vm0 =	vmand vm0, vm8  }
0x5d: {  	v61 =	vmin.u32 v8, $0x3FFF;
	v9 =	vsel vm7, $0xFFFFFFFF, v27;
	v10 =	vsel vm0, $0xFFFFFFFF, v28  }
0x5e: {  	vm0 =	vgt.u32 v3, $0x1;
	v28 =	vadd.s32 $0x2, v2;
	v27 =	vadd.s32 $0x1FD, v2;
	[tilespmem:$0x1FE20] =	vst v9  }
0x5f: {  	v9 =	vnsel vm9, $0x0, v26;
	[tilespmem:$0x1FE30] =	vst v10;
	v10 =	vnsel vm10, $0x0, v11;
	vm5 =	vmand vm13, vm0  }
0x60: {  	vm10 =	vgt.s32 v12, $0x0;
	vm9 =	vgt.s32 v18, $0x0;
	vm7 =	vmand vm5, vm12  }
0x61: {  	vm12 =	vlt.u32 v13, $0x4000;
	vm5 =	vmand vm14, vm0;
	v14 =	vnsel vm9, $0x0, v18  }
0x62: {  	v11 =	vsel vm7, $0xFFFFFFFF, v29;
	vm7 =	vmand vm5, vm12;
	vm12 =	vgt.s32 v16, $0x0  }
0x63: {  	[tilespmem:$0x1FE40] =	vst v11;
	v11 =	vnsel vm10, $0x0, v12;
	v12 =	vsel vm7, $0xFFFFFFFF, v30;
	vm10 =	vgt.s32 v13, $0x0  }
0x64: {  	vm5 =	vgt.s32 v20, $0x0;
	v29 =	vadd.s32 $0x3, v2;
	[tilespmem:$0x1FE50] =	vst v12;
	v12 =	vnsel vm10, $0x0, v13  }
0x65: {  	v13 =	vnsel vm12, $0x0, v16;
	vm10 =	vgt.s32 v19, $0x0;
	vm12 =	vlt.u32 v16, $0x4000  }
0x66: {  	v17 =	vnsel vm5, $0x0, v20;
	v15 =	vnsel vm10, $0x0, v19;
	vm7 =	vmand vm15, vm12  }
0x67: {  	vm12 =	vlt.u32 v18, $0x4000;
	vm10 =	vlt.u32 v19, $0x4000;
	v19 =	vsel vm3, $0xFFFFFFFF, v44  }
0x68: {  	v44 =	vadd.s32 $0x1FE, v2;
	vm7 =	vmand vm0, vm7;
	vm9 =	vmand vm12, vm0  }
0x69: {  	vm12 =	vlt.u32 v20, $0x4000;
	v16 =	vsel vm7, $0xFFFFFFFF, v31;
	vm7 =	vmand vm3, vm10  }
0x6a: {  	[tilespmem:$0x1FE60] =	vst v16;
	v16 =	vsel vm9, $0xFFFFFFFF, v32;
	vm7 =	vmand vm0, vm7;
	vm9 =	vgt.s32 v36, $0x0  }
0x6b: {  	v32 =	vadd.s32 $0xFFFFFFFF, v2;
	v18 =	vsel vm7, $0xFFFFFFFF, v34;
	vm7 =	vmand vm2, vm12  }
0x6c: {  	vm12 =	vlt.u32 v33, $0x4000;
	v31 =	vnsel vm9, $0x0, v36;
	vm7 =	vmand vm0, vm7  }
0x6d: {  	[tilespmem:$0x1FE80] =	vst v18;
	vm10 =	vmand vm1, vm12;
	vm12 =	vgt.s32 v33, $0x0;
	v18 =	vsel vm7, $0xFFFFFFFF, v35  }
0x6e: {  	vm0 =	vmand vm0, vm10;
	v35 =	vnsel vm12, $0x0, v33;
	vm10 =	vgt.s32 v21, $0x0  }
0x6f: {  	vm12 =	vlt.u32 v38, $0x4000;
	[tilespmem:$0x1FE90] =	vst v18;
	v18 =	vsel vm0, $0xFFFFFFFF, v37;
	vm0 =	vne.s32 v3, $0x0  }
0x70: {  	v40 =	vnsel vm10, $0x0, v21;
	vm10 =	vgt.s32 v38, $0x0;
	v37 =	vadd.s32 $0xFFFFFFFE, v2  }
0x71: {  	[tilespmem:$0x1FE70] =	vst v16;
	vm5 =	vmand vm15, vm0;
	v16 =	vnsel vm10, $0x0, v38;
	vm10 =	vgt.s32 v43, $0x0  }
0x72: {  	vm7 =	vmand vm5, vm12;
	vm12 =	vlt.u32 v43, $0x4000;
	vm5 =	vmand vm3, vm0  }
0x73: {  	[tilespmem:$0x1FEA0] =	vst v18;
	v18 =	vsel vm7, $0xFFFFFFFF, v42;
	vm7 =	vgt.s32 v22, $0x0;
	vm9 =	vmand vm5, vm12  }
0x74: {  	[tilespmem:$0x1FEE0] =	vst v19;
	vm12 =	vlt.u32 v21, $0x4000;
	vm5 =	vgt.s32 v45, $0x0;
	v19 =	vnsel vm7, $0x0, v22  }
0x75: {  	[tilespmem:$0x1FEC0] =	vst v18;
	v23 =	vsel vm9, $0xFFFFFFFF, v23;
	v18 =	vnsel vm10, $0x0, v43;
	vm7 =	vlt.u32 v36, $0x4000  }
0x76: {  	vm8 =	vmand vm14, vm12;
	v25 =	vnsel vm5, $0x0, v45;
	v43 =	vadd.s32 $0xFFFFFFFD, v2  }
0x77: {  	vm7 =	vmand vm13, vm7;
	vm5 =	vmand vm0, vm8;
	vm8 =	vlt.u32 v45, $0x4000  }
0x78: {  	v45 =	vadd.s32 $0x200, v2;
	vm12 =	vmand vm0, vm7;
	v20 =	vsel vm5, $0xFFFFFFFF, v46  }
0x79: {  	vm7 =	vlt.u32 v22, $0x4000;
	vm5 =	vgt.s32 v47, $0x0;
	v46 =	vimm.s32 $0x0  }
0x7a: {  	vm9 =	vmand vm7, vm0;
	vm7 =	vmand vm2, vm8;
	vm8 =	vlt.u32 v47, $0x4000  }
0x7b: {  	v36 =	vnsel vm5, $0x0, v47;
	vm5 =	vmmov vm15;
	v21 =	vsel vm9, $0xFFFFFFFF, v48  }
0x7c: {  	vm10 =	vmand vm0, vm7;
	vm7 =	vmand vm1, vm8;
	vm8 =	vgt.s32 v43, $0x0  }
0x7d: {  	vm9 =	vgt.s32 v37, $0x0;
	[tilespmem:$0x1FED0] =	vst v21;
	v21 =	vsel vm10, $0xFFFFFFFF, v49;
	vm0 =	vmand vm0, vm7  }
0x7e: {  	v41 =	vnsel vm8, $0x0, v43;
	vm10 =	vgt.s32 v32, $0x0;
	v38 =	vnsel vm9, $0x0, v37  }
0x7f: {  	vm9 =	vgt.s32 v2, $0x0;
	vm7 =	vlt.u32 v51, $0x4000;
	[tilespmem:$0x1FF00] =	vst v21;
	v21 =	vsel vm0, $0xFFFFFFFF, v50  }
0x80: {  	v33 =	vnsel vm10, $0x0, v32;
	vm10 =	vgt.s32 v39, $0x0;
	v42 =	vnsel vm9, $0x0, v2  }
0x81: {  	vm9 =	vgt.s32 v28, $0x0;
	vm0 =	vne.s32 v3, $0x1FF;
	v34 =	vnsel vm10, $0x0, v39  }
0x82: {  	v30 =	vnsel vm9, $0x0, v28;
	vm10 =	vgt.s32 v29, $0x0;
	vm9 =	vgt.s32 v27, $0x0  }
0x83: {  	vm8 =	vmand vm15, vm0;
	vm15 =	vgt.s32 v45, $0x0;
	vm3 =	vmand vm3, vm0  }
0x84: {  	[tilespmem:$0x1FEF0] =	vst v23;
	v23 =	vnsel vm10, $0x0, v29;
	v22 =	vnsel vm9, $0x0, v27;
	vm10 =	vgt.s32 v44, $0x0  }
0x85: {  	[tilespmem:$0x1FF10] =	vst v21;
	vm7 =	vmand vm8, vm7;
	v21 =	vnsel vm15, $0x0, v45;
	vm15 =	vgt.s32 v52, $0x0  }
0x86: {  	[tilespmem:$0x1FEB0] =	vst v20;
	v20 =	vnsel vm10, $0x0, v44;
	v24 =	vsel vm7, $0xFFFFFFFF, v24;
	vm7 =	vgt.s32 v51, $0x0  }
0x87: {  	[tilespmem:$0x1FF60] =	vst v24;
	v26 =	vnsel vm7, $0x0, v51;
	vm7 =	vlt.u32 v52, $0x4000;
	v24 =	vnsel vm15, $0x0, v52  }
0x88: {  	vm15 =	vlt.u32 v44, $0x4000;
	v52 =	vadd.s32 $0x3FE, v2;
	vm3 =	vmand vm3, vm7  }
0x89: {  	vm7 =	vlt.u32 v27, $0x4000;
	vm8 =	vmand vm14, vm15;
	vm15 =	vlt.u32 v53, $0x4000  }
0x8a: {  	[tilespmem:$0x1FE00] =	vst v6;
	v46 =	vsel vm3, $0xFFFFFFFF, v46;
	vm3 =	vgt.s32 v53, $0x0;
	vm7 =	vmand vm13, vm7  }
0x8b: {  	v8 =	vld [tilespmem:$0x1FE00];
	vm10 =	vmand vm0, vm8;
	v27 =	vnsel vm3, $0x0, v53;
	vm9 =	vmand vm0, vm7  }
0x8c: {  	vm7 =	vmand vm2, vm15;
	vm3 =	vmmov vm2;
	vm2 =	vlt.u32 v45, $0x4000  }
0x8d: {  	vm15 =	vgt.s32 v56, $0x0;
	v44 =	vsel vm9, $0xFFFFFFFF, v54;
	vm8 =	vmand vm2, vm0  }
0x8e: {  	vm9 =	vmand vm0, vm7;
	v54 =	vld [tilespmem:s17+$0x0];
	[tilespmem:$0x1FF30] =	vst v44;
	v44 =	vsel vm10, $0xFFFFFFFF, v55;
	v45 =	vsel vm8, $0xFFFFFFFF, v57  }
0x8f: {  	vm10 =	vlt.u32 v56, $0x4000;
	[tilespmem:$0x1FF40] =	vst v44;
	v44 =	vnsel vm15, $0x0, v56;
	vm15 =	vgt.s32 v52, $0x0  }
0x90: {  	v56 =	vmin.u32 v4, $0x3FFF;
	v48 =	vnsel vm15, $0x0, v52;
	vm15 =	vnez.u8 v8  }
0x91: {  	[tilespmem:$0x1FF80] =	vst v45;
	v45 =	vsel vm9, $0xFFFFFFFF, v58;
	v58 =	vmin.u32 v62, $0x3FFF  }
0x92: {  	v60 =	vmin.u32 v63, $0x3FFF  }
0x93: {  	v4 =	vmul.f32 $1.129150390e-02, v54  }
0x94: {  	v5 =	vmul.f32 $1.489257810e-02, v54  }
0x95: {  	v6 =	vmul.f32 $1.757812500e-02, v54;
	[tilespmem:v56+s13+$0x0] =	vst.idx.add.f32.msk vm4, v4  }
0x96: {  	[tilespmem:v58+s13+$0x0] =	vst.idx.add.f32.msk vm15, v5  }
0x97: {  	[tilespmem:v60+s13+$0x0] =	vst.idx.add.f32.msk vm11, v6  }
0x98: {  	v60 =	vld [tilespmem:$0x1FE10];
	_ =	sdelay $0x4  }
0x99: {  	vm4 =	vnez.u8 v60;
	_ =	sdelay $0x2  }
0x9a: {  	v62 =	vmin.u32 v7, $0x3FFF  }
0x9b: {  	v7 =	vmul.f32 $1.867675780e-02, v54;
	_ =	sdelay $0x1  }
0x9c: {  	[tilespmem:v61+s13+$0x0] =	vst.idx.add.f32.msk vm4, v7  }
0x9d: {  	v61 =	vld [tilespmem:$0x1FE20]  }
0x9e: {  	v59 =	vimm.s32 $0x0;
	v51 =	vadd.s32 $0x3FD, v2;
	[tilespmem:v62+s13+$0x0] =	vst.idx.add.f32.msk vm6, v6  }
0x9f: {  	v55 =	vadd.s32 $0x400, v2;
	v57 =	vadd.s32 $0x401, v2;
	vm7 =	vmand vm1, vm10;
	v62 =	vld [tilespmem:$0x1FE30]  }
0xa0: {  	vm10 =	vgt.s32 v51, $0x0;
	vm8 =	vgt.s32 v55, $0x0;
	vm0 =	vmand vm0, vm7  }
0xa1: {  	vm9 =	vgt.s32 v57, $0x0;
	[tilespmem:$0x1FFA0] =	vst v45;
	v47 =	vnsel vm8, $0x0, v55;
	v45 =	vsel vm0, $0xFFFFFFFF, v59  }
0xa2: {  	v49 =	vnsel vm9, $0x0, v57;
	v59 =	vadd.s32 $0x402, v2;
	[tilespmem:$0x1FFB0] =	vst v45;
	v45 =	vnsel vm10, $0x0, v51  }
0xa3: {  	vm10 =	vgt.s32 v59, $0x0;
	vm4 =	vlt.u32 v55, $0x4000;
	v55 =	vld [tilespmem:$0x1FE40];
	vm9 =	vnez.u8 v61  }
0xa4: {  	v50 =	vnsel vm10, $0x0, v59;
	v56 =	vmin.u32 v9, $0x3FFF;
	vm10 =	vnez.u8 v62  }
0xa5: {  	v63 =	vmin.u32 v10, $0x3FFF;
	_ =	sdelay $0x2  }
0xa6: {  	vm6 =	vnez.u8 v55;
	v61 =	vld [tilespmem:$0x1FE50]  }
0xa7: {  	v11 =	vmin.u32 v11, $0x3FFF;
	v53 =	vadd.s32 $0x3FF, v2;
	[tilespmem:v56+s13+$0x0] =	vst.idx.add.f32.msk vm9, v5  }
0xa8: {  	vm2 =	vmmov vm1;
	vm1 =	vgt.s32 v53, $0x0;
	[tilespmem:v63+s13+$0x0] =	vst.idx.add.f32.msk vm10, v4  }
0xa9: {  	[tilespmem:$0x1FF90] =	vst v46;
	v46 =	vnsel vm1, $0x0, v53;
	vm7 =	vlt.u32 v51, $0x4000;
	vm11 =	vlt.u32 v3, $0x1FE;
	v63 =	vld [tilespmem:$0x1FE60]  }
0xaa: {  	vm8 =	vlt.u32 v53, $0x4000;
	v53 =	vld [tilespmem:$0x1FE70];
	vm15 =	vmand vm7, vm11;
	vm7 =	vlt.u32 v52, $0x4000  }
0xab: {  	v58 =	vimm.s32 $0x0;
	vm7 =	vmand vm7, vm11;
	v56 =	vimm.s32 $0x0  }
0xac: {  	v60 =	vimm.s32 $0x0;
	vm9 =	vmand vm8, vm11;
	[tilespmem:v11+s13+$0x0] =	vst.idx.add.f32.msk vm6, v5;
	v11 =	vsel vm7, $0xFFFFFFFF, v56  }
0xad: {  	vm4 =	vmand vm4, vm11;
	vm6 =	vnez.u8 v61;
	[tilespmem:$0x1FF20] =	vst v11;
	v11 =	vsel vm9, $0xFFFFFFFF, v58  }
0xae: {  	v12 =	vmin.u32 v12, $0x3FFF;
	v56 =	vld [tilespmem:$0x1FE80];
	[tilespmem:$0x1FF50] =	vst v11;
	v11 =	vsel vm4, $0xFFFFFFFF, v60;
	vm4 =	vnez.u8 v63  }
0xaf: {  	v13 =	vmin.u32 v13, $0x3FFF;
	vm7 =	vlt.u32 v59, $0x4000;
	v59 =	vld [tilespmem:$0x1FE90];
	vm9 =	vnez.u8 v53  }
0xb0: {  	v14 =	vmin.u32 v14, $0x3FFF;
	v61 =	vld [tilespmem:$0x1FEA0]  }
0xb1: {  	v8 =	vmul.f32 $1.965332030e-02, v54;
	v10 =	vmul.f32 $2.453613280e-02, v54;
	v62 =	vadd.s32 $0x403, v2  }
0xb2: {  	v9 =	vmul.f32 $2.331542970e-02, v54;
	vm10 =	vmand vm3, vm7;
	vm7 =	vlt.u32 v62, $0x4000  }
0xb3: {  	vm8 =	vlt.u32 v57, $0x4000;
	vm0 =	vmand vm2, vm7;
	vm7 =	vnez.u8 v56;
	[tilespmem:v12+s13+$0x0] =	vst.idx.add.f32.msk vm6, v8  }
0xb4: {  	v15 =	vmin.u32 v15, $0x3FFF;
	vm6 =	vmand vm8, vm11;
	vm8 =	vnez.u8 v59;
	[tilespmem:v13+s13+$0x0] =	vst.idx.add.f32.msk vm4, v9  }
0xb5: {  	v17 =	vmin.u32 v17, $0x3FFF;
	[tilespmem:v14+s13+$0x0] =	vst.idx.add.f32.msk vm9, v10;
	vm9 =	vnez.u8 v61  }
0xb6: {  	v35 =	vmin.u32 v35, $0x3FFF;
	_ =	sdelay $0x2  }
0xb7: {  	[tilespmem:v15+s13+$0x0] =	vst.idx.add.f32.msk vm7, v9  }
0xb8: {  	[tilespmem:v17+s13+$0x0] =	vst.idx.add.f32.msk vm8, v8  }
0xb9: {  	[tilespmem:v35+s13+$0x0] =	vst.idx.add.f32.msk vm9, v5  }
0xba: {  	v35 =	vmin.u32 v36, $0x3FFF;
	v36 =	vld [tilespmem:$0x1FEB0];
	_ =	sdelay $0x1  }
0xbb: {  	v51 =	vimm.s32 $0x0  }
0xbc: {  	v52 =	vimm.s32 $0x0;
	v12 =	vsel vm6, $0xFFFFFFFF, v51  }
0xbd: {  	v55 =	vimm.s32 $0x0;
	[tilespmem:$0x1FF70] =	vst v12;
	v12 =	vsel vm3, $0xFFFFFFFF, v52;
	vm4 =	vmand vm11, vm10  }
0xbe: {  	v31 =	vmin.u32 v31, $0x3FFF;
	[tilespmem:$0x1FFD0] =	vst v12;
	v12 =	vsel vm4, $0xFFFFFFFF, v55;
	vm4 =	vnez.u8 v36  }
0xbf: {  	v40 =	vmin.u32 v40, $0x3FFF;
	_ =	sdelay $0x3  }
0xc0: {  	[tilespmem:v31+s13+$0x0] =	vst.idx.add.f32.msk vm12, v6  }
0xc1: {  	[tilespmem:v40+s13+$0x0] =	vst.idx.add.f32.msk vm4, v9  }
0xc2: {  	v40 =	vld [tilespmem:$0x1FEC0]  }
0xc3: {  	vm0 =	vmand vm11, vm0;
	vm11 =	vlt.u32 v43, $0x4000;
	v43 =	vld [tilespmem:$0x1FED0];
	_ =	sdelay $0x3  }
0xc4: {  	v57 =	vimm.s32 $0x0;
	v53 =	vld [tilespmem:$0x1FEE0];
	vm8 =	vnez.u8 v40  }
0xc5: {  	v58 =	vmin.u32 v16, $0x3FFF;
	v55 =	vld [tilespmem:$0x1FEF0];
	vm7 =	vmand vm13, vm11;
	vm11 =	vnez.u8 v43  }
0xc6: {  	v60 =	vmin.u32 v19, $0x3FFF;
	vm6 =	vgt.s32 v62, $0x0;
	[tilespmem:$0x1FFE0] =	vst v12;
	v12 =	vsel vm0, $0xFFFFFFFF, v57;
	v57 =	vld [tilespmem:$0x1FF00]  }
0xc7: {  	[tilespmem:$0x1FFC0] =	vst v11;
	v11 =	vnsel vm6, $0x0, v62  }
0xc8: {  	vm6 =	vlt.u32 v32, $0x4000;
	v13 =	vmul.f32 $2.746582030e-02, v54;
	vm12 =	vlt.u32 v37, $0x4000  }
0xc9: {  	v15 =	vmul.f32 $2.905273440e-02, v54;
	vm9 =	vlt.u32 v39, $0x4000;
	vm4 =	vmand vm14, vm12  }
0xca: {  	vm12 =	vnez.u8 v55;
	[tilespmem:v58+s13+$0x0] =	vst.idx.add.f32.msk vm8, v13;
	vm8 =	vmand vm5, vm6;
	vm6 =	vnez.u8 v53  }
0xcb: {  	v62 =	vmin.u32 v18, $0x3FFF;
	[tilespmem:v60+s13+$0x0] =	vst.idx.add.f32.msk vm11, v15;
	vm11 =	vmand vm6, vm9;
	vm9 =	vnez.u8 v57  }
0xcc: {  	v63 =	vmin.u32 v25, $0x3FFF;
	v60 =	vld [tilespmem:$0x1FF10];
	_ =	sdelay $0x2  }
0xcd: {  	v52 =	vmin.u32 v42, $0x3FFF;
	v42 =	vmin.u32 v47, $0x3FFF;
	v47 =	vld [tilespmem:$0x1FF80]  }
0xce: {  	[tilespmem:v62+s13+$0x0] =	vst.idx.add.f32.msk vm12, v13;
	vm12 =	vlt.u32 v28, $0x4000  }
0xcf: {  	[tilespmem:v63+s13+$0x0] =	vst.idx.add.f32.msk vm9, v9;
	vm9 =	vmand vm3, vm12;
	vm12 =	vnez.u8 v60  }
0xd0: {  	v43 =	vld [tilespmem:$0x1FF60]  }
0xd1: {  	v39 =	vld [tilespmem:$0x1FF40]  }
0xd2: {  	v37 =	vmin.u32 v41, $0x3FFF;
	v36 =	vmin.u32 v44, $0x3FFF;
	v44 =	vld [tilespmem:$0x1FF70]  }
0xd3: {  	v40 =	vld [tilespmem:$0x1FF50]  }
0xd4: {  	v41 =	vmin.u32 v38, $0x3FFF;
	v58 =	vmin.u32 v30, $0x3FFF;
	v30 =	vld [tilespmem:$0x1FF20]  }
0xd5: {  	v51 =	vmin.u32 v33, $0x3FFF;
	[tilespmem:v35+s13+$0x0] =	vst.idx.add.f32.msk vm12, v6  }
0xd6: {  	v59 =	vadd.s32 $0x5FD, v2;
	vm10 =	vmmov vm2;
	vm2 =	vlt.u32 v2, $0x4000;
	v35 =	vld [tilespmem:$0x1FF30]  }
0xd7: {  	v56 =	vmin.u32 v34, $0x3FFF;
	vm1 =	vlt.u32 v59, $0x4000;
	v61 =	vmin.u32 v23, $0x3FFF;
	[tilespmem:v37+s13+$0x0] =	vst.idx.add.f32.msk vm7, v7  }
0xd8: {  	vm0 =	vlt.u32 v29, $0x4000;
	v37 =	vmin.u32 v45, $0x3FFF;
	v45 =	vmin.u32 v49, $0x3FFF;
	v49 =	vld [tilespmem:$0x1FF90]  }
0xd9: {  	vm3 =	vmand vm10, vm0;
	v63 =	vadd.s32 $0x5FE, v2;
	vm12 =	vlt.u32 v3, $0x1FD;
	[tilespmem:v41+s13+$0x0] =	vst.idx.add.f32.msk vm4, v10  }
0xda: {  	v3 =	vmul.f32 $3.076171880e-02, v54;
	vm7 =	vmand vm15, vm13;
	vm15 =	vmand vm1, vm12;
	[tilespmem:v51+s13+$0x0] =	vst.idx.add.f32.msk vm8, v15  }
0xdb: {  	vm0 =	vmand vm15, vm13;
	vm8 =	vlt.u32 v63, $0x4000;
	v51 =	vld [tilespmem:$0x1FFA0];
	vm15 =	vnez.u8 v35  }
0xdc: {  	v62 =	vmin.u32 v22, $0x3FFF;
	[tilespmem:v52+s13+$0x0] =	vst.idx.add.f32.msk vm2, v3;
	vm1 =	vmand vm8, vm12;
	vm8 =	vnez.u8 v39  }
0xdd: {  	v28 =	vmin.u32 v20, $0x3FFF;
	[tilespmem:v56+s13+$0x0] =	vst.idx.add.f32.msk vm11, v15;
	vm11 =	vnez.u8 v43  }
0xde: {  	v33 =	vmin.u32 v24, $0x3FFF;
	v29 =	vmin.u32 v26, $0x3FFF;
	v52 =	vld [tilespmem:$0x1FFB0]  }
0xdf: {  	v31 =	vmin.u32 v21, $0x3FFF;
	vm4 =	vgt.s32 v59, $0x0;
	vm13 =	vnez.u8 v30;
	[tilespmem:v58+s13+$0x0] =	vst.idx.add.f32.msk vm9, v10  }
0xe0: {  	v41 =	vmin.u32 v46, $0x3FFF;
	v46 =	vadd.s32 $0x5FF, v2;
	vm13 =	vmand vm13, vm14;
	[tilespmem:v61+s13+$0x0] =	vst.idx.add.f32.msk vm3, v7  }
0xe1: {  	v3 =	vnsel vm4, $0x0, v59;
	vm4 =	vmand vm1, vm14;
	vm14 =	vgt.s32 v63, $0x0;
	[tilespmem:v62+s13+$0x0] =	vst.idx.add.f32.msk vm15, v6  }
0xe2: {  	v32 =	vnsel vm14, $0x0, v63;
	vm9 =	vnez.u8 v40;
	vm15 =	vnez.u8 v47;
	[tilespmem:v28+s13+$0x0] =	vst.idx.add.f32.msk vm8, v9  }
0xe3: {  	vm14 =	vnez.u8 v44;
	vm1 =	vmand vm9, vm5;
	[tilespmem:v29+s13+$0x0] =	vst.idx.add.f32.msk vm11, v13;
	vm11 =	vnez.u8 v49  }
0xe4: {  	v60 =	vld [tilespmem:$0x1FFE0];
	vm9 =	vlt.u32 v46, $0x4000;
	vm8 =	vmand vm14, vm6;
	vm14 =	vnez.u8 v51  }
0xe5: {  	v34 =	vmin.u32 v27, $0x3FFF;
	v59 =	vld [tilespmem:$0x1FFD0];
	vm2 =	vmand vm9, vm12;
	vm9 =	vnez.u8 v52  }
0xe6: {  	[tilespmem:$0x1FFF0] =	vst v12;
	v56 =	vld [tilespmem:$0x1FFC0]  }
0xe7: {  	v38 =	vmin.u32 v48, $0x3FFF;
	v48 =	vmin.u32 v50, $0x3FFF;
	v63 =	vld [tilespmem:$0x1FFF0]  }
0xe8: {  	v50 =	vadd.s32 $0x600, v2;
	v54 =	vadd.s32 $0x601, v2;
	[tilespmem:v31+s13+$0x0] =	vst.idx.add.f32.msk vm15, v15;
	vm15 =	vgt.s32 v46, $0x0  }
0xe9: {  	v55 =	vadd.s32 $0x602, v2;
	v53 =	vnsel vm15, $0x0, v46;
	vm15 =	vlt.u32 v54, $0x4000;
	[tilespmem:v33+s13+$0x0] =	vst.idx.add.f32.msk vm11, v13  }
0xea: {  	vm3 =	vmand vm2, vm5;
	vm11 =	vgt.s32 v50, $0x0;
	vm2 =	vmand vm15, vm12;
	[tilespmem:v34+s13+$0x0] =	vst.idx.add.f32.msk vm14, v9  }
0xeb: {  	vm14 =	vlt.u32 v50, $0x4000;
	v13 =	vnsel vm11, $0x0, v50;
	vm11 =	vnez.u8 v56;
	[tilespmem:v36+s13+$0x0] =	vst.idx.add.f32.msk vm9, v6  }
0xec: {  	vm5 =	vmand vm14, vm12;
	vm9 =	vgt.s32 v54, $0x0;
	vm14 =	vnez.u8 v59;
	[tilespmem:v37+s13+$0x0] =	vst.idx.add.f32.msk vm7, v5  }
0xed: {  	v58 =	vnsel vm9, $0x0, v54;
	vm9 =	vnez.u8 v60;
	[tilespmem:v38+s13+$0x0] =	vst.idx.add.f32.msk vm13, v8;
	vm13 =	vlt.u32 v55, $0x4000  }
0xee: {  	[tilespmem:v41+s13+$0x0] =	vst.idx.add.f32.msk vm1, v9;
	vm1 =	vmand vm2, vm6;
	vm2 =	vmand vm14, vm13;
	vm13 =	vnez.u8 v63  }
0xef: {  	v11 =	vmin.u32 v11, $0x3FFF  }
0xf0: {  	v3 =	vmin.u32 v3, $0x3FFF  }
0xf1: {  	v12 =	vmin.u32 v32, $0x3FFF;
	vm15 =	vgt.s32 v55, $0x0;
	[tilespmem:v42+s13+$0x0] =	vst.idx.add.f32.msk vm11, v10  }
0xf2: {  	v2 =	vadd.s32 $0x603, v2;
	v14 =	vmin.u32 v53, $0x3FFF;
	v62 =	vnsel vm15, $0x0, v55;
	[tilespmem:v45+s13+$0x0] =	vst.idx.add.f32.msk vm8, v9  }
0xf3: {  	v57 =	vmin.u32 v13, $0x3FFF;
	v61 =	vmin.u32 v58, $0x3FFF;
	vm11 =	vlt.u32 v2, $0x4000;
	[tilespmem:v48+s13+$0x0] =	vst.idx.add.f32.msk vm9, v8  }
0xf4: {  	vm14 =	vgt.s32 v2, $0x0;
	vm2 =	vmand vm12, vm2;
	vm6 =	vmand vm10, vm11;
	[tilespmem:v11+s13+$0x0] =	vst.idx.add.f32.msk vm13, v5  }
0xf5: {  	v2 =	vnsel vm14, $0x0, v2;
	vm15 =	vmand vm12, vm6;
	[tilespmem:v3+s13+$0x0] =	vst.idx.add.f32.msk vm0, v4;
	v3 =	vmin.u32 v62, $0x3FFF  }
0xf6: {  	p0 =	sne.s32 s15, $0x1;
	v2 =	vmin.u32 v2, $0x3FFF;
	[tilespmem:v12+s13+$0x0] =	vst.idx.add.f32.msk vm4, v5  }
.Ltmp4:
0xf7: {  	[tilespmem:v14+s13+$0x0] =	vst.idx.add.f32.msk vm3, v6;
	(pc) =	sbr.rel @p0 .LBB2_5-.Ltmp4, $4  }
0xf8: {  	[tilespmem:v57+s13+$0x0] =	vst.idx.add.f32.msk vm5, v7  }
0xf9: {  	[tilespmem:v61+s13+$0x0] =	vst.idx.add.f32.msk vm1, v6  }
0xfa: {  	[tilespmem:v3+s13+$0x0] =	vst.idx.add.f32.msk vm2, v5  }
0xfb: {  	s16 =	sadd.s32 $0x10, s16;
	s15 =	sadd.s32 $0xFFFFFFFF, s15;
	s17 =	sadd.s32 $0x10, s17;
	[tilespmem:v2+s13+$0x0] =	vst.idx.add.f32.msk vm15, v4  }
.Ltmp5:
0xfc: {  	_ = 	snop;
	(pc) =	sbr.rel .LBB2_6-.Ltmp5, $1  }
0xfd: {  	_ =	sdelay $0x3  }
.LBB2_7:
0xfe: {  	_ =	sfence.sel $0x180000  }
0xff: {  	[bflag:$0x0] =	sbarrier.arrive $0xFFFF  }
0x100: {  	p0 =	sne.s32 s2, $0x0;
	_ =	strace $0x90000047  }
0x101: {  	s0 =	sadd.s32 @!p0 $0x100000, s0;
	[bflag:$0x2] =	sbarrier.arrive $0xFFFF  }
0x102: {  	[sflag:s0] =	ssyncadd.tile.s32 @!p0 $0x1;
	_ =	shalt  }
.Lfunc_end2:
_tile_overlayer_lowered:
.L_overlay_start_2:
0x103: {  	(tag) =	ssettag $0x2  }
0x104: {  	s0 =	rddreg [dreg:$0x0];
	s2 =	stileid.u32  }
0x105: {  	s1 =	rddreg [dreg:$0x1];
	p0 =	sne.s32 s2, $0x0  }
0x106: {  	s3 =	rddreg [dreg:$0x2];
	[bflag:$0x3] =	sbarrier.arrive $0xFFFF;
	s2 =	simm.s32 @!p0 $0x1C03  }
0x107: {  	[timem:s3], [sflag:s2] =	dma.local @!p0 [hbm:s0], s1  }
0x108: {  	s0 =	simm.s32 @!p0 $0x3  }
0x109: {  	_ =	swait.ge @!p0 [sflag:s0], s1  }
0x10a: {  	s1 =	ssub.s32 @!p0 $0x0, s1;
	[sflag:s0] =	ssyncset.done @!p0 $0x0  }
0x10b: {  	[sflag:s0] =	ssyncadd.s32 @!p0 s1  }
0x10c: {  	[bflag:$0x3] =	sbarrier.arrive $0xFFFF  }
0x10d: {  	_ =	shalt  }

</sc_bundles>
